<compile_context>
chip_gen: v7x
topology: tpu7x:2x2x1
jax: 0.10.2.dev20260603
libtpu: 0.0.44.dev20260713+nightly
codegen_flags: <defaults>
</compile_context>

<pallas_src>
import jax
import jax.numpy as jnp
from jax import lax
from jax.experimental import pallas as pl
from jax.experimental.pallas import tpu as pltpu
from jax.experimental.pallas import tpu_sc as plsc

_NUM_RELATION = 7
_MAX_SEQ_DIST = 10
_B = 64
_NN = 50000
_NE = 1600000
_NC = 2
_NS = 16
_W = _NC * _NS
_EPW = _NE // _W
_K1 = 2000
_NW1 = _EPW // _K1
_K2 = 2000
_NW2 = _EPW // _K2
_FDIM = 25
_RSQRT_MAGIC = 0x5F3759DF
_CH = 80
_DC = 256
_SPC = _NS * _EPW + 64 * 16 + 32

_PARAMS = pltpu.CompilerParams(needs_layout_passes=False)


def _mesh():
    return plsc.VectorSubcoreMesh(
        core_axis_name="c", subcore_axis_name="s",
        num_cores=_NC, num_subcores=_NS)


def _rank_body(ni_hbm, no_hbm, r_hbm, a2r_hbm, n2g_hbm,
               ta_hbm, tb_hbm, nedge_hbm, nstart_hbm,
               ta_sp, tb_sp, n2g_sp, a2r_sp, hist_sp,
               histv, cur, stage,
               lcnt_t, gst_t, s_t, shift_t, tmp16, idx16, dbuf, dbuf2,
               ni_b, no_b, r_b, ta_b, tb_b, g_b, ri_b, ro_b, dest_b,
               sem, sem2):
    c = lax.axis_index("c")
    s = lax.axis_index("s")
    wid = c * _NS + s

    @pl.when(s == 0)
    def _():
        pltpu.sync_copy(n2g_hbm, n2g_sp)
        pltpu.sync_copy(a2r_hbm, a2r_sp)
    plsc.subcore_barrier()

    iota = lax.iota(jnp.int32, 16)
    zeros = jnp.zeros((16,), jnp.int32)
    ones = jnp.ones((16,), jnp.int32)
    lane64 = iota * 64

    for widx_off in (0, _NS):
        widx = s + widx_off

        def _z(i, carry):
            ta_b[pl.ds(i * 16, 16)] = zeros
            return carry
        lax.fori_loop(0, 64, _z, 0)

        def _hin(t, buf):
            pltpu.async_copy(ni_hbm.at[pl.ds(widx * _EPW + t * _K2, _K2)],
                             buf, sem)

        _hin(0, ni_b)

        def _hwin(t, carry):
            pltpu.make_async_copy(ni_hbm.at[pl.ds(0, _K2)], ni_b, sem).wait()

            @pl.when(((t + 1) < _NW2) & ((t & 1) == 0))
            def _():
                _hin(t + 1, no_b)

            @pl.when(((t + 1) < _NW2) & ((t & 1) == 1))
            def _():
                _hin(t + 1, ni_b)

            @pl.when((t & 1) == 0)
            def _():
                pltpu.async_copy(n2g_sp.at[ni_b], g_b, sem2).wait()

            @pl.when((t & 1) == 1)
            def _():
                pltpu.async_copy(n2g_sp.at[no_b], g_b, sem2).wait()

            def _hvec(i, carry2):
                g = g_b[pl.ds(i * 16, 16)]
                plsc.addupdate_scatter(ta_b, [lane64 + g], ones)
                return carry2
            lax.fori_loop(0, _K2 // 16, _hvec, 0)
            return carry
        lax.fori_loop(0, _NW2, _hwin, 0)

        for bg in range(4):
            acc = zeros
            for l in range(16):
                acc = acc + ta_b[pl.ds(l * 64 + bg * 16, 16)]
            stage[pl.ds(bg * 16, 16)] = acc
        pltpu.sync_copy(stage, hist_sp.at[pl.ds(widx * 64, 64)])

    @pl.when(wid == 0)
    def _():
        los = [zeros] * 4
        his = [jnp.full((16,), _NN, jnp.int32)] * 4

        def _bs(_, carry):
            los_, his_ = carry
            for bg in range(4):
                ni_b[pl.ds(bg * 16, 16)] = jnp.minimum(
                    (los_[bg] + his_[bg]) >> 1, _NN - 1)
            pltpu.async_copy(n2g_sp.at[ni_b.at[pl.ds(0, 64)]],
                             g_b.at[pl.ds(0, 64)], sem).wait()
            nlo, nhi = [], []
            for bg in range(4):
                b = iota + bg * 16
                lo_, hi_ = los_[bg], his_[bg]
                live = lo_ < hi_
                mid = jnp.minimum((lo_ + hi_) >> 1, _NN - 1)
                v = g_b[pl.ds(bg * 16, 16)]
                go_right = live & (v < b)
                nlo.append(jnp.where(go_right, mid + 1, lo_))
                nhi.append(jnp.where(live & jnp.logical_not(go_right),
                                     mid, hi_))
            return (nlo, nhi)
        los, his = lax.fori_loop(0, 16, _bs, (los, his))
        for bg in range(4):
            stage[pl.ds(bg * 16, 16)] = los[bg]
        pltpu.sync_copy(stage, nstart_hbm)

    plsc.subcore_barrier()
    pltpu.sync_copy(hist_sp, histv)

    tot = []
    for bg in range(4):
        def _acc(w, carry):
            t_, p_, c0_ = carry
            row = histv[pl.ds(w * 64 + bg * 16, 16)]
            return (t_ + row, p_ + jnp.where(w < wid, row, 0),
                    c0_ + jnp.where(w < _NS, row, 0))
        t_, p_, c0_ = lax.fori_loop(0, _W, _acc, (zeros, zeros, zeros))
        tot.append((t_, p_, c0_))
    carry = jnp.int32(0)
    for bg in range(4):
        t_, p_, c0_ = tot[bg]
        excl = plsc.cumsum(t_) - t_ + carry
        cur[pl.ds(bg * 16, 16)] = excl + p_
        lcnt = jnp.where(c == 1, t_ - c0_, c0_)
        gst = excl + jnp.where(c == 1, c0_, 0)
        lcnt_t[pl.ds(bg * 16, 16)] = lcnt
        gst_t[pl.ds(bg * 16, 16)] = gst
        carry = carry + jnp.sum(t_)

    lane0 = iota == 0

    def _seg(b, run):
        bb = jnp.full((16,), b, jnp.int32)
        g_ = plsc.load_gather(gst_t, [bb])[0]
        l_ = plsc.load_gather(lcnt_t, [bb])[0]
        s_ = run + ((g_ - run) & 15)
        plsc.store_scatter(s_t, [bb], jnp.full((16,), s_, jnp.int32),
                           mask=lane0)
        plsc.store_scatter(shift_t, [bb], jnp.full((16,), s_ - g_, jnp.int32),
                           mask=lane0)
        return s_ + l_
    lax.fori_loop(0, 64, _seg, jnp.int32(0))

    @pl.when(wid == 0)
    def _():
        for bg in range(4):
            stage[pl.ds(bg * 16, 16)] = tot[bg][0]
        pltpu.sync_copy(stage, nedge_hbm)

    def _win(t, carry):
        base = wid * _EPW + t * _K2
        ins = [
            pltpu.async_copy(ni_hbm.at[pl.ds(base, _K2)], ni_b, sem),
            pltpu.async_copy(no_hbm.at[pl.ds(base, _K2)], no_b, sem),
            pltpu.async_copy(r_hbm.at[pl.ds(base, _K2)], r_b, sem),
        ]
        for ic in ins:
            ic.wait()
        gth = [
            pltpu.async_copy(n2g_sp.at[ni_b], g_b, sem),
            pltpu.async_copy(a2r_sp.at[ni_b], ri_b, sem),
            pltpu.async_copy(a2r_sp.at[no_b], ro_b, sem),
        ]
        for gg in gth:
            gg.wait()

        @pl.when(t > 0)
        def _():
            pltpu.make_async_copy(ta_hbm.at[pl.ds(0, _K2)], ta_b, sem2).wait()
            pltpu.make_async_copy(tb_hbm.at[pl.ds(0, _K2)], tb_b, sem2).wait()

        def _chunk(j, carry2):
            for v in range(_CH // 16):
                o16 = j * _CH + v * 16
                ni_v = ni_b[pl.ds(o16, 16)]
                no_v = no_b[pl.ds(o16, 16)]
                r_v = r_b[pl.ds(o16, 16)]
                g = g_b[pl.ds(o16, 16)]
                cnt, lastm = plsc.scan_count(g)
                basev = plsc.load_gather(cur, [g])
                dest = basev + cnt - 1
                plsc.store_scatter(cur, [g], dest + 1, mask=lastm)
                dest_b[j, pl.ds(v * 16, 16)] = dest + plsc.load_gather(shift_t, [g])
                ri = ri_b[pl.ds(o16, 16)]
                ro = ro_b[pl.ds(o16, 16)]
                sd = jnp.minimum(jnp.abs(ri - ro), _MAX_SEQ_DIST)
                ta_b[pl.ds(o16, 16)] = ni_v | lax.shift_left(no_v & 0x7FFF, 17)
                tb_b[pl.ds(o16, 16)] = (lax.shift_right_logical(no_v, 15)
                                        | lax.shift_left(r_v, 2)
                                        | lax.shift_left(sd, 5)
                                        | lax.shift_left(g, 9))
            return carry2
        lax.fori_loop(0, _K2 // _CH, _chunk, 0)

        for j in range(_K2 // _CH):
            pltpu.async_copy(ta_b.at[pl.ds(j * _CH, _CH)],
                             ta_sp.at[dest_b.at[j]], sem2)
            pltpu.async_copy(tb_b.at[pl.ds(j * _CH, _CH)],
                             tb_sp.at[dest_b.at[j]], sem2)
        return carry
    lax.fori_loop(0, _NW2, _win, 0)
    pltpu.make_async_copy(ta_hbm.at[pl.ds(0, _K2)], ta_b, sem2).wait()
    pltpu.make_async_copy(tb_hbm.at[pl.ds(0, _K2)], tb_b, sem2).wait()

    plsc.subcore_barrier()

    def _edge_scatter(sp, hbm, src, dst, lo, hi):
        pltpu.sync_copy(sp.at[pl.ds(pl.multiple_of(src, 8), 16)], tmp16)
        m = (iota >= lo) & (iota < hi)
        idx16[...] = jnp.where(m, dst + iota, _NE + iota)
        pltpu.async_copy(tmp16, hbm.at[idx16], sem).wait()

    def _drain(sp, hbm, b):
        bb = jnp.full((16,), b, jnp.int32)
        ll = plsc.load_gather(lcnt_t, [bb])[0]
        dd = plsc.load_gather(gst_t, [bb])[0]
        ss = plsc.load_gather(s_t, [bb])[0]

        @pl.when(ll > 0)
        def _():
            phase = dd & 15
            h = jnp.minimum(ll, (16 - phase) & 15)

            @pl.when(h > 0)
            def _():
                _edge_scatter(sp, hbm, ss - phase, dd - phase, phase,
                              phase + h)
            m_ = ll - h
            t15 = m_ & 15
            d0 = dd + h
            s0 = ss + h
            nfull = m_ // _DC

            @pl.when(nfull >= 1)
            def _():
                pltpu.async_copy(
                    sp.at[pl.ds(pl.multiple_of(s0, 8), _DC)], dbuf, sem)

            def _chunk(k, carry2):
                pltpu.make_async_copy(hbm.at[pl.ds(0, _DC)], dbuf, sem).wait()

                @pl.when(k >= 1)
                def _():
                    pltpu.make_async_copy(hbm.at[pl.ds(0, _DC)], dbuf,
                                          sem2).wait()

                @pl.when((k + 1 < nfull) & ((k & 1) == 1))
                def _():
                    pltpu.async_copy(
                        sp.at[pl.ds(pl.multiple_of(s0 + (k + 1) * _DC, 8),
                                    _DC)], dbuf, sem)

                @pl.when((k + 1 < nfull) & ((k & 1) == 0))
                def _():
                    pltpu.async_copy(
                        sp.at[pl.ds(pl.multiple_of(s0 + (k + 1) * _DC, 8),
                                    _DC)], dbuf2, sem)

                @pl.when((k & 1) == 0)
                def _():
                    pltpu.async_copy(
                        dbuf, hbm.at[pl.ds(pl.multiple_of(d0 + k * _DC, 8),
                                           _DC)], sem2)

                @pl.when((k & 1) == 1)
                def _():
                    pltpu.async_copy(
                        dbuf2, hbm.at[pl.ds(pl.multiple_of(d0 + k * _DC, 8),
                                            _DC)], sem2)
                return carry2
            lax.fori_loop(0, nfull, _chunk, 0)

            @pl.when(nfull >= 1)
            def _():
                pltpu.make_async_copy(hbm.at[pl.ds(0, _DC)], dbuf,
                                      sem2).wait()
            rem = (m_ - t15) - nfull * _DC
            off = nfull * _DC
            sz = _DC // 2
            while sz >= 16:
                pre = off + (rem & ~(2 * sz - 1))

                @pl.when((rem & sz) != 0)
                def _(pre=pre, sz=sz):
                    pltpu.sync_copy(
                        sp.at[pl.ds(pl.multiple_of(s0 + pre, 8), sz)],
                        dbuf.at[pl.ds(0, sz)])
                    pltpu.sync_copy(
                        dbuf.at[pl.ds(0, sz)],
                        hbm.at[pl.ds(pl.multiple_of(d0 + pre, 8), sz)])
                sz //= 2

            @pl.when(t15 > 0)
            def _():
                _edge_scatter(sp, hbm, s0 + m_ - t15, d0 + m_ - t15, 0, t15)

    def _bkt(bi, carry):
        b = s * 4 + bi
        _drain(ta_sp, ta_hbm, b)
        _drain(tb_sp, tb_hbm, b)
        return carry
    lax.fori_loop(0, 4, _bkt, 0)


def _feat_body(ta_hbm, tb_hbm, px_hbm, py_hbm, pz_hbm, nstart_hbm,
               el0_hbm, el1_hbm, el2_hbm, featf_hbm, offs_hbm,
               px_sp, py_sp, pz_sp,
               nst_v, ta_b, tb_b, ni_b, no_b,
               pxi, pyi, pzi, pxo, pyo, pzo,
               c1_b, c2_b, e0_b, e1_b, e2_b, feat_b, offs_b, sem, sem2):
    c = lax.axis_index("c")
    s = lax.axis_index("s")
    wid = c * _NS + s

    @pl.when(s == 0)
    def _():
        pltpu.sync_copy(px_hbm, px_sp)
        pltpu.sync_copy(py_hbm, py_sp)
        pltpu.sync_copy(pz_hbm, pz_sp)
    plsc.subcore_barrier()

    pltpu.sync_copy(nstart_hbm, nst_v)
    iota = lax.iota(jnp.int32, 16)
    zf = jnp.zeros((16,), jnp.float32)
    onesf = jnp.ones((16,), jnp.float32)

    def _zf(i, carry):
        feat_b[pl.ds(i * 16, 16)] = zf
        return carry
    lax.fori_loop(0, _K2 * _FDIM // 16, _zf, 0)

    def _win(t, carry):
        base = wid * _EPW + t * _K2
        ins = [
            pltpu.async_copy(ta_hbm.at[pl.ds(base, _K2)], ta_b, sem),
            pltpu.async_copy(tb_hbm.at[pl.ds(base, _K2)], tb_b, sem),
        ]
        for ic in ins:
            ic.wait()

        def _unp(i, carry2):
            o16 = i * 16
            ta_v = ta_b[pl.ds(o16, 16)]
            tb_v = tb_b[pl.ds(o16, 16)]
            ni_v = ta_v & 0x1FFFF
            no_v = (lax.shift_right_logical(ta_v, 17)
                    | lax.shift_left(tb_v & 0x3, 15))
            ni_b[pl.ds(o16, 16)] = ni_v
            no_b[pl.ds(o16, 16)] = no_v
            return carry2
        lax.fori_loop(0, _K2 // 16, _unp, 0)

        gth = [
            pltpu.async_copy(px_sp.at[ni_b], pxi, sem),
            pltpu.async_copy(py_sp.at[ni_b], pyi, sem),
            pltpu.async_copy(pz_sp.at[ni_b], pzi, sem),
            pltpu.async_copy(px_sp.at[no_b], pxo, sem),
            pltpu.async_copy(py_sp.at[no_b], pyo, sem),
            pltpu.async_copy(pz_sp.at[no_b], pzo, sem),
        ]
        for gg in gth:
            gg.wait()

        @pl.when(t > 0)
        def _():
            pltpu.make_async_copy(el0_hbm.at[pl.ds(0, _K2)], e0_b,
                                  sem2).wait()
            pltpu.make_async_copy(el1_hbm.at[pl.ds(0, _K2)], e1_b,
                                  sem2).wait()
            pltpu.make_async_copy(el2_hbm.at[pl.ds(0, _K2)], e2_b,
                                  sem2).wait()
            pltpu.make_async_copy(featf_hbm.at[pl.ds(0, _FDIM * _K2)],
                                  feat_b, sem2).wait()
            pltpu.make_async_copy(offs_hbm.at[pl.ds(0, _K2)], offs_b,
                                  sem2).wait()

            def _rz(i, carry2):
                cr = c1_b[pl.ds(i * 16, 16)]
                cs = c2_b[pl.ds(i * 16, 16)]
                plsc.store_scatter(feat_b, [cr], zf)
                plsc.store_scatter(feat_b, [cs], zf)
                return carry2
            lax.fori_loop(0, _K2 // 16, _rz, 0)

        def _vec(i, carry2):
            o16 = i * 16
            tb_v = tb_b[pl.ds(o16, 16)]
            ni_v = ni_b[pl.ds(o16, 16)]
            no_v = no_b[pl.ds(o16, 16)]
            r_v = lax.shift_right_logical(tb_v, 2) & 0x7
            sd = lax.shift_right_logical(tb_v, 5) & 0xF
            g = lax.shift_right_logical(tb_v, 9)
            offs_b[pl.ds(o16, 16)] = plsc.load_gather(nst_v, [g])
            e0_b[pl.ds(o16, 16)] = ni_v
            e1_b[pl.ds(o16, 16)] = no_v
            e2_b[pl.ds(o16, 16)] = r_v
            lane25 = (iota + o16) * _FDIM
            cr = lane25 + 6 + r_v
            cs = lane25 + 13 + sd
            c1_b[pl.ds(o16, 16)] = cr
            c2_b[pl.ds(o16, 16)] = cs
            plsc.store_scatter(feat_b, [cr], onesf)
            plsc.store_scatter(feat_b, [cs], onesf)
            xi = pxi[pl.ds(o16, 16)]
            yi = pyi[pl.ds(o16, 16)]
            zi = pzi[pl.ds(o16, 16)]
            xo = pxo[pl.ds(o16, 16)]
            yo = pyo[pl.ds(o16, 16)]
            zo = pzo[pl.ds(o16, 16)]
            plsc.store_scatter(feat_b, [lane25], xi)
            plsc.store_scatter(feat_b, [lane25 + 1], yi)
            plsc.store_scatter(feat_b, [lane25 + 2], zi)
            plsc.store_scatter(feat_b, [lane25 + 3], xo)
            plsc.store_scatter(feat_b, [lane25 + 4], yo)
            plsc.store_scatter(feat_b, [lane25 + 5], zo)
            dx = xi - xo
            dy = yi - yo
            dz = zi - zo
            d2 = dx * dx + dy * dy + dz * dz + jnp.float32(1e-12)
            ibits = plsc.bitcast(d2, jnp.int32)
            y0 = plsc.bitcast(_RSQRT_MAGIC - lax.shift_right_logical(ibits, 1),
                              jnp.float32)
            for _ in range(3):
                y0 = y0 * (jnp.float32(1.5) - jnp.float32(0.5) * d2 * y0 * y0)
            dist = d2 * y0
            plsc.store_scatter(feat_b, [lane25 + 24], dist)
            return carry2
        lax.fori_loop(0, _K2 // 16, _vec, 0)

        pltpu.async_copy(e0_b, el0_hbm.at[pl.ds(base, _K2)], sem2)
        pltpu.async_copy(e1_b, el1_hbm.at[pl.ds(base, _K2)], sem2)
        pltpu.async_copy(e2_b, el2_hbm.at[pl.ds(base, _K2)], sem2)
        pltpu.async_copy(feat_b,
                         featf_hbm.at[pl.ds(_FDIM * base, _FDIM * _K2)],
                         sem2)
        pltpu.async_copy(offs_b, offs_hbm.at[pl.ds(base, _K2)], sem2)
        return carry
    lax.fori_loop(0, _NW2, _win, 0)
    pltpu.make_async_copy(el0_hbm.at[pl.ds(0, _K2)], e0_b, sem2).wait()
    pltpu.make_async_copy(el1_hbm.at[pl.ds(0, _K2)], e1_b, sem2).wait()
    pltpu.make_async_copy(el2_hbm.at[pl.ds(0, _K2)], e2_b, sem2).wait()
    pltpu.make_async_copy(featf_hbm.at[pl.ds(0, _FDIM * _K2)], feat_b,
                          sem2).wait()
    pltpu.make_async_copy(offs_hbm.at[pl.ds(0, _K2)], offs_b, sem2).wait()


def _build_rank():
    return pl.kernel(
        _rank_body,
        out_type=(
            jax.ShapeDtypeStruct((_NE + 16,), jnp.int32),
            jax.ShapeDtypeStruct((_NE + 16,), jnp.int32),
            jax.ShapeDtypeStruct((64,), jnp.int32),
            jax.ShapeDtypeStruct((64,), jnp.int32),
        ),
        mesh=_mesh(),
        compiler_params=_PARAMS,
        scratch_types=[
            pltpu.VMEM_SHARED((_SPC,), jnp.int32),
            pltpu.VMEM_SHARED((_SPC,), jnp.int32),
            pltpu.VMEM_SHARED((_NN,), jnp.int32),
            pltpu.VMEM_SHARED((_NN,), jnp.int32),
            pltpu.VMEM_SHARED((_W * 64,), jnp.int32),
            pltpu.VMEM((_W * 64,), jnp.int32),
            pltpu.VMEM((64,), jnp.int32),
            pltpu.VMEM((64,), jnp.int32),

            pltpu.VMEM((80,), jnp.int32),
            pltpu.VMEM((80,), jnp.int32),
            pltpu.VMEM((80,), jnp.int32),
            pltpu.VMEM((80,), jnp.int32),
            pltpu.VMEM((16,), jnp.int32),
            pltpu.VMEM((16,), jnp.int32),
            pltpu.VMEM((_DC,), jnp.int32),
            pltpu.VMEM((_DC,), jnp.int32),
            pltpu.VMEM((_K2,), jnp.int32),
            pltpu.VMEM((_K2,), jnp.int32),
            pltpu.VMEM((_K2,), jnp.int32),
            pltpu.VMEM((_K2,), jnp.int32),
            pltpu.VMEM((_K2,), jnp.int32),
            pltpu.VMEM((_K2,), jnp.int32),
            pltpu.VMEM((_K2,), jnp.int32),
            pltpu.VMEM((_K2,), jnp.int32),
            pltpu.VMEM((_K2 // _CH, _CH), jnp.int32),
            pltpu.SemaphoreType.DMA,
            pltpu.SemaphoreType.DMA,
        ],
    )


def _build_feat():
    return pl.kernel(
        _feat_body,
        out_type=(
            jax.ShapeDtypeStruct((_NE,), jnp.int32),
            jax.ShapeDtypeStruct((_NE,), jnp.int32),
            jax.ShapeDtypeStruct((_NE,), jnp.int32),
            jax.ShapeDtypeStruct((_FDIM * _NE,), jnp.float32),
            jax.ShapeDtypeStruct((_NE,), jnp.int32),
        ),
        mesh=_mesh(),
        compiler_params=_PARAMS,
        scratch_types=[
            pltpu.VMEM_SHARED((_NN,), jnp.float32),
            pltpu.VMEM_SHARED((_NN,), jnp.float32),
            pltpu.VMEM_SHARED((_NN,), jnp.float32),
            pltpu.VMEM((64,), jnp.int32),
            pltpu.VMEM((_K2,), jnp.int32),
            pltpu.VMEM((_K2,), jnp.int32),
            pltpu.VMEM((_K2,), jnp.int32),
            pltpu.VMEM((_K2,), jnp.int32),
            pltpu.VMEM((_K2,), jnp.float32),
            pltpu.VMEM((_K2,), jnp.float32),
            pltpu.VMEM((_K2,), jnp.float32),
            pltpu.VMEM((_K2,), jnp.float32),
            pltpu.VMEM((_K2,), jnp.float32),
            pltpu.VMEM((_K2,), jnp.float32),
            pltpu.VMEM((_K2,), jnp.int32),
            pltpu.VMEM((_K2,), jnp.int32),
            pltpu.VMEM((_K2,), jnp.int32),
            pltpu.VMEM((_K2,), jnp.int32),
            pltpu.VMEM((_K2,), jnp.int32),
            pltpu.VMEM((_FDIM * _K2,), jnp.float32),
            pltpu.VMEM((_K2,), jnp.int32),
            pltpu.SemaphoreType.DMA,
            pltpu.SemaphoreType.DMA,
        ],
    )


def kernel(node_in, node_out, relation, node_position, atom2residue,
           residue_type, node2graph):
    del residue_type
    px = node_position[:, 0]
    py = node_position[:, 1]
    pz = node_position[:, 2]
    ta, tb, num_edges, nstart = _build_rank()(node_in, node_out, relation,
                                              atom2residue, node2graph)
    el0, el1, el2, featf, offsets = _build_feat()(ta, tb, px, py, pz, nstart)
    edge_list = jnp.stack([el0, el1, el2], axis=1)
    edge_feature = featf.reshape(_NE, _FDIM)
    return edge_list, edge_feature, num_edges, offsets

# --- scband reference (transcript-rebuilt; emitter-appended) ---
"""Pipeline reference for scband-graph-construction-10780367913283 (READ-ONLY COPY).

The authoritative reference and input builder live on the scoring server;
editing this copy changes nothing except your own understanding.
"""

import jax, jax.numpy as jnp
import numpy as np

NUM_RELATION = 7
MAX_SEQ_DIST = 10
NUM_RESIDUE_TYPES = 21
BATCH_SIZE = 64
N_NODES = 50000
N_EDGES = 1600000
N_RESIDUES = 12500


def setup_inputs(seed: int = 0) -> dict:
    key = jax.random.key(seed)
    ks = jax.random.split(key, 7)
    node_in = jax.random.randint(ks[0], (N_EDGES,), 0, N_NODES)
    node_out = jax.random.randint(ks[1], (N_EDGES,), 0, N_NODES)
    relation = jax.random.randint(ks[2], (N_EDGES,), 0, NUM_RELATION)
    node_position = jax.random.normal(ks[3], (N_NODES, 3), dtype=jnp.float32)
    atom2residue = jnp.sort(jax.random.randint(ks[4], (N_NODES,), 0, N_RESIDUES))
    residue_type = jax.random.randint(ks[5], (N_RESIDUES,), 0, NUM_RESIDUE_TYPES)
    node2graph = jnp.sort(jax.random.randint(ks[6], (N_NODES,), 0, BATCH_SIZE))
    return dict(node_in=node_in, node_out=node_out, relation=relation,
                node_position=node_position, atom2residue=atom2residue,
                residue_type=residue_type, node2graph=node2graph)


def reference(node_in, node_out, relation, node_position, atom2residue, residue_type, node2graph):
    # apply_edge_layer: sort edges by owning graph (edge2graph.argsort())
    edge2graph = node2graph[node_in]
    order = jnp.argsort(edge2graph)
    ni = node_in[order]
    no = node_out[order]
    r = relation[order]
    # num_edges = edge2graph.bincount(minlength=batch_size)
    num_edges = jnp.bincount(edge2graph, length=BATCH_SIZE)
    num_nodes = jnp.bincount(node2graph, length=BATCH_SIZE)
    num_cum_nodes = jnp.cumsum(num_nodes)
    # offsets = (num_cum_nodes - num_nodes).repeat_interleave(num_edges)
    offsets = jnp.repeat(num_cum_nodes - num_nodes, num_edges, total_repeat_length=N_EDGES)
    # edge_gearnet feature construction
    residue_in = atom2residue[ni]
    residue_out = atom2residue[no]
    in_residue_type = residue_type[residue_in]   # computed in original (unused in gearnet concat)
    out_residue_type = residue_type[residue_out]
    sequential_dist = jnp.abs(residue_in - residue_out)
    pos_in = node_position[ni]
    pos_out = node_position[no]
    spatial_dist = jnp.sqrt(jnp.sum((pos_in - pos_out) ** 2, axis=-1) + 1e-12)
    edge_feature = jnp.concatenate([
        pos_in,
        pos_out,
        jax.nn.one_hot(r, NUM_RELATION, dtype=jnp.float32),
        jax.nn.one_hot(jnp.minimum(sequential_dist, MAX_SEQ_DIST), MAX_SEQ_DIST + 1, dtype=jnp.float32),
        spatial_dist[:, None],
    ], axis=-1)
    edge_list = jnp.stack([ni, no, r], axis=1)
    return edge_list, edge_feature, num_edges, offsets

if __name__ == "__main__":
    import jax
    _d = setup_inputs()
    print(jax.jit(kernel)(*tuple(_d.values())))

</pallas_src>

<mosaic_0001>
#map = affine_map<(d0, d1) -> (0)>
module attributes {stable_mosaic.version = 14 : i64} {
  func.func @_feat_body(%arg0: i32, %arg1: i32, %arg2: memref<1600016xi32, #tpu.memory_space<hbm>>, %arg3: memref<1600016xi32, #tpu.memory_space<hbm>>, %arg4: memref<50000xf32, #tpu.memory_space<hbm>>, %arg5: memref<50000xf32, #tpu.memory_space<hbm>>, %arg6: memref<50000xf32, #tpu.memory_space<hbm>>, %arg7: memref<64xi32, #tpu.memory_space<hbm>>, %arg8: memref<1600000xi32, #tpu.memory_space<hbm>>, %arg9: memref<1600000xi32, #tpu.memory_space<hbm>>, %arg10: memref<1600000xi32, #tpu.memory_space<hbm>>, %arg11: memref<40000000xf32, #tpu.memory_space<hbm>>, %arg12: memref<1600000xi32, #tpu.memory_space<hbm>>, %arg13: memref<50000xf32, #tpu.memory_space<vmem_shared>>, %arg14: memref<50000xf32, #tpu.memory_space<vmem_shared>>, %arg15: memref<50000xf32, #tpu.memory_space<vmem_shared>>, %arg16: memref<64xi32, #tpu.memory_space<vmem>>, %arg17: memref<2000xi32, #tpu.memory_space<vmem>>, %arg18: memref<2000xi32, #tpu.memory_space<vmem>>, %arg19: memref<2000xi32, #tpu.memory_space<vmem>>, %arg20: memref<2000xi32, #tpu.memory_space<vmem>>, %arg21: memref<2000xf32, #tpu.memory_space<vmem>>, %arg22: memref<2000xf32, #tpu.memory_space<vmem>>, %arg23: memref<2000xf32, #tpu.memory_space<vmem>>, %arg24: memref<2000xf32, #tpu.memory_space<vmem>>, %arg25: memref<2000xf32, #tpu.memory_space<vmem>>, %arg26: memref<2000xf32, #tpu.memory_space<vmem>>, %arg27: memref<2000xi32, #tpu.memory_space<vmem>>, %arg28: memref<2000xi32, #tpu.memory_space<vmem>>, %arg29: memref<2000xi32, #tpu.memory_space<vmem>>, %arg30: memref<2000xi32, #tpu.memory_space<vmem>>, %arg31: memref<2000xi32, #tpu.memory_space<vmem>>, %arg32: memref<50000xf32, #tpu.memory_space<vmem>>, %arg33: memref<2000xi32, #tpu.memory_space<vmem>>, %arg34: memref<!tpu.dma_semaphore, #tpu.memory_space<semaphore_mem>>, %arg35: memref<!tpu.dma_semaphore, #tpu.memory_space<semaphore_mem>>) attributes {dimension_semantics = [#tpu.dimension_semantics<core_parallel>, #tpu.dimension_semantics<subcore_parallel>], iteration_bounds = array<i64: 2, 16>, scalar_prefetch = 0 : i64, scratch_operands = 23 : i64, tpu.core_type = #tpu.core_type<sc_vector_subcore>, window_params = [{transform_indices = #map}, {transform_indices = #map}, {transform_indices = #map}, {transform_indices = #map}, {transform_indices = #map}, {transform_indices = #map}, {transform_indices = #map}, {transform_indices = #map}, {transform_indices = #map}, {transform_indices = #map}, {transform_indices = #map}]} {
    %mul3A = arith.constant 16 : i32
    %mul3A_0 = arith.muli %arg0, %mul3A : i32
    %add3A = arith.addi %mul3A_0, %arg1 : i32
    %eq3A = arith.constant 0 : i32
    %eq3A_1 = arith.cmpi eq, %arg1, %eq3A : i32
    %convert_element_type3A = arith.extui %eq3A_1 : i1 to i32
    %cond3A = arith.constant 0 : i32
    %cond3A_2 = arith.cmpi ne, %convert_element_type3A, %cond3A : i32
    scf.if %cond3A_2 {
      "tpu.region"() ({
        %run_scoped3A = tpu.sem_alloc : memref<!tpu.dma_semaphore, #tpu.memory_space<semaphore_mem>>
        tpu.enqueue_dma source(%arg4 : memref<50000xf32, #tpu.memory_space<hbm>>) target(%arg13 : memref<50000xf32, #tpu.memory_space<vmem_shared>>) target_semaphore(%run_scoped3A : memref<!tpu.dma_semaphore, #tpu.memory_space<semaphore_mem>>)
        tpu.wait_dma2 semaphore(%run_scoped3A : memref<!tpu.dma_semaphore, #tpu.memory_space<semaphore_mem>>) src(%arg4 : memref<50000xf32, #tpu.memory_space<hbm>>) dst(%arg13 : memref<50000xf32, #tpu.memory_space<vmem_shared>>)
        tpu.yield
      }) : () -> ()
      "tpu.region"() ({
        %run_scoped3A = tpu.sem_alloc : memref<!tpu.dma_semaphore, #tpu.memory_space<semaphore_mem>>
        tpu.enqueue_dma source(%arg5 : memref<50000xf32, #tpu.memory_space<hbm>>) target(%arg14 : memref<50000xf32, #tpu.memory_space<vmem_shared>>) target_semaphore(%run_scoped3A : memref<!tpu.dma_semaphore, #tpu.memory_space<semaphore_mem>>)
        tpu.wait_dma2 semaphore(%run_scoped3A : memref<!tpu.dma_semaphore, #tpu.memory_space<semaphore_mem>>) src(%arg5 : memref<50000xf32, #tpu.memory_space<hbm>>) dst(%arg14 : memref<50000xf32, #tpu.memory_space<vmem_shared>>)
        tpu.yield
      }) : () -> ()
      "tpu.region"() ({
        %run_scoped3A = tpu.sem_alloc : memref<!tpu.dma_semaphore, #tpu.memory_space<semaphore_mem>>
        tpu.enqueue_dma source(%arg6 : memref<50000xf32, #tpu.memory_space<hbm>>) target(%arg15 : memref<50000xf32, #tpu.memory_space<vmem_shared>>) target_semaphore(%run_scoped3A : memref<!tpu.dma_semaphore, #tpu.memory_space<semaphore_mem>>)
        tpu.wait_dma2 semaphore(%run_scoped3A : memref<!tpu.dma_semaphore, #tpu.memory_space<semaphore_mem>>) src(%arg6 : memref<50000xf32, #tpu.memory_space<hbm>>) dst(%arg15 : memref<50000xf32, #tpu.memory_space<vmem_shared>>)
        tpu.yield
      }) : () -> ()
    } else {
    }
    %barrier3A = arith.constant 0 : index
    tpu.barrier barrier_id(%barrier3A)
    "tpu.region"() ({
      %run_scoped3A = tpu.sem_alloc : memref<!tpu.dma_semaphore, #tpu.memory_space<semaphore_mem>>
      tpu.enqueue_dma source(%arg7 : memref<64xi32, #tpu.memory_space<hbm>>) target(%arg16 : memref<64xi32, #tpu.memory_space<vmem>>) target_semaphore(%run_scoped3A : memref<!tpu.dma_semaphore, #tpu.memory_space<semaphore_mem>>)
      tpu.wait_dma2 semaphore(%run_scoped3A : memref<!tpu.dma_semaphore, #tpu.memory_space<semaphore_mem>>) src(%arg7 : memref<64xi32, #tpu.memory_space<hbm>>) dst(%arg16 : memref<64xi32, #tpu.memory_space<vmem>>)
      tpu.yield
    }) : () -> ()
    %iota3A = tpu.iota {dimensions = array<i32: 0>} : vector<16xi32>
    %broadcast_in_dim3A = arith.constant 0.000000e+00 : f32
    %broadcast_in_dim3A_3 = vector.broadcast %broadcast_in_dim3A : f32 to vector<16xf32>
    %broadcast_in_dim3A_4 = arith.constant 1.000000e+00 : f32
    %broadcast_in_dim3A_5 = vector.broadcast %broadcast_in_dim3A_4 : f32 to vector<16xf32>
    %scan3A = arith.constant 0 : i32
    %scan3A_6 = arith.constant 0 : i32
    %scan3A_7 = arith.constant 3125 : i32
    %scan3A_8 = arith.addi %scan3A_6, %scan3A_7 : i32
    %scan3A_9 = arith.constant 1 : i32
    scf.for %scan3A_36 = %scan3A_6 to %scan3A_8 step %scan3A_9  : i32 {
      %mul3A_37 = arith.constant 16 : i32
      %mul3A_38 = arith.muli %scan3A_36, %mul3A_37 : i32
      %swap3A = arith.index_cast %mul3A_38 : i32 to index
      %swap3A_39 = tpu.vector_load %arg32[%swap3A] {strides = array<i32>} : memref<50000xf32, #tpu.memory_space<vmem>>, vector<16xf32>,
      tpu.vector_store %arg32[%swap3A], %broadcast_in_dim3A_3 {strides = array<i32>} : memref<50000xf32, #tpu.memory_space<vmem>>, vector<16xf32>,
    }
    %scan3A_10 = arith.constant 3125 : i32
    %scan3A_11 = arith.constant 0 : i32
    %scan3A_12 = arith.constant 0 : i32
    %scan3A_13 = arith.constant 25 : i32
    %scan3A_14 = arith.addi %scan3A_12, %scan3A_13 : i32
    %scan3A_15 = arith.constant 1 : i32
    scf.for %scan3A_36 = %scan3A_12 to %scan3A_14 step %scan3A_15  : i32 {
      %mul3A_37 = arith.constant 50000 : i32
      %mul3A_38 = arith.muli %add3A, %mul3A_37 : i32
      %mul3A_39 = arith.constant 2000 : i32
      %mul3A_40 = arith.muli %scan3A_36, %mul3A_39 : i32
      %add3A_41 = arith.addi %mul3A_38, %mul3A_40 : i32
      %dma_start3A = tpu.memref_slice %arg2[%add3A_41] : memref<1600016xi32, #tpu.memory_space<hbm>> -> memref<2000xi32, #tpu.memory_space<hbm>>
      %dma_start3A_42 = tpu.memref_slice %arg2[%add3A_41] : memref<1600016xi32, #tpu.memory_space<hbm>> -> memref<2000xi32, #tpu.memory_space<hbm>>
      tpu.enqueue_dma source(%dma_start3A_42 : memref<2000xi32, #tpu.memory_space<hbm>>) target(%arg17 : memref<2000xi32, #tpu.memory_space<vmem>>) target_semaphore(%arg34 : memref<!tpu.dma_semaphore, #tpu.memory_space<semaphore_mem>>)
      %dma_start3A_43 = tpu.memref_slice %arg3[%add3A_41] : memref<1600016xi32, #tpu.memory_space<hbm>> -> memref<2000xi32, #tpu.memory_space<hbm>>
      %dma_start3A_44 = tpu.memref_slice %arg3[%add3A_41] : memref<1600016xi32, #tpu.memory_space<hbm>> -> memref<2000xi32, #tpu.memory_space<hbm>>
      tpu.enqueue_dma source(%dma_start3A_44 : memref<2000xi32, #tpu.memory_space<hbm>>) target(%arg18 : memref<2000xi32, #tpu.memory_space<vmem>>) target_semaphore(%arg34 : memref<!tpu.dma_semaphore, #tpu.memory_space<semaphore_mem>>)
      %dma_wait3A_45 = tpu.memref_slice %arg2[%add3A_41] : memref<1600016xi32, #tpu.memory_space<hbm>> -> memref<2000xi32, #tpu.memory_space<hbm>>
      %dma_wait3A_46 = tpu.memref_slice %arg2[%add3A_41] : memref<1600016xi32, #tpu.memory_space<hbm>> -> memref<2000xi32, #tpu.memory_space<hbm>>
      tpu.wait_dma2 semaphore(%arg34 : memref<!tpu.dma_semaphore, #tpu.memory_space<semaphore_mem>>) src(%dma_wait3A_46 : memref<2000xi32, #tpu.memory_space<hbm>>) dst(%arg17 : memref<2000xi32, #tpu.memory_space<vmem>>)
      %dma_wait3A_47 = tpu.memref_slice %arg3[%add3A_41] : memref<1600016xi32, #tpu.memory_space<hbm>> -> memref<2000xi32, #tpu.memory_space<hbm>>
      %dma_wait3A_48 = tpu.memref_slice %arg3[%add3A_41] : memref<1600016xi32, #tpu.memory_space<hbm>> -> memref<2000xi32, #tpu.memory_space<hbm>>
      tpu.wait_dma2 semaphore(%arg34 : memref<!tpu.dma_semaphore, #tpu.memory_space<semaphore_mem>>) src(%dma_wait3A_48 : memref<2000xi32, #tpu.memory_space<hbm>>) dst(%arg18 : memref<2000xi32, #tpu.memory_space<vmem>>)
      %scan3A_49 = arith.constant 0 : i32
      %scan3A_50 = arith.constant 0 : i32
      %scan3A_51 = arith.constant 125 : i32
      %scan3A_52 = arith.addi %scan3A_50, %scan3A_51 : i32
      %scan3A_53 = arith.constant 1 : i32
      scf.for %scan3A_101 = %scan3A_50 to %scan3A_52 step %scan3A_53  : i32 {
        %mul3A_102 = arith.constant 16 : i32
        %mul3A_103 = arith.muli %scan3A_101, %mul3A_102 : i32
        %get3A = arith.index_cast %mul3A_103 : i32 to index
        %get3A_104 = tpu.vector_load %arg17[%get3A] {strides = array<i32>} : memref<2000xi32, #tpu.memory_space<vmem>>, vector<16xi32>,
        %get3A_105 = arith.index_cast %mul3A_103 : i32 to index
        %get3A_106 = tpu.vector_load %arg18[%get3A_105] {strides = array<i32>} : memref<2000xi32, #tpu.memory_space<vmem>>, vector<16xi32>,
        %and3A = arith.constant 131071 : i32
        %and3A_107 = vector.broadcast %and3A : i32 to vector<16xi32>
        %and3A_108 = arith.andi %get3A_104, %and3A_107 : vector<16xi32>
        %shift_right_logical3A = arith.constant 17 : i32
        %shift_right_logical3A_109 = vector.broadcast %shift_right_logical3A : i32 to vector<16xi32>
        %shift_right_logical3A_110 = arith.shrui %get3A_104, %shift_right_logical3A_109 : vector<16xi32>
        %and3A_111 = arith.constant 3 : i32
        %and3A_112 = vector.broadcast %and3A_111 : i32 to vector<16xi32>
        %and3A_113 = arith.andi %get3A_106, %and3A_112 : vector<16xi32>
        %shift_left3A = arith.constant 15 : i32
        %shift_left3A_114 = vector.broadcast %shift_left3A : i32 to vector<16xi32>
        %shift_left3A_115 = arith.shli %and3A_113, %shift_left3A_114 : vector<16xi32>
        %or3A = arith.ori %shift_right_logical3A_110, %shift_left3A_115 : vector<16xi32>
        %swap3A = arith.index_cast %mul3A_103 : i32 to index
        %swap3A_116 = tpu.vector_load %arg19[%swap3A] {strides = array<i32>} : memref<2000xi32, #tpu.memory_space<vmem>>, vector<16xi32>,
        tpu.vector_store %arg19[%swap3A], %and3A_108 {strides = array<i32>} : memref<2000xi32, #tpu.memory_space<vmem>>, vector<16xi32>,
        %swap3A_117 = arith.index_cast %mul3A_103 : i32 to index
        %swap3A_118 = tpu.vector_load %arg20[%swap3A_117] {strides = array<i32>} : memref<2000xi32, #tpu.memory_space<vmem>>, vector<16xi32>,
        tpu.vector_store %arg20[%swap3A_117], %or3A {strides = array<i32>} : memref<2000xi32, #tpu.memory_space<vmem>>, vector<16xi32>,
      }
      %scan3A_54 = arith.constant 125 : i32
      %dma_start3A_55 = arith.constant 0 : i32
      %dma_start3A_56 = tpu.memref_slice %arg13[%dma_start3A_55] : memref<50000xf32, #tpu.memory_space<vmem_shared>> -> memref<50000xf32, #tpu.memory_space<vmem_shared>>
      tpu.enqueue_indirect_dma source(%dma_start3A_56 : memref<50000xf32, #tpu.memory_space<vmem_shared>>) target(%arg21 : memref<2000xf32, #tpu.memory_space<vmem>>) offsets(%arg19 : memref<2000xi32, #tpu.memory_space<vmem>>) semaphore(%arg34 : memref<!tpu.dma_semaphore, #tpu.memory_space<semaphore_mem>>)
      %dma_start3A_57 = arith.constant 0 : i32
      %dma_start3A_58 = tpu.memref_slice %arg14[%dma_start3A_57] : memref<50000xf32, #tpu.memory_space<vmem_shared>> -> memref<50000xf32, #tpu.memory_space<vmem_shared>>
      tpu.enqueue_indirect_dma source(%dma_start3A_58 : memref<50000xf32, #tpu.memory_space<vmem_shared>>) target(%arg22 : memref<2000xf32, #tpu.memory_space<vmem>>) offsets(%arg19 : memref<2000xi32, #tpu.memory_space<vmem>>) semaphore(%arg34 : memref<!tpu.dma_semaphore, #tpu.memory_space<semaphore_mem>>)
      %dma_start3A_59 = arith.constant 0 : i32
      %dma_start3A_60 = tpu.memref_slice %arg15[%dma_start3A_59] : memref<50000xf32, #tpu.memory_space<vmem_shared>> -> memref<50000xf32, #tpu.memory_space<vmem_shared>>
      tpu.enqueue_indirect_dma source(%dma_start3A_60 : memref<50000xf32, #tpu.memory_space<vmem_shared>>) target(%arg23 : memref<2000xf32, #tpu.memory_space<vmem>>) offsets(%arg19 : memref<2000xi32, #tpu.memory_space<vmem>>) semaphore(%arg34 : memref<!tpu.dma_semaphore, #tpu.memory_space<semaphore_mem>>)
      %dma_start3A_61 = arith.constant 0 : i32
      %dma_start3A_62 = tpu.memref_slice %arg13[%dma_start3A_61] : memref<50000xf32, #tpu.memory_space<vmem_shared>> -> memref<50000xf32, #tpu.memory_space<vmem_shared>>
      tpu.enqueue_indirect_dma source(%dma_start3A_62 : memref<50000xf32, #tpu.memory_space<vmem_shared>>) target(%arg24 : memref<2000xf32, #tpu.memory_space<vmem>>) offsets(%arg20 : memref<2000xi32, #tpu.memory_space<vmem>>) semaphore(%arg34 : memref<!tpu.dma_semaphore, #tpu.memory_space<semaphore_mem>>)
      %dma_start3A_63 = arith.constant 0 : i32
      %dma_start3A_64 = tpu.memref_slice %arg14[%dma_start3A_63] : memref<50000xf32, #tpu.memory_space<vmem_shared>> -> memref<50000xf32, #tpu.memory_space<vmem_shared>>
      tpu.enqueue_indirect_dma source(%dma_start3A_64 : memref<50000xf32, #tpu.memory_space<vmem_shared>>) target(%arg25 : memref<2000xf32, #tpu.memory_space<vmem>>) offsets(%arg20 : memref<2000xi32, #tpu.memory_space<vmem>>) semaphore(%arg34 : memref<!tpu.dma_semaphore, #tpu.memory_space<semaphore_mem>>)
      %dma_start3A_65 = arith.constant 0 : i32
      %dma_start3A_66 = tpu.memref_slice %arg15[%dma_start3A_65] : memref<50000xf32, #tpu.memory_space<vmem_shared>> -> memref<50000xf32, #tpu.memory_space<vmem_shared>>
      tpu.enqueue_indirect_dma source(%dma_start3A_66 : memref<50000xf32, #tpu.memory_space<vmem_shared>>) target(%arg26 : memref<2000xf32, #tpu.memory_space<vmem>>) offsets(%arg20 : memref<2000xi32, #tpu.memory_space<vmem>>) semaphore(%arg34 : memref<!tpu.dma_semaphore, #tpu.memory_space<semaphore_mem>>)
      %dma_wait3A_67 = arith.constant 0 : i32
      %dma_wait3A_68 = tpu.memref_slice %arg13[%dma_wait3A_67] : memref<50000xf32, #tpu.memory_space<vmem_shared>> -> memref<50000xf32, #tpu.memory_space<vmem_shared>>
      tpu.wait_indirect_dma semaphore(%arg34 : memref<!tpu.dma_semaphore, #tpu.memory_space<semaphore_mem>>) src(%dma_wait3A_68 : memref<50000xf32, #tpu.memory_space<vmem_shared>>) dst(%arg21 : memref<2000xf32, #tpu.memory_space<vmem>>)
      %dma_wait3A_69 = arith.constant 0 : i32
      %dma_wait3A_70 = tpu.memref_slice %arg14[%dma_wait3A_69] : memref<50000xf32, #tpu.memory_space<vmem_shared>> -> memref<50000xf32, #tpu.memory_space<vmem_shared>>
      tpu.wait_indirect_dma semaphore(%arg34 : memref<!tpu.dma_semaphore, #tpu.memory_space<semaphore_mem>>) src(%dma_wait3A_70 : memref<50000xf32, #tpu.memory_space<vmem_shared>>) dst(%arg22 : memref<2000xf32, #tpu.memory_space<vmem>>)
      %dma_wait3A_71 = arith.constant 0 : i32
      %dma_wait3A_72 = tpu.memref_slice %arg15[%dma_wait3A_71] : memref<50000xf32, #tpu.memory_space<vmem_shared>> -> memref<50000xf32, #tpu.memory_space<vmem_shared>>
      tpu.wait_indirect_dma semaphore(%arg34 : memref<!tpu.dma_semaphore, #tpu.memory_space<semaphore_mem>>) src(%dma_wait3A_72 : memref<50000xf32, #tpu.memory_space<vmem_shared>>) dst(%arg23 : memref<2000xf32, #tpu.memory_space<vmem>>)
      %dma_wait3A_73 = arith.constant 0 : i32
      %dma_wait3A_74 = tpu.memref_slice %arg13[%dma_wait3A_73] : memref<50000xf32, #tpu.memory_space<vmem_shared>> -> memref<50000xf32, #tpu.memory_space<vmem_shared>>
      tpu.wait_indirect_dma semaphore(%arg34 : memref<!tpu.dma_semaphore, #tpu.memory_space<semaphore_mem>>) src(%dma_wait3A_74 : memref<50000xf32, #tpu.memory_space<vmem_shared>>) dst(%arg24 : memref<2000xf32, #tpu.memory_space<vmem>>)
      %dma_wait3A_75 = arith.constant 0 : i32
      %dma_wait3A_76 = tpu.memref_slice %arg14[%dma_wait3A_75] : memref<50000xf32, #tpu.memory_space<vmem_shared>> -> memref<50000xf32, #tpu.memory_space<vmem_shared>>
      tpu.wait_indirect_dma semaphore(%arg34 : memref<!tpu.dma_semaphore, #tpu.memory_space<semaphore_mem>>) src(%dma_wait3A_76 : memref<50000xf32, #tpu.memory_space<vmem_shared>>) dst(%arg25 : memref<2000xf32, #tpu.memory_space<vmem>>)
      %dma_wait3A_77 = arith.constant 0 : i32
      %dma_wait3A_78 = tpu.memref_slice %arg15[%dma_wait3A_77] : memref<50000xf32, #tpu.memory_space<vmem_shared>> -> memref<50000xf32, #tpu.memory_space<vmem_shared>>
      tpu.wait_indirect_dma semaphore(%arg34 : memref<!tpu.dma_semaphore, #tpu.memory_space<semaphore_mem>>) src(%dma_wait3A_78 : memref<50000xf32, #tpu.memory_space<vmem_shared>>) dst(%arg26 : memref<2000xf32, #tpu.memory_space<vmem>>)
      %gt3A = arith.constant 0 : i32
      %gt3A_79 = arith.cmpi sgt, %scan3A_36, %gt3A : i32
      %convert_element_type3A_80 = arith.extui %gt3A_79 : i1 to i32
      %cond3A_81 = arith.constant 0 : i32
      %cond3A_82 = arith.cmpi ne, %convert_element_type3A_80, %cond3A_81 : i32
      scf.if %cond3A_82 {
        %dma_wait3A_101 = arith.constant 0 : i32
        %dma_wait3A_102 = tpu.memref_slice %arg8[%dma_wait3A_101] : memref<1600000xi32, #tpu.memory_space<hbm>> -> memref<2000xi32, #tpu.memory_space<hbm>>
        %dma_wait3A_103 = arith.constant 0 : i32
        %dma_wait3A_104 = tpu.memref_slice %arg8[%dma_wait3A_103] : memref<1600000xi32, #tpu.memory_space<hbm>> -> memref<2000xi32, #tpu.memory_space<hbm>>
        tpu.wait_dma2 semaphore(%arg35 : memref<!tpu.dma_semaphore, #tpu.memory_space<semaphore_mem>>) src(%dma_wait3A_104 : memref<2000xi32, #tpu.memory_space<hbm>>) dst(%arg29 : memref<2000xi32, #tpu.memory_space<vmem>>)
        %dma_wait3A_105 = arith.constant 0 : i32
        %dma_wait3A_106 = tpu.memref_slice %arg9[%dma_wait3A_105] : memref<1600000xi32, #tpu.memory_space<hbm>> -> memref<2000xi32, #tpu.memory_space<hbm>>
        %dma_wait3A_107 = arith.constant 0 : i32
        %dma_wait3A_108 = tpu.memref_slice %arg9[%dma_wait3A_107] : memref<1600000xi32, #tpu.memory_space<hbm>> -> memref<2000xi32, #tpu.memory_space<hbm>>
        tpu.wait_dma2 semaphore(%arg35 : memref<!tpu.dma_semaphore, #tpu.memory_space<semaphore_mem>>) src(%dma_wait3A_108 : memref<2000xi32, #tpu.memory_space<hbm>>) dst(%arg30 : memref<2000xi32, #tpu.memory_space<vmem>>)
        %dma_wait3A_109 = arith.constant 0 : i32
        %dma_wait3A_110 = tpu.memref_slice %arg10[%dma_wait3A_109] : memref<1600000xi32, #tpu.memory_space<hbm>> -> memref<2000xi32, #tpu.memory_space<hbm>>
        %dma_wait3A_111 = arith.constant 0 : i32
        %dma_wait3A_112 = tpu.memref_slice %arg10[%dma_wait3A_111] : memref<1600000xi32, #tpu.memory_space<hbm>> -> memref<2000xi32, #tpu.memory_space<hbm>>
        tpu.wait_dma2 semaphore(%arg35 : memref<!tpu.dma_semaphore, #tpu.memory_space<semaphore_mem>>) src(%dma_wait3A_112 : memref<2000xi32, #tpu.memory_space<hbm>>) dst(%arg31 : memref<2000xi32, #tpu.memory_space<vmem>>)
        %dma_wait3A_113 = arith.constant 0 : i32
        %dma_wait3A_114 = tpu.memref_slice %arg11[%dma_wait3A_113] : memref<40000000xf32, #tpu.memory_space<hbm>> -> memref<50000xf32, #tpu.memory_space<hbm>>
        %dma_wait3A_115 = arith.constant 0 : i32
        %dma_wait3A_116 = tpu.memref_slice %arg11[%dma_wait3A_115] : memref<40000000xf32, #tpu.memory_space<hbm>> -> memref<50000xf32, #tpu.memory_space<hbm>>
        tpu.wait_dma2 semaphore(%arg35 : memref<!tpu.dma_semaphore, #tpu.memory_space<semaphore_mem>>) src(%dma_wait3A_116 : memref<50000xf32, #tpu.memory_space<hbm>>) dst(%arg32 : memref<50000xf32, #tpu.memory_space<vmem>>)
        %dma_wait3A_117 = arith.constant 0 : i32
        %dma_wait3A_118 = tpu.memref_slice %arg12[%dma_wait3A_117] : memref<1600000xi32, #tpu.memory_space<hbm>> -> memref<2000xi32, #tpu.memory_space<hbm>>
        %dma_wait3A_119 = arith.constant 0 : i32
        %dma_wait3A_120 = tpu.memref_slice %arg12[%dma_wait3A_119] : memref<1600000xi32, #tpu.memory_space<hbm>> -> memref<2000xi32, #tpu.memory_space<hbm>>
        tpu.wait_dma2 semaphore(%arg35 : memref<!tpu.dma_semaphore, #tpu.memory_space<semaphore_mem>>) src(%dma_wait3A_120 : memref<2000xi32, #tpu.memory_space<hbm>>) dst(%arg33 : memref<2000xi32, #tpu.memory_space<vmem>>)
        %scan3A_121 = arith.constant 0 : i32
        %scan3A_122 = arith.constant 0 : i32
        %scan3A_123 = arith.constant 125 : i32
        %scan3A_124 = arith.addi %scan3A_122, %scan3A_123 : i32
        %scan3A_125 = arith.constant 1 : i32
        scf.for %scan3A_127 = %scan3A_122 to %scan3A_124 step %scan3A_125  : i32 {
          %mul3A_128 = arith.constant 16 : i32
          %mul3A_129 = arith.muli %scan3A_127, %mul3A_128 : i32
          %get3A = arith.index_cast %mul3A_129 : i32 to index
          %get3A_130 = tpu.vector_load %arg27[%get3A] {strides = array<i32>} : memref<2000xi32, #tpu.memory_space<vmem>>, vector<16xi32>,
          %mul3A_131 = arith.constant 16 : i32
          %mul3A_132 = arith.muli %scan3A_127, %mul3A_131 : i32
          %get3A_133 = arith.index_cast %mul3A_132 : i32 to index
          %get3A_134 = tpu.vector_load %arg28[%get3A_133] {strides = array<i32>} : memref<2000xi32, #tpu.memory_space<vmem>>, vector<16xi32>,
          tpu.vector_store_idx %arg32[%get3A_130], %broadcast_in_dim3A_3 : memref<50000xf32, #tpu.memory_space<vmem>>[vector<16xi32>], vector<16xf32>,
          tpu.vector_store_idx %arg32[%get3A_134], %broadcast_in_dim3A_3 : memref<50000xf32, #tpu.memory_space<vmem>>[vector<16xi32>], vector<16xf32>,
        }
        %scan3A_126 = arith.constant 125 : i32
      } else {
      }
      %scan3A_83 = arith.constant 0 : i32
      %scan3A_84 = arith.constant 0 : i32
      %scan3A_85 = arith.constant 125 : i32
      %scan3A_86 = arith.addi %scan3A_84, %scan3A_85 : i32
      %scan3A_87 = arith.constant 1 : i32
      scf.for %scan3A_101 = %scan3A_84 to %scan3A_86 step %scan3A_87  : i32 {
        %mul3A_102 = arith.constant 16 : i32
        %mul3A_103 = arith.muli %scan3A_101, %mul3A_102 : i32
        %get3A = arith.index_cast %mul3A_103 : i32 to index
        %get3A_104 = tpu.vector_load %arg18[%get3A] {strides = array<i32>} : memref<2000xi32, #tpu.memory_space<vmem>>, vector<16xi32>,
        %get3A_105 = arith.index_cast %mul3A_103 : i32 to index
        %get3A_106 = tpu.vector_load %arg19[%get3A_105] {strides = array<i32>} : memref<2000xi32, #tpu.memory_space<vmem>>, vector<16xi32>,
        %get3A_107 = arith.index_cast %mul3A_103 : i32 to index
        %get3A_108 = tpu.vector_load %arg20[%get3A_107] {strides = array<i32>} : memref<2000xi32, #tpu.memory_space<vmem>>, vector<16xi32>,
        %shift_right_logical3A = arith.constant 2 : i32
        %shift_right_logical3A_109 = vector.broadcast %shift_right_logical3A : i32 to vector<16xi32>
        %shift_right_logical3A_110 = arith.shrui %get3A_104, %shift_right_logical3A_109 : vector<16xi32>
        %and3A = arith.constant 7 : i32
        %and3A_111 = vector.broadcast %and3A : i32 to vector<16xi32>
        %and3A_112 = arith.andi %shift_right_logical3A_110, %and3A_111 : vector<16xi32>
        %shift_right_logical3A_113 = arith.constant 5 : i32
        %shift_right_logical3A_114 = vector.broadcast %shift_right_logical3A_113 : i32 to vector<16xi32>
        %shift_right_logical3A_115 = arith.shrui %get3A_104, %shift_right_logical3A_114 : vector<16xi32>
        %and3A_116 = arith.constant 15 : i32
        %and3A_117 = vector.broadcast %and3A_116 : i32 to vector<16xi32>
        %and3A_118 = arith.andi %shift_right_logical3A_115, %and3A_117 : vector<16xi32>
        %shift_right_logical3A_119 = arith.constant 9 : i32
        %shift_right_logical3A_120 = vector.broadcast %shift_right_logical3A_119 : i32 to vector<16xi32>
        %shift_right_logical3A_121 = arith.shrui %get3A_104, %shift_right_logical3A_120 : vector<16xi32>
        %gather3A = tpu.vector_load_idx %arg16[%shift_right_logical3A_121] : memref<64xi32, #tpu.memory_space<vmem>>[vector<16xi32>], vector<16xi32>,
        %swap3A = arith.index_cast %mul3A_103 : i32 to index
        %swap3A_122 = tpu.vector_load %arg33[%swap3A] {strides = array<i32>} : memref<2000xi32, #tpu.memory_space<vmem>>, vector<16xi32>,
        tpu.vector_store %arg33[%swap3A], %gather3A {strides = array<i32>} : memref<2000xi32, #tpu.memory_space<vmem>>, vector<16xi32>,
        %swap3A_123 = arith.index_cast %mul3A_103 : i32 to index
        %swap3A_124 = tpu.vector_load %arg29[%swap3A_123] {strides = array<i32>} : memref<2000xi32, #tpu.memory_space<vmem>>, vector<16xi32>,
        tpu.vector_store %arg29[%swap3A_123], %get3A_106 {strides = array<i32>} : memref<2000xi32, #tpu.memory_space<vmem>>, vector<16xi32>,
        %swap3A_125 = arith.index_cast %mul3A_103 : i32 to index
        %swap3A_126 = tpu.vector_load %arg30[%swap3A_125] {strides = array<i32>} : memref<2000xi32, #tpu.memory_space<vmem>>, vector<16xi32>,
        tpu.vector_store %arg30[%swap3A_125], %get3A_108 {strides = array<i32>} : memref<2000xi32, #tpu.memory_space<vmem>>, vector<16xi32>,
        %swap3A_127 = arith.index_cast %mul3A_103 : i32 to index
        %swap3A_128 = tpu.vector_load %arg31[%swap3A_127] {strides = array<i32>} : memref<2000xi32, #tpu.memory_space<vmem>>, vector<16xi32>,
        tpu.vector_store %arg31[%swap3A_127], %and3A_112 {strides = array<i32>} : memref<2000xi32, #tpu.memory_space<vmem>>, vector<16xi32>,
        %add3A_129 = vector.broadcast %mul3A_103 : i32 to vector<16xi32>
        %add3A_130 = arith.addi %iota3A, %add3A_129 : vector<16xi32>
        %mul3A_131 = arith.constant 25 : i32
        %mul3A_132 = vector.broadcast %mul3A_131 : i32 to vector<16xi32>
        %mul3A_133 = arith.muli %add3A_130, %mul3A_132 : vector<16xi32>
        %add3A_134 = arith.constant 6 : i32
        %add3A_135 = vector.broadcast %add3A_134 : i32 to vector<16xi32>
        %add3A_136 = arith.addi %mul3A_133, %add3A_135 : vector<16xi32>
        %add3A_137 = arith.addi %add3A_136, %and3A_112 : vector<16xi32>
        %add3A_138 = arith.constant 13 : i32
        %add3A_139 = vector.broadcast %add3A_138 : i32 to vector<16xi32>
        %add3A_140 = arith.addi %mul3A_133, %add3A_139 : vector<16xi32>
        %add3A_141 = arith.addi %add3A_140, %and3A_118 : vector<16xi32>
        %swap3A_142 = arith.index_cast %mul3A_103 : i32 to index
        %swap3A_143 = tpu.vector_load %arg27[%swap3A_142] {strides = array<i32>} : memref<2000xi32, #tpu.memory_space<vmem>>, vector<16xi32>,
        tpu.vector_store %arg27[%swap3A_142], %add3A_137 {strides = array<i32>} : memref<2000xi32, #tpu.memory_space<vmem>>, vector<16xi32>,
        %swap3A_144 = arith.index_cast %mul3A_103 : i32 to index
        %swap3A_145 = tpu.vector_load %arg28[%swap3A_144] {strides = array<i32>} : memref<2000xi32, #tpu.memory_space<vmem>>, vector<16xi32>,
        tpu.vector_store %arg28[%swap3A_144], %add3A_141 {strides = array<i32>} : memref<2000xi32, #tpu.memory_space<vmem>>, vector<16xi32>,
        tpu.vector_store_idx %arg32[%add3A_137], %broadcast_in_dim3A_5 : memref<50000xf32, #tpu.memory_space<vmem>>[vector<16xi32>], vector<16xf32>,
        tpu.vector_store_idx %arg32[%add3A_141], %broadcast_in_dim3A_5 : memref<50000xf32, #tpu.memory_space<vmem>>[vector<16xi32>], vector<16xf32>,
        %get3A_146 = arith.index_cast %mul3A_103 : i32 to index
        %get3A_147 = tpu.vector_load %arg21[%get3A_146] {strides = array<i32>} : memref<2000xf32, #tpu.memory_space<vmem>>, vector<16xf32>,
        %get3A_148 = arith.index_cast %mul3A_103 : i32 to index
        %get3A_149 = tpu.vector_load %arg22[%get3A_148] {strides = array<i32>} : memref<2000xf32, #tpu.memory_space<vmem>>, vector<16xf32>,
        %get3A_150 = arith.index_cast %mul3A_103 : i32 to index
        %get3A_151 = tpu.vector_load %arg23[%get3A_150] {strides = array<i32>} : memref<2000xf32, #tpu.memory_space<vmem>>, vector<16xf32>,
        %get3A_152 = arith.index_cast %mul3A_103 : i32 to index
        %get3A_153 = tpu.vector_load %arg24[%get3A_152] {strides = array<i32>} : memref<2000xf32, #tpu.memory_space<vmem>>, vector<16xf32>,
        %get3A_154 = arith.index_cast %mul3A_103 : i32 to index
        %get3A_155 = tpu.vector_load %arg25[%get3A_154] {strides = array<i32>} : memref<2000xf32, #tpu.memory_space<vmem>>, vector<16xf32>,
        %get3A_156 = arith.index_cast %mul3A_103 : i32 to index
        %get3A_157 = tpu.vector_load %arg26[%get3A_156] {strides = array<i32>} : memref<2000xf32, #tpu.memory_space<vmem>>, vector<16xf32>,
        tpu.vector_store_idx %arg32[%mul3A_133], %get3A_147 : memref<50000xf32, #tpu.memory_space<vmem>>[vector<16xi32>], vector<16xf32>,
        %add3A_158 = arith.constant 1 : i32
        %add3A_159 = vector.broadcast %add3A_158 : i32 to vector<16xi32>
        %add3A_160 = arith.addi %mul3A_133, %add3A_159 : vector<16xi32>
        tpu.vector_store_idx %arg32[%add3A_160], %get3A_149 : memref<50000xf32, #tpu.memory_space<vmem>>[vector<16xi32>], vector<16xf32>,
        %add3A_161 = arith.constant 2 : i32
        %add3A_162 = vector.broadcast %add3A_161 : i32 to vector<16xi32>
        %add3A_163 = arith.addi %mul3A_133, %add3A_162 : vector<16xi32>
        tpu.vector_store_idx %arg32[%add3A_163], %get3A_151 : memref<50000xf32, #tpu.memory_space<vmem>>[vector<16xi32>], vector<16xf32>,
        %add3A_164 = arith.constant 3 : i32
        %add3A_165 = vector.broadcast %add3A_164 : i32 to vector<16xi32>
        %add3A_166 = arith.addi %mul3A_133, %add3A_165 : vector<16xi32>
        tpu.vector_store_idx %arg32[%add3A_166], %get3A_153 : memref<50000xf32, #tpu.memory_space<vmem>>[vector<16xi32>], vector<16xf32>,
        %add3A_167 = arith.constant 4 : i32
        %add3A_168 = vector.broadcast %add3A_167 : i32 to vector<16xi32>
        %add3A_169 = arith.addi %mul3A_133, %add3A_168 : vector<16xi32>
        tpu.vector_store_idx %arg32[%add3A_169], %get3A_155 : memref<50000xf32, #tpu.memory_space<vmem>>[vector<16xi32>], vector<16xf32>,
        %add3A_170 = arith.constant 5 : i32
        %add3A_171 = vector.broadcast %add3A_170 : i32 to vector<16xi32>
        %add3A_172 = arith.addi %mul3A_133, %add3A_171 : vector<16xi32>
        tpu.vector_store_idx %arg32[%add3A_172], %get3A_157 : memref<50000xf32, #tpu.memory_space<vmem>>[vector<16xi32>], vector<16xf32>,
        %sub3A = arith.subf %get3A_147, %get3A_153 : vector<16xf32>
        %sub3A_173 = arith.subf %get3A_149, %get3A_155 : vector<16xf32>
        %sub3A_174 = arith.subf %get3A_151, %get3A_157 : vector<16xf32>
        %mul3A_175 = arith.mulf %sub3A, %sub3A : vector<16xf32>
        %mul3A_176 = arith.mulf %sub3A_173, %sub3A_173 : vector<16xf32>
        %add3A_177 = arith.addf %mul3A_175, %mul3A_176 : vector<16xf32>
        %mul3A_178 = arith.mulf %sub3A_174, %sub3A_174 : vector<16xf32>
        %add3A_179 = arith.addf %add3A_177, %mul3A_178 : vector<16xf32>
        %add3A_180 = arith.constant 9.99999996E-13 : f32
        %add3A_181 = vector.broadcast %add3A_180 : f32 to vector<16xf32>
        %add3A_182 = arith.addf %add3A_179, %add3A_181 : vector<16xf32>
        %bitcast3A = vector.bitcast %add3A_182 : vector<16xf32> to vector<16xi32>
        %shift_right_logical3A_183 = arith.constant 1 : i32
        %shift_right_logical3A_184 = vector.broadcast %shift_right_logical3A_183 : i32 to vector<16xi32>
        %shift_right_logical3A_185 = arith.shrui %bitcast3A, %shift_right_logical3A_184 : vector<16xi32>
        %sub3A_186 = arith.constant 1597463007 : i32
        %sub3A_187 = vector.broadcast %sub3A_186 : i32 to vector<16xi32>
        %sub3A_188 = arith.subi %sub3A_187, %shift_right_logical3A_185 : vector<16xi32>
        %bitcast3A_189 = vector.bitcast %sub3A_188 : vector<16xi32> to vector<16xf32>
        %mul3A_190 = arith.constant 5.000000e-01 : f32
        %mul3A_191 = vector.broadcast %mul3A_190 : f32 to vector<16xf32>
        %mul3A_192 = arith.mulf %mul3A_191, %add3A_182 : vector<16xf32>
        %mul3A_193 = arith.mulf %mul3A_192, %bitcast3A_189 : vector<16xf32>
        %mul3A_194 = arith.mulf %mul3A_193, %bitcast3A_189 : vector<16xf32>
        %sub3A_195 = arith.constant 1.500000e+00 : f32
        %sub3A_196 = vector.broadcast %sub3A_195 : f32 to vector<16xf32>
        %sub3A_197 = arith.subf %sub3A_196, %mul3A_194 : vector<16xf32>
        %mul3A_198 = arith.mulf %bitcast3A_189, %sub3A_197 : vector<16xf32>
        %mul3A_199 = arith.constant 5.000000e-01 : f32
        %mul3A_200 = vector.broadcast %mul3A_199 : f32 to vector<16xf32>
        %mul3A_201 = arith.mulf %mul3A_200, %add3A_182 : vector<16xf32>
        %mul3A_202 = arith.mulf %mul3A_201, %mul3A_198 : vector<16xf32>
        %mul3A_203 = arith.mulf %mul3A_202, %mul3A_198 : vector<16xf32>
        %sub3A_204 = arith.constant 1.500000e+00 : f32
        %sub3A_205 = vector.broadcast %sub3A_204 : f32 to vector<16xf32>
        %sub3A_206 = arith.subf %sub3A_205, %mul3A_203 : vector<16xf32>
        %mul3A_207 = arith.mulf %mul3A_198, %sub3A_206 : vector<16xf32>
        %mul3A_208 = arith.constant 5.000000e-01 : f32
        %mul3A_209 = vector.broadcast %mul3A_208 : f32 to vector<16xf32>
        %mul3A_210 = arith.mulf %mul3A_209, %add3A_182 : vector<16xf32>
        %mul3A_211 = arith.mulf %mul3A_210, %mul3A_207 : vector<16xf32>
        %mul3A_212 = arith.mulf %mul3A_211, %mul3A_207 : vector<16xf32>
        %sub3A_213 = arith.constant 1.500000e+00 : f32
        %sub3A_214 = vector.broadcast %sub3A_213 : f32 to vector<16xf32>
        %sub3A_215 = arith.subf %sub3A_214, %mul3A_212 : vector<16xf32>
        %mul3A_216 = arith.mulf %mul3A_207, %sub3A_215 : vector<16xf32>
        %mul3A_217 = arith.mulf %add3A_182, %mul3A_216 : vector<16xf32>
        %add3A_218 = arith.constant 24 : i32
        %add3A_219 = vector.broadcast %add3A_218 : i32 to vector<16xi32>
        %add3A_220 = arith.addi %mul3A_133, %add3A_219 : vector<16xi32>
        tpu.vector_store_idx %arg32[%add3A_220], %mul3A_217 : memref<50000xf32, #tpu.memory_space<vmem>>[vector<16xi32>], vector<16xf32>,
      }
      %scan3A_88 = arith.constant 125 : i32
      %dma_start3A_89 = tpu.memref_slice %arg8[%add3A_41] : memref<1600000xi32, #tpu.memory_space<hbm>> -> memref<2000xi32, #tpu.memory_space<hbm>>
      %dma_start3A_90 = tpu.memref_slice %arg8[%add3A_41] : memref<1600000xi32, #tpu.memory_space<hbm>> -> memref<2000xi32, #tpu.memory_space<hbm>>
      tpu.enqueue_dma source(%arg29 : memref<2000xi32, #tpu.memory_space<vmem>>) target(%dma_start3A_90 : memref<2000xi32, #tpu.memory_space<hbm>>) target_semaphore(%arg35 : memref<!tpu.dma_semaphore, #tpu.memory_space<semaphore_mem>>)
      %dma_start3A_91 = tpu.memref_slice %arg9[%add3A_41] : memref<1600000xi32, #tpu.memory_space<hbm>> -> memref<2000xi32, #tpu.memory_space<hbm>>
      %dma_start3A_92 = tpu.memref_slice %arg9[%add3A_41] : memref<1600000xi32, #tpu.memory_space<hbm>> -> memref<2000xi32, #tpu.memory_space<hbm>>
      tpu.enqueue_dma source(%arg30 : memref<2000xi32, #tpu.memory_space<vmem>>) target(%dma_start3A_92 : memref<2000xi32, #tpu.memory_space<hbm>>) target_semaphore(%arg35 : memref<!tpu.dma_semaphore, #tpu.memory_space<semaphore_mem>>)
      %dma_start3A_93 = tpu.memref_slice %arg10[%add3A_41] : memref<1600000xi32, #tpu.memory_space<hbm>> -> memref<2000xi32, #tpu.memory_space<hbm>>
      %dma_start3A_94 = tpu.memref_slice %arg10[%add3A_41] : memref<1600000xi32, #tpu.memory_space<hbm>> -> memref<2000xi32, #tpu.memory_space<hbm>>
      tpu.enqueue_dma source(%arg31 : memref<2000xi32, #tpu.memory_space<vmem>>) target(%dma_start3A_94 : memref<2000xi32, #tpu.memory_space<hbm>>) target_semaphore(%arg35 : memref<!tpu.dma_semaphore, #tpu.memory_space<semaphore_mem>>)
      %mul3A_95 = arith.constant 25 : i32
      %mul3A_96 = arith.muli %mul3A_95, %add3A_41 : i32
      %dma_start3A_97 = tpu.memref_slice %arg11[%mul3A_96] : memref<40000000xf32, #tpu.memory_space<hbm>> -> memref<50000xf32, #tpu.memory_space<hbm>>
      %dma_start3A_98 = tpu.memref_slice %arg11[%mul3A_96] : memref<40000000xf32, #tpu.memory_space<hbm>> -> memref<50000xf32, #tpu.memory_space<hbm>>
      tpu.enqueue_dma source(%arg32 : memref<50000xf32, #tpu.memory_space<vmem>>) target(%dma_start3A_98 : memref<50000xf32, #tpu.memory_space<hbm>>) target_semaphore(%arg35 : memref<!tpu.dma_semaphore, #tpu.memory_space<semaphore_mem>>)
      %dma_start3A_99 = tpu.memref_slice %arg12[%add3A_41] : memref<1600000xi32, #tpu.memory_space<hbm>> -> memref<2000xi32, #tpu.memory_space<hbm>>
      %dma_start3A_100 = tpu.memref_slice %arg12[%add3A_41] : memref<1600000xi32, #tpu.memory_space<hbm>> -> memref<2000xi32, #tpu.memory_space<hbm>>
      tpu.enqueue_dma source(%arg33 : memref<2000xi32, #tpu.memory_space<vmem>>) target(%dma_start3A_100 : memref<2000xi32, #tpu.memory_space<hbm>>) target_semaphore(%arg35 : memref<!tpu.dma_semaphore, #tpu.memory_space<semaphore_mem>>)
    }
    %scan3A_16 = arith.constant 25 : i32
    %dma_wait3A = arith.constant 0 : i32
    %dma_wait3A_17 = tpu.memref_slice %arg8[%dma_wait3A] : memref<1600000xi32, #tpu.memory_space<hbm>> -> memref<2000xi32, #tpu.memory_space<hbm>>
    %dma_wait3A_18 = arith.constant 0 : i32
    %dma_wait3A_19 = tpu.memref_slice %arg8[%dma_wait3A_18] : memref<1600000xi32, #tpu.memory_space<hbm>> -> memref<2000xi32, #tpu.memory_space<hbm>>
    tpu.wait_dma2 semaphore(%arg35 : memref<!tpu.dma_semaphore, #tpu.memory_space<semaphore_mem>>) src(%dma_wait3A_19 : memref<2000xi32, #tpu.memory_space<hbm>>) dst(%arg29 : memref<2000xi32, #tpu.memory_space<vmem>>)
    %dma_wait3A_20 = arith.constant 0 : i32
    %dma_wait3A_21 = tpu.memref_slice %arg9[%dma_wait3A_20] : memref<1600000xi32, #tpu.memory_space<hbm>> -> memref<2000xi32, #tpu.memory_space<hbm>>
    %dma_wait3A_22 = arith.constant 0 : i32
    %dma_wait3A_23 = tpu.memref_slice %arg9[%dma_wait3A_22] : memref<1600000xi32, #tpu.memory_space<hbm>> -> memref<2000xi32, #tpu.memory_space<hbm>>
    tpu.wait_dma2 semaphore(%arg35 : memref<!tpu.dma_semaphore, #tpu.memory_space<semaphore_mem>>) src(%dma_wait3A_23 : memref<2000xi32, #tpu.memory_space<hbm>>) dst(%arg30 : memref<2000xi32, #tpu.memory_space<vmem>>)
    %dma_wait3A_24 = arith.constant 0 : i32
    %dma_wait3A_25 = tpu.memref_slice %arg10[%dma_wait3A_24] : memref<1600000xi32, #tpu.memory_space<hbm>> -> memref<2000xi32, #tpu.memory_space<hbm>>
    %dma_wait3A_26 = arith.constant 0 : i32
    %dma_wait3A_27 = tpu.memref_slice %arg10[%dma_wait3A_26] : memref<1600000xi32, #tpu.memory_space<hbm>> -> memref<2000xi32, #tpu.memory_space<hbm>>
    tpu.wait_dma2 semaphore(%arg35 : memref<!tpu.dma_semaphore, #tpu.memory_space<semaphore_mem>>) src(%dma_wait3A_27 : memref<2000xi32, #tpu.memory_space<hbm>>) dst(%arg31 : memref<2000xi32, #tpu.memory_space<vmem>>)
    %dma_wait3A_28 = arith.constant 0 : i32
    %dma_wait3A_29 = tpu.memref_slice %arg11[%dma_wait3A_28] : memref<40000000xf32, #tpu.memory_space<hbm>> -> memref<50000xf32, #tpu.memory_space<hbm>>
    %dma_wait3A_30 = arith.constant 0 : i32
    %dma_wait3A_31 = tpu.memref_slice %arg11[%dma_wait3A_30] : memref<40000000xf32, #tpu.memory_space<hbm>> -> memref<50000xf32, #tpu.memory_space<hbm>>
    tpu.wait_dma2 semaphore(%arg35 : memref<!tpu.dma_semaphore, #tpu.memory_space<semaphore_mem>>) src(%dma_wait3A_31 : memref<50000xf32, #tpu.memory_space<hbm>>) dst(%arg32 : memref<50000xf32, #tpu.memory_space<vmem>>)
    %dma_wait3A_32 = arith.constant 0 : i32
    %dma_wait3A_33 = tpu.memref_slice %arg12[%dma_wait3A_32] : memref<1600000xi32, #tpu.memory_space<hbm>> -> memref<2000xi32, #tpu.memory_space<hbm>>
    %dma_wait3A_34 = arith.constant 0 : i32
    %dma_wait3A_35 = tpu.memref_slice %arg12[%dma_wait3A_34] : memref<1600000xi32, #tpu.memory_space<hbm>> -> memref<2000xi32, #tpu.memory_space<hbm>>
    tpu.wait_dma2 semaphore(%arg35 : memref<!tpu.dma_semaphore, #tpu.memory_space<semaphore_mem>>) src(%dma_wait3A_35 : memref<2000xi32, #tpu.memory_space<hbm>>) dst(%arg33 : memref<2000xi32, #tpu.memory_space<vmem>>)
    return
  }
}

#map = affine_map<(d0, d1) -> (0)>
module attributes {stable_mosaic.version = 14 : i64} {
  func.func @_rank_body(%arg0: i32, %arg1: i32, %arg2: memref<1600000xi32, #tpu.memory_space<hbm>>, %arg3: memref<1600000xi32, #tpu.memory_space<hbm>>, %arg4: memref<1600000xi32, #tpu.memory_space<hbm>>, %arg5: memref<50000xi32, #tpu.memory_space<hbm>>, %arg6: memref<50000xi32, #tpu.memory_space<hbm>>, %arg7: memref<1600016xi32, #tpu.memory_space<hbm>>, %arg8: memref<1600016xi32, #tpu.memory_space<hbm>>, %arg9: memref<64xi32, #tpu.memory_space<hbm>>, %arg10: memref<64xi32, #tpu.memory_space<hbm>>, %arg11: memref<801056xi32, #tpu.memory_space<vmem_shared>>, %arg12: memref<801056xi32, #tpu.memory_space<vmem_shared>>, %arg13: memref<50000xi32, #tpu.memory_space<vmem_shared>>, %arg14: memref<50000xi32, #tpu.memory_space<vmem_shared>>, %arg15: memref<2048xi32, #tpu.memory_space<vmem_shared>>, %arg16: memref<2048xi32, #tpu.memory_space<vmem>>, %arg17: memref<64xi32, #tpu.memory_space<vmem>>, %arg18: memref<64xi32, #tpu.memory_space<vmem>>, %arg19: memref<80xi32, #tpu.memory_space<vmem>>, %arg20: memref<80xi32, #tpu.memory_space<vmem>>, %arg21: memref<80xi32, #tpu.memory_space<vmem>>, %arg22: memref<80xi32, #tpu.memory_space<vmem>>, %arg23: memref<16xi32, #tpu.memory_space<vmem>>, %arg24: memref<16xi32, #tpu.memory_space<vmem>>, %arg25: memref<256xi32, #tpu.memory_space<vmem>>, %arg26: memref<256xi32, #tpu.memory_space<vmem>>, %arg27: memref<2000xi32, #tpu.memory_space<vmem>>, %arg28: memref<2000xi32, #tpu.memory_space<vmem>>, %arg29: memref<2000xi32, #tpu.memory_space<vmem>>, %arg30: memref<2000xi32, #tpu.memory_space<vmem>>, %arg31: memref<2000xi32, #tpu.memory_space<vmem>>, %arg32: memref<2000xi32, #tpu.memory_space<vmem>>, %arg33: memref<2000xi32, #tpu.memory_space<vmem>>, %arg34: memref<2000xi32, #tpu.memory_space<vmem>>, %arg35: memref<25x80xi32, #tpu.memory_space<vmem>>, %arg36: memref<!tpu.dma_semaphore, #tpu.memory_space<semaphore_mem>>, %arg37: memref<!tpu.dma_semaphore, #tpu.memory_space<semaphore_mem>>) attributes {dimension_semantics = [#tpu.dimension_semantics<core_parallel>, #tpu.dimension_semantics<subcore_parallel>], iteration_bounds = array<i64: 2, 16>, scalar_prefetch = 0 : i64, scratch_operands = 27 : i64, tpu.core_type = #tpu.core_type<sc_vector_subcore>, window_params = [{transform_indices = #map}, {transform_indices = #map}, {transform_indices = #map}, {transform_indices = #map}, {transform_indices = #map}, {transform_indices = #map}, {transform_indices = #map}, {transform_indices = #map}, {transform_indices = #map}]} {
    %mul3A = arith.constant 16 : i32
    %mul3A_0 = arith.muli %arg0, %mul3A : i32
    %add3A = arith.addi %mul3A_0, %arg1 : i32
    %eq3A = arith.constant 0 : i32
    %eq3A_1 = arith.cmpi eq, %arg1, %eq3A : i32
    %convert_element_type3A = arith.extui %eq3A_1 : i1 to i32
    %cond3A = arith.constant 0 : i32
    %cond3A_2 = arith.cmpi ne, %convert_element_type3A, %cond3A : i32
    scf.if %cond3A_2 {
      "tpu.region"() ({
        %run_scoped3A = tpu.sem_alloc : memref<!tpu.dma_semaphore, #tpu.memory_space<semaphore_mem>>
        tpu.enqueue_dma source(%arg6 : memref<50000xi32, #tpu.memory_space<hbm>>) target(%arg13 : memref<50000xi32, #tpu.memory_space<vmem_shared>>) target_semaphore(%run_scoped3A : memref<!tpu.dma_semaphore, #tpu.memory_space<semaphore_mem>>)
        tpu.wait_dma2 semaphore(%run_scoped3A : memref<!tpu.dma_semaphore, #tpu.memory_space<semaphore_mem>>) src(%arg6 : memref<50000xi32, #tpu.memory_space<hbm>>) dst(%arg13 : memref<50000xi32, #tpu.memory_space<vmem_shared>>)
        tpu.yield
      }) : () -> ()
      "tpu.region"() ({
        %run_scoped3A = tpu.sem_alloc : memref<!tpu.dma_semaphore, #tpu.memory_space<semaphore_mem>>
        tpu.enqueue_dma source(%arg5 : memref<50000xi32, #tpu.memory_space<hbm>>) target(%arg14 : memref<50000xi32, #tpu.memory_space<vmem_shared>>) target_semaphore(%run_scoped3A : memref<!tpu.dma_semaphore, #tpu.memory_space<semaphore_mem>>)
        tpu.wait_dma2 semaphore(%run_scoped3A : memref<!tpu.dma_semaphore, #tpu.memory_space<semaphore_mem>>) src(%arg5 : memref<50000xi32, #tpu.memory_space<hbm>>) dst(%arg14 : memref<50000xi32, #tpu.memory_space<vmem_shared>>)
        tpu.yield
      }) : () -> ()
    } else {
    }
    %barrier3A = arith.constant 0 : index
    tpu.barrier barrier_id(%barrier3A)
    %iota3A = tpu.iota {dimensions = array<i32: 0>} : vector<16xi32>
    %broadcast_in_dim3A = arith.constant 0 : i32
    %broadcast_in_dim3A_3 = vector.broadcast %broadcast_in_dim3A : i32 to vector<16xi32>
    %broadcast_in_dim3A_4 = arith.constant 1 : i32
    %broadcast_in_dim3A_5 = vector.broadcast %broadcast_in_dim3A_4 : i32 to vector<16xi32>
    %mul3A_6 = arith.constant 64 : i32
    %mul3A_7 = vector.broadcast %mul3A_6 : i32 to vector<16xi32>
    %mul3A_8 = arith.muli %iota3A, %mul3A_7 : vector<16xi32>
    %add3A_9 = arith.constant 0 : i32
    %add3A_10 = arith.addi %arg1, %add3A_9 : i32
    %scan3A = arith.constant 0 : i32
    %scan3A_11 = arith.constant 0 : i32
    %scan3A_12 = arith.constant 64 : i32
    %scan3A_13 = arith.addi %scan3A_11, %scan3A_12 : i32
    %scan3A_14 = arith.constant 1 : i32
    scf.for %scan3A_623 = %scan3A_11 to %scan3A_13 step %scan3A_14  : i32 {
      %mul3A_624 = arith.constant 16 : i32
      %mul3A_625 = arith.muli %scan3A_623, %mul3A_624 : i32
      %swap3A_626 = arith.index_cast %mul3A_625 : i32 to index
      %swap3A_627 = tpu.vector_load %arg30[%swap3A_626] {strides = array<i32>} : memref<2000xi32, #tpu.memory_space<vmem>>, vector<16xi32>,
      tpu.vector_store %arg30[%swap3A_626], %broadcast_in_dim3A_3 {strides = array<i32>} : memref<2000xi32, #tpu.memory_space<vmem>>, vector<16xi32>,
    }
    %scan3A_15 = arith.constant 64 : i32
    %mul3A_16 = arith.constant 50000 : i32
    %mul3A_17 = arith.muli %add3A_10, %mul3A_16 : i32
    %add3A_18 = arith.constant 0 : i32
    %add3A_19 = arith.addi %mul3A_17, %add3A_18 : i32
    %dma_start3A = tpu.memref_slice %arg2[%add3A_19] : memref<1600000xi32, #tpu.memory_space<hbm>> -> memref<2000xi32, #tpu.memory_space<hbm>>
    %dma_start3A_20 = tpu.memref_slice %arg2[%add3A_19] : memref<1600000xi32, #tpu.memory_space<hbm>> -> memref<2000xi32, #tpu.memory_space<hbm>>
    tpu.enqueue_dma source(%dma_start3A_20 : memref<2000xi32, #tpu.memory_space<hbm>>) target(%arg27 : memref<2000xi32, #tpu.memory_space<vmem>>) target_semaphore(%arg36 : memref<!tpu.dma_semaphore, #tpu.memory_space<semaphore_mem>>)
    %scan3A_21 = arith.constant 0 : i32
    %scan3A_22 = arith.constant 0 : i32
    %scan3A_23 = arith.constant 25 : i32
    %scan3A_24 = arith.addi %scan3A_22, %scan3A_23 : i32
    %scan3A_25 = arith.constant 1 : i32
    scf.for %scan3A_623 = %scan3A_22 to %scan3A_24 step %scan3A_25  : i32 {
      %dma_wait3A_624 = arith.constant 0 : i32
      %dma_wait3A_625 = tpu.memref_slice %arg2[%dma_wait3A_624] : memref<1600000xi32, #tpu.memory_space<hbm>> -> memref<2000xi32, #tpu.memory_space<hbm>>
      %dma_wait3A_626 = arith.constant 0 : i32
      %dma_wait3A_627 = tpu.memref_slice %arg2[%dma_wait3A_626] : memref<1600000xi32, #tpu.memory_space<hbm>> -> memref<2000xi32, #tpu.memory_space<hbm>>
      tpu.wait_dma2 semaphore(%arg36 : memref<!tpu.dma_semaphore, #tpu.memory_space<semaphore_mem>>) src(%dma_wait3A_627 : memref<2000xi32, #tpu.memory_space<hbm>>) dst(%arg27 : memref<2000xi32, #tpu.memory_space<vmem>>)
      %add3A_628 = arith.constant 1 : i32
      %add3A_629 = arith.addi %scan3A_623, %add3A_628 : i32
      %lt3A = arith.constant 25 : i32
      %lt3A_630 = arith.cmpi slt, %add3A_629, %lt3A : i32
      %and3A = arith.constant 1 : i32
      %and3A_631 = arith.andi %scan3A_623, %and3A : i32
      %eq3A_632 = arith.constant 0 : i32
      %eq3A_633 = arith.cmpi eq, %and3A_631, %eq3A_632 : i32
      %and3A_634 = arith.andi %lt3A_630, %eq3A_633 : i1
      %convert_element_type3A_635 = arith.extui %and3A_634 : i1 to i32
      %cond3A_636 = arith.constant 0 : i32
      %cond3A_637 = arith.cmpi ne, %convert_element_type3A_635, %cond3A_636 : i32
      scf.if %cond3A_637 {
        %add3A_670 = arith.constant 1 : i32
        %add3A_671 = arith.addi %scan3A_623, %add3A_670 : i32
        %mul3A_672 = arith.constant 50000 : i32
        %mul3A_673 = arith.muli %add3A_10, %mul3A_672 : i32
        %mul3A_674 = arith.constant 2000 : i32
        %mul3A_675 = arith.muli %add3A_671, %mul3A_674 : i32
        %add3A_676 = arith.addi %mul3A_673, %mul3A_675 : i32
        %dma_start3A_677 = tpu.memref_slice %arg2[%add3A_676] : memref<1600000xi32, #tpu.memory_space<hbm>> -> memref<2000xi32, #tpu.memory_space<hbm>>
        %dma_start3A_678 = tpu.memref_slice %arg2[%add3A_676] : memref<1600000xi32, #tpu.memory_space<hbm>> -> memref<2000xi32, #tpu.memory_space<hbm>>
        tpu.enqueue_dma source(%dma_start3A_678 : memref<2000xi32, #tpu.memory_space<hbm>>) target(%arg28 : memref<2000xi32, #tpu.memory_space<vmem>>) target_semaphore(%arg36 : memref<!tpu.dma_semaphore, #tpu.memory_space<semaphore_mem>>)
      } else {
      }
      %add3A_638 = arith.constant 1 : i32
      %add3A_639 = arith.addi %scan3A_623, %add3A_638 : i32
      %lt3A_640 = arith.constant 25 : i32
      %lt3A_641 = arith.cmpi slt, %add3A_639, %lt3A_640 : i32
      %and3A_642 = arith.constant 1 : i32
      %and3A_643 = arith.andi %scan3A_623, %and3A_642 : i32
      %eq3A_644 = arith.constant 1 : i32
      %eq3A_645 = arith.cmpi eq, %and3A_643, %eq3A_644 : i32
      %and3A_646 = arith.andi %lt3A_641, %eq3A_645 : i1
      %convert_element_type3A_647 = arith.extui %and3A_646 : i1 to i32
      %cond3A_648 = arith.constant 0 : i32
      %cond3A_649 = arith.cmpi ne, %convert_element_type3A_647, %cond3A_648 : i32
      scf.if %cond3A_649 {
        %add3A_670 = arith.constant 1 : i32
        %add3A_671 = arith.addi %scan3A_623, %add3A_670 : i32
        %mul3A_672 = arith.constant 50000 : i32
        %mul3A_673 = arith.muli %add3A_10, %mul3A_672 : i32
        %mul3A_674 = arith.constant 2000 : i32
        %mul3A_675 = arith.muli %add3A_671, %mul3A_674 : i32
        %add3A_676 = arith.addi %mul3A_673, %mul3A_675 : i32
        %dma_start3A_677 = tpu.memref_slice %arg2[%add3A_676] : memref<1600000xi32, #tpu.memory_space<hbm>> -> memref<2000xi32, #tpu.memory_space<hbm>>
        %dma_start3A_678 = tpu.memref_slice %arg2[%add3A_676] : memref<1600000xi32, #tpu.memory_space<hbm>> -> memref<2000xi32, #tpu.memory_space<hbm>>
        tpu.enqueue_dma source(%dma_start3A_678 : memref<2000xi32, #tpu.memory_space<hbm>>) target(%arg27 : memref<2000xi32, #tpu.memory_space<vmem>>) target_semaphore(%arg36 : memref<!tpu.dma_semaphore, #tpu.memory_space<semaphore_mem>>)
      } else {
      }
      %and3A_650 = arith.constant 1 : i32
      %and3A_651 = arith.andi %scan3A_623, %and3A_650 : i32
      %eq3A_652 = arith.constant 0 : i32
      %eq3A_653 = arith.cmpi eq, %and3A_651, %eq3A_652 : i32
      %convert_element_type3A_654 = arith.extui %eq3A_653 : i1 to i32
      %cond3A_655 = arith.constant 0 : i32
      %cond3A_656 = arith.cmpi ne, %convert_element_type3A_654, %cond3A_655 : i32
      scf.if %cond3A_656 {
        %dma_start3A_670 = arith.constant 0 : i32
        %dma_start3A_671 = tpu.memref_slice %arg13[%dma_start3A_670] : memref<50000xi32, #tpu.memory_space<vmem_shared>> -> memref<50000xi32, #tpu.memory_space<vmem_shared>>
        tpu.enqueue_indirect_dma source(%dma_start3A_671 : memref<50000xi32, #tpu.memory_space<vmem_shared>>) target(%arg32 : memref<2000xi32, #tpu.memory_space<vmem>>) offsets(%arg27 : memref<2000xi32, #tpu.memory_space<vmem>>) semaphore(%arg37 : memref<!tpu.dma_semaphore, #tpu.memory_space<semaphore_mem>>)
        %dma_wait3A_672 = arith.constant 0 : i32
        %dma_wait3A_673 = tpu.memref_slice %arg13[%dma_wait3A_672] : memref<50000xi32, #tpu.memory_space<vmem_shared>> -> memref<50000xi32, #tpu.memory_space<vmem_shared>>
        tpu.wait_indirect_dma semaphore(%arg37 : memref<!tpu.dma_semaphore, #tpu.memory_space<semaphore_mem>>) src(%dma_wait3A_673 : memref<50000xi32, #tpu.memory_space<vmem_shared>>) dst(%arg32 : memref<2000xi32, #tpu.memory_space<vmem>>)
      } else {
      }
      %and3A_657 = arith.constant 1 : i32
      %and3A_658 = arith.andi %scan3A_623, %and3A_657 : i32
      %eq3A_659 = arith.constant 1 : i32
      %eq3A_660 = arith.cmpi eq, %and3A_658, %eq3A_659 : i32
      %convert_element_type3A_661 = arith.extui %eq3A_660 : i1 to i32
      %cond3A_662 = arith.constant 0 : i32
      %cond3A_663 = arith.cmpi ne, %convert_element_type3A_661, %cond3A_662 : i32
      scf.if %cond3A_663 {
        %dma_start3A_670 = arith.constant 0 : i32
        %dma_start3A_671 = tpu.memref_slice %arg13[%dma_start3A_670] : memref<50000xi32, #tpu.memory_space<vmem_shared>> -> memref<50000xi32, #tpu.memory_space<vmem_shared>>
        tpu.enqueue_indirect_dma source(%dma_start3A_671 : memref<50000xi32, #tpu.memory_space<vmem_shared>>) target(%arg32 : memref<2000xi32, #tpu.memory_space<vmem>>) offsets(%arg28 : memref<2000xi32, #tpu.memory_space<vmem>>) semaphore(%arg37 : memref<!tpu.dma_semaphore, #tpu.memory_space<semaphore_mem>>)
        %dma_wait3A_672 = arith.constant 0 : i32
        %dma_wait3A_673 = tpu.memref_slice %arg13[%dma_wait3A_672] : memref<50000xi32, #tpu.memory_space<vmem_shared>> -> memref<50000xi32, #tpu.memory_space<vmem_shared>>
        tpu.wait_indirect_dma semaphore(%arg37 : memref<!tpu.dma_semaphore, #tpu.memory_space<semaphore_mem>>) src(%dma_wait3A_673 : memref<50000xi32, #tpu.memory_space<vmem_shared>>) dst(%arg32 : memref<2000xi32, #tpu.memory_space<vmem>>)
      } else {
      }
      %scan3A_664 = arith.constant 0 : i32
      %scan3A_665 = arith.constant 0 : i32
      %scan3A_666 = arith.constant 125 : i32
      %scan3A_667 = arith.addi %scan3A_665, %scan3A_666 : i32
      %scan3A_668 = arith.constant 1 : i32
      scf.for %scan3A_670 = %scan3A_665 to %scan3A_667 step %scan3A_668  : i32 {
        %mul3A_671 = arith.constant 16 : i32
        %mul3A_672 = arith.muli %scan3A_670, %mul3A_671 : i32
        %get3A_673 = arith.index_cast %mul3A_672 : i32 to index
        %get3A_674 = tpu.vector_load %arg32[%get3A_673] {strides = array<i32>} : memref<2000xi32, #tpu.memory_space<vmem>>, vector<16xi32>,
        %add3A_675 = arith.addi %mul3A_8, %get3A_674 : vector<16xi32>
        tpu.vector_store_idx %arg30[%add3A_675], %broadcast_in_dim3A_5 {add = true} : memref<2000xi32, #tpu.memory_space<vmem>>[vector<16xi32>], vector<16xi32>,
      }
      %scan3A_669 = arith.constant 125 : i32
    }
    %scan3A_26 = arith.constant 25 : i32
    %get3A = arith.constant 0 : index
    %get3A_27 = tpu.vector_load %arg30[%get3A] {strides = array<i32>} : memref<2000xi32, #tpu.memory_space<vmem>>, vector<16xi32>,
    %add3A_28 = arith.addi %broadcast_in_dim3A_3, %get3A_27 : vector<16xi32>
    %get3A_29 = arith.constant 64 : index
    %get3A_30 = tpu.vector_load %arg30[%get3A_29] {strides = array<i32>} : memref<2000xi32, #tpu.memory_space<vmem>>, vector<16xi32>,
    %add3A_31 = arith.addi %add3A_28, %get3A_30 : vector<16xi32>
    %get3A_32 = arith.constant 128 : index
    %get3A_33 = tpu.vector_load %arg30[%get3A_32] {strides = array<i32>} : memref<2000xi32, #tpu.memory_space<vmem>>, vector<16xi32>,
    %add3A_34 = arith.addi %add3A_31, %get3A_33 : vector<16xi32>
    %get3A_35 = arith.constant 192 : index
    %get3A_36 = tpu.vector_load %arg30[%get3A_35] {strides = array<i32>} : memref<2000xi32, #tpu.memory_space<vmem>>, vector<16xi32>,
    %add3A_37 = arith.addi %add3A_34, %get3A_36 : vector<16xi32>
    %get3A_38 = arith.constant 256 : index
    %get3A_39 = tpu.vector_load %arg30[%get3A_38] {strides = array<i32>} : memref<2000xi32, #tpu.memory_space<vmem>>, vector<16xi32>,
    %add3A_40 = arith.addi %add3A_37, %get3A_39 : vector<16xi32>
    %get3A_41 = arith.constant 320 : index
    %get3A_42 = tpu.vector_load %arg30[%get3A_41] {strides = array<i32>} : memref<2000xi32, #tpu.memory_space<vmem>>, vector<16xi32>,
    %add3A_43 = arith.addi %add3A_40, %get3A_42 : vector<16xi32>
    %get3A_44 = arith.constant 384 : index
    %get3A_45 = tpu.vector_load %arg30[%get3A_44] {strides = array<i32>} : memref<2000xi32, #tpu.memory_space<vmem>>, vector<16xi32>,
    %add3A_46 = arith.addi %add3A_43, %get3A_45 : vector<16xi32>
    %get3A_47 = arith.constant 448 : index
    %get3A_48 = tpu.vector_load %arg30[%get3A_47] {strides = array<i32>} : memref<2000xi32, #tpu.memory_space<vmem>>, vector<16xi32>,
    %add3A_49 = arith.addi %add3A_46, %get3A_48 : vector<16xi32>
    %get3A_50 = arith.constant 512 : index
    %get3A_51 = tpu.vector_load %arg30[%get3A_50] {strides = array<i32>} : memref<2000xi32, #tpu.memory_space<vmem>>, vector<16xi32>,
    %add3A_52 = arith.addi %add3A_49, %get3A_51 : vector<16xi32>
    %get3A_53 = arith.constant 576 : index
    %get3A_54 = tpu.vector_load %arg30[%get3A_53] {strides = array<i32>} : memref<2000xi32, #tpu.memory_space<vmem>>, vector<16xi32>,
    %add3A_55 = arith.addi %add3A_52, %get3A_54 : vector<16xi32>
    %get3A_56 = arith.constant 640 : index
    %get3A_57 = tpu.vector_load %arg30[%get3A_56] {strides = array<i32>} : memref<2000xi32, #tpu.memory_space<vmem>>, vector<16xi32>,
    %add3A_58 = arith.addi %add3A_55, %get3A_57 : vector<16xi32>
    %get3A_59 = arith.constant 704 : index
    %get3A_60 = tpu.vector_load %arg30[%get3A_59] {strides = array<i32>} : memref<2000xi32, #tpu.memory_space<vmem>>, vector<16xi32>,
    %add3A_61 = arith.addi %add3A_58, %get3A_60 : vector<16xi32>
    %get3A_62 = arith.constant 768 : index
    %get3A_63 = tpu.vector_load %arg30[%get3A_62] {strides = array<i32>} : memref<2000xi32, #tpu.memory_space<vmem>>, vector<16xi32>,
    %add3A_64 = arith.addi %add3A_61, %get3A_63 : vector<16xi32>
    %get3A_65 = arith.constant 832 : index
    %get3A_66 = tpu.vector_load %arg30[%get3A_65] {strides = array<i32>} : memref<2000xi32, #tpu.memory_space<vmem>>, vector<16xi32>,
    %add3A_67 = arith.addi %add3A_64, %get3A_66 : vector<16xi32>
    %get3A_68 = arith.constant 896 : index
    %get3A_69 = tpu.vector_load %arg30[%get3A_68] {strides = array<i32>} : memref<2000xi32, #tpu.memory_space<vmem>>, vector<16xi32>,
    %add3A_70 = arith.addi %add3A_67, %get3A_69 : vector<16xi32>
    %get3A_71 = arith.constant 960 : index
    %get3A_72 = tpu.vector_load %arg30[%get3A_71] {strides = array<i32>} : memref<2000xi32, #tpu.memory_space<vmem>>, vector<16xi32>,
    %add3A_73 = arith.addi %add3A_70, %get3A_72 : vector<16xi32>
    %swap3A = arith.constant 0 : index
    %swap3A_74 = tpu.vector_load %arg18[%swap3A] {strides = array<i32>} : memref<64xi32, #tpu.memory_space<vmem>>, vector<16xi32>,
    tpu.vector_store %arg18[%swap3A], %add3A_73 {strides = array<i32>} : memref<64xi32, #tpu.memory_space<vmem>>, vector<16xi32>,
    %get3A_75 = arith.constant 16 : index
    %get3A_76 = tpu.vector_load %arg30[%get3A_75] {strides = array<i32>} : memref<2000xi32, #tpu.memory_space<vmem>>, vector<16xi32>,
    %add3A_77 = arith.addi %broadcast_in_dim3A_3, %get3A_76 : vector<16xi32>
    %get3A_78 = arith.constant 80 : index
    %get3A_79 = tpu.vector_load %arg30[%get3A_78] {strides = array<i32>} : memref<2000xi32, #tpu.memory_space<vmem>>, vector<16xi32>,
    %add3A_80 = arith.addi %add3A_77, %get3A_79 : vector<16xi32>
    %get3A_81 = arith.constant 144 : index
    %get3A_82 = tpu.vector_load %arg30[%get3A_81] {strides = array<i32>} : memref<2000xi32, #tpu.memory_space<vmem>>, vector<16xi32>,
    %add3A_83 = arith.addi %add3A_80, %get3A_82 : vector<16xi32>
    %get3A_84 = arith.constant 208 : index
    %get3A_85 = tpu.vector_load %arg30[%get3A_84] {strides = array<i32>} : memref<2000xi32, #tpu.memory_space<vmem>>, vector<16xi32>,
    %add3A_86 = arith.addi %add3A_83, %get3A_85 : vector<16xi32>
    %get3A_87 = arith.constant 272 : index
    %get3A_88 = tpu.vector_load %arg30[%get3A_87] {strides = array<i32>} : memref<2000xi32, #tpu.memory_space<vmem>>, vector<16xi32>,
    %add3A_89 = arith.addi %add3A_86, %get3A_88 : vector<16xi32>
    %get3A_90 = arith.constant 336 : index
    %get3A_91 = tpu.vector_load %arg30[%get3A_90] {strides = array<i32>} : memref<2000xi32, #tpu.memory_space<vmem>>, vector<16xi32>,
    %add3A_92 = arith.addi %add3A_89, %get3A_91 : vector<16xi32>
    %get3A_93 = arith.constant 400 : index
    %get3A_94 = tpu.vector_load %arg30[%get3A_93] {strides = array<i32>} : memref<2000xi32, #tpu.memory_space<vmem>>, vector<16xi32>,
    %add3A_95 = arith.addi %add3A_92, %get3A_94 : vector<16xi32>
    %get3A_96 = arith.constant 464 : index
    %get3A_97 = tpu.vector_load %arg30[%get3A_96] {strides = array<i32>} : memref<2000xi32, #tpu.memory_space<vmem>>, vector<16xi32>,
    %add3A_98 = arith.addi %add3A_95, %get3A_97 : vector<16xi32>
    %get3A_99 = arith.constant 528 : index
    %get3A_100 = tpu.vector_load %arg30[%get3A_99] {strides = array<i32>} : memref<2000xi32, #tpu.memory_space<vmem>>, vector<16xi32>,
    %add3A_101 = arith.addi %add3A_98, %get3A_100 : vector<16xi32>
    %get3A_102 = arith.constant 592 : index
    %get3A_103 = tpu.vector_load %arg30[%get3A_102] {strides = array<i32>} : memref<2000xi32, #tpu.memory_space<vmem>>, vector<16xi32>,
    %add3A_104 = arith.addi %add3A_101, %get3A_103 : vector<16xi32>
    %get3A_105 = arith.constant 656 : index
    %get3A_106 = tpu.vector_load %arg30[%get3A_105] {strides = array<i32>} : memref<2000xi32, #tpu.memory_space<vmem>>, vector<16xi32>,
    %add3A_107 = arith.addi %add3A_104, %get3A_106 : vector<16xi32>
    %get3A_108 = arith.constant 720 : index
    %get3A_109 = tpu.vector_load %arg30[%get3A_108] {strides = array<i32>} : memref<2000xi32, #tpu.memory_space<vmem>>, vector<16xi32>,
    %add3A_110 = arith.addi %add3A_107, %get3A_109 : vector<16xi32>
    %get3A_111 = arith.constant 784 : index
    %get3A_112 = tpu.vector_load %arg30[%get3A_111] {strides = array<i32>} : memref<2000xi32, #tpu.memory_space<vmem>>, vector<16xi32>,
    %add3A_113 = arith.addi %add3A_110, %get3A_112 : vector<16xi32>
    %get3A_114 = arith.constant 848 : index
    %get3A_115 = tpu.vector_load %arg30[%get3A_114] {strides = array<i32>} : memref<2000xi32, #tpu.memory_space<vmem>>, vector<16xi32>,
    %add3A_116 = arith.addi %add3A_113, %get3A_115 : vector<16xi32>
    %get3A_117 = arith.constant 912 : index
    %get3A_118 = tpu.vector_load %arg30[%get3A_117] {strides = array<i32>} : memref<2000xi32, #tpu.memory_space<vmem>>, vector<16xi32>,
    %add3A_119 = arith.addi %add3A_116, %get3A_118 : vector<16xi32>
    %get3A_120 = arith.constant 976 : index
    %get3A_121 = tpu.vector_load %arg30[%get3A_120] {strides = array<i32>} : memref<2000xi32, #tpu.memory_space<vmem>>, vector<16xi32>,
    %add3A_122 = arith.addi %add3A_119, %get3A_121 : vector<16xi32>
    %swap3A_123 = arith.constant 16 : index
    %swap3A_124 = tpu.vector_load %arg18[%swap3A_123] {strides = array<i32>} : memref<64xi32, #tpu.memory_space<vmem>>, vector<16xi32>,
    tpu.vector_store %arg18[%swap3A_123], %add3A_122 {strides = array<i32>} : memref<64xi32, #tpu.memory_space<vmem>>, vector<16xi32>,
    %get3A_125 = arith.constant 32 : index
    %get3A_126 = tpu.vector_load %arg30[%get3A_125] {strides = array<i32>} : memref<2000xi32, #tpu.memory_space<vmem>>, vector<16xi32>,
    %add3A_127 = arith.addi %broadcast_in_dim3A_3, %get3A_126 : vector<16xi32>
    %get3A_128 = arith.constant 96 : index
    %get3A_129 = tpu.vector_load %arg30[%get3A_128] {strides = array<i32>} : memref<2000xi32, #tpu.memory_space<vmem>>, vector<16xi32>,
    %add3A_130 = arith.addi %add3A_127, %get3A_129 : vector<16xi32>
    %get3A_131 = arith.constant 160 : index
    %get3A_132 = tpu.vector_load %arg30[%get3A_131] {strides = array<i32>} : memref<2000xi32, #tpu.memory_space<vmem>>, vector<16xi32>,
    %add3A_133 = arith.addi %add3A_130, %get3A_132 : vector<16xi32>
    %get3A_134 = arith.constant 224 : index
    %get3A_135 = tpu.vector_load %arg30[%get3A_134] {strides = array<i32>} : memref<2000xi32, #tpu.memory_space<vmem>>, vector<16xi32>,
    %add3A_136 = arith.addi %add3A_133, %get3A_135 : vector<16xi32>
    %get3A_137 = arith.constant 288 : index
    %get3A_138 = tpu.vector_load %arg30[%get3A_137] {strides = array<i32>} : memref<2000xi32, #tpu.memory_space<vmem>>, vector<16xi32>,
    %add3A_139 = arith.addi %add3A_136, %get3A_138 : vector<16xi32>
    %get3A_140 = arith.constant 352 : index
    %get3A_141 = tpu.vector_load %arg30[%get3A_140] {strides = array<i32>} : memref<2000xi32, #tpu.memory_space<vmem>>, vector<16xi32>,
    %add3A_142 = arith.addi %add3A_139, %get3A_141 : vector<16xi32>
    %get3A_143 = arith.constant 416 : index
    %get3A_144 = tpu.vector_load %arg30[%get3A_143] {strides = array<i32>} : memref<2000xi32, #tpu.memory_space<vmem>>, vector<16xi32>,
    %add3A_145 = arith.addi %add3A_142, %get3A_144 : vector<16xi32>
    %get3A_146 = arith.constant 480 : index
    %get3A_147 = tpu.vector_load %arg30[%get3A_146] {strides = array<i32>} : memref<2000xi32, #tpu.memory_space<vmem>>, vector<16xi32>,
    %add3A_148 = arith.addi %add3A_145, %get3A_147 : vector<16xi32>
    %get3A_149 = arith.constant 544 : index
    %get3A_150 = tpu.vector_load %arg30[%get3A_149] {strides = array<i32>} : memref<2000xi32, #tpu.memory_space<vmem>>, vector<16xi32>,
    %add3A_151 = arith.addi %add3A_148, %get3A_150 : vector<16xi32>
    %get3A_152 = arith.constant 608 : index
    %get3A_153 = tpu.vector_load %arg30[%get3A_152] {strides = array<i32>} : memref<2000xi32, #tpu.memory_space<vmem>>, vector<16xi32>,
    %add3A_154 = arith.addi %add3A_151, %get3A_153 : vector<16xi32>
    %get3A_155 = arith.constant 672 : index
    %get3A_156 = tpu.vector_load %arg30[%get3A_155] {strides = array<i32>} : memref<2000xi32, #tpu.memory_space<vmem>>, vector<16xi32>,
    %add3A_157 = arith.addi %add3A_154, %get3A_156 : vector<16xi32>
    %get3A_158 = arith.constant 736 : index
    %get3A_159 = tpu.vector_load %arg30[%get3A_158] {strides = array<i32>} : memref<2000xi32, #tpu.memory_space<vmem>>, vector<16xi32>,
    %add3A_160 = arith.addi %add3A_157, %get3A_159 : vector<16xi32>
    %get3A_161 = arith.constant 800 : index
    %get3A_162 = tpu.vector_load %arg30[%get3A_161] {strides = array<i32>} : memref<2000xi32, #tpu.memory_space<vmem>>, vector<16xi32>,
    %add3A_163 = arith.addi %add3A_160, %get3A_162 : vector<16xi32>
    %get3A_164 = arith.constant 864 : index
    %get3A_165 = tpu.vector_load %arg30[%get3A_164] {strides = array<i32>} : memref<2000xi32, #tpu.memory_space<vmem>>, vector<16xi32>,
    %add3A_166 = arith.addi %add3A_163, %get3A_165 : vector<16xi32>
    %get3A_167 = arith.constant 928 : index
    %get3A_168 = tpu.vector_load %arg30[%get3A_167] {strides = array<i32>} : memref<2000xi32, #tpu.memory_space<vmem>>, vector<16xi32>,
    %add3A_169 = arith.addi %add3A_166, %get3A_168 : vector<16xi32>
    %get3A_170 = arith.constant 992 : index
    %get3A_171 = tpu.vector_load %arg30[%get3A_170] {strides = array<i32>} : memref<2000xi32, #tpu.memory_space<vmem>>, vector<16xi32>,
    %add3A_172 = arith.addi %add3A_169, %get3A_171 : vector<16xi32>
    %swap3A_173 = arith.constant 32 : index
    %swap3A_174 = tpu.vector_load %arg18[%swap3A_173] {strides = array<i32>} : memref<64xi32, #tpu.memory_space<vmem>>, vector<16xi32>,
    tpu.vector_store %arg18[%swap3A_173], %add3A_172 {strides = array<i32>} : memref<64xi32, #tpu.memory_space<vmem>>, vector<16xi32>,
    %get3A_175 = arith.constant 48 : index
    %get3A_176 = tpu.vector_load %arg30[%get3A_175] {strides = array<i32>} : memref<2000xi32, #tpu.memory_space<vmem>>, vector<16xi32>,
    %add3A_177 = arith.addi %broadcast_in_dim3A_3, %get3A_176 : vector<16xi32>
    %get3A_178 = arith.constant 112 : index
    %get3A_179 = tpu.vector_load %arg30[%get3A_178] {strides = array<i32>} : memref<2000xi32, #tpu.memory_space<vmem>>, vector<16xi32>,
    %add3A_180 = arith.addi %add3A_177, %get3A_179 : vector<16xi32>
    %get3A_181 = arith.constant 176 : index
    %get3A_182 = tpu.vector_load %arg30[%get3A_181] {strides = array<i32>} : memref<2000xi32, #tpu.memory_space<vmem>>, vector<16xi32>,
    %add3A_183 = arith.addi %add3A_180, %get3A_182 : vector<16xi32>
    %get3A_184 = arith.constant 240 : index
    %get3A_185 = tpu.vector_load %arg30[%get3A_184] {strides = array<i32>} : memref<2000xi32, #tpu.memory_space<vmem>>, vector<16xi32>,
    %add3A_186 = arith.addi %add3A_183, %get3A_185 : vector<16xi32>
    %get3A_187 = arith.constant 304 : index
    %get3A_188 = tpu.vector_load %arg30[%get3A_187] {strides = array<i32>} : memref<2000xi32, #tpu.memory_space<vmem>>, vector<16xi32>,
    %add3A_189 = arith.addi %add3A_186, %get3A_188 : vector<16xi32>
    %get3A_190 = arith.constant 368 : index
    %get3A_191 = tpu.vector_load %arg30[%get3A_190] {strides = array<i32>} : memref<2000xi32, #tpu.memory_space<vmem>>, vector<16xi32>,
    %add3A_192 = arith.addi %add3A_189, %get3A_191 : vector<16xi32>
    %get3A_193 = arith.constant 432 : index
    %get3A_194 = tpu.vector_load %arg30[%get3A_193] {strides = array<i32>} : memref<2000xi32, #tpu.memory_space<vmem>>, vector<16xi32>,
    %add3A_195 = arith.addi %add3A_192, %get3A_194 : vector<16xi32>
    %get3A_196 = arith.constant 496 : index
    %get3A_197 = tpu.vector_load %arg30[%get3A_196] {strides = array<i32>} : memref<2000xi32, #tpu.memory_space<vmem>>, vector<16xi32>,
    %add3A_198 = arith.addi %add3A_195, %get3A_197 : vector<16xi32>
    %get3A_199 = arith.constant 560 : index
    %get3A_200 = tpu.vector_load %arg30[%get3A_199] {strides = array<i32>} : memref<2000xi32, #tpu.memory_space<vmem>>, vector<16xi32>,
    %add3A_201 = arith.addi %add3A_198, %get3A_200 : vector<16xi32>
    %get3A_202 = arith.constant 624 : index
    %get3A_203 = tpu.vector_load %arg30[%get3A_202] {strides = array<i32>} : memref<2000xi32, #tpu.memory_space<vmem>>, vector<16xi32>,
    %add3A_204 = arith.addi %add3A_201, %get3A_203 : vector<16xi32>
    %get3A_205 = arith.constant 688 : index
    %get3A_206 = tpu.vector_load %arg30[%get3A_205] {strides = array<i32>} : memref<2000xi32, #tpu.memory_space<vmem>>, vector<16xi32>,
    %add3A_207 = arith.addi %add3A_204, %get3A_206 : vector<16xi32>
    %get3A_208 = arith.constant 752 : index
    %get3A_209 = tpu.vector_load %arg30[%get3A_208] {strides = array<i32>} : memref<2000xi32, #tpu.memory_space<vmem>>, vector<16xi32>,
    %add3A_210 = arith.addi %add3A_207, %get3A_209 : vector<16xi32>
    %get3A_211 = arith.constant 816 : index
    %get3A_212 = tpu.vector_load %arg30[%get3A_211] {strides = array<i32>} : memref<2000xi32, #tpu.memory_space<vmem>>, vector<16xi32>,
    %add3A_213 = arith.addi %add3A_210, %get3A_212 : vector<16xi32>
    %get3A_214 = arith.constant 880 : index
    %get3A_215 = tpu.vector_load %arg30[%get3A_214] {strides = array<i32>} : memref<2000xi32, #tpu.memory_space<vmem>>, vector<16xi32>,
    %add3A_216 = arith.addi %add3A_213, %get3A_215 : vector<16xi32>
    %get3A_217 = arith.constant 944 : index
    %get3A_218 = tpu.vector_load %arg30[%get3A_217] {strides = array<i32>} : memref<2000xi32, #tpu.memory_space<vmem>>, vector<16xi32>,
    %add3A_219 = arith.addi %add3A_216, %get3A_218 : vector<16xi32>
    %get3A_220 = arith.constant 1008 : index
    %get3A_221 = tpu.vector_load %arg30[%get3A_220] {strides = array<i32>} : memref<2000xi32, #tpu.memory_space<vmem>>, vector<16xi32>,
    %add3A_222 = arith.addi %add3A_219, %get3A_221 : vector<16xi32>
    %swap3A_223 = arith.constant 48 : index
    %swap3A_224 = tpu.vector_load %arg18[%swap3A_223] {strides = array<i32>} : memref<64xi32, #tpu.memory_space<vmem>>, vector<16xi32>,
    tpu.vector_store %arg18[%swap3A_223], %add3A_222 {strides = array<i32>} : memref<64xi32, #tpu.memory_space<vmem>>, vector<16xi32>,
    %mul3A_225 = arith.constant 64 : i32
    %mul3A_226 = arith.muli %add3A_10, %mul3A_225 : i32
    "tpu.region"() ({
      %run_scoped3A = tpu.sem_alloc : memref<!tpu.dma_semaphore, #tpu.memory_space<semaphore_mem>>
      %dma_start3A_623 = tpu.memref_slice %arg15[%mul3A_226] : memref<2048xi32, #tpu.memory_space<vmem_shared>> -> memref<64xi32, #tpu.memory_space<vmem_shared>>
      %dma_start3A_624 = tpu.memref_slice %arg15[%mul3A_226] : memref<2048xi32, #tpu.memory_space<vmem_shared>> -> memref<64xi32, #tpu.memory_space<vmem_shared>>
      tpu.enqueue_dma source(%arg18 : memref<64xi32, #tpu.memory_space<vmem>>) target(%dma_start3A_624 : memref<64xi32, #tpu.memory_space<vmem_shared>>) target_semaphore(%run_scoped3A : memref<!tpu.dma_semaphore, #tpu.memory_space<semaphore_mem>>)
      %dma_wait3A_625 = tpu.memref_slice %arg15[%mul3A_226] : memref<2048xi32, #tpu.memory_space<vmem_shared>> -> memref<64xi32, #tpu.memory_space<vmem_shared>>
      %dma_wait3A_626 = tpu.memref_slice %arg15[%mul3A_226] : memref<2048xi32, #tpu.memory_space<vmem_shared>> -> memref<64xi32, #tpu.memory_space<vmem_shared>>
      tpu.wait_dma2 semaphore(%run_scoped3A : memref<!tpu.dma_semaphore, #tpu.memory_space<semaphore_mem>>) src(%arg18 : memref<64xi32, #tpu.memory_space<vmem>>) dst(%dma_wait3A_626 : memref<64xi32, #tpu.memory_space<vmem_shared>>)
      tpu.yield
    }) : () -> ()
    %add3A_227 = arith.constant 16 : i32
    %add3A_228 = arith.addi %arg1, %add3A_227 : i32
    %scan3A_229 = arith.constant 0 : i32
    %scan3A_230 = arith.constant 0 : i32
    %scan3A_231 = arith.constant 64 : i32
    %scan3A_232 = arith.addi %scan3A_230, %scan3A_231 : i32
    %scan3A_233 = arith.constant 1 : i32
    scf.for %scan3A_623 = %scan3A_230 to %scan3A_232 step %scan3A_233  : i32 {
      %mul3A_624 = arith.constant 16 : i32
      %mul3A_625 = arith.muli %scan3A_623, %mul3A_624 : i32
      %swap3A_626 = arith.index_cast %mul3A_625 : i32 to index
      %swap3A_627 = tpu.vector_load %arg30[%swap3A_626] {strides = array<i32>} : memref<2000xi32, #tpu.memory_space<vmem>>, vector<16xi32>,
      tpu.vector_store %arg30[%swap3A_626], %broadcast_in_dim3A_3 {strides = array<i32>} : memref<2000xi32, #tpu.memory_space<vmem>>, vector<16xi32>,
    }
    %scan3A_234 = arith.constant 64 : i32
    %mul3A_235 = arith.constant 50000 : i32
    %mul3A_236 = arith.muli %add3A_228, %mul3A_235 : i32
    %add3A_237 = arith.constant 0 : i32
    %add3A_238 = arith.addi %mul3A_236, %add3A_237 : i32
    %dma_start3A_239 = tpu.memref_slice %arg2[%add3A_238] : memref<1600000xi32, #tpu.memory_space<hbm>> -> memref<2000xi32, #tpu.memory_space<hbm>>
    %dma_start3A_240 = tpu.memref_slice %arg2[%add3A_238] : memref<1600000xi32, #tpu.memory_space<hbm>> -> memref<2000xi32, #tpu.memory_space<hbm>>
    tpu.enqueue_dma source(%dma_start3A_240 : memref<2000xi32, #tpu.memory_space<hbm>>) target(%arg27 : memref<2000xi32, #tpu.memory_space<vmem>>) target_semaphore(%arg36 : memref<!tpu.dma_semaphore, #tpu.memory_space<semaphore_mem>>)
    %scan3A_241 = arith.constant 0 : i32
    %scan3A_242 = arith.constant 0 : i32
    %scan3A_243 = arith.constant 25 : i32
    %scan3A_244 = arith.addi %scan3A_242, %scan3A_243 : i32
    %scan3A_245 = arith.constant 1 : i32
    scf.for %scan3A_623 = %scan3A_242 to %scan3A_244 step %scan3A_245  : i32 {
      %dma_wait3A_624 = arith.constant 0 : i32
      %dma_wait3A_625 = tpu.memref_slice %arg2[%dma_wait3A_624] : memref<1600000xi32, #tpu.memory_space<hbm>> -> memref<2000xi32, #tpu.memory_space<hbm>>
      %dma_wait3A_626 = arith.constant 0 : i32
      %dma_wait3A_627 = tpu.memref_slice %arg2[%dma_wait3A_626] : memref<1600000xi32, #tpu.memory_space<hbm>> -> memref<2000xi32, #tpu.memory_space<hbm>>
      tpu.wait_dma2 semaphore(%arg36 : memref<!tpu.dma_semaphore, #tpu.memory_space<semaphore_mem>>) src(%dma_wait3A_627 : memref<2000xi32, #tpu.memory_space<hbm>>) dst(%arg27 : memref<2000xi32, #tpu.memory_space<vmem>>)
      %add3A_628 = arith.constant 1 : i32
      %add3A_629 = arith.addi %scan3A_623, %add3A_628 : i32
      %lt3A = arith.constant 25 : i32
      %lt3A_630 = arith.cmpi slt, %add3A_629, %lt3A : i32
      %and3A = arith.constant 1 : i32
      %and3A_631 = arith.andi %scan3A_623, %and3A : i32
      %eq3A_632 = arith.constant 0 : i32
      %eq3A_633 = arith.cmpi eq, %and3A_631, %eq3A_632 : i32
      %and3A_634 = arith.andi %lt3A_630, %eq3A_633 : i1
      %convert_element_type3A_635 = arith.extui %and3A_634 : i1 to i32
      %cond3A_636 = arith.constant 0 : i32
      %cond3A_637 = arith.cmpi ne, %convert_element_type3A_635, %cond3A_636 : i32
      scf.if %cond3A_637 {
        %add3A_670 = arith.constant 1 : i32
        %add3A_671 = arith.addi %scan3A_623, %add3A_670 : i32
        %mul3A_672 = arith.constant 50000 : i32
        %mul3A_673 = arith.muli %add3A_228, %mul3A_672 : i32
        %mul3A_674 = arith.constant 2000 : i32
        %mul3A_675 = arith.muli %add3A_671, %mul3A_674 : i32
        %add3A_676 = arith.addi %mul3A_673, %mul3A_675 : i32
        %dma_start3A_677 = tpu.memref_slice %arg2[%add3A_676] : memref<1600000xi32, #tpu.memory_space<hbm>> -> memref<2000xi32, #tpu.memory_space<hbm>>
        %dma_start3A_678 = tpu.memref_slice %arg2[%add3A_676] : memref<1600000xi32, #tpu.memory_space<hbm>> -> memref<2000xi32, #tpu.memory_space<hbm>>
        tpu.enqueue_dma source(%dma_start3A_678 : memref<2000xi32, #tpu.memory_space<hbm>>) target(%arg28 : memref<2000xi32, #tpu.memory_space<vmem>>) target_semaphore(%arg36 : memref<!tpu.dma_semaphore, #tpu.memory_space<semaphore_mem>>)
      } else {
      }
      %add3A_638 = arith.constant 1 : i32
      %add3A_639 = arith.addi %scan3A_623, %add3A_638 : i32
      %lt3A_640 = arith.constant 25 : i32
      %lt3A_641 = arith.cmpi slt, %add3A_639, %lt3A_640 : i32
      %and3A_642 = arith.constant 1 : i32
      %and3A_643 = arith.andi %scan3A_623, %and3A_642 : i32
      %eq3A_644 = arith.constant 1 : i32
      %eq3A_645 = arith.cmpi eq, %and3A_643, %eq3A_644 : i32
      %and3A_646 = arith.andi %lt3A_641, %eq3A_645 : i1
      %convert_element_type3A_647 = arith.extui %and3A_646 : i1 to i32
      %cond3A_648 = arith.constant 0 : i32
      %cond3A_649 = arith.cmpi ne, %convert_element_type3A_647, %cond3A_648 : i32
      scf.if %cond3A_649 {
        %add3A_670 = arith.constant 1 : i32
        %add3A_671 = arith.addi %scan3A_623, %add3A_670 : i32
        %mul3A_672 = arith.constant 50000 : i32
        %mul3A_673 = arith.muli %add3A_228, %mul3A_672 : i32
        %mul3A_674 = arith.constant 2000 : i32
        %mul3A_675 = arith.muli %add3A_671, %mul3A_674 : i32
        %add3A_676 = arith.addi %mul3A_673, %mul3A_675 : i32
        %dma_start3A_677 = tpu.memref_slice %arg2[%add3A_676] : memref<1600000xi32, #tpu.memory_space<hbm>> -> memref<2000xi32, #tpu.memory_space<hbm>>
        %dma_start3A_678 = tpu.memref_slice %arg2[%add3A_676] : memref<1600000xi32, #tpu.memory_space<hbm>> -> memref<2000xi32, #tpu.memory_space<hbm>>
        tpu.enqueue_dma source(%dma_start3A_678 : memref<2000xi32, #tpu.memory_space<hbm>>) target(%arg27 : memref<2000xi32, #tpu.memory_space<vmem>>) target_semaphore(%arg36 : memref<!tpu.dma_semaphore, #tpu.memory_space<semaphore_mem>>)
      } else {
      }
      %and3A_650 = arith.constant 1 : i32
      %and3A_651 = arith.andi %scan3A_623, %and3A_650 : i32
      %eq3A_652 = arith.constant 0 : i32
      %eq3A_653 = arith.cmpi eq, %and3A_651, %eq3A_652 : i32
      %convert_element_type3A_654 = arith.extui %eq3A_653 : i1 to i32
      %cond3A_655 = arith.constant 0 : i32
      %cond3A_656 = arith.cmpi ne, %convert_element_type3A_654, %cond3A_655 : i32
      scf.if %cond3A_656 {
        %dma_start3A_670 = arith.constant 0 : i32
        %dma_start3A_671 = tpu.memref_slice %arg13[%dma_start3A_670] : memref<50000xi32, #tpu.memory_space<vmem_shared>> -> memref<50000xi32, #tpu.memory_space<vmem_shared>>
        tpu.enqueue_indirect_dma source(%dma_start3A_671 : memref<50000xi32, #tpu.memory_space<vmem_shared>>) target(%arg32 : memref<2000xi32, #tpu.memory_space<vmem>>) offsets(%arg27 : memref<2000xi32, #tpu.memory_space<vmem>>) semaphore(%arg37 : memref<!tpu.dma_semaphore, #tpu.memory_space<semaphore_mem>>)
        %dma_wait3A_672 = arith.constant 0 : i32
        %dma_wait3A_673 = tpu.memref_slice %arg13[%dma_wait3A_672] : memref<50000xi32, #tpu.memory_space<vmem_shared>> -> memref<50000xi32, #tpu.memory_space<vmem_shared>>
        tpu.wait_indirect_dma semaphore(%arg37 : memref<!tpu.dma_semaphore, #tpu.memory_space<semaphore_mem>>) src(%dma_wait3A_673 : memref<50000xi32, #tpu.memory_space<vmem_shared>>) dst(%arg32 : memref<2000xi32, #tpu.memory_space<vmem>>)
      } else {
      }
      %and3A_657 = arith.constant 1 : i32
      %and3A_658 = arith.andi %scan3A_623, %and3A_657 : i32
      %eq3A_659 = arith.constant 1 : i32
      %eq3A_660 = arith.cmpi eq, %and3A_658, %eq3A_659 : i32
      %convert_element_type3A_661 = arith.extui %eq3A_660 : i1 to i32
      %cond3A_662 = arith.constant 0 : i32
      %cond3A_663 = arith.cmpi ne, %convert_element_type3A_661, %cond3A_662 : i32
      scf.if %cond3A_663 {
        %dma_start3A_670 = arith.constant 0 : i32
        %dma_start3A_671 = tpu.memref_slice %arg13[%dma_start3A_670] : memref<50000xi32, #tpu.memory_space<vmem_shared>> -> memref<50000xi32, #tpu.memory_space<vmem_shared>>
        tpu.enqueue_indirect_dma source(%dma_start3A_671 : memref<50000xi32, #tpu.memory_space<vmem_shared>>) target(%arg32 : memref<2000xi32, #tpu.memory_space<vmem>>) offsets(%arg28 : memref<2000xi32, #tpu.memory_space<vmem>>) semaphore(%arg37 : memref<!tpu.dma_semaphore, #tpu.memory_space<semaphore_mem>>)
        %dma_wait3A_672 = arith.constant 0 : i32
        %dma_wait3A_673 = tpu.memref_slice %arg13[%dma_wait3A_672] : memref<50000xi32, #tpu.memory_space<vmem_shared>> -> memref<50000xi32, #tpu.memory_space<vmem_shared>>
        tpu.wait_indirect_dma semaphore(%arg37 : memref<!tpu.dma_semaphore, #tpu.memory_space<semaphore_mem>>) src(%dma_wait3A_673 : memref<50000xi32, #tpu.memory_space<vmem_shared>>) dst(%arg32 : memref<2000xi32, #tpu.memory_space<vmem>>)
      } else {
      }
      %scan3A_664 = arith.constant 0 : i32
      %scan3A_665 = arith.constant 0 : i32
      %scan3A_666 = arith.constant 125 : i32
      %scan3A_667 = arith.addi %scan3A_665, %scan3A_666 : i32
      %scan3A_668 = arith.constant 1 : i32
      scf.for %scan3A_670 = %scan3A_665 to %scan3A_667 step %scan3A_668  : i32 {
        %mul3A_671 = arith.constant 16 : i32
        %mul3A_672 = arith.muli %scan3A_670, %mul3A_671 : i32
        %get3A_673 = arith.index_cast %mul3A_672 : i32 to index
        %get3A_674 = tpu.vector_load %arg32[%get3A_673] {strides = array<i32>} : memref<2000xi32, #tpu.memory_space<vmem>>, vector<16xi32>,
        %add3A_675 = arith.addi %mul3A_8, %get3A_674 : vector<16xi32>
        tpu.vector_store_idx %arg30[%add3A_675], %broadcast_in_dim3A_5 {add = true} : memref<2000xi32, #tpu.memory_space<vmem>>[vector<16xi32>], vector<16xi32>,
      }
      %scan3A_669 = arith.constant 125 : i32
    }
    %scan3A_246 = arith.constant 25 : i32
    %get3A_247 = arith.constant 0 : index
    %get3A_248 = tpu.vector_load %arg30[%get3A_247] {strides = array<i32>} : memref<2000xi32, #tpu.memory_space<vmem>>, vector<16xi32>,
    %add3A_249 = arith.addi %broadcast_in_dim3A_3, %get3A_248 : vector<16xi32>
    %get3A_250 = arith.constant 64 : index
    %get3A_251 = tpu.vector_load %arg30[%get3A_250] {strides = array<i32>} : memref<2000xi32, #tpu.memory_space<vmem>>, vector<16xi32>,
    %add3A_252 = arith.addi %add3A_249, %get3A_251 : vector<16xi32>
    %get3A_253 = arith.constant 128 : index
    %get3A_254 = tpu.vector_load %arg30[%get3A_253] {strides = array<i32>} : memref<2000xi32, #tpu.memory_space<vmem>>, vector<16xi32>,
    %add3A_255 = arith.addi %add3A_252, %get3A_254 : vector<16xi32>
    %get3A_256 = arith.constant 192 : index
    %get3A_257 = tpu.vector_load %arg30[%get3A_256] {strides = array<i32>} : memref<2000xi32, #tpu.memory_space<vmem>>, vector<16xi32>,
    %add3A_258 = arith.addi %add3A_255, %get3A_257 : vector<16xi32>
    %get3A_259 = arith.constant 256 : index
    %get3A_260 = tpu.vector_load %arg30[%get3A_259] {strides = array<i32>} : memref<2000xi32, #tpu.memory_space<vmem>>, vector<16xi32>,
    %add3A_261 = arith.addi %add3A_258, %get3A_260 : vector<16xi32>
    %get3A_262 = arith.constant 320 : index
    %get3A_263 = tpu.vector_load %arg30[%get3A_262] {strides = array<i32>} : memref<2000xi32, #tpu.memory_space<vmem>>, vector<16xi32>,
    %add3A_264 = arith.addi %add3A_261, %get3A_263 : vector<16xi32>
    %get3A_265 = arith.constant 384 : index
    %get3A_266 = tpu.vector_load %arg30[%get3A_265] {strides = array<i32>} : memref<2000xi32, #tpu.memory_space<vmem>>, vector<16xi32>,
    %add3A_267 = arith.addi %add3A_264, %get3A_266 : vector<16xi32>
    %get3A_268 = arith.constant 448 : index
    %get3A_269 = tpu.vector_load %arg30[%get3A_268] {strides = array<i32>} : memref<2000xi32, #tpu.memory_space<vmem>>, vector<16xi32>,
    %add3A_270 = arith.addi %add3A_267, %get3A_269 : vector<16xi32>
    %get3A_271 = arith.constant 512 : index
    %get3A_272 = tpu.vector_load %arg30[%get3A_271] {strides = array<i32>} : memref<2000xi32, #tpu.memory_space<vmem>>, vector<16xi32>,
    %add3A_273 = arith.addi %add3A_270, %get3A_272 : vector<16xi32>
    %get3A_274 = arith.constant 576 : index
    %get3A_275 = tpu.vector_load %arg30[%get3A_274] {strides = array<i32>} : memref<2000xi32, #tpu.memory_space<vmem>>, vector<16xi32>,
    %add3A_276 = arith.addi %add3A_273, %get3A_275 : vector<16xi32>
    %get3A_277 = arith.constant 640 : index
    %get3A_278 = tpu.vector_load %arg30[%get3A_277] {strides = array<i32>} : memref<2000xi32, #tpu.memory_space<vmem>>, vector<16xi32>,
    %add3A_279 = arith.addi %add3A_276, %get3A_278 : vector<16xi32>
    %get3A_280 = arith.constant 704 : index
    %get3A_281 = tpu.vector_load %arg30[%get3A_280] {strides = array<i32>} : memref<2000xi32, #tpu.memory_space<vmem>>, vector<16xi32>,
    %add3A_282 = arith.addi %add3A_279, %get3A_281 : vector<16xi32>
    %get3A_283 = arith.constant 768 : index
    %get3A_284 = tpu.vector_load %arg30[%get3A_283] {strides = array<i32>} : memref<2000xi32, #tpu.memory_space<vmem>>, vector<16xi32>,
    %add3A_285 = arith.addi %add3A_282, %get3A_284 : vector<16xi32>
    %get3A_286 = arith.constant 832 : index
    %get3A_287 = tpu.vector_load %arg30[%get3A_286] {strides = array<i32>} : memref<2000xi32, #tpu.memory_space<vmem>>, vector<16xi32>,
    %add3A_288 = arith.addi %add3A_285, %get3A_287 : vector<16xi32>
    %get3A_289 = arith.constant 896 : index
    %get3A_290 = tpu.vector_load %arg30[%get3A_289] {strides = array<i32>} : memref<2000xi32, #tpu.memory_space<vmem>>, vector<16xi32>,
    %add3A_291 = arith.addi %add3A_288, %get3A_290 : vector<16xi32>
    %get3A_292 = arith.constant 960 : index
    %get3A_293 = tpu.vector_load %arg30[%get3A_292] {strides = array<i32>} : memref<2000xi32, #tpu.memory_space<vmem>>, vector<16xi32>,
    %add3A_294 = arith.addi %add3A_291, %get3A_293 : vector<16xi32>
    %swap3A_295 = arith.constant 0 : index
    %swap3A_296 = tpu.vector_load %arg18[%swap3A_295] {strides = array<i32>} : memref<64xi32, #tpu.memory_space<vmem>>, vector<16xi32>,
    tpu.vector_store %arg18[%swap3A_295], %add3A_294 {strides = array<i32>} : memref<64xi32, #tpu.memory_space<vmem>>, vector<16xi32>,
    %get3A_297 = arith.constant 16 : index
    %get3A_298 = tpu.vector_load %arg30[%get3A_297] {strides = array<i32>} : memref<2000xi32, #tpu.memory_space<vmem>>, vector<16xi32>,
    %add3A_299 = arith.addi %broadcast_in_dim3A_3, %get3A_298 : vector<16xi32>
    %get3A_300 = arith.constant 80 : index
    %get3A_301 = tpu.vector_load %arg30[%get3A_300] {strides = array<i32>} : memref<2000xi32, #tpu.memory_space<vmem>>, vector<16xi32>,
    %add3A_302 = arith.addi %add3A_299, %get3A_301 : vector<16xi32>
    %get3A_303 = arith.constant 144 : index
    %get3A_304 = tpu.vector_load %arg30[%get3A_303] {strides = array<i32>} : memref<2000xi32, #tpu.memory_space<vmem>>, vector<16xi32>,
    %add3A_305 = arith.addi %add3A_302, %get3A_304 : vector<16xi32>
    %get3A_306 = arith.constant 208 : index
    %get3A_307 = tpu.vector_load %arg30[%get3A_306] {strides = array<i32>} : memref<2000xi32, #tpu.memory_space<vmem>>, vector<16xi32>,
    %add3A_308 = arith.addi %add3A_305, %get3A_307 : vector<16xi32>
    %get3A_309 = arith.constant 272 : index
    %get3A_310 = tpu.vector_load %arg30[%get3A_309] {strides = array<i32>} : memref<2000xi32, #tpu.memory_space<vmem>>, vector<16xi32>,
    %add3A_311 = arith.addi %add3A_308, %get3A_310 : vector<16xi32>
    %get3A_312 = arith.constant 336 : index
    %get3A_313 = tpu.vector_load %arg30[%get3A_312] {strides = array<i32>} : memref<2000xi32, #tpu.memory_space<vmem>>, vector<16xi32>,
    %add3A_314 = arith.addi %add3A_311, %get3A_313 : vector<16xi32>
    %get3A_315 = arith.constant 400 : index
    %get3A_316 = tpu.vector_load %arg30[%get3A_315] {strides = array<i32>} : memref<2000xi32, #tpu.memory_space<vmem>>, vector<16xi32>,
    %add3A_317 = arith.addi %add3A_314, %get3A_316 : vector<16xi32>
    %get3A_318 = arith.constant 464 : index
    %get3A_319 = tpu.vector_load %arg30[%get3A_318] {strides = array<i32>} : memref<2000xi32, #tpu.memory_space<vmem>>, vector<16xi32>,
    %add3A_320 = arith.addi %add3A_317, %get3A_319 : vector<16xi32>
    %get3A_321 = arith.constant 528 : index
    %get3A_322 = tpu.vector_load %arg30[%get3A_321] {strides = array<i32>} : memref<2000xi32, #tpu.memory_space<vmem>>, vector<16xi32>,
    %add3A_323 = arith.addi %add3A_320, %get3A_322 : vector<16xi32>
    %get3A_324 = arith.constant 592 : index
    %get3A_325 = tpu.vector_load %arg30[%get3A_324] {strides = array<i32>} : memref<2000xi32, #tpu.memory_space<vmem>>, vector<16xi32>,
    %add3A_326 = arith.addi %add3A_323, %get3A_325 : vector<16xi32>
    %get3A_327 = arith.constant 656 : index
    %get3A_328 = tpu.vector_load %arg30[%get3A_327] {strides = array<i32>} : memref<2000xi32, #tpu.memory_space<vmem>>, vector<16xi32>,
    %add3A_329 = arith.addi %add3A_326, %get3A_328 : vector<16xi32>
    %get3A_330 = arith.constant 720 : index
    %get3A_331 = tpu.vector_load %arg30[%get3A_330] {strides = array<i32>} : memref<2000xi32, #tpu.memory_space<vmem>>, vector<16xi32>,
    %add3A_332 = arith.addi %add3A_329, %get3A_331 : vector<16xi32>
    %get3A_333 = arith.constant 784 : index
    %get3A_334 = tpu.vector_load %arg30[%get3A_333] {strides = array<i32>} : memref<2000xi32, #tpu.memory_space<vmem>>, vector<16xi32>,
    %add3A_335 = arith.addi %add3A_332, %get3A_334 : vector<16xi32>
    %get3A_336 = arith.constant 848 : index
    %get3A_337 = tpu.vector_load %arg30[%get3A_336] {strides = array<i32>} : memref<2000xi32, #tpu.memory_space<vmem>>, vector<16xi32>,
    %add3A_338 = arith.addi %add3A_335, %get3A_337 : vector<16xi32>
    %get3A_339 = arith.constant 912 : index
    %get3A_340 = tpu.vector_load %arg30[%get3A_339] {strides = array<i32>} : memref<2000xi32, #tpu.memory_space<vmem>>, vector<16xi32>,
    %add3A_341 = arith.addi %add3A_338, %get3A_340 : vector<16xi32>
    %get3A_342 = arith.constant 976 : index
    %get3A_343 = tpu.vector_load %arg30[%get3A_342] {strides = array<i32>} : memref<2000xi32, #tpu.memory_space<vmem>>, vector<16xi32>,
    %add3A_344 = arith.addi %add3A_341, %get3A_343 : vector<16xi32>
    %swap3A_345 = arith.constant 16 : index
    %swap3A_346 = tpu.vector_load %arg18[%swap3A_345] {strides = array<i32>} : memref<64xi32, #tpu.memory_space<vmem>>, vector<16xi32>,
    tpu.vector_store %arg18[%swap3A_345], %add3A_344 {strides = array<i32>} : memref<64xi32, #tpu.memory_space<vmem>>, vector<16xi32>,
    %get3A_347 = arith.constant 32 : index
    %get3A_348 = tpu.vector_load %arg30[%get3A_347] {strides = array<i32>} : memref<2000xi32, #tpu.memory_space<vmem>>, vector<16xi32>,
    %add3A_349 = arith.addi %broadcast_in_dim3A_3, %get3A_348 : vector<16xi32>
    %get3A_350 = arith.constant 96 : index
    %get3A_351 = tpu.vector_load %arg30[%get3A_350] {strides = array<i32>} : memref<2000xi32, #tpu.memory_space<vmem>>, vector<16xi32>,
    %add3A_352 = arith.addi %add3A_349, %get3A_351 : vector<16xi32>
    %get3A_353 = arith.constant 160 : index
    %get3A_354 = tpu.vector_load %arg30[%get3A_353] {strides = array<i32>} : memref<2000xi32, #tpu.memory_space<vmem>>, vector<16xi32>,
    %add3A_355 = arith.addi %add3A_352, %get3A_354 : vector<16xi32>
    %get3A_356 = arith.constant 224 : index
    %get3A_357 = tpu.vector_load %arg30[%get3A_356] {strides = array<i32>} : memref<2000xi32, #tpu.memory_space<vmem>>, vector<16xi32>,
    %add3A_358 = arith.addi %add3A_355, %get3A_357 : vector<16xi32>
    %get3A_359 = arith.constant 288 : index
    %get3A_360 = tpu.vector_load %arg30[%get3A_359] {strides = array<i32>} : memref<2000xi32, #tpu.memory_space<vmem>>, vector<16xi32>,
    %add3A_361 = arith.addi %add3A_358, %get3A_360 : vector<16xi32>
    %get3A_362 = arith.constant 352 : index
    %get3A_363 = tpu.vector_load %arg30[%get3A_362] {strides = array<i32>} : memref<2000xi32, #tpu.memory_space<vmem>>, vector<16xi32>,
    %add3A_364 = arith.addi %add3A_361, %get3A_363 : vector<16xi32>
    %get3A_365 = arith.constant 416 : index
    %get3A_366 = tpu.vector_load %arg30[%get3A_365] {strides = array<i32>} : memref<2000xi32, #tpu.memory_space<vmem>>, vector<16xi32>,
    %add3A_367 = arith.addi %add3A_364, %get3A_366 : vector<16xi32>
    %get3A_368 = arith.constant 480 : index
    %get3A_369 = tpu.vector_load %arg30[%get3A_368] {strides = array<i32>} : memref<2000xi32, #tpu.memory_space<vmem>>, vector<16xi32>,
    %add3A_370 = arith.addi %add3A_367, %get3A_369 : vector<16xi32>
    %get3A_371 = arith.constant 544 : index
    %get3A_372 = tpu.vector_load %arg30[%get3A_371] {strides = array<i32>} : memref<2000xi32, #tpu.memory_space<vmem>>, vector<16xi32>,
    %add3A_373 = arith.addi %add3A_370, %get3A_372 : vector<16xi32>
    %get3A_374 = arith.constant 608 : index
    %get3A_375 = tpu.vector_load %arg30[%get3A_374] {strides = array<i32>} : memref<2000xi32, #tpu.memory_space<vmem>>, vector<16xi32>,
    %add3A_376 = arith.addi %add3A_373, %get3A_375 : vector<16xi32>
    %get3A_377 = arith.constant 672 : index
    %get3A_378 = tpu.vector_load %arg30[%get3A_377] {strides = array<i32>} : memref<2000xi32, #tpu.memory_space<vmem>>, vector<16xi32>,
    %add3A_379 = arith.addi %add3A_376, %get3A_378 : vector<16xi32>
    %get3A_380 = arith.constant 736 : index
    %get3A_381 = tpu.vector_load %arg30[%get3A_380] {strides = array<i32>} : memref<2000xi32, #tpu.memory_space<vmem>>, vector<16xi32>,
    %add3A_382 = arith.addi %add3A_379, %get3A_381 : vector<16xi32>
    %get3A_383 = arith.constant 800 : index
    %get3A_384 = tpu.vector_load %arg30[%get3A_383] {strides = array<i32>} : memref<2000xi32, #tpu.memory_space<vmem>>, vector<16xi32>,
    %add3A_385 = arith.addi %add3A_382, %get3A_384 : vector<16xi32>
    %get3A_386 = arith.constant 864 : index
    %get3A_387 = tpu.vector_load %arg30[%get3A_386] {strides = array<i32>} : memref<2000xi32, #tpu.memory_space<vmem>>, vector<16xi32>,
    %add3A_388 = arith.addi %add3A_385, %get3A_387 : vector<16xi32>
    %get3A_389 = arith.constant 928 : index
    %get3A_390 = tpu.vector_load %arg30[%get3A_389] {strides = array<i32>} : memref<2000xi32, #tpu.memory_space<vmem>>, vector<16xi32>,
    %add3A_391 = arith.addi %add3A_388, %get3A_390 : vector<16xi32>
    %get3A_392 = arith.constant 992 : index
    %get3A_393 = tpu.vector_load %arg30[%get3A_392] {strides = array<i32>} : memref<2000xi32, #tpu.memory_space<vmem>>, vector<16xi32>,
    %add3A_394 = arith.addi %add3A_391, %get3A_393 : vector<16xi32>
    %swap3A_395 = arith.constant 32 : index
    %swap3A_396 = tpu.vector_load %arg18[%swap3A_395] {strides = array<i32>} : memref<64xi32, #tpu.memory_space<vmem>>, vector<16xi32>,
    tpu.vector_store %arg18[%swap3A_395], %add3A_394 {strides = array<i32>} : memref<64xi32, #tpu.memory_space<vmem>>, vector<16xi32>,
    %get3A_397 = arith.constant 48 : index
    %get3A_398 = tpu.vector_load %arg30[%get3A_397] {strides = array<i32>} : memref<2000xi32, #tpu.memory_space<vmem>>, vector<16xi32>,
    %add3A_399 = arith.addi %broadcast_in_dim3A_3, %get3A_398 : vector<16xi32>
    %get3A_400 = arith.constant 112 : index
    %get3A_401 = tpu.vector_load %arg30[%get3A_400] {strides = array<i32>} : memref<2000xi32, #tpu.memory_space<vmem>>, vector<16xi32>,
    %add3A_402 = arith.addi %add3A_399, %get3A_401 : vector<16xi32>
    %get3A_403 = arith.constant 176 : index
    %get3A_404 = tpu.vector_load %arg30[%get3A_403] {strides = array<i32>} : memref<2000xi32, #tpu.memory_space<vmem>>, vector<16xi32>,
    %add3A_405 = arith.addi %add3A_402, %get3A_404 : vector<16xi32>
    %get3A_406 = arith.constant 240 : index
    %get3A_407 = tpu.vector_load %arg30[%get3A_406] {strides = array<i32>} : memref<2000xi32, #tpu.memory_space<vmem>>, vector<16xi32>,
    %add3A_408 = arith.addi %add3A_405, %get3A_407 : vector<16xi32>
    %get3A_409 = arith.constant 304 : index
    %get3A_410 = tpu.vector_load %arg30[%get3A_409] {strides = array<i32>} : memref<2000xi32, #tpu.memory_space<vmem>>, vector<16xi32>,
    %add3A_411 = arith.addi %add3A_408, %get3A_410 : vector<16xi32>
    %get3A_412 = arith.constant 368 : index
    %get3A_413 = tpu.vector_load %arg30[%get3A_412] {strides = array<i32>} : memref<2000xi32, #tpu.memory_space<vmem>>, vector<16xi32>,
    %add3A_414 = arith.addi %add3A_411, %get3A_413 : vector<16xi32>
    %get3A_415 = arith.constant 432 : index
    %get3A_416 = tpu.vector_load %arg30[%get3A_415] {strides = array<i32>} : memref<2000xi32, #tpu.memory_space<vmem>>, vector<16xi32>,
    %add3A_417 = arith.addi %add3A_414, %get3A_416 : vector<16xi32>
    %get3A_418 = arith.constant 496 : index
    %get3A_419 = tpu.vector_load %arg30[%get3A_418] {strides = array<i32>} : memref<2000xi32, #tpu.memory_space<vmem>>, vector<16xi32>,
    %add3A_420 = arith.addi %add3A_417, %get3A_419 : vector<16xi32>
    %get3A_421 = arith.constant 560 : index
    %get3A_422 = tpu.vector_load %arg30[%get3A_421] {strides = array<i32>} : memref<2000xi32, #tpu.memory_space<vmem>>, vector<16xi32>,
    %add3A_423 = arith.addi %add3A_420, %get3A_422 : vector<16xi32>
    %get3A_424 = arith.constant 624 : index
    %get3A_425 = tpu.vector_load %arg30[%get3A_424] {strides = array<i32>} : memref<2000xi32, #tpu.memory_space<vmem>>, vector<16xi32>,
    %add3A_426 = arith.addi %add3A_423, %get3A_425 : vector<16xi32>
    %get3A_427 = arith.constant 688 : index
    %get3A_428 = tpu.vector_load %arg30[%get3A_427] {strides = array<i32>} : memref<2000xi32, #tpu.memory_space<vmem>>, vector<16xi32>,
    %add3A_429 = arith.addi %add3A_426, %get3A_428 : vector<16xi32>
    %get3A_430 = arith.constant 752 : index
    %get3A_431 = tpu.vector_load %arg30[%get3A_430] {strides = array<i32>} : memref<2000xi32, #tpu.memory_space<vmem>>, vector<16xi32>,
    %add3A_432 = arith.addi %add3A_429, %get3A_431 : vector<16xi32>
    %get3A_433 = arith.constant 816 : index
    %get3A_434 = tpu.vector_load %arg30[%get3A_433] {strides = array<i32>} : memref<2000xi32, #tpu.memory_space<vmem>>, vector<16xi32>,
    %add3A_435 = arith.addi %add3A_432, %get3A_434 : vector<16xi32>
    %get3A_436 = arith.constant 880 : index
    %get3A_437 = tpu.vector_load %arg30[%get3A_436] {strides = array<i32>} : memref<2000xi32, #tpu.memory_space<vmem>>, vector<16xi32>,
    %add3A_438 = arith.addi %add3A_435, %get3A_437 : vector<16xi32>
    %get3A_439 = arith.constant 944 : index
    %get3A_440 = tpu.vector_load %arg30[%get3A_439] {strides = array<i32>} : memref<2000xi32, #tpu.memory_space<vmem>>, vector<16xi32>,
    %add3A_441 = arith.addi %add3A_438, %get3A_440 : vector<16xi32>
    %get3A_442 = arith.constant 1008 : index
    %get3A_443 = tpu.vector_load %arg30[%get3A_442] {strides = array<i32>} : memref<2000xi32, #tpu.memory_space<vmem>>, vector<16xi32>,
    %add3A_444 = arith.addi %add3A_441, %get3A_443 : vector<16xi32>
    %swap3A_445 = arith.constant 48 : index
    %swap3A_446 = tpu.vector_load %arg18[%swap3A_445] {strides = array<i32>} : memref<64xi32, #tpu.memory_space<vmem>>, vector<16xi32>,
    tpu.vector_store %arg18[%swap3A_445], %add3A_444 {strides = array<i32>} : memref<64xi32, #tpu.memory_space<vmem>>, vector<16xi32>,
    %mul3A_447 = arith.constant 64 : i32
    %mul3A_448 = arith.muli %add3A_228, %mul3A_447 : i32
    "tpu.region"() ({
      %run_scoped3A = tpu.sem_alloc : memref<!tpu.dma_semaphore, #tpu.memory_space<semaphore_mem>>
      %dma_start3A_623 = tpu.memref_slice %arg15[%mul3A_448] : memref<2048xi32, #tpu.memory_space<vmem_shared>> -> memref<64xi32, #tpu.memory_space<vmem_shared>>
      %dma_start3A_624 = tpu.memref_slice %arg15[%mul3A_448] : memref<2048xi32, #tpu.memory_space<vmem_shared>> -> memref<64xi32, #tpu.memory_space<vmem_shared>>
      tpu.enqueue_dma source(%arg18 : memref<64xi32, #tpu.memory_space<vmem>>) target(%dma_start3A_624 : memref<64xi32, #tpu.memory_space<vmem_shared>>) target_semaphore(%run_scoped3A : memref<!tpu.dma_semaphore, #tpu.memory_space<semaphore_mem>>)
      %dma_wait3A_625 = tpu.memref_slice %arg15[%mul3A_448] : memref<2048xi32, #tpu.memory_space<vmem_shared>> -> memref<64xi32, #tpu.memory_space<vmem_shared>>
      %dma_wait3A_626 = tpu.memref_slice %arg15[%mul3A_448] : memref<2048xi32, #tpu.memory_space<vmem_shared>> -> memref<64xi32, #tpu.memory_space<vmem_shared>>
      tpu.wait_dma2 semaphore(%run_scoped3A : memref<!tpu.dma_semaphore, #tpu.memory_space<semaphore_mem>>) src(%arg18 : memref<64xi32, #tpu.memory_space<vmem>>) dst(%dma_wait3A_626 : memref<64xi32, #tpu.memory_space<vmem_shared>>)
      tpu.yield
    }) : () -> ()
    %eq3A_449 = arith.constant 0 : i32
    %eq3A_450 = arith.cmpi eq, %add3A, %eq3A_449 : i32
    %convert_element_type3A_451 = arith.extui %eq3A_450 : i1 to i32
    %cond3A_452 = arith.constant 0 : i32
    %cond3A_453 = arith.cmpi ne, %convert_element_type3A_451, %cond3A_452 : i32
    scf.if %cond3A_453 {
      %broadcast_in_dim3A_623 = arith.constant 50000 : i32
      %broadcast_in_dim3A_624 = vector.broadcast %broadcast_in_dim3A_623 : i32 to vector<16xi32>
      %scan3A_625 = arith.constant 0 : i32
      %scan3A_626 = arith.constant 16 : i32
      %scan3A_627 = arith.addi %scan3A_625, %scan3A_626 : i32
      %scan3A_628 = arith.constant 1 : i32
      %scan3A_629:8 = scf.for %scan3A_639 = %scan3A_625 to %scan3A_627 step %scan3A_628 iter_args(%scan3A_640 = %broadcast_in_dim3A_3, %scan3A_641 = %broadcast_in_dim3A_3, %scan3A_642 = %broadcast_in_dim3A_3, %scan3A_643 = %broadcast_in_dim3A_3, %scan3A_644 = %broadcast_in_dim3A_624, %scan3A_645 = %broadcast_in_dim3A_624, %scan3A_646 = %broadcast_in_dim3A_624, %scan3A_647 = %broadcast_in_dim3A_624) -> (vector<16xi32>, vector<16xi32>, vector<16xi32>, vector<16xi32>, vector<16xi32>, vector<16xi32>, vector<16xi32>, vector<16xi32>)  : i32 {
        %add3A_648 = arith.addi %scan3A_640, %scan3A_644 : vector<16xi32>
        %shift_right_arithmetic3A = arith.constant 1 : i32
        %shift_right_arithmetic3A_649 = vector.broadcast %shift_right_arithmetic3A : i32 to vector<16xi32>
        %shift_right_arithmetic3A_650 = arith.shrsi %add3A_648, %shift_right_arithmetic3A_649 : vector<16xi32>
        %min3A = arith.constant 49999 : i32
        %min3A_651 = vector.broadcast %min3A : i32 to vector<16xi32>
        %min3A_652 = arith.minsi %shift_right_arithmetic3A_650, %min3A_651 : vector<16xi32>
        %swap3A_653 = arith.constant 0 : index
        %swap3A_654 = tpu.vector_load %arg27[%swap3A_653] {strides = array<i32>} : memref<2000xi32, #tpu.memory_space<vmem>>, vector<16xi32>,
        tpu.vector_store %arg27[%swap3A_653], %min3A_652 {strides = array<i32>} : memref<2000xi32, #tpu.memory_space<vmem>>, vector<16xi32>,
        %add3A_655 = arith.addi %scan3A_641, %scan3A_645 : vector<16xi32>
        %shift_right_arithmetic3A_656 = arith.constant 1 : i32
        %shift_right_arithmetic3A_657 = vector.broadcast %shift_right_arithmetic3A_656 : i32 to vector<16xi32>
        %shift_right_arithmetic3A_658 = arith.shrsi %add3A_655, %shift_right_arithmetic3A_657 : vector<16xi32>
        %min3A_659 = arith.constant 49999 : i32
        %min3A_660 = vector.broadcast %min3A_659 : i32 to vector<16xi32>
        %min3A_661 = arith.minsi %shift_right_arithmetic3A_658, %min3A_660 : vector<16xi32>
        %swap3A_662 = arith.constant 16 : index
        %swap3A_663 = tpu.vector_load %arg27[%swap3A_662] {strides = array<i32>} : memref<2000xi32, #tpu.memory_space<vmem>>, vector<16xi32>,
        tpu.vector_store %arg27[%swap3A_662], %min3A_661 {strides = array<i32>} : memref<2000xi32, #tpu.memory_space<vmem>>, vector<16xi32>,
        %add3A_664 = arith.addi %scan3A_642, %scan3A_646 : vector<16xi32>
        %shift_right_arithmetic3A_665 = arith.constant 1 : i32
        %shift_right_arithmetic3A_666 = vector.broadcast %shift_right_arithmetic3A_665 : i32 to vector<16xi32>
        %shift_right_arithmetic3A_667 = arith.shrsi %add3A_664, %shift_right_arithmetic3A_666 : vector<16xi32>
        %min3A_668 = arith.constant 49999 : i32
        %min3A_669 = vector.broadcast %min3A_668 : i32 to vector<16xi32>
        %min3A_670 = arith.minsi %shift_right_arithmetic3A_667, %min3A_669 : vector<16xi32>
        %swap3A_671 = arith.constant 32 : index
        %swap3A_672 = tpu.vector_load %arg27[%swap3A_671] {strides = array<i32>} : memref<2000xi32, #tpu.memory_space<vmem>>, vector<16xi32>,
        tpu.vector_store %arg27[%swap3A_671], %min3A_670 {strides = array<i32>} : memref<2000xi32, #tpu.memory_space<vmem>>, vector<16xi32>,
        %add3A_673 = arith.addi %scan3A_643, %scan3A_647 : vector<16xi32>
        %shift_right_arithmetic3A_674 = arith.constant 1 : i32
        %shift_right_arithmetic3A_675 = vector.broadcast %shift_right_arithmetic3A_674 : i32 to vector<16xi32>
        %shift_right_arithmetic3A_676 = arith.shrsi %add3A_673, %shift_right_arithmetic3A_675 : vector<16xi32>
        %min3A_677 = arith.constant 49999 : i32
        %min3A_678 = vector.broadcast %min3A_677 : i32 to vector<16xi32>
        %min3A_679 = arith.minsi %shift_right_arithmetic3A_676, %min3A_678 : vector<16xi32>
        %swap3A_680 = arith.constant 48 : index
        %swap3A_681 = tpu.vector_load %arg27[%swap3A_680] {strides = array<i32>} : memref<2000xi32, #tpu.memory_space<vmem>>, vector<16xi32>,
        tpu.vector_store %arg27[%swap3A_680], %min3A_679 {strides = array<i32>} : memref<2000xi32, #tpu.memory_space<vmem>>, vector<16xi32>,
        %dma_start3A_682 = arith.constant 0 : i32
        %dma_start3A_683 = tpu.memref_slice %arg32[%dma_start3A_682] : memref<2000xi32, #tpu.memory_space<vmem>> -> memref<64xi32, #tpu.memory_space<vmem>>
        %dma_start3A_684 = arith.constant 0 : i32
        %dma_start3A_685 = tpu.memref_slice %arg27[%dma_start3A_684] : memref<2000xi32, #tpu.memory_space<vmem>> -> memref<64xi32, #tpu.memory_space<vmem>>
        %dma_start3A_686 = arith.constant 0 : i32
        %dma_start3A_687 = tpu.memref_slice %arg13[%dma_start3A_686] : memref<50000xi32, #tpu.memory_space<vmem_shared>> -> memref<50000xi32, #tpu.memory_space<vmem_shared>>
        tpu.enqueue_indirect_dma source(%dma_start3A_687 : memref<50000xi32, #tpu.memory_space<vmem_shared>>) target(%dma_start3A_683 : memref<64xi32, #tpu.memory_space<vmem>>) offsets(%dma_start3A_685 : memref<64xi32, #tpu.memory_space<vmem>>) semaphore(%arg36 : memref<!tpu.dma_semaphore, #tpu.memory_space<semaphore_mem>>)
        %dma_wait3A_688 = arith.constant 0 : i32
        %dma_wait3A_689 = tpu.memref_slice %arg32[%dma_wait3A_688] : memref<2000xi32, #tpu.memory_space<vmem>> -> memref<64xi32, #tpu.memory_space<vmem>>
        %dma_wait3A_690 = arith.constant 0 : i32
        %dma_wait3A_691 = tpu.memref_slice %arg27[%dma_wait3A_690] : memref<2000xi32, #tpu.memory_space<vmem>> -> memref<64xi32, #tpu.memory_space<vmem>>
        %dma_wait3A_692 = arith.constant 0 : i32
        %dma_wait3A_693 = tpu.memref_slice %arg13[%dma_wait3A_692] : memref<50000xi32, #tpu.memory_space<vmem_shared>> -> memref<50000xi32, #tpu.memory_space<vmem_shared>>
        tpu.wait_indirect_dma semaphore(%arg36 : memref<!tpu.dma_semaphore, #tpu.memory_space<semaphore_mem>>) src(%dma_wait3A_693 : memref<50000xi32, #tpu.memory_space<vmem_shared>>) dst(%dma_wait3A_689 : memref<64xi32, #tpu.memory_space<vmem>>)
        %add3A_694 = arith.constant 0 : i32
        %add3A_695 = vector.broadcast %add3A_694 : i32 to vector<16xi32>
        %add3A_696 = arith.addi %iota3A, %add3A_695 : vector<16xi32>
        %lt3A = arith.cmpi slt, %scan3A_640, %scan3A_644 : vector<16xi32>
        %add3A_697 = arith.addi %scan3A_640, %scan3A_644 : vector<16xi32>
        %shift_right_arithmetic3A_698 = arith.constant 1 : i32
        %shift_right_arithmetic3A_699 = vector.broadcast %shift_right_arithmetic3A_698 : i32 to vector<16xi32>
        %shift_right_arithmetic3A_700 = arith.shrsi %add3A_697, %shift_right_arithmetic3A_699 : vector<16xi32>
        %min3A_701 = arith.constant 49999 : i32
        %min3A_702 = vector.broadcast %min3A_701 : i32 to vector<16xi32>
        %min3A_703 = arith.minsi %shift_right_arithmetic3A_700, %min3A_702 : vector<16xi32>
        %get3A_704 = arith.constant 0 : index
        %get3A_705 = tpu.vector_load %arg32[%get3A_704] {strides = array<i32>} : memref<2000xi32, #tpu.memory_space<vmem>>, vector<16xi32>,
        %lt3A_706 = arith.cmpi slt, %get3A_705, %add3A_696 : vector<16xi32>
        %and3A = arith.andi %lt3A, %lt3A_706 : vector<16xi1>
        %add3A_707 = arith.constant 1 : i32
        %add3A_708 = vector.broadcast %add3A_707 : i32 to vector<16xi32>
        %add3A_709 = arith.addi %min3A_703, %add3A_708 : vector<16xi32>
        %select_n3A_710 = arith.select %and3A, %add3A_709, %scan3A_640 : vector<16xi1>, vector<16xi32>
        %not3A = arith.constant dense<true> : vector<16xi1>
        %not3A_711 = arith.xori %and3A, %not3A : vector<16xi1>
        %and3A_712 = arith.andi %lt3A, %not3A_711 : vector<16xi1>
        %select_n3A_713 = arith.select %and3A_712, %min3A_703, %scan3A_644 : vector<16xi1>, vector<16xi32>
        %add3A_714 = arith.constant 16 : i32
        %add3A_715 = vector.broadcast %add3A_714 : i32 to vector<16xi32>
        %add3A_716 = arith.addi %iota3A, %add3A_715 : vector<16xi32>
        %lt3A_717 = arith.cmpi slt, %scan3A_641, %scan3A_645 : vector<16xi32>
        %add3A_718 = arith.addi %scan3A_641, %scan3A_645 : vector<16xi32>
        %shift_right_arithmetic3A_719 = arith.constant 1 : i32
        %shift_right_arithmetic3A_720 = vector.broadcast %shift_right_arithmetic3A_719 : i32 to vector<16xi32>
        %shift_right_arithmetic3A_721 = arith.shrsi %add3A_718, %shift_right_arithmetic3A_720 : vector<16xi32>
        %min3A_722 = arith.constant 49999 : i32
        %min3A_723 = vector.broadcast %min3A_722 : i32 to vector<16xi32>
        %min3A_724 = arith.minsi %shift_right_arithmetic3A_721, %min3A_723 : vector<16xi32>
        %get3A_725 = arith.constant 16 : index
        %get3A_726 = tpu.vector_load %arg32[%get3A_725] {strides = array<i32>} : memref<2000xi32, #tpu.memory_space<vmem>>, vector<16xi32>,
        %lt3A_727 = arith.cmpi slt, %get3A_726, %add3A_716 : vector<16xi32>
        %and3A_728 = arith.andi %lt3A_717, %lt3A_727 : vector<16xi1>
        %add3A_729 = arith.constant 1 : i32
        %add3A_730 = vector.broadcast %add3A_729 : i32 to vector<16xi32>
        %add3A_731 = arith.addi %min3A_724, %add3A_730 : vector<16xi32>
        %select_n3A_732 = arith.select %and3A_728, %add3A_731, %scan3A_641 : vector<16xi1>, vector<16xi32>
        %not3A_733 = arith.constant dense<true> : vector<16xi1>
        %not3A_734 = arith.xori %and3A_728, %not3A_733 : vector<16xi1>
        %and3A_735 = arith.andi %lt3A_717, %not3A_734 : vector<16xi1>
        %select_n3A_736 = arith.select %and3A_735, %min3A_724, %scan3A_645 : vector<16xi1>, vector<16xi32>
        %add3A_737 = arith.constant 32 : i32
        %add3A_738 = vector.broadcast %add3A_737 : i32 to vector<16xi32>
        %add3A_739 = arith.addi %iota3A, %add3A_738 : vector<16xi32>
        %lt3A_740 = arith.cmpi slt, %scan3A_642, %scan3A_646 : vector<16xi32>
        %add3A_741 = arith.addi %scan3A_642, %scan3A_646 : vector<16xi32>
        %shift_right_arithmetic3A_742 = arith.constant 1 : i32
        %shift_right_arithmetic3A_743 = vector.broadcast %shift_right_arithmetic3A_742 : i32 to vector<16xi32>
        %shift_right_arithmetic3A_744 = arith.shrsi %add3A_741, %shift_right_arithmetic3A_743 : vector<16xi32>
        %min3A_745 = arith.constant 49999 : i32
        %min3A_746 = vector.broadcast %min3A_745 : i32 to vector<16xi32>
        %min3A_747 = arith.minsi %shift_right_arithmetic3A_744, %min3A_746 : vector<16xi32>
        %get3A_748 = arith.constant 32 : index
        %get3A_749 = tpu.vector_load %arg32[%get3A_748] {strides = array<i32>} : memref<2000xi32, #tpu.memory_space<vmem>>, vector<16xi32>,
        %lt3A_750 = arith.cmpi slt, %get3A_749, %add3A_739 : vector<16xi32>
        %and3A_751 = arith.andi %lt3A_740, %lt3A_750 : vector<16xi1>
        %add3A_752 = arith.constant 1 : i32
        %add3A_753 = vector.broadcast %add3A_752 : i32 to vector<16xi32>
        %add3A_754 = arith.addi %min3A_747, %add3A_753 : vector<16xi32>
        %select_n3A_755 = arith.select %and3A_751, %add3A_754, %scan3A_642 : vector<16xi1>, vector<16xi32>
        %not3A_756 = arith.constant dense<true> : vector<16xi1>
        %not3A_757 = arith.xori %and3A_751, %not3A_756 : vector<16xi1>
        %and3A_758 = arith.andi %lt3A_740, %not3A_757 : vector<16xi1>
        %select_n3A_759 = arith.select %and3A_758, %min3A_747, %scan3A_646 : vector<16xi1>, vector<16xi32>
        %add3A_760 = arith.constant 48 : i32
        %add3A_761 = vector.broadcast %add3A_760 : i32 to vector<16xi32>
        %add3A_762 = arith.addi %iota3A, %add3A_761 : vector<16xi32>
        %lt3A_763 = arith.cmpi slt, %scan3A_643, %scan3A_647 : vector<16xi32>
        %add3A_764 = arith.addi %scan3A_643, %scan3A_647 : vector<16xi32>
        %shift_right_arithmetic3A_765 = arith.constant 1 : i32
        %shift_right_arithmetic3A_766 = vector.broadcast %shift_right_arithmetic3A_765 : i32 to vector<16xi32>
        %shift_right_arithmetic3A_767 = arith.shrsi %add3A_764, %shift_right_arithmetic3A_766 : vector<16xi32>
        %min3A_768 = arith.constant 49999 : i32
        %min3A_769 = vector.broadcast %min3A_768 : i32 to vector<16xi32>
        %min3A_770 = arith.minsi %shift_right_arithmetic3A_767, %min3A_769 : vector<16xi32>
        %get3A_771 = arith.constant 48 : index
        %get3A_772 = tpu.vector_load %arg32[%get3A_771] {strides = array<i32>} : memref<2000xi32, #tpu.memory_space<vmem>>, vector<16xi32>,
        %lt3A_773 = arith.cmpi slt, %get3A_772, %add3A_762 : vector<16xi32>
        %and3A_774 = arith.andi %lt3A_763, %lt3A_773 : vector<16xi1>
        %add3A_775 = arith.constant 1 : i32
        %add3A_776 = vector.broadcast %add3A_775 : i32 to vector<16xi32>
        %add3A_777 = arith.addi %min3A_770, %add3A_776 : vector<16xi32>
        %select_n3A_778 = arith.select %and3A_774, %add3A_777, %scan3A_643 : vector<16xi1>, vector<16xi32>
        %not3A_779 = arith.constant dense<true> : vector<16xi1>
        %not3A_780 = arith.xori %and3A_774, %not3A_779 : vector<16xi1>
        %and3A_781 = arith.andi %lt3A_763, %not3A_780 : vector<16xi1>
        %select_n3A_782 = arith.select %and3A_781, %min3A_770, %scan3A_647 : vector<16xi1>, vector<16xi32>
        scf.yield %select_n3A_710, %select_n3A_732, %select_n3A_755, %select_n3A_778, %select_n3A_713, %select_n3A_736, %select_n3A_759, %select_n3A_782 : vector<16xi32>, vector<16xi32>, vector<16xi32>, vector<16xi32>, vector<16xi32>, vector<16xi32>, vector<16xi32>, vector<16xi32>
      }
      %scan3A_630 = arith.constant 16 : i32
      %swap3A_631 = arith.constant 0 : index
      %swap3A_632 = tpu.vector_load %arg18[%swap3A_631] {strides = array<i32>} : memref<64xi32, #tpu.memory_space<vmem>>, vector<16xi32>,
      tpu.vector_store %arg18[%swap3A_631], %scan3A_629#0 {strides = array<i32>} : memref<64xi32, #tpu.memory_space<vmem>>, vector<16xi32>,
      %swap3A_633 = arith.constant 16 : index
      %swap3A_634 = tpu.vector_load %arg18[%swap3A_633] {strides = array<i32>} : memref<64xi32, #tpu.memory_space<vmem>>, vector<16xi32>,
      tpu.vector_store %arg18[%swap3A_633], %scan3A_629#1 {strides = array<i32>} : memref<64xi32, #tpu.memory_space<vmem>>, vector<16xi32>,
      %swap3A_635 = arith.constant 32 : index
      %swap3A_636 = tpu.vector_load %arg18[%swap3A_635] {strides = array<i32>} : memref<64xi32, #tpu.memory_space<vmem>>, vector<16xi32>,
      tpu.vector_store %arg18[%swap3A_635], %scan3A_629#2 {strides = array<i32>} : memref<64xi32, #tpu.memory_space<vmem>>, vector<16xi32>,
      %swap3A_637 = arith.constant 48 : index
      %swap3A_638 = tpu.vector_load %arg18[%swap3A_637] {strides = array<i32>} : memref<64xi32, #tpu.memory_space<vmem>>, vector<16xi32>,
      tpu.vector_store %arg18[%swap3A_637], %scan3A_629#3 {strides = array<i32>} : memref<64xi32, #tpu.memory_space<vmem>>, vector<16xi32>,
      "tpu.region"() ({
        %run_scoped3A = tpu.sem_alloc : memref<!tpu.dma_semaphore, #tpu.memory_space<semaphore_mem>>
        tpu.enqueue_dma source(%arg18 : memref<64xi32, #tpu.memory_space<vmem>>) target(%arg10 : memref<64xi32, #tpu.memory_space<hbm>>) target_semaphore(%run_scoped3A : memref<!tpu.dma_semaphore, #tpu.memory_space<semaphore_mem>>)
        tpu.wait_dma2 semaphore(%run_scoped3A : memref<!tpu.dma_semaphore, #tpu.memory_space<semaphore_mem>>) src(%arg18 : memref<64xi32, #tpu.memory_space<vmem>>) dst(%arg10 : memref<64xi32, #tpu.memory_space<hbm>>)
        tpu.yield
      }) : () -> ()
    } else {
    }
    %barrier3A_454 = arith.constant 0 : index
    tpu.barrier barrier_id(%barrier3A_454)
    "tpu.region"() ({
      %run_scoped3A = tpu.sem_alloc : memref<!tpu.dma_semaphore, #tpu.memory_space<semaphore_mem>>
      tpu.enqueue_dma source(%arg15 : memref<2048xi32, #tpu.memory_space<vmem_shared>>) target(%arg16 : memref<2048xi32, #tpu.memory_space<vmem>>) target_semaphore(%run_scoped3A : memref<!tpu.dma_semaphore, #tpu.memory_space<semaphore_mem>>)
      tpu.wait_dma2 semaphore(%run_scoped3A : memref<!tpu.dma_semaphore, #tpu.memory_space<semaphore_mem>>) src(%arg15 : memref<2048xi32, #tpu.memory_space<vmem_shared>>) dst(%arg16 : memref<2048xi32, #tpu.memory_space<vmem>>)
      tpu.yield
    }) : () -> ()
    %scan3A_455 = arith.constant 0 : i32
    %scan3A_456 = arith.constant 32 : i32
    %scan3A_457 = arith.addi %scan3A_455, %scan3A_456 : i32
    %scan3A_458 = arith.constant 1 : i32
    %scan3A_459:3 = scf.for %scan3A_623 = %scan3A_455 to %scan3A_457 step %scan3A_458 iter_args(%scan3A_624 = %broadcast_in_dim3A_3, %scan3A_625 = %broadcast_in_dim3A_3, %scan3A_626 = %broadcast_in_dim3A_3) -> (vector<16xi32>, vector<16xi32>, vector<16xi32>)  : i32 {
      %mul3A_627 = arith.constant 64 : i32
      %mul3A_628 = arith.muli %scan3A_623, %mul3A_627 : i32
      %add3A_629 = arith.constant 0 : i32
      %add3A_630 = arith.addi %mul3A_628, %add3A_629 : i32
      %get3A_631 = arith.index_cast %add3A_630 : i32 to index
      %get3A_632 = tpu.vector_load %arg16[%get3A_631] {strides = array<i32>} : memref<2048xi32, #tpu.memory_space<vmem>>, vector<16xi32>,
      %add3A_633 = arith.addi %scan3A_624, %get3A_632 : vector<16xi32>
      %lt3A = arith.cmpi slt, %scan3A_623, %add3A : i32
      %jit3A_634 = arith.constant 0 : i32
      %broadcast_in_dim3A_635 = vector.broadcast %jit3A_634 : i32 to vector<16xi32>
      %select_n3A_636 = arith.select %lt3A, %get3A_632, %broadcast_in_dim3A_635 : vector<16xi32>
      %add3A_637 = arith.addi %scan3A_625, %select_n3A_636 : vector<16xi32>
      %lt3A_638 = arith.constant 16 : i32
      %lt3A_639 = arith.cmpi slt, %scan3A_623, %lt3A_638 : i32
      %jit3A_640 = arith.constant 0 : i32
      %broadcast_in_dim3A_641 = vector.broadcast %jit3A_640 : i32 to vector<16xi32>
      %select_n3A_642 = arith.select %lt3A_639, %get3A_632, %broadcast_in_dim3A_641 : vector<16xi32>
      %add3A_643 = arith.addi %scan3A_626, %select_n3A_642 : vector<16xi32>
      scf.yield %add3A_633, %add3A_637, %add3A_643 : vector<16xi32>, vector<16xi32>, vector<16xi32>
    }
    %scan3A_460 = arith.constant 32 : i32
    %scan3A_461 = arith.constant 0 : i32
    %scan3A_462 = arith.constant 32 : i32
    %scan3A_463 = arith.addi %scan3A_461, %scan3A_462 : i32
    %scan3A_464 = arith.constant 1 : i32
    %scan3A_465:3 = scf.for %scan3A_623 = %scan3A_461 to %scan3A_463 step %scan3A_464 iter_args(%scan3A_624 = %broadcast_in_dim3A_3, %scan3A_625 = %broadcast_in_dim3A_3, %scan3A_626 = %broadcast_in_dim3A_3) -> (vector<16xi32>, vector<16xi32>, vector<16xi32>)  : i32 {
      %mul3A_627 = arith.constant 64 : i32
      %mul3A_628 = arith.muli %scan3A_623, %mul3A_627 : i32
      %add3A_629 = arith.constant 16 : i32
      %add3A_630 = arith.addi %mul3A_628, %add3A_629 : i32
      %get3A_631 = arith.index_cast %add3A_630 : i32 to index
      %get3A_632 = tpu.vector_load %arg16[%get3A_631] {strides = array<i32>} : memref<2048xi32, #tpu.memory_space<vmem>>, vector<16xi32>,
      %add3A_633 = arith.addi %scan3A_624, %get3A_632 : vector<16xi32>
      %lt3A = arith.cmpi slt, %scan3A_623, %add3A : i32
      %jit3A_634 = arith.constant 0 : i32
      %broadcast_in_dim3A_635 = vector.broadcast %jit3A_634 : i32 to vector<16xi32>
      %select_n3A_636 = arith.select %lt3A, %get3A_632, %broadcast_in_dim3A_635 : vector<16xi32>
      %add3A_637 = arith.addi %scan3A_625, %select_n3A_636 : vector<16xi32>
      %lt3A_638 = arith.constant 16 : i32
      %lt3A_639 = arith.cmpi slt, %scan3A_623, %lt3A_638 : i32
      %jit3A_640 = arith.constant 0 : i32
      %broadcast_in_dim3A_641 = vector.broadcast %jit3A_640 : i32 to vector<16xi32>
      %select_n3A_642 = arith.select %lt3A_639, %get3A_632, %broadcast_in_dim3A_641 : vector<16xi32>
      %add3A_643 = arith.addi %scan3A_626, %select_n3A_642 : vector<16xi32>
      scf.yield %add3A_633, %add3A_637, %add3A_643 : vector<16xi32>, vector<16xi32>, vector<16xi32>
    }
    %scan3A_466 = arith.constant 32 : i32
    %scan3A_467 = arith.constant 0 : i32
    %scan3A_468 = arith.constant 32 : i32
    %scan3A_469 = arith.addi %scan3A_467, %scan3A_468 : i32
    %scan3A_470 = arith.constant 1 : i32
    %scan3A_471:3 = scf.for %scan3A_623 = %scan3A_467 to %scan3A_469 step %scan3A_470 iter_args(%scan3A_624 = %broadcast_in_dim3A_3, %scan3A_625 = %broadcast_in_dim3A_3, %scan3A_626 = %broadcast_in_dim3A_3) -> (vector<16xi32>, vector<16xi32>, vector<16xi32>)  : i32 {
      %mul3A_627 = arith.constant 64 : i32
      %mul3A_628 = arith.muli %scan3A_623, %mul3A_627 : i32
      %add3A_629 = arith.constant 32 : i32
      %add3A_630 = arith.addi %mul3A_628, %add3A_629 : i32
      %get3A_631 = arith.index_cast %add3A_630 : i32 to index
      %get3A_632 = tpu.vector_load %arg16[%get3A_631] {strides = array<i32>} : memref<2048xi32, #tpu.memory_space<vmem>>, vector<16xi32>,
      %add3A_633 = arith.addi %scan3A_624, %get3A_632 : vector<16xi32>
      %lt3A = arith.cmpi slt, %scan3A_623, %add3A : i32
      %jit3A_634 = arith.constant 0 : i32
      %broadcast_in_dim3A_635 = vector.broadcast %jit3A_634 : i32 to vector<16xi32>
      %select_n3A_636 = arith.select %lt3A, %get3A_632, %broadcast_in_dim3A_635 : vector<16xi32>
      %add3A_637 = arith.addi %scan3A_625, %select_n3A_636 : vector<16xi32>
      %lt3A_638 = arith.constant 16 : i32
      %lt3A_639 = arith.cmpi slt, %scan3A_623, %lt3A_638 : i32
      %jit3A_640 = arith.constant 0 : i32
      %broadcast_in_dim3A_641 = vector.broadcast %jit3A_640 : i32 to vector<16xi32>
      %select_n3A_642 = arith.select %lt3A_639, %get3A_632, %broadcast_in_dim3A_641 : vector<16xi32>
      %add3A_643 = arith.addi %scan3A_626, %select_n3A_642 : vector<16xi32>
      scf.yield %add3A_633, %add3A_637, %add3A_643 : vector<16xi32>, vector<16xi32>, vector<16xi32>
    }
    %scan3A_472 = arith.constant 32 : i32
    %scan3A_473 = arith.constant 0 : i32
    %scan3A_474 = arith.constant 32 : i32
    %scan3A_475 = arith.addi %scan3A_473, %scan3A_474 : i32
    %scan3A_476 = arith.constant 1 : i32
    %scan3A_477:3 = scf.for %scan3A_623 = %scan3A_473 to %scan3A_475 step %scan3A_476 iter_args(%scan3A_624 = %broadcast_in_dim3A_3, %scan3A_625 = %broadcast_in_dim3A_3, %scan3A_626 = %broadcast_in_dim3A_3) -> (vector<16xi32>, vector<16xi32>, vector<16xi32>)  : i32 {
      %mul3A_627 = arith.constant 64 : i32
      %mul3A_628 = arith.muli %scan3A_623, %mul3A_627 : i32
      %add3A_629 = arith.constant 48 : i32
      %add3A_630 = arith.addi %mul3A_628, %add3A_629 : i32
      %get3A_631 = arith.index_cast %add3A_630 : i32 to index
      %get3A_632 = tpu.vector_load %arg16[%get3A_631] {strides = array<i32>} : memref<2048xi32, #tpu.memory_space<vmem>>, vector<16xi32>,
      %add3A_633 = arith.addi %scan3A_624, %get3A_632 : vector<16xi32>
      %lt3A = arith.cmpi slt, %scan3A_623, %add3A : i32
      %jit3A_634 = arith.constant 0 : i32
      %broadcast_in_dim3A_635 = vector.broadcast %jit3A_634 : i32 to vector<16xi32>
      %select_n3A_636 = arith.select %lt3A, %get3A_632, %broadcast_in_dim3A_635 : vector<16xi32>
      %add3A_637 = arith.addi %scan3A_625, %select_n3A_636 : vector<16xi32>
      %lt3A_638 = arith.constant 16 : i32
      %lt3A_639 = arith.cmpi slt, %scan3A_623, %lt3A_638 : i32
      %jit3A_640 = arith.constant 0 : i32
      %broadcast_in_dim3A_641 = vector.broadcast %jit3A_640 : i32 to vector<16xi32>
      %select_n3A_642 = arith.select %lt3A_639, %get3A_632, %broadcast_in_dim3A_641 : vector<16xi32>
      %add3A_643 = arith.addi %scan3A_626, %select_n3A_642 : vector<16xi32>
      scf.yield %add3A_633, %add3A_637, %add3A_643 : vector<16xi32>, vector<16xi32>, vector<16xi32>
    }
    %scan3A_478 = arith.constant 32 : i32
    %broadcast_in_dim3A_479 = arith.constant true
    %broadcast_in_dim3A_480 = vector.broadcast %broadcast_in_dim3A_479 : i1 to vector<16xi1>
    %masked_cumsum3A = tpu.scan <sum>, %scan3A_459#0 masked %broadcast_in_dim3A_480 : vector<16xi32>, vector<16xi1> -> vector<16xi32>
    %sub3A = arith.subi %masked_cumsum3A, %scan3A_459#0 : vector<16xi32>
    %add3A_481 = arith.constant 0 : i32
    %add3A_482 = vector.broadcast %add3A_481 : i32 to vector<16xi32>
    %add3A_483 = arith.addi %sub3A, %add3A_482 : vector<16xi32>
    %add3A_484 = arith.addi %add3A_483, %scan3A_459#1 : vector<16xi32>
    %swap3A_485 = arith.constant 0 : index
    %swap3A_486 = tpu.vector_load %arg17[%swap3A_485] {strides = array<i32>} : memref<64xi32, #tpu.memory_space<vmem>>, vector<16xi32>,
    tpu.vector_store %arg17[%swap3A_485], %add3A_484 {strides = array<i32>} : memref<64xi32, #tpu.memory_space<vmem>>, vector<16xi32>,
    %eq3A_487 = arith.constant 1 : i32
    %eq3A_488 = arith.cmpi eq, %arg0, %eq3A_487 : i32
    %sub3A_489 = arith.subi %scan3A_459#0, %scan3A_459#2 : vector<16xi32>
    %select_n3A = arith.select %eq3A_488, %sub3A_489, %scan3A_459#2 : vector<16xi32>
    %eq3A_490 = arith.constant 1 : i32
    %eq3A_491 = arith.cmpi eq, %arg0, %eq3A_490 : i32
    %jit3A = arith.constant 0 : i32
    %broadcast_in_dim3A_492 = vector.broadcast %jit3A : i32 to vector<16xi32>
    %select_n3A_493 = arith.select %eq3A_491, %scan3A_459#2, %broadcast_in_dim3A_492 : vector<16xi32>
    %add3A_494 = arith.addi %add3A_483, %select_n3A_493 : vector<16xi32>
    %swap3A_495 = arith.constant 0 : index
    %swap3A_496 = tpu.vector_load %arg19[%swap3A_495] {strides = array<i32>} : memref<80xi32, #tpu.memory_space<vmem>>, vector<16xi32>,
    tpu.vector_store %arg19[%swap3A_495], %select_n3A {strides = array<i32>} : memref<80xi32, #tpu.memory_space<vmem>>, vector<16xi32>,
    %swap3A_497 = arith.constant 0 : index
    %swap3A_498 = tpu.vector_load %arg20[%swap3A_497] {strides = array<i32>} : memref<80xi32, #tpu.memory_space<vmem>>, vector<16xi32>,
    tpu.vector_store %arg20[%swap3A_497], %add3A_494 {strides = array<i32>} : memref<80xi32, #tpu.memory_space<vmem>>, vector<16xi32>,
    %reduce_sum3A = arith.constant true
    %reduce_sum3A_499 = vector.broadcast %reduce_sum3A : i1 to vector<16xi1>
    %reduce_sum3A_500 = tpu.scan <sum>, %scan3A_459#0 masked %reduce_sum3A_499 : vector<16xi32>, vector<16xi1> -> vector<16xi32>
    %reduce_sum3A_501 = vector.extract %reduce_sum3A_500[15] : i32 from vector<16xi32>
    %add3A_502 = arith.constant 0 : i32
    %add3A_503 = arith.addi %add3A_502, %reduce_sum3A_501 : i32
    %broadcast_in_dim3A_504 = arith.constant true
    %broadcast_in_dim3A_505 = vector.broadcast %broadcast_in_dim3A_504 : i1 to vector<16xi1>
    %masked_cumsum3A_506 = tpu.scan <sum>, %scan3A_465#0 masked %broadcast_in_dim3A_505 : vector<16xi32>, vector<16xi1> -> vector<16xi32>
    %sub3A_507 = arith.subi %masked_cumsum3A_506, %scan3A_465#0 : vector<16xi32>
    %add3A_508 = vector.broadcast %add3A_503 : i32 to vector<16xi32>
    %add3A_509 = arith.addi %sub3A_507, %add3A_508 : vector<16xi32>
    %add3A_510 = arith.addi %add3A_509, %scan3A_465#1 : vector<16xi32>
    %swap3A_511 = arith.constant 16 : index
    %swap3A_512 = tpu.vector_load %arg17[%swap3A_511] {strides = array<i32>} : memref<64xi32, #tpu.memory_space<vmem>>, vector<16xi32>,
    tpu.vector_store %arg17[%swap3A_511], %add3A_510 {strides = array<i32>} : memref<64xi32, #tpu.memory_space<vmem>>, vector<16xi32>,
    %eq3A_513 = arith.constant 1 : i32
    %eq3A_514 = arith.cmpi eq, %arg0, %eq3A_513 : i32
    %sub3A_515 = arith.subi %scan3A_465#0, %scan3A_465#2 : vector<16xi32>
    %select_n3A_516 = arith.select %eq3A_514, %sub3A_515, %scan3A_465#2 : vector<16xi32>
    %eq3A_517 = arith.constant 1 : i32
    %eq3A_518 = arith.cmpi eq, %arg0, %eq3A_517 : i32
    %jit3A_519 = arith.constant 0 : i32
    %broadcast_in_dim3A_520 = vector.broadcast %jit3A_519 : i32 to vector<16xi32>
    %select_n3A_521 = arith.select %eq3A_518, %scan3A_465#2, %broadcast_in_dim3A_520 : vector<16xi32>
    %add3A_522 = arith.addi %add3A_509, %select_n3A_521 : vector<16xi32>
    %swap3A_523 = arith.constant 16 : index
    %swap3A_524 = tpu.vector_load %arg19[%swap3A_523] {strides = array<i32>} : memref<80xi32, #tpu.memory_space<vmem>>, vector<16xi32>,
    tpu.vector_store %arg19[%swap3A_523], %select_n3A_516 {strides = array<i32>} : memref<80xi32, #tpu.memory_space<vmem>>, vector<16xi32>,
    %swap3A_525 = arith.constant 16 : index
    %swap3A_526 = tpu.vector_load %arg20[%swap3A_525] {strides = array<i32>} : memref<80xi32, #tpu.memory_space<vmem>>, vector<16xi32>,
    tpu.vector_store %arg20[%swap3A_525], %add3A_522 {strides = array<i32>} : memref<80xi32, #tpu.memory_space<vmem>>, vector<16xi32>,
    %reduce_sum3A_527 = arith.constant true
    %reduce_sum3A_528 = vector.broadcast %reduce_sum3A_527 : i1 to vector<16xi1>
    %reduce_sum3A_529 = tpu.scan <sum>, %scan3A_465#0 masked %reduce_sum3A_528 : vector<16xi32>, vector<16xi1> -> vector<16xi32>
    %reduce_sum3A_530 = vector.extract %reduce_sum3A_529[15] : i32 from vector<16xi32>
    %add3A_531 = arith.addi %add3A_503, %reduce_sum3A_530 : i32
    %broadcast_in_dim3A_532 = arith.constant true
    %broadcast_in_dim3A_533 = vector.broadcast %broadcast_in_dim3A_532 : i1 to vector<16xi1>
    %masked_cumsum3A_534 = tpu.scan <sum>, %scan3A_471#0 masked %broadcast_in_dim3A_533 : vector<16xi32>, vector<16xi1> -> vector<16xi32>
    %sub3A_535 = arith.subi %masked_cumsum3A_534, %scan3A_471#0 : vector<16xi32>
    %add3A_536 = vector.broadcast %add3A_531 : i32 to vector<16xi32>
    %add3A_537 = arith.addi %sub3A_535, %add3A_536 : vector<16xi32>
    %add3A_538 = arith.addi %add3A_537, %scan3A_471#1 : vector<16xi32>
    %swap3A_539 = arith.constant 32 : index
    %swap3A_540 = tpu.vector_load %arg17[%swap3A_539] {strides = array<i32>} : memref<64xi32, #tpu.memory_space<vmem>>, vector<16xi32>,
    tpu.vector_store %arg17[%swap3A_539], %add3A_538 {strides = array<i32>} : memref<64xi32, #tpu.memory_space<vmem>>, vector<16xi32>,
    %eq3A_541 = arith.constant 1 : i32
    %eq3A_542 = arith.cmpi eq, %arg0, %eq3A_541 : i32
    %sub3A_543 = arith.subi %scan3A_471#0, %scan3A_471#2 : vector<16xi32>
    %select_n3A_544 = arith.select %eq3A_542, %sub3A_543, %scan3A_471#2 : vector<16xi32>
    %eq3A_545 = arith.constant 1 : i32
    %eq3A_546 = arith.cmpi eq, %arg0, %eq3A_545 : i32
    %jit3A_547 = arith.constant 0 : i32
    %broadcast_in_dim3A_548 = vector.broadcast %jit3A_547 : i32 to vector<16xi32>
    %select_n3A_549 = arith.select %eq3A_546, %scan3A_471#2, %broadcast_in_dim3A_548 : vector<16xi32>
    %add3A_550 = arith.addi %add3A_537, %select_n3A_549 : vector<16xi32>
    %swap3A_551 = arith.constant 32 : index
    %swap3A_552 = tpu.vector_load %arg19[%swap3A_551] {strides = array<i32>} : memref<80xi32, #tpu.memory_space<vmem>>, vector<16xi32>,
    tpu.vector_store %arg19[%swap3A_551], %select_n3A_544 {strides = array<i32>} : memref<80xi32, #tpu.memory_space<vmem>>, vector<16xi32>,
    %swap3A_553 = arith.constant 32 : index
    %swap3A_554 = tpu.vector_load %arg20[%swap3A_553] {strides = array<i32>} : memref<80xi32, #tpu.memory_space<vmem>>, vector<16xi32>,
    tpu.vector_store %arg20[%swap3A_553], %add3A_550 {strides = array<i32>} : memref<80xi32, #tpu.memory_space<vmem>>, vector<16xi32>,
    %reduce_sum3A_555 = arith.constant true
    %reduce_sum3A_556 = vector.broadcast %reduce_sum3A_555 : i1 to vector<16xi1>
    %reduce_sum3A_557 = tpu.scan <sum>, %scan3A_471#0 masked %reduce_sum3A_556 : vector<16xi32>, vector<16xi1> -> vector<16xi32>
    %reduce_sum3A_558 = vector.extract %reduce_sum3A_557[15] : i32 from vector<16xi32>
    %add3A_559 = arith.addi %add3A_531, %reduce_sum3A_558 : i32
    %broadcast_in_dim3A_560 = arith.constant true
    %broadcast_in_dim3A_561 = vector.broadcast %broadcast_in_dim3A_560 : i1 to vector<16xi1>
    %masked_cumsum3A_562 = tpu.scan <sum>, %scan3A_477#0 masked %broadcast_in_dim3A_561 : vector<16xi32>, vector<16xi1> -> vector<16xi32>
    %sub3A_563 = arith.subi %masked_cumsum3A_562, %scan3A_477#0 : vector<16xi32>
    %add3A_564 = vector.broadcast %add3A_559 : i32 to vector<16xi32>
    %add3A_565 = arith.addi %sub3A_563, %add3A_564 : vector<16xi32>
    %add3A_566 = arith.addi %add3A_565, %scan3A_477#1 : vector<16xi32>
    %swap3A_567 = arith.constant 48 : index
    %swap3A_568 = tpu.vector_load %arg17[%swap3A_567] {strides = array<i32>} : memref<64xi32, #tpu.memory_space<vmem>>, vector<16xi32>,
    tpu.vector_store %arg17[%swap3A_567], %add3A_566 {strides = array<i32>} : memref<64xi32, #tpu.memory_space<vmem>>, vector<16xi32>,
    %eq3A_569 = arith.constant 1 : i32
    %eq3A_570 = arith.cmpi eq, %arg0, %eq3A_569 : i32
    %sub3A_571 = arith.subi %scan3A_477#0, %scan3A_477#2 : vector<16xi32>
    %select_n3A_572 = arith.select %eq3A_570, %sub3A_571, %scan3A_477#2 : vector<16xi32>
    %eq3A_573 = arith.constant 1 : i32
    %eq3A_574 = arith.cmpi eq, %arg0, %eq3A_573 : i32
    %jit3A_575 = arith.constant 0 : i32
    %broadcast_in_dim3A_576 = vector.broadcast %jit3A_575 : i32 to vector<16xi32>
    %select_n3A_577 = arith.select %eq3A_574, %scan3A_477#2, %broadcast_in_dim3A_576 : vector<16xi32>
    %add3A_578 = arith.addi %add3A_565, %select_n3A_577 : vector<16xi32>
    %swap3A_579 = arith.constant 48 : index
    %swap3A_580 = tpu.vector_load %arg19[%swap3A_579] {strides = array<i32>} : memref<80xi32, #tpu.memory_space<vmem>>, vector<16xi32>,
    tpu.vector_store %arg19[%swap3A_579], %select_n3A_572 {strides = array<i32>} : memref<80xi32, #tpu.memory_space<vmem>>, vector<16xi32>,
    %swap3A_581 = arith.constant 48 : index
    %swap3A_582 = tpu.vector_load %arg20[%swap3A_581] {strides = array<i32>} : memref<80xi32, #tpu.memory_space<vmem>>, vector<16xi32>,
    tpu.vector_store %arg20[%swap3A_581], %add3A_578 {strides = array<i32>} : memref<80xi32, #tpu.memory_space<vmem>>, vector<16xi32>,
    %reduce_sum3A_583 = arith.constant true
    %reduce_sum3A_584 = vector.broadcast %reduce_sum3A_583 : i1 to vector<16xi1>
    %reduce_sum3A_585 = tpu.scan <sum>, %scan3A_477#0 masked %reduce_sum3A_584 : vector<16xi32>, vector<16xi1> -> vector<16xi32>
    %reduce_sum3A_586 = vector.extract %reduce_sum3A_585[15] : i32 from vector<16xi32>
    %add3A_587 = arith.addi %add3A_559, %reduce_sum3A_586 : i32
    %eq3A_588 = arith.constant 0 : i32
    %eq3A_589 = vector.broadcast %eq3A_588 : i32 to vector<16xi32>
    %eq3A_590 = arith.cmpi eq, %iota3A, %eq3A_589 : vector<16xi32>
    %scan3A_591 = arith.constant 0 : i32
    %scan3A_592 = arith.constant 0 : i32
    %scan3A_593 = arith.constant 64 : i32
    %scan3A_594 = arith.addi %scan3A_592, %scan3A_593 : i32
    %scan3A_595 = arith.constant 1 : i32
    %scan3A_596 = scf.for %scan3A_623 = %scan3A_592 to %scan3A_594 step %scan3A_595 iter_args(%scan3A_624 = %scan3A_591) -> (i32)  : i32 {
      %broadcast_in_dim3A_625 = vector.broadcast %scan3A_623 : i32 to vector<16xi32>
      %gather3A = tpu.vector_load_idx %arg20[%broadcast_in_dim3A_625] : memref<80xi32, #tpu.memory_space<vmem>>[vector<16xi32>], vector<16xi32>,
      %slice3A = vector.extract_strided_slice %gather3A {offsets = [0], sizes = [1], strides = [1]} : vector<16xi32> to vector<1xi32>
      %squeeze3A = vector.extract %slice3A[0] : i32 from vector<1xi32>
      %gather3A_626 = tpu.vector_load_idx %arg19[%broadcast_in_dim3A_625] : memref<80xi32, #tpu.memory_space<vmem>>[vector<16xi32>], vector<16xi32>,
      %slice3A_627 = vector.extract_strided_slice %gather3A_626 {offsets = [0], sizes = [1], strides = [1]} : vector<16xi32> to vector<1xi32>
      %squeeze3A_628 = vector.extract %slice3A_627[0] : i32 from vector<1xi32>
      %sub3A_629 = arith.subi %squeeze3A, %scan3A_624 : i32
      %and3A = arith.constant 15 : i32
      %and3A_630 = arith.andi %sub3A_629, %and3A : i32
      %add3A_631 = arith.addi %scan3A_624, %and3A_630 : i32
      %broadcast_in_dim3A_632 = vector.broadcast %add3A_631 : i32 to vector<16xi32>
      tpu.vector_store_idx %arg21[%broadcast_in_dim3A_625], %broadcast_in_dim3A_632 masked %eq3A_590 : memref<80xi32, #tpu.memory_space<vmem>>[vector<16xi32>], vector<16xi32>, vector<16xi1>
      %sub3A_633 = arith.subi %add3A_631, %squeeze3A : i32
      %broadcast_in_dim3A_634 = vector.broadcast %sub3A_633 : i32 to vector<16xi32>
      tpu.vector_store_idx %arg22[%broadcast_in_dim3A_625], %broadcast_in_dim3A_634 masked %eq3A_590 : memref<80xi32, #tpu.memory_space<vmem>>[vector<16xi32>], vector<16xi32>, vector<16xi1>
      %add3A_635 = arith.addi %add3A_631, %squeeze3A_628 : i32
      scf.yield %add3A_635 : i32
    }
    %scan3A_597 = arith.constant 64 : i32
    %eq3A_598 = arith.constant 0 : i32
    %eq3A_599 = arith.cmpi eq, %add3A, %eq3A_598 : i32
    %convert_element_type3A_600 = arith.extui %eq3A_599 : i1 to i32
    %cond3A_601 = arith.constant 0 : i32
    %cond3A_602 = arith.cmpi ne, %convert_element_type3A_600, %cond3A_601 : i32
    scf.if %cond3A_602 {
      %swap3A_623 = arith.constant 0 : index
      %swap3A_624 = tpu.vector_load %arg18[%swap3A_623] {strides = array<i32>} : memref<64xi32, #tpu.memory_space<vmem>>, vector<16xi32>,
      tpu.vector_store %arg18[%swap3A_623], %scan3A_459#0 {strides = array<i32>} : memref<64xi32, #tpu.memory_space<vmem>>, vector<16xi32>,
      %swap3A_625 = arith.constant 16 : index
      %swap3A_626 = tpu.vector_load %arg18[%swap3A_625] {strides = array<i32>} : memref<64xi32, #tpu.memory_space<vmem>>, vector<16xi32>,
      tpu.vector_store %arg18[%swap3A_625], %scan3A_465#0 {strides = array<i32>} : memref<64xi32, #tpu.memory_space<vmem>>, vector<16xi32>,
      %swap3A_627 = arith.constant 32 : index
      %swap3A_628 = tpu.vector_load %arg18[%swap3A_627] {strides = array<i32>} : memref<64xi32, #tpu.memory_space<vmem>>, vector<16xi32>,
      tpu.vector_store %arg18[%swap3A_627], %scan3A_471#0 {strides = array<i32>} : memref<64xi32, #tpu.memory_space<vmem>>, vector<16xi32>,
      %swap3A_629 = arith.constant 48 : index
      %swap3A_630 = tpu.vector_load %arg18[%swap3A_629] {strides = array<i32>} : memref<64xi32, #tpu.memory_space<vmem>>, vector<16xi32>,
      tpu.vector_store %arg18[%swap3A_629], %scan3A_477#0 {strides = array<i32>} : memref<64xi32, #tpu.memory_space<vmem>>, vector<16xi32>,
      "tpu.region"() ({
        %run_scoped3A = tpu.sem_alloc : memref<!tpu.dma_semaphore, #tpu.memory_space<semaphore_mem>>
        tpu.enqueue_dma source(%arg18 : memref<64xi32, #tpu.memory_space<vmem>>) target(%arg9 : memref<64xi32, #tpu.memory_space<hbm>>) target_semaphore(%run_scoped3A : memref<!tpu.dma_semaphore, #tpu.memory_space<semaphore_mem>>)
        tpu.wait_dma2 semaphore(%run_scoped3A : memref<!tpu.dma_semaphore, #tpu.memory_space<semaphore_mem>>) src(%arg18 : memref<64xi32, #tpu.memory_space<vmem>>) dst(%arg9 : memref<64xi32, #tpu.memory_space<hbm>>)
        tpu.yield
      }) : () -> ()
    } else {
    }
    %scan3A_603 = arith.constant 0 : i32
    %scan3A_604 = arith.constant 0 : i32
    %scan3A_605 = arith.constant 25 : i32
    %scan3A_606 = arith.addi %scan3A_604, %scan3A_605 : i32
    %scan3A_607 = arith.constant 1 : i32
    scf.for %scan3A_623 = %scan3A_604 to %scan3A_606 step %scan3A_607  : i32 {
      %mul3A_624 = arith.constant 50000 : i32
      %mul3A_625 = arith.muli %add3A, %mul3A_624 : i32
      %mul3A_626 = arith.constant 2000 : i32
      %mul3A_627 = arith.muli %scan3A_623, %mul3A_626 : i32
      %add3A_628 = arith.addi %mul3A_625, %mul3A_627 : i32
      %dma_start3A_629 = tpu.memref_slice %arg2[%add3A_628] : memref<1600000xi32, #tpu.memory_space<hbm>> -> memref<2000xi32, #tpu.memory_space<hbm>>
      %dma_start3A_630 = tpu.memref_slice %arg2[%add3A_628] : memref<1600000xi32, #tpu.memory_space<hbm>> -> memref<2000xi32, #tpu.memory_space<hbm>>
      tpu.enqueue_dma source(%dma_start3A_630 : memref<2000xi32, #tpu.memory_space<hbm>>) target(%arg27 : memref<2000xi32, #tpu.memory_space<vmem>>) target_semaphore(%arg36 : memref<!tpu.dma_semaphore, #tpu.memory_space<semaphore_mem>>)
      %dma_start3A_631 = tpu.memref_slice %arg3[%add3A_628] : memref<1600000xi32, #tpu.memory_space<hbm>> -> memref<2000xi32, #tpu.memory_space<hbm>>
      %dma_start3A_632 = tpu.memref_slice %arg3[%add3A_628] : memref<1600000xi32, #tpu.memory_space<hbm>> -> memref<2000xi32, #tpu.memory_space<hbm>>
      tpu.enqueue_dma source(%dma_start3A_632 : memref<2000xi32, #tpu.memory_space<hbm>>) target(%arg28 : memref<2000xi32, #tpu.memory_space<vmem>>) target_semaphore(%arg36 : memref<!tpu.dma_semaphore, #tpu.memory_space<semaphore_mem>>)
      %dma_start3A_633 = tpu.memref_slice %arg4[%add3A_628] : memref<1600000xi32, #tpu.memory_space<hbm>> -> memref<2000xi32, #tpu.memory_space<hbm>>
      %dma_start3A_634 = tpu.memref_slice %arg4[%add3A_628] : memref<1600000xi32, #tpu.memory_space<hbm>> -> memref<2000xi32, #tpu.memory_space<hbm>>
      tpu.enqueue_dma source(%dma_start3A_634 : memref<2000xi32, #tpu.memory_space<hbm>>) target(%arg29 : memref<2000xi32, #tpu.memory_space<vmem>>) target_semaphore(%arg36 : memref<!tpu.dma_semaphore, #tpu.memory_space<semaphore_mem>>)
      %dma_wait3A_635 = tpu.memref_slice %arg2[%add3A_628] : memref<1600000xi32, #tpu.memory_space<hbm>> -> memref<2000xi32, #tpu.memory_space<hbm>>
      %dma_wait3A_636 = tpu.memref_slice %arg2[%add3A_628] : memref<1600000xi32, #tpu.memory_space<hbm>> -> memref<2000xi32, #tpu.memory_space<hbm>>
      tpu.wait_dma2 semaphore(%arg36 : memref<!tpu.dma_semaphore, #tpu.memory_space<semaphore_mem>>) src(%dma_wait3A_636 : memref<2000xi32, #tpu.memory_space<hbm>>) dst(%arg27 : memref<2000xi32, #tpu.memory_space<vmem>>)
      %dma_wait3A_637 = tpu.memref_slice %arg3[%add3A_628] : memref<1600000xi32, #tpu.memory_space<hbm>> -> memref<2000xi32, #tpu.memory_space<hbm>>
      %dma_wait3A_638 = tpu.memref_slice %arg3[%add3A_628] : memref<1600000xi32, #tpu.memory_space<hbm>> -> memref<2000xi32, #tpu.memory_space<hbm>>
      tpu.wait_dma2 semaphore(%arg36 : memref<!tpu.dma_semaphore, #tpu.memory_space<semaphore_mem>>) src(%dma_wait3A_638 : memref<2000xi32, #tpu.memory_space<hbm>>) dst(%arg28 : memref<2000xi32, #tpu.memory_space<vmem>>)
      %dma_wait3A_639 = tpu.memref_slice %arg4[%add3A_628] : memref<1600000xi32, #tpu.memory_space<hbm>> -> memref<2000xi32, #tpu.memory_space<hbm>>
      %dma_wait3A_640 = tpu.memref_slice %arg4[%add3A_628] : memref<1600000xi32, #tpu.memory_space<hbm>> -> memref<2000xi32, #tpu.memory_space<hbm>>
      tpu.wait_dma2 semaphore(%arg36 : memref<!tpu.dma_semaphore, #tpu.memory_space<semaphore_mem>>) src(%dma_wait3A_640 : memref<2000xi32, #tpu.memory_space<hbm>>) dst(%arg29 : memref<2000xi32, #tpu.memory_space<vmem>>)
      %dma_start3A_641 = arith.constant 0 : i32
      %dma_start3A_642 = tpu.memref_slice %arg13[%dma_start3A_641] : memref<50000xi32, #tpu.memory_space<vmem_shared>> -> memref<50000xi32, #tpu.memory_space<vmem_shared>>
      tpu.enqueue_indirect_dma source(%dma_start3A_642 : memref<50000xi32, #tpu.memory_space<vmem_shared>>) target(%arg32 : memref<2000xi32, #tpu.memory_space<vmem>>) offsets(%arg27 : memref<2000xi32, #tpu.memory_space<vmem>>) semaphore(%arg36 : memref<!tpu.dma_semaphore, #tpu.memory_space<semaphore_mem>>)
      %dma_start3A_643 = arith.constant 0 : i32
      %dma_start3A_644 = tpu.memref_slice %arg14[%dma_start3A_643] : memref<50000xi32, #tpu.memory_space<vmem_shared>> -> memref<50000xi32, #tpu.memory_space<vmem_shared>>
      tpu.enqueue_indirect_dma source(%dma_start3A_644 : memref<50000xi32, #tpu.memory_space<vmem_shared>>) target(%arg33 : memref<2000xi32, #tpu.memory_space<vmem>>) offsets(%arg27 : memref<2000xi32, #tpu.memory_space<vmem>>) semaphore(%arg36 : memref<!tpu.dma_semaphore, #tpu.memory_space<semaphore_mem>>)
      %dma_start3A_645 = arith.constant 0 : i32
      %dma_start3A_646 = tpu.memref_slice %arg14[%dma_start3A_645] : memref<50000xi32, #tpu.memory_space<vmem_shared>> -> memref<50000xi32, #tpu.memory_space<vmem_shared>>
      tpu.enqueue_indirect_dma source(%dma_start3A_646 : memref<50000xi32, #tpu.memory_space<vmem_shared>>) target(%arg34 : memref<2000xi32, #tpu.memory_space<vmem>>) offsets(%arg28 : memref<2000xi32, #tpu.memory_space<vmem>>) semaphore(%arg36 : memref<!tpu.dma_semaphore, #tpu.memory_space<semaphore_mem>>)
      %dma_wait3A_647 = arith.constant 0 : i32
      %dma_wait3A_648 = tpu.memref_slice %arg13[%dma_wait3A_647] : memref<50000xi32, #tpu.memory_space<vmem_shared>> -> memref<50000xi32, #tpu.memory_space<vmem_shared>>
      tpu.wait_indirect_dma semaphore(%arg36 : memref<!tpu.dma_semaphore, #tpu.memory_space<semaphore_mem>>) src(%dma_wait3A_648 : memref<50000xi32, #tpu.memory_space<vmem_shared>>) dst(%arg32 : memref<2000xi32, #tpu.memory_space<vmem>>)
      %dma_wait3A_649 = arith.constant 0 : i32
      %dma_wait3A_650 = tpu.memref_slice %arg14[%dma_wait3A_649] : memref<50000xi32, #tpu.memory_space<vmem_shared>> -> memref<50000xi32, #tpu.memory_space<vmem_shared>>
      tpu.wait_indirect_dma semaphore(%arg36 : memref<!tpu.dma_semaphore, #tpu.memory_space<semaphore_mem>>) src(%dma_wait3A_650 : memref<50000xi32, #tpu.memory_space<vmem_shared>>) dst(%arg33 : memref<2000xi32, #tpu.memory_space<vmem>>)
      %dma_wait3A_651 = arith.constant 0 : i32
      %dma_wait3A_652 = tpu.memref_slice %arg14[%dma_wait3A_651] : memref<50000xi32, #tpu.memory_space<vmem_shared>> -> memref<50000xi32, #tpu.memory_space<vmem_shared>>
      tpu.wait_indirect_dma semaphore(%arg36 : memref<!tpu.dma_semaphore, #tpu.memory_space<semaphore_mem>>) src(%dma_wait3A_652 : memref<50000xi32, #tpu.memory_space<vmem_shared>>) dst(%arg34 : memref<2000xi32, #tpu.memory_space<vmem>>)
      %gt3A = arith.constant 0 : i32
      %gt3A_653 = arith.cmpi sgt, %scan3A_623, %gt3A : i32
      %convert_element_type3A_654 = arith.extui %gt3A_653 : i1 to i32
      %cond3A_655 = arith.constant 0 : i32
      %cond3A_656 = arith.cmpi ne, %convert_element_type3A_654, %cond3A_655 : i32
      scf.if %cond3A_656 {
        %dma_wait3A_1063 = arith.constant 0 : i32
        %dma_wait3A_1064 = tpu.memref_slice %arg7[%dma_wait3A_1063] : memref<1600016xi32, #tpu.memory_space<hbm>> -> memref<2000xi32, #tpu.memory_space<hbm>>
        %dma_wait3A_1065 = arith.constant 0 : i32
        %dma_wait3A_1066 = tpu.memref_slice %arg7[%dma_wait3A_1065] : memref<1600016xi32, #tpu.memory_space<hbm>> -> memref<2000xi32, #tpu.memory_space<hbm>>
        tpu.wait_dma2 semaphore(%arg37 : memref<!tpu.dma_semaphore, #tpu.memory_space<semaphore_mem>>) src(%dma_wait3A_1066 : memref<2000xi32, #tpu.memory_space<hbm>>) dst(%arg30 : memref<2000xi32, #tpu.memory_space<vmem>>)
        %dma_wait3A_1067 = arith.constant 0 : i32
        %dma_wait3A_1068 = tpu.memref_slice %arg8[%dma_wait3A_1067] : memref<1600016xi32, #tpu.memory_space<hbm>> -> memref<2000xi32, #tpu.memory_space<hbm>>
        %dma_wait3A_1069 = arith.constant 0 : i32
        %dma_wait3A_1070 = tpu.memref_slice %arg8[%dma_wait3A_1069] : memref<1600016xi32, #tpu.memory_space<hbm>> -> memref<2000xi32, #tpu.memory_space<hbm>>
        tpu.wait_dma2 semaphore(%arg37 : memref<!tpu.dma_semaphore, #tpu.memory_space<semaphore_mem>>) src(%dma_wait3A_1070 : memref<2000xi32, #tpu.memory_space<hbm>>) dst(%arg31 : memref<2000xi32, #tpu.memory_space<vmem>>)
      } else {
      }
      %scan3A_657 = arith.constant 0 : i32
      %scan3A_658 = arith.constant 0 : i32
      %scan3A_659 = arith.constant 25 : i32
      %scan3A_660 = arith.addi %scan3A_658, %scan3A_659 : i32
      %scan3A_661 = arith.constant 1 : i32
      scf.for %scan3A_1063 = %scan3A_658 to %scan3A_660 step %scan3A_661  : i32 {
        %mul3A_1064 = arith.constant 80 : i32
        %mul3A_1065 = arith.muli %scan3A_1063, %mul3A_1064 : i32
        %add3A_1066 = arith.constant 0 : i32
        %add3A_1067 = arith.addi %mul3A_1065, %add3A_1066 : i32
        %get3A_1068 = arith.index_cast %add3A_1067 : i32 to index
        %get3A_1069 = tpu.vector_load %arg27[%get3A_1068] {strides = array<i32>} : memref<2000xi32, #tpu.memory_space<vmem>>, vector<16xi32>,
        %get3A_1070 = arith.index_cast %add3A_1067 : i32 to index
        %get3A_1071 = tpu.vector_load %arg28[%get3A_1070] {strides = array<i32>} : memref<2000xi32, #tpu.memory_space<vmem>>, vector<16xi32>,
        %get3A_1072 = arith.index_cast %add3A_1067 : i32 to index
        %get3A_1073 = tpu.vector_load %arg29[%get3A_1072] {strides = array<i32>} : memref<2000xi32, #tpu.memory_space<vmem>>, vector<16xi32>,
        %get3A_1074 = arith.index_cast %add3A_1067 : i32 to index
        %get3A_1075 = tpu.vector_load %arg32[%get3A_1074] {strides = array<i32>} : memref<2000xi32, #tpu.memory_space<vmem>>, vector<16xi32>,
        %broadcast_in_dim3A_1076 = arith.constant true
        %broadcast_in_dim3A_1077 = vector.broadcast %broadcast_in_dim3A_1076 : i1 to vector<16xi1>
        %unique3A, %unique3A_1078 = tpu.scan_count mask(%broadcast_in_dim3A_1077 : vector<16xi1>) value(%get3A_1075 : vector<16xi32>) : vector<16xi1>, vector<16xi32>
        %gather3A = tpu.vector_load_idx %arg17[%get3A_1075] : memref<64xi32, #tpu.memory_space<vmem>>[vector<16xi32>], vector<16xi32>,
        %add3A_1079 = arith.addi %gather3A, %unique3A_1078 : vector<16xi32>
        %sub3A_1080 = arith.constant 1 : i32
        %sub3A_1081 = vector.broadcast %sub3A_1080 : i32 to vector<16xi32>
        %sub3A_1082 = arith.subi %add3A_1079, %sub3A_1081 : vector<16xi32>
        %add3A_1083 = arith.constant 1 : i32
        %add3A_1084 = vector.broadcast %add3A_1083 : i32 to vector<16xi32>
        %add3A_1085 = arith.addi %sub3A_1082, %add3A_1084 : vector<16xi32>
        tpu.vector_store_idx %arg17[%get3A_1075], %add3A_1085 masked %unique3A : memref<64xi32, #tpu.memory_space<vmem>>[vector<16xi32>], vector<16xi32>, vector<16xi1>
        %gather3A_1086 = tpu.vector_load_idx %arg22[%get3A_1075] : memref<80xi32, #tpu.memory_space<vmem>>[vector<16xi32>], vector<16xi32>,
        %add3A_1087 = arith.addi %sub3A_1082, %gather3A_1086 : vector<16xi32>
        %swap3A_1088 = arith.index_cast %scan3A_1063 : i32 to index
        %swap3A_1089 = arith.constant 0 : index
        %swap3A_1090 = tpu.vector_load %arg35[%swap3A_1088, %swap3A_1089] {strides = array<i32>} : memref<25x80xi32, #tpu.memory_space<vmem>>, vector<16xi32>,
        tpu.vector_store %arg35[%swap3A_1088, %swap3A_1089], %add3A_1087 {strides = array<i32>} : memref<25x80xi32, #tpu.memory_space<vmem>>, vector<16xi32>,
        %get3A_1091 = arith.index_cast %add3A_1067 : i32 to index
        %get3A_1092 = tpu.vector_load %arg33[%get3A_1091] {strides = array<i32>} : memref<2000xi32, #tpu.memory_space<vmem>>, vector<16xi32>,
        %get3A_1093 = arith.index_cast %add3A_1067 : i32 to index
        %get3A_1094 = tpu.vector_load %arg34[%get3A_1093] {strides = array<i32>} : memref<2000xi32, #tpu.memory_space<vmem>>, vector<16xi32>,
        %sub3A_1095 = arith.subi %get3A_1092, %get3A_1094 : vector<16xi32>
        %abs3A = math.absi %sub3A_1095 : vector<16xi32>
        %min3A = arith.constant 10 : i32
        %min3A_1096 = vector.broadcast %min3A : i32 to vector<16xi32>
        %min3A_1097 = arith.minsi %abs3A, %min3A_1096 : vector<16xi32>
        %and3A = arith.constant 32767 : i32
        %and3A_1098 = vector.broadcast %and3A : i32 to vector<16xi32>
        %and3A_1099 = arith.andi %get3A_1071, %and3A_1098 : vector<16xi32>
        %shift_left3A = arith.constant 17 : i32
        %shift_left3A_1100 = vector.broadcast %shift_left3A : i32 to vector<16xi32>
        %shift_left3A_1101 = arith.shli %and3A_1099, %shift_left3A_1100 : vector<16xi32>
        %or3A = arith.ori %get3A_1069, %shift_left3A_1101 : vector<16xi32>
        %swap3A_1102 = arith.index_cast %add3A_1067 : i32 to index
        %swap3A_1103 = tpu.vector_load %arg30[%swap3A_1102] {strides = array<i32>} : memref<2000xi32, #tpu.memory_space<vmem>>, vector<16xi32>,
        tpu.vector_store %arg30[%swap3A_1102], %or3A {strides = array<i32>} : memref<2000xi32, #tpu.memory_space<vmem>>, vector<16xi32>,
        %shift_right_logical3A = arith.constant 15 : i32
        %shift_right_logical3A_1104 = vector.broadcast %shift_right_logical3A : i32 to vector<16xi32>
        %shift_right_logical3A_1105 = arith.shrui %get3A_1071, %shift_right_logical3A_1104 : vector<16xi32>
        %shift_left3A_1106 = arith.constant 2 : i32
        %shift_left3A_1107 = vector.broadcast %shift_left3A_1106 : i32 to vector<16xi32>
        %shift_left3A_1108 = arith.shli %get3A_1073, %shift_left3A_1107 : vector<16xi32>
        %or3A_1109 = arith.ori %shift_right_logical3A_1105, %shift_left3A_1108 : vector<16xi32>
        %shift_left3A_1110 = arith.constant 5 : i32
        %shift_left3A_1111 = vector.broadcast %shift_left3A_1110 : i32 to vector<16xi32>
        %shift_left3A_1112 = arith.shli %min3A_1097, %shift_left3A_1111 : vector<16xi32>
        %or3A_1113 = arith.ori %or3A_1109, %shift_left3A_1112 : vector<16xi32>
        %shift_left3A_1114 = arith.constant 9 : i32
        %shift_left3A_1115 = vector.broadcast %shift_left3A_1114 : i32 to vector<16xi32>
        %shift_left3A_1116 = arith.shli %get3A_1075, %shift_left3A_1115 : vector<16xi32>
        %or3A_1117 = arith.ori %or3A_1113, %shift_left3A_1116 : vector<16xi32>
        %swap3A_1118 = arith.index_cast %add3A_1067 : i32 to index
        %swap3A_1119 = tpu.vector_load %arg31[%swap3A_1118] {strides = array<i32>} : memref<2000xi32, #tpu.memory_space<vmem>>, vector<16xi32>,
        tpu.vector_store %arg31[%swap3A_1118], %or3A_1117 {strides = array<i32>} : memref<2000xi32, #tpu.memory_space<vmem>>, vector<16xi32>,
        %mul3A_1120 = arith.constant 80 : i32
        %mul3A_1121 = arith.muli %scan3A_1063, %mul3A_1120 : i32
        %add3A_1122 = arith.constant 16 : i32
        %add3A_1123 = arith.addi %mul3A_1121, %add3A_1122 : i32
        %get3A_1124 = arith.index_cast %add3A_1123 : i32 to index
        %get3A_1125 = tpu.vector_load %arg27[%get3A_1124] {strides = array<i32>} : memref<2000xi32, #tpu.memory_space<vmem>>, vector<16xi32>,
        %get3A_1126 = arith.index_cast %add3A_1123 : i32 to index
        %get3A_1127 = tpu.vector_load %arg28[%get3A_1126] {strides = array<i32>} : memref<2000xi32, #tpu.memory_space<vmem>>, vector<16xi32>,
        %get3A_1128 = arith.index_cast %add3A_1123 : i32 to index
        %get3A_1129 = tpu.vector_load %arg29[%get3A_1128] {strides = array<i32>} : memref<2000xi32, #tpu.memory_space<vmem>>, vector<16xi32>,
        %get3A_1130 = arith.index_cast %add3A_1123 : i32 to index
        %get3A_1131 = tpu.vector_load %arg32[%get3A_1130] {strides = array<i32>} : memref<2000xi32, #tpu.memory_space<vmem>>, vector<16xi32>,
        %broadcast_in_dim3A_1132 = arith.constant true
        %broadcast_in_dim3A_1133 = vector.broadcast %broadcast_in_dim3A_1132 : i1 to vector<16xi1>
        %unique3A_1134, %unique3A_1135 = tpu.scan_count mask(%broadcast_in_dim3A_1133 : vector<16xi1>) value(%get3A_1131 : vector<16xi32>) : vector<16xi1>, vector<16xi32>
        %gather3A_1136 = tpu.vector_load_idx %arg17[%get3A_1131] : memref<64xi32, #tpu.memory_space<vmem>>[vector<16xi32>], vector<16xi32>,
        %add3A_1137 = arith.addi %gather3A_1136, %unique3A_1135 : vector<16xi32>
        %sub3A_1138 = arith.constant 1 : i32
        %sub3A_1139 = vector.broadcast %sub3A_1138 : i32 to vector<16xi32>
        %sub3A_1140 = arith.subi %add3A_1137, %sub3A_1139 : vector<16xi32>
        %add3A_1141 = arith.constant 1 : i32
        %add3A_1142 = vector.broadcast %add3A_1141 : i32 to vector<16xi32>
        %add3A_1143 = arith.addi %sub3A_1140, %add3A_1142 : vector<16xi32>
        tpu.vector_store_idx %arg17[%get3A_1131], %add3A_1143 masked %unique3A_1134 : memref<64xi32, #tpu.memory_space<vmem>>[vector<16xi32>], vector<16xi32>, vector<16xi1>
        %gather3A_1144 = tpu.vector_load_idx %arg22[%get3A_1131] : memref<80xi32, #tpu.memory_space<vmem>>[vector<16xi32>], vector<16xi32>,
        %add3A_1145 = arith.addi %sub3A_1140, %gather3A_1144 : vector<16xi32>
        %swap3A_1146 = arith.index_cast %scan3A_1063 : i32 to index
        %swap3A_1147 = arith.constant 16 : index
        %swap3A_1148 = tpu.vector_load %arg35[%swap3A_1146, %swap3A_1147] {strides = array<i32>} : memref<25x80xi32, #tpu.memory_space<vmem>>, vector<16xi32>,
        tpu.vector_store %arg35[%swap3A_1146, %swap3A_1147], %add3A_1145 {strides = array<i32>} : memref<25x80xi32, #tpu.memory_space<vmem>>, vector<16xi32>,
        %get3A_1149 = arith.index_cast %add3A_1123 : i32 to index
        %get3A_1150 = tpu.vector_load %arg33[%get3A_1149] {strides = array<i32>} : memref<2000xi32, #tpu.memory_space<vmem>>, vector<16xi32>,
        %get3A_1151 = arith.index_cast %add3A_1123 : i32 to index
        %get3A_1152 = tpu.vector_load %arg34[%get3A_1151] {strides = array<i32>} : memref<2000xi32, #tpu.memory_space<vmem>>, vector<16xi32>,
        %sub3A_1153 = arith.subi %get3A_1150, %get3A_1152 : vector<16xi32>
        %abs3A_1154 = math.absi %sub3A_1153 : vector<16xi32>
        %min3A_1155 = arith.constant 10 : i32
        %min3A_1156 = vector.broadcast %min3A_1155 : i32 to vector<16xi32>
        %min3A_1157 = arith.minsi %abs3A_1154, %min3A_1156 : vector<16xi32>
        %and3A_1158 = arith.constant 32767 : i32
        %and3A_1159 = vector.broadcast %and3A_1158 : i32 to vector<16xi32>
        %and3A_1160 = arith.andi %get3A_1127, %and3A_1159 : vector<16xi32>
        %shift_left3A_1161 = arith.constant 17 : i32
        %shift_left3A_1162 = vector.broadcast %shift_left3A_1161 : i32 to vector<16xi32>
        %shift_left3A_1163 = arith.shli %and3A_1160, %shift_left3A_1162 : vector<16xi32>
        %or3A_1164 = arith.ori %get3A_1125, %shift_left3A_1163 : vector<16xi32>
        %swap3A_1165 = arith.index_cast %add3A_1123 : i32 to index
        %swap3A_1166 = tpu.vector_load %arg30[%swap3A_1165] {strides = array<i32>} : memref<2000xi32, #tpu.memory_space<vmem>>, vector<16xi32>,
        tpu.vector_store %arg30[%swap3A_1165], %or3A_1164 {strides = array<i32>} : memref<2000xi32, #tpu.memory_space<vmem>>, vector<16xi32>,
        %shift_right_logical3A_1167 = arith.constant 15 : i32
        %shift_right_logical3A_1168 = vector.broadcast %shift_right_logical3A_1167 : i32 to vector<16xi32>
        %shift_right_logical3A_1169 = arith.shrui %get3A_1127, %shift_right_logical3A_1168 : vector<16xi32>
        %shift_left3A_1170 = arith.constant 2 : i32
        %shift_left3A_1171 = vector.broadcast %shift_left3A_1170 : i32 to vector<16xi32>
        %shift_left3A_1172 = arith.shli %get3A_1129, %shift_left3A_1171 : vector<16xi32>
        %or3A_1173 = arith.ori %shift_right_logical3A_1169, %shift_left3A_1172 : vector<16xi32>
        %shift_left3A_1174 = arith.constant 5 : i32
        %shift_left3A_1175 = vector.broadcast %shift_left3A_1174 : i32 to vector<16xi32>
        %shift_left3A_1176 = arith.shli %min3A_1157, %shift_left3A_1175 : vector<16xi32>
        %or3A_1177 = arith.ori %or3A_1173, %shift_left3A_1176 : vector<16xi32>
        %shift_left3A_1178 = arith.constant 9 : i32
        %shift_left3A_1179 = vector.broadcast %shift_left3A_1178 : i32 to vector<16xi32>
        %shift_left3A_1180 = arith.shli %get3A_1131, %shift_left3A_1179 : vector<16xi32>
        %or3A_1181 = arith.ori %or3A_1177, %shift_left3A_1180 : vector<16xi32>
        %swap3A_1182 = arith.index_cast %add3A_1123 : i32 to index
        %swap3A_1183 = tpu.vector_load %arg31[%swap3A_1182] {strides = array<i32>} : memref<2000xi32, #tpu.memory_space<vmem>>, vector<16xi32>,
        tpu.vector_store %arg31[%swap3A_1182], %or3A_1181 {strides = array<i32>} : memref<2000xi32, #tpu.memory_space<vmem>>, vector<16xi32>,
        %mul3A_1184 = arith.constant 80 : i32
        %mul3A_1185 = arith.muli %scan3A_1063, %mul3A_1184 : i32
        %add3A_1186 = arith.constant 32 : i32
        %add3A_1187 = arith.addi %mul3A_1185, %add3A_1186 : i32
        %get3A_1188 = arith.index_cast %add3A_1187 : i32 to index
        %get3A_1189 = tpu.vector_load %arg27[%get3A_1188] {strides = array<i32>} : memref<2000xi32, #tpu.memory_space<vmem>>, vector<16xi32>,
        %get3A_1190 = arith.index_cast %add3A_1187 : i32 to index
        %get3A_1191 = tpu.vector_load %arg28[%get3A_1190] {strides = array<i32>} : memref<2000xi32, #tpu.memory_space<vmem>>, vector<16xi32>,
        %get3A_1192 = arith.index_cast %add3A_1187 : i32 to index
        %get3A_1193 = tpu.vector_load %arg29[%get3A_1192] {strides = array<i32>} : memref<2000xi32, #tpu.memory_space<vmem>>, vector<16xi32>,
        %get3A_1194 = arith.index_cast %add3A_1187 : i32 to index
        %get3A_1195 = tpu.vector_load %arg32[%get3A_1194] {strides = array<i32>} : memref<2000xi32, #tpu.memory_space<vmem>>, vector<16xi32>,
        %broadcast_in_dim3A_1196 = arith.constant true
        %broadcast_in_dim3A_1197 = vector.broadcast %broadcast_in_dim3A_1196 : i1 to vector<16xi1>
        %unique3A_1198, %unique3A_1199 = tpu.scan_count mask(%broadcast_in_dim3A_1197 : vector<16xi1>) value(%get3A_1195 : vector<16xi32>) : vector<16xi1>, vector<16xi32>
        %gather3A_1200 = tpu.vector_load_idx %arg17[%get3A_1195] : memref<64xi32, #tpu.memory_space<vmem>>[vector<16xi32>], vector<16xi32>,
        %add3A_1201 = arith.addi %gather3A_1200, %unique3A_1199 : vector<16xi32>
        %sub3A_1202 = arith.constant 1 : i32
        %sub3A_1203 = vector.broadcast %sub3A_1202 : i32 to vector<16xi32>
        %sub3A_1204 = arith.subi %add3A_1201, %sub3A_1203 : vector<16xi32>
        %add3A_1205 = arith.constant 1 : i32
        %add3A_1206 = vector.broadcast %add3A_1205 : i32 to vector<16xi32>
        %add3A_1207 = arith.addi %sub3A_1204, %add3A_1206 : vector<16xi32>
        tpu.vector_store_idx %arg17[%get3A_1195], %add3A_1207 masked %unique3A_1198 : memref<64xi32, #tpu.memory_space<vmem>>[vector<16xi32>], vector<16xi32>, vector<16xi1>
        %gather3A_1208 = tpu.vector_load_idx %arg22[%get3A_1195] : memref<80xi32, #tpu.memory_space<vmem>>[vector<16xi32>], vector<16xi32>,
        %add3A_1209 = arith.addi %sub3A_1204, %gather3A_1208 : vector<16xi32>
        %swap3A_1210 = arith.index_cast %scan3A_1063 : i32 to index
        %swap3A_1211 = arith.constant 32 : index
        %swap3A_1212 = tpu.vector_load %arg35[%swap3A_1210, %swap3A_1211] {strides = array<i32>} : memref<25x80xi32, #tpu.memory_space<vmem>>, vector<16xi32>,
        tpu.vector_store %arg35[%swap3A_1210, %swap3A_1211], %add3A_1209 {strides = array<i32>} : memref<25x80xi32, #tpu.memory_space<vmem>>, vector<16xi32>,
        %get3A_1213 = arith.index_cast %add3A_1187 : i32 to index
        %get3A_1214 = tpu.vector_load %arg33[%get3A_1213] {strides = array<i32>} : memref<2000xi32, #tpu.memory_space<vmem>>, vector<16xi32>,
        %get3A_1215 = arith.index_cast %add3A_1187 : i32 to index
        %get3A_1216 = tpu.vector_load %arg34[%get3A_1215] {strides = array<i32>} : memref<2000xi32, #tpu.memory_space<vmem>>, vector<16xi32>,
        %sub3A_1217 = arith.subi %get3A_1214, %get3A_1216 : vector<16xi32>
        %abs3A_1218 = math.absi %sub3A_1217 : vector<16xi32>
        %min3A_1219 = arith.constant 10 : i32
        %min3A_1220 = vector.broadcast %min3A_1219 : i32 to vector<16xi32>
        %min3A_1221 = arith.minsi %abs3A_1218, %min3A_1220 : vector<16xi32>
        %and3A_1222 = arith.constant 32767 : i32
        %and3A_1223 = vector.broadcast %and3A_1222 : i32 to vector<16xi32>
        %and3A_1224 = arith.andi %get3A_1191, %and3A_1223 : vector<16xi32>
        %shift_left3A_1225 = arith.constant 17 : i32
        %shift_left3A_1226 = vector.broadcast %shift_left3A_1225 : i32 to vector<16xi32>
        %shift_left3A_1227 = arith.shli %and3A_1224, %shift_left3A_1226 : vector<16xi32>
        %or3A_1228 = arith.ori %get3A_1189, %shift_left3A_1227 : vector<16xi32>
        %swap3A_1229 = arith.index_cast %add3A_1187 : i32 to index
        %swap3A_1230 = tpu.vector_load %arg30[%swap3A_1229] {strides = array<i32>} : memref<2000xi32, #tpu.memory_space<vmem>>, vector<16xi32>,
        tpu.vector_store %arg30[%swap3A_1229], %or3A_1228 {strides = array<i32>} : memref<2000xi32, #tpu.memory_space<vmem>>, vector<16xi32>,
        %shift_right_logical3A_1231 = arith.constant 15 : i32
        %shift_right_logical3A_1232 = vector.broadcast %shift_right_logical3A_1231 : i32 to vector<16xi32>
        %shift_right_logical3A_1233 = arith.shrui %get3A_1191, %shift_right_logical3A_1232 : vector<16xi32>
        %shift_left3A_1234 = arith.constant 2 : i32
        %shift_left3A_1235 = vector.broadcast %shift_left3A_1234 : i32 to vector<16xi32>
        %shift_left3A_1236 = arith.shli %get3A_1193, %shift_left3A_1235 : vector<16xi32>
        %or3A_1237 = arith.ori %shift_right_logical3A_1233, %shift_left3A_1236 : vector<16xi32>
        %shift_left3A_1238 = arith.constant 5 : i32
        %shift_left3A_1239 = vector.broadcast %shift_left3A_1238 : i32 to vector<16xi32>
        %shift_left3A_1240 = arith.shli %min3A_1221, %shift_left3A_1239 : vector<16xi32>
        %or3A_1241 = arith.ori %or3A_1237, %shift_left3A_1240 : vector<16xi32>
        %shift_left3A_1242 = arith.constant 9 : i32
        %shift_left3A_1243 = vector.broadcast %shift_left3A_1242 : i32 to vector<16xi32>
        %shift_left3A_1244 = arith.shli %get3A_1195, %shift_left3A_1243 : vector<16xi32>
        %or3A_1245 = arith.ori %or3A_1241, %shift_left3A_1244 : vector<16xi32>
        %swap3A_1246 = arith.index_cast %add3A_1187 : i32 to index
        %swap3A_1247 = tpu.vector_load %arg31[%swap3A_1246] {strides = array<i32>} : memref<2000xi32, #tpu.memory_space<vmem>>, vector<16xi32>,
        tpu.vector_store %arg31[%swap3A_1246], %or3A_1245 {strides = array<i32>} : memref<2000xi32, #tpu.memory_space<vmem>>, vector<16xi32>,
        %mul3A_1248 = arith.constant 80 : i32
        %mul3A_1249 = arith.muli %scan3A_1063, %mul3A_1248 : i32
        %add3A_1250 = arith.constant 48 : i32
        %add3A_1251 = arith.addi %mul3A_1249, %add3A_1250 : i32
        %get3A_1252 = arith.index_cast %add3A_1251 : i32 to index
        %get3A_1253 = tpu.vector_load %arg27[%get3A_1252] {strides = array<i32>} : memref<2000xi32, #tpu.memory_space<vmem>>, vector<16xi32>,
        %get3A_1254 = arith.index_cast %add3A_1251 : i32 to index
        %get3A_1255 = tpu.vector_load %arg28[%get3A_1254] {strides = array<i32>} : memref<2000xi32, #tpu.memory_space<vmem>>, vector<16xi32>,
        %get3A_1256 = arith.index_cast %add3A_1251 : i32 to index
        %get3A_1257 = tpu.vector_load %arg29[%get3A_1256] {strides = array<i32>} : memref<2000xi32, #tpu.memory_space<vmem>>, vector<16xi32>,
        %get3A_1258 = arith.index_cast %add3A_1251 : i32 to index
        %get3A_1259 = tpu.vector_load %arg32[%get3A_1258] {strides = array<i32>} : memref<2000xi32, #tpu.memory_space<vmem>>, vector<16xi32>,
        %broadcast_in_dim3A_1260 = arith.constant true
        %broadcast_in_dim3A_1261 = vector.broadcast %broadcast_in_dim3A_1260 : i1 to vector<16xi1>
        %unique3A_1262, %unique3A_1263 = tpu.scan_count mask(%broadcast_in_dim3A_1261 : vector<16xi1>) value(%get3A_1259 : vector<16xi32>) : vector<16xi1>, vector<16xi32>
        %gather3A_1264 = tpu.vector_load_idx %arg17[%get3A_1259] : memref<64xi32, #tpu.memory_space<vmem>>[vector<16xi32>], vector<16xi32>,
        %add3A_1265 = arith.addi %gather3A_1264, %unique3A_1263 : vector<16xi32>
        %sub3A_1266 = arith.constant 1 : i32
        %sub3A_1267 = vector.broadcast %sub3A_1266 : i32 to vector<16xi32>
        %sub3A_1268 = arith.subi %add3A_1265, %sub3A_1267 : vector<16xi32>
        %add3A_1269 = arith.constant 1 : i32
        %add3A_1270 = vector.broadcast %add3A_1269 : i32 to vector<16xi32>
        %add3A_1271 = arith.addi %sub3A_1268, %add3A_1270 : vector<16xi32>
        tpu.vector_store_idx %arg17[%get3A_1259], %add3A_1271 masked %unique3A_1262 : memref<64xi32, #tpu.memory_space<vmem>>[vector<16xi32>], vector<16xi32>, vector<16xi1>
        %gather3A_1272 = tpu.vector_load_idx %arg22[%get3A_1259] : memref<80xi32, #tpu.memory_space<vmem>>[vector<16xi32>], vector<16xi32>,
        %add3A_1273 = arith.addi %sub3A_1268, %gather3A_1272 : vector<16xi32>
        %swap3A_1274 = arith.index_cast %scan3A_1063 : i32 to index
        %swap3A_1275 = arith.constant 48 : index
        %swap3A_1276 = tpu.vector_load %arg35[%swap3A_1274, %swap3A_1275] {strides = array<i32>} : memref<25x80xi32, #tpu.memory_space<vmem>>, vector<16xi32>,
        tpu.vector_store %arg35[%swap3A_1274, %swap3A_1275], %add3A_1273 {strides = array<i32>} : memref<25x80xi32, #tpu.memory_space<vmem>>, vector<16xi32>,
        %get3A_1277 = arith.index_cast %add3A_1251 : i32 to index
        %get3A_1278 = tpu.vector_load %arg33[%get3A_1277] {strides = array<i32>} : memref<2000xi32, #tpu.memory_space<vmem>>, vector<16xi32>,
        %get3A_1279 = arith.index_cast %add3A_1251 : i32 to index
        %get3A_1280 = tpu.vector_load %arg34[%get3A_1279] {strides = array<i32>} : memref<2000xi32, #tpu.memory_space<vmem>>, vector<16xi32>,
        %sub3A_1281 = arith.subi %get3A_1278, %get3A_1280 : vector<16xi32>
        %abs3A_1282 = math.absi %sub3A_1281 : vector<16xi32>
        %min3A_1283 = arith.constant 10 : i32
        %min3A_1284 = vector.broadcast %min3A_1283 : i32 to vector<16xi32>
        %min3A_1285 = arith.minsi %abs3A_1282, %min3A_1284 : vector<16xi32>
        %and3A_1286 = arith.constant 32767 : i32
        %and3A_1287 = vector.broadcast %and3A_1286 : i32 to vector<16xi32>
        %and3A_1288 = arith.andi %get3A_1255, %and3A_1287 : vector<16xi32>
        %shift_left3A_1289 = arith.constant 17 : i32
        %shift_left3A_1290 = vector.broadcast %shift_left3A_1289 : i32 to vector<16xi32>
        %shift_left3A_1291 = arith.shli %and3A_1288, %shift_left3A_1290 : vector<16xi32>
        %or3A_1292 = arith.ori %get3A_1253, %shift_left3A_1291 : vector<16xi32>
        %swap3A_1293 = arith.index_cast %add3A_1251 : i32 to index
        %swap3A_1294 = tpu.vector_load %arg30[%swap3A_1293] {strides = array<i32>} : memref<2000xi32, #tpu.memory_space<vmem>>, vector<16xi32>,
        tpu.vector_store %arg30[%swap3A_1293], %or3A_1292 {strides = array<i32>} : memref<2000xi32, #tpu.memory_space<vmem>>, vector<16xi32>,
        %shift_right_logical3A_1295 = arith.constant 15 : i32
        %shift_right_logical3A_1296 = vector.broadcast %shift_right_logical3A_1295 : i32 to vector<16xi32>
        %shift_right_logical3A_1297 = arith.shrui %get3A_1255, %shift_right_logical3A_1296 : vector<16xi32>
        %shift_left3A_1298 = arith.constant 2 : i32
        %shift_left3A_1299 = vector.broadcast %shift_left3A_1298 : i32 to vector<16xi32>
        %shift_left3A_1300 = arith.shli %get3A_1257, %shift_left3A_1299 : vector<16xi32>
        %or3A_1301 = arith.ori %shift_right_logical3A_1297, %shift_left3A_1300 : vector<16xi32>
        %shift_left3A_1302 = arith.constant 5 : i32
        %shift_left3A_1303 = vector.broadcast %shift_left3A_1302 : i32 to vector<16xi32>
        %shift_left3A_1304 = arith.shli %min3A_1285, %shift_left3A_1303 : vector<16xi32>
        %or3A_1305 = arith.ori %or3A_1301, %shift_left3A_1304 : vector<16xi32>
        %shift_left3A_1306 = arith.constant 9 : i32
        %shift_left3A_1307 = vector.broadcast %shift_left3A_1306 : i32 to vector<16xi32>
        %shift_left3A_1308 = arith.shli %get3A_1259, %shift_left3A_1307 : vector<16xi32>
        %or3A_1309 = arith.ori %or3A_1305, %shift_left3A_1308 : vector<16xi32>
        %swap3A_1310 = arith.index_cast %add3A_1251 : i32 to index
        %swap3A_1311 = tpu.vector_load %arg31[%swap3A_1310] {strides = array<i32>} : memref<2000xi32, #tpu.memory_space<vmem>>, vector<16xi32>,
        tpu.vector_store %arg31[%swap3A_1310], %or3A_1309 {strides = array<i32>} : memref<2000xi32, #tpu.memory_space<vmem>>, vector<16xi32>,
        %mul3A_1312 = arith.constant 80 : i32
        %mul3A_1313 = arith.muli %scan3A_1063, %mul3A_1312 : i32
        %add3A_1314 = arith.constant 64 : i32
        %add3A_1315 = arith.addi %mul3A_1313, %add3A_1314 : i32
        %get3A_1316 = arith.index_cast %add3A_1315 : i32 to index
        %get3A_1317 = tpu.vector_load %arg27[%get3A_1316] {strides = array<i32>} : memref<2000xi32, #tpu.memory_space<vmem>>, vector<16xi32>,
        %get3A_1318 = arith.index_cast %add3A_1315 : i32 to index
        %get3A_1319 = tpu.vector_load %arg28[%get3A_1318] {strides = array<i32>} : memref<2000xi32, #tpu.memory_space<vmem>>, vector<16xi32>,
        %get3A_1320 = arith.index_cast %add3A_1315 : i32 to index
        %get3A_1321 = tpu.vector_load %arg29[%get3A_1320] {strides = array<i32>} : memref<2000xi32, #tpu.memory_space<vmem>>, vector<16xi32>,
        %get3A_1322 = arith.index_cast %add3A_1315 : i32 to index
        %get3A_1323 = tpu.vector_load %arg32[%get3A_1322] {strides = array<i32>} : memref<2000xi32, #tpu.memory_space<vmem>>, vector<16xi32>,
        %broadcast_in_dim3A_1324 = arith.constant true
        %broadcast_in_dim3A_1325 = vector.broadcast %broadcast_in_dim3A_1324 : i1 to vector<16xi1>
        %unique3A_1326, %unique3A_1327 = tpu.scan_count mask(%broadcast_in_dim3A_1325 : vector<16xi1>) value(%get3A_1323 : vector<16xi32>) : vector<16xi1>, vector<16xi32>
        %gather3A_1328 = tpu.vector_load_idx %arg17[%get3A_1323] : memref<64xi32, #tpu.memory_space<vmem>>[vector<16xi32>], vector<16xi32>,
        %add3A_1329 = arith.addi %gather3A_1328, %unique3A_1327 : vector<16xi32>
        %sub3A_1330 = arith.constant 1 : i32
        %sub3A_1331 = vector.broadcast %sub3A_1330 : i32 to vector<16xi32>
        %sub3A_1332 = arith.subi %add3A_1329, %sub3A_1331 : vector<16xi32>
        %add3A_1333 = arith.constant 1 : i32
        %add3A_1334 = vector.broadcast %add3A_1333 : i32 to vector<16xi32>
        %add3A_1335 = arith.addi %sub3A_1332, %add3A_1334 : vector<16xi32>
        tpu.vector_store_idx %arg17[%get3A_1323], %add3A_1335 masked %unique3A_1326 : memref<64xi32, #tpu.memory_space<vmem>>[vector<16xi32>], vector<16xi32>, vector<16xi1>
        %gather3A_1336 = tpu.vector_load_idx %arg22[%get3A_1323] : memref<80xi32, #tpu.memory_space<vmem>>[vector<16xi32>], vector<16xi32>,
        %add3A_1337 = arith.addi %sub3A_1332, %gather3A_1336 : vector<16xi32>
        %swap3A_1338 = arith.index_cast %scan3A_1063 : i32 to index
        %swap3A_1339 = arith.constant 64 : index
        %swap3A_1340 = tpu.vector_load %arg35[%swap3A_1338, %swap3A_1339] {strides = array<i32>} : memref<25x80xi32, #tpu.memory_space<vmem>>, vector<16xi32>,
        tpu.vector_store %arg35[%swap3A_1338, %swap3A_1339], %add3A_1337 {strides = array<i32>} : memref<25x80xi32, #tpu.memory_space<vmem>>, vector<16xi32>,
        %get3A_1341 = arith.index_cast %add3A_1315 : i32 to index
        %get3A_1342 = tpu.vector_load %arg33[%get3A_1341] {strides = array<i32>} : memref<2000xi32, #tpu.memory_space<vmem>>, vector<16xi32>,
        %get3A_1343 = arith.index_cast %add3A_1315 : i32 to index
        %get3A_1344 = tpu.vector_load %arg34[%get3A_1343] {strides = array<i32>} : memref<2000xi32, #tpu.memory_space<vmem>>, vector<16xi32>,
        %sub3A_1345 = arith.subi %get3A_1342, %get3A_1344 : vector<16xi32>
        %abs3A_1346 = math.absi %sub3A_1345 : vector<16xi32>
        %min3A_1347 = arith.constant 10 : i32
        %min3A_1348 = vector.broadcast %min3A_1347 : i32 to vector<16xi32>
        %min3A_1349 = arith.minsi %abs3A_1346, %min3A_1348 : vector<16xi32>
        %and3A_1350 = arith.constant 32767 : i32
        %and3A_1351 = vector.broadcast %and3A_1350 : i32 to vector<16xi32>
        %and3A_1352 = arith.andi %get3A_1319, %and3A_1351 : vector<16xi32>
        %shift_left3A_1353 = arith.constant 17 : i32
        %shift_left3A_1354 = vector.broadcast %shift_left3A_1353 : i32 to vector<16xi32>
        %shift_left3A_1355 = arith.shli %and3A_1352, %shift_left3A_1354 : vector<16xi32>
        %or3A_1356 = arith.ori %get3A_1317, %shift_left3A_1355 : vector<16xi32>
        %swap3A_1357 = arith.index_cast %add3A_1315 : i32 to index
        %swap3A_1358 = tpu.vector_load %arg30[%swap3A_1357] {strides = array<i32>} : memref<2000xi32, #tpu.memory_space<vmem>>, vector<16xi32>,
        tpu.vector_store %arg30[%swap3A_1357], %or3A_1356 {strides = array<i32>} : memref<2000xi32, #tpu.memory_space<vmem>>, vector<16xi32>,
        %shift_right_logical3A_1359 = arith.constant 15 : i32
        %shift_right_logical3A_1360 = vector.broadcast %shift_right_logical3A_1359 : i32 to vector<16xi32>
        %shift_right_logical3A_1361 = arith.shrui %get3A_1319, %shift_right_logical3A_1360 : vector<16xi32>
        %shift_left3A_1362 = arith.constant 2 : i32
        %shift_left3A_1363 = vector.broadcast %shift_left3A_1362 : i32 to vector<16xi32>
        %shift_left3A_1364 = arith.shli %get3A_1321, %shift_left3A_1363 : vector<16xi32>
        %or3A_1365 = arith.ori %shift_right_logical3A_1361, %shift_left3A_1364 : vector<16xi32>
        %shift_left3A_1366 = arith.constant 5 : i32
        %shift_left3A_1367 = vector.broadcast %shift_left3A_1366 : i32 to vector<16xi32>
        %shift_left3A_1368 = arith.shli %min3A_1349, %shift_left3A_1367 : vector<16xi32>
        %or3A_1369 = arith.ori %or3A_1365, %shift_left3A_1368 : vector<16xi32>
        %shift_left3A_1370 = arith.constant 9 : i32
        %shift_left3A_1371 = vector.broadcast %shift_left3A_1370 : i32 to vector<16xi32>
        %shift_left3A_1372 = arith.shli %get3A_1323, %shift_left3A_1371 : vector<16xi32>
        %or3A_1373 = arith.ori %or3A_1369, %shift_left3A_1372 : vector<16xi32>
        %swap3A_1374 = arith.index_cast %add3A_1315 : i32 to index
        %swap3A_1375 = tpu.vector_load %arg31[%swap3A_1374] {strides = array<i32>} : memref<2000xi32, #tpu.memory_space<vmem>>, vector<16xi32>,
        tpu.vector_store %arg31[%swap3A_1374], %or3A_1373 {strides = array<i32>} : memref<2000xi32, #tpu.memory_space<vmem>>, vector<16xi32>,
      }
      %scan3A_662 = arith.constant 25 : i32
      %dma_start3A_663 = arith.constant 0 : i32
      %dma_start3A_664 = arith.constant 0 : i32
      %dma_start3A_665 = tpu.memref_slice %arg30[%dma_start3A_664] : memref<2000xi32, #tpu.memory_space<vmem>> -> memref<80xi32, #tpu.memory_space<vmem>>
      %dma_start3A_666 = arith.constant 0 : i32
      %dma_start3A_667 = tpu.memref_slice %arg35[%dma_start3A_663, %dma_start3A_666] : memref<25x80xi32, #tpu.memory_space<vmem>> -> memref<1x80xi32, #tpu.memory_space<vmem>>
      %dma_start3A_668 = tpu.memref_squeeze %dma_start3A_667 : memref<1x80xi32, #tpu.memory_space<vmem>> -> memref<80xi32, #tpu.memory_space<vmem>>
      %dma_start3A_669 = arith.constant 0 : i32
      %dma_start3A_670 = tpu.memref_slice %arg11[%dma_start3A_669] : memref<801056xi32, #tpu.memory_space<vmem_shared>> -> memref<801056xi32, #tpu.memory_space<vmem_shared>>
      tpu.enqueue_indirect_dma source(%dma_start3A_665 : memref<80xi32, #tpu.memory_space<vmem>>) target(%dma_start3A_670 : memref<801056xi32, #tpu.memory_space<vmem_shared>>) offsets(%dma_start3A_668 : memref<80xi32, #tpu.memory_space<vmem>>) semaphore(%arg37 : memref<!tpu.dma_semaphore, #tpu.memory_space<semaphore_mem>>)
      %dma_start3A_671 = arith.constant 0 : i32
      %dma_start3A_672 = arith.constant 0 : i32
      %dma_start3A_673 = tpu.memref_slice %arg31[%dma_start3A_672] : memref<2000xi32, #tpu.memory_space<vmem>> -> memref<80xi32, #tpu.memory_space<vmem>>
      %dma_start3A_674 = arith.constant 0 : i32
      %dma_start3A_675 = tpu.memref_slice %arg35[%dma_start3A_671, %dma_start3A_674] : memref<25x80xi32, #tpu.memory_space<vmem>> -> memref<1x80xi32, #tpu.memory_space<vmem>>
      %dma_start3A_676 = tpu.memref_squeeze %dma_start3A_675 : memref<1x80xi32, #tpu.memory_space<vmem>> -> memref<80xi32, #tpu.memory_space<vmem>>
      %dma_start3A_677 = arith.constant 0 : i32
      %dma_start3A_678 = tpu.memref_slice %arg12[%dma_start3A_677] : memref<801056xi32, #tpu.memory_space<vmem_shared>> -> memref<801056xi32, #tpu.memory_space<vmem_shared>>
      tpu.enqueue_indirect_dma source(%dma_start3A_673 : memref<80xi32, #tpu.memory_space<vmem>>) target(%dma_start3A_678 : memref<801056xi32, #tpu.memory_space<vmem_shared>>) offsets(%dma_start3A_676 : memref<80xi32, #tpu.memory_space<vmem>>) semaphore(%arg37 : memref<!tpu.dma_semaphore, #tpu.memory_space<semaphore_mem>>)
      %dma_start3A_679 = arith.constant 1 : i32
      %dma_start3A_680 = arith.constant 80 : i32
      %dma_start3A_681 = tpu.memref_slice %arg30[%dma_start3A_680] : memref<2000xi32, #tpu.memory_space<vmem>> -> memref<80xi32, #tpu.memory_space<vmem>>
      %dma_start3A_682 = arith.constant 0 : i32
      %dma_start3A_683 = tpu.memref_slice %arg35[%dma_start3A_679, %dma_start3A_682] : memref<25x80xi32, #tpu.memory_space<vmem>> -> memref<1x80xi32, #tpu.memory_space<vmem>>
      %dma_start3A_684 = tpu.memref_squeeze %dma_start3A_683 : memref<1x80xi32, #tpu.memory_space<vmem>> -> memref<80xi32, #tpu.memory_space<vmem>>
      %dma_start3A_685 = arith.constant 0 : i32
      %dma_start3A_686 = tpu.memref_slice %arg11[%dma_start3A_685] : memref<801056xi32, #tpu.memory_space<vmem_shared>> -> memref<801056xi32, #tpu.memory_space<vmem_shared>>
      tpu.enqueue_indirect_dma source(%dma_start3A_681 : memref<80xi32, #tpu.memory_space<vmem>>) target(%dma_start3A_686 : memref<801056xi32, #tpu.memory_space<vmem_shared>>) offsets(%dma_start3A_684 : memref<80xi32, #tpu.memory_space<vmem>>) semaphore(%arg37 : memref<!tpu.dma_semaphore, #tpu.memory_space<semaphore_mem>>)
      %dma_start3A_687 = arith.constant 1 : i32
      %dma_start3A_688 = arith.constant 80 : i32
      %dma_start3A_689 = tpu.memref_slice %arg31[%dma_start3A_688] : memref<2000xi32, #tpu.memory_space<vmem>> -> memref<80xi32, #tpu.memory_space<vmem>>
      %dma_start3A_690 = arith.constant 0 : i32
      %dma_start3A_691 = tpu.memref_slice %arg35[%dma_start3A_687, %dma_start3A_690] : memref<25x80xi32, #tpu.memory_space<vmem>> -> memref<1x80xi32, #tpu.memory_space<vmem>>
      %dma_start3A_692 = tpu.memref_squeeze %dma_start3A_691 : memref<1x80xi32, #tpu.memory_space<vmem>> -> memref<80xi32, #tpu.memory_space<vmem>>
      %dma_start3A_693 = arith.constant 0 : i32
      %dma_start3A_694 = tpu.memref_slice %arg12[%dma_start3A_693] : memref<801056xi32, #tpu.memory_space<vmem_shared>> -> memref<801056xi32, #tpu.memory_space<vmem_shared>>
      tpu.enqueue_indirect_dma source(%dma_start3A_689 : memref<80xi32, #tpu.memory_space<vmem>>) target(%dma_start3A_694 : memref<801056xi32, #tpu.memory_space<vmem_shared>>) offsets(%dma_start3A_692 : memref<80xi32, #tpu.memory_space<vmem>>) semaphore(%arg37 : memref<!tpu.dma_semaphore, #tpu.memory_space<semaphore_mem>>)
      %dma_start3A_695 = arith.constant 2 : i32
      %dma_start3A_696 = arith.constant 160 : i32
      %dma_start3A_697 = tpu.memref_slice %arg30[%dma_start3A_696] : memref<2000xi32, #tpu.memory_space<vmem>> -> memref<80xi32, #tpu.memory_space<vmem>>
      %dma_start3A_698 = arith.constant 0 : i32
      %dma_start3A_699 = tpu.memref_slice %arg35[%dma_start3A_695, %dma_start3A_698] : memref<25x80xi32, #tpu.memory_space<vmem>> -> memref<1x80xi32, #tpu.memory_space<vmem>>
      %dma_start3A_700 = tpu.memref_squeeze %dma_start3A_699 : memref<1x80xi32, #tpu.memory_space<vmem>> -> memref<80xi32, #tpu.memory_space<vmem>>
      %dma_start3A_701 = arith.constant 0 : i32
      %dma_start3A_702 = tpu.memref_slice %arg11[%dma_start3A_701] : memref<801056xi32, #tpu.memory_space<vmem_shared>> -> memref<801056xi32, #tpu.memory_space<vmem_shared>>
      tpu.enqueue_indirect_dma source(%dma_start3A_697 : memref<80xi32, #tpu.memory_space<vmem>>) target(%dma_start3A_702 : memref<801056xi32, #tpu.memory_space<vmem_shared>>) offsets(%dma_start3A_700 : memref<80xi32, #tpu.memory_space<vmem>>) semaphore(%arg37 : memref<!tpu.dma_semaphore, #tpu.memory_space<semaphore_mem>>)
      %dma_start3A_703 = arith.constant 2 : i32
      %dma_start3A_704 = arith.constant 160 : i32
      %dma_start3A_705 = tpu.memref_slice %arg31[%dma_start3A_704] : memref<2000xi32, #tpu.memory_space<vmem>> -> memref<80xi32, #tpu.memory_space<vmem>>
      %dma_start3A_706 = arith.constant 0 : i32
      %dma_start3A_707 = tpu.memref_slice %arg35[%dma_start3A_703, %dma_start3A_706] : memref<25x80xi32, #tpu.memory_space<vmem>> -> memref<1x80xi32, #tpu.memory_space<vmem>>
      %dma_start3A_708 = tpu.memref_squeeze %dma_start3A_707 : memref<1x80xi32, #tpu.memory_space<vmem>> -> memref<80xi32, #tpu.memory_space<vmem>>
      %dma_start3A_709 = arith.constant 0 : i32
      %dma_start3A_710 = tpu.memref_slice %arg12[%dma_start3A_709] : memref<801056xi32, #tpu.memory_space<vmem_shared>> -> memref<801056xi32, #tpu.memory_space<vmem_shared>>
      tpu.enqueue_indirect_dma source(%dma_start3A_705 : memref<80xi32, #tpu.memory_space<vmem>>) target(%dma_start3A_710 : memref<801056xi32, #tpu.memory_space<vmem_shared>>) offsets(%dma_start3A_708 : memref<80xi32, #tpu.memory_space<vmem>>) semaphore(%arg37 : memref<!tpu.dma_semaphore, #tpu.memory_space<semaphore_mem>>)
      %dma_start3A_711 = arith.constant 3 : i32
      %dma_start3A_712 = arith.constant 240 : i32
      %dma_start3A_713 = tpu.memref_slice %arg30[%dma_start3A_712] : memref<2000xi32, #tpu.memory_space<vmem>> -> memref<80xi32, #tpu.memory_space<vmem>>
      %dma_start3A_714 = arith.constant 0 : i32
      %dma_start3A_715 = tpu.memref_slice %arg35[%dma_start3A_711, %dma_start3A_714] : memref<25x80xi32, #tpu.memory_space<vmem>> -> memref<1x80xi32, #tpu.memory_space<vmem>>
      %dma_start3A_716 = tpu.memref_squeeze %dma_start3A_715 : memref<1x80xi32, #tpu.memory_space<vmem>> -> memref<80xi32, #tpu.memory_space<vmem>>
      %dma_start3A_717 = arith.constant 0 : i32
      %dma_start3A_718 = tpu.memref_slice %arg11[%dma_start3A_717] : memref<801056xi32, #tpu.memory_space<vmem_shared>> -> memref<801056xi32, #tpu.memory_space<vmem_shared>>
      tpu.enqueue_indirect_dma source(%dma_start3A_713 : memref<80xi32, #tpu.memory_space<vmem>>) target(%dma_start3A_718 : memref<801056xi32, #tpu.memory_space<vmem_shared>>) offsets(%dma_start3A_716 : memref<80xi32, #tpu.memory_space<vmem>>) semaphore(%arg37 : memref<!tpu.dma_semaphore, #tpu.memory_space<semaphore_mem>>)
      %dma_start3A_719 = arith.constant 3 : i32
      %dma_start3A_720 = arith.constant 240 : i32
      %dma_start3A_721 = tpu.memref_slice %arg31[%dma_start3A_720] : memref<2000xi32, #tpu.memory_space<vmem>> -> memref<80xi32, #tpu.memory_space<vmem>>
      %dma_start3A_722 = arith.constant 0 : i32
      %dma_start3A_723 = tpu.memref_slice %arg35[%dma_start3A_719, %dma_start3A_722] : memref<25x80xi32, #tpu.memory_space<vmem>> -> memref<1x80xi32, #tpu.memory_space<vmem>>
      %dma_start3A_724 = tpu.memref_squeeze %dma_start3A_723 : memref<1x80xi32, #tpu.memory_space<vmem>> -> memref<80xi32, #tpu.memory_space<vmem>>
      %dma_start3A_725 = arith.constant 0 : i32
      %dma_start3A_726 = tpu.memref_slice %arg12[%dma_start3A_725] : memref<801056xi32, #tpu.memory_space<vmem_shared>> -> memref<801056xi32, #tpu.memory_space<vmem_shared>>
      tpu.enqueue_indirect_dma source(%dma_start3A_721 : memref<80xi32, #tpu.memory_space<vmem>>) target(%dma_start3A_726 : memref<801056xi32, #tpu.memory_space<vmem_shared>>) offsets(%dma_start3A_724 : memref<80xi32, #tpu.memory_space<vmem>>) semaphore(%arg37 : memref<!tpu.dma_semaphore, #tpu.memory_space<semaphore_mem>>)
      %dma_start3A_727 = arith.constant 4 : i32
      %dma_start3A_728 = arith.constant 320 : i32
      %dma_start3A_729 = tpu.memref_slice %arg30[%dma_start3A_728] : memref<2000xi32, #tpu.memory_space<vmem>> -> memref<80xi32, #tpu.memory_space<vmem>>
      %dma_start3A_730 = arith.constant 0 : i32
      %dma_start3A_731 = tpu.memref_slice %arg35[%dma_start3A_727, %dma_start3A_730] : memref<25x80xi32, #tpu.memory_space<vmem>> -> memref<1x80xi32, #tpu.memory_space<vmem>>
      %dma_start3A_732 = tpu.memref_squeeze %dma_start3A_731 : memref<1x80xi32, #tpu.memory_space<vmem>> -> memref<80xi32, #tpu.memory_space<vmem>>
      %dma_start3A_733 = arith.constant 0 : i32
      %dma_start3A_734 = tpu.memref_slice %arg11[%dma_start3A_733] : memref<801056xi32, #tpu.memory_space<vmem_shared>> -> memref<801056xi32, #tpu.memory_space<vmem_shared>>
      tpu.enqueue_indirect_dma source(%dma_start3A_729 : memref<80xi32, #tpu.memory_space<vmem>>) target(%dma_start3A_734 : memref<801056xi32, #tpu.memory_space<vmem_shared>>) offsets(%dma_start3A_732 : memref<80xi32, #tpu.memory_space<vmem>>) semaphore(%arg37 : memref<!tpu.dma_semaphore, #tpu.memory_space<semaphore_mem>>)
      %dma_start3A_735 = arith.constant 4 : i32
      %dma_start3A_736 = arith.constant 320 : i32
      %dma_start3A_737 = tpu.memref_slice %arg31[%dma_start3A_736] : memref<2000xi32, #tpu.memory_space<vmem>> -> memref<80xi32, #tpu.memory_space<vmem>>
      %dma_start3A_738 = arith.constant 0 : i32
      %dma_start3A_739 = tpu.memref_slice %arg35[%dma_start3A_735, %dma_start3A_738] : memref<25x80xi32, #tpu.memory_space<vmem>> -> memref<1x80xi32, #tpu.memory_space<vmem>>
      %dma_start3A_740 = tpu.memref_squeeze %dma_start3A_739 : memref<1x80xi32, #tpu.memory_space<vmem>> -> memref<80xi32, #tpu.memory_space<vmem>>
      %dma_start3A_741 = arith.constant 0 : i32
      %dma_start3A_742 = tpu.memref_slice %arg12[%dma_start3A_741] : memref<801056xi32, #tpu.memory_space<vmem_shared>> -> memref<801056xi32, #tpu.memory_space<vmem_shared>>
      tpu.enqueue_indirect_dma source(%dma_start3A_737 : memref<80xi32, #tpu.memory_space<vmem>>) target(%dma_start3A_742 : memref<801056xi32, #tpu.memory_space<vmem_shared>>) offsets(%dma_start3A_740 : memref<80xi32, #tpu.memory_space<vmem>>) semaphore(%arg37 : memref<!tpu.dma_semaphore, #tpu.memory_space<semaphore_mem>>)
      %dma_start3A_743 = arith.constant 5 : i32
      %dma_start3A_744 = arith.constant 400 : i32
      %dma_start3A_745 = tpu.memref_slice %arg30[%dma_start3A_744] : memref<2000xi32, #tpu.memory_space<vmem>> -> memref<80xi32, #tpu.memory_space<vmem>>
      %dma_start3A_746 = arith.constant 0 : i32
      %dma_start3A_747 = tpu.memref_slice %arg35[%dma_start3A_743, %dma_start3A_746] : memref<25x80xi32, #tpu.memory_space<vmem>> -> memref<1x80xi32, #tpu.memory_space<vmem>>
      %dma_start3A_748 = tpu.memref_squeeze %dma_start3A_747 : memref<1x80xi32, #tpu.memory_space<vmem>> -> memref<80xi32, #tpu.memory_space<vmem>>
      %dma_start3A_749 = arith.constant 0 : i32
      %dma_start3A_750 = tpu.memref_slice %arg11[%dma_start3A_749] : memref<801056xi32, #tpu.memory_space<vmem_shared>> -> memref<801056xi32, #tpu.memory_space<vmem_shared>>
      tpu.enqueue_indirect_dma source(%dma_start3A_745 : memref<80xi32, #tpu.memory_space<vmem>>) target(%dma_start3A_750 : memref<801056xi32, #tpu.memory_space<vmem_shared>>) offsets(%dma_start3A_748 : memref<80xi32, #tpu.memory_space<vmem>>) semaphore(%arg37 : memref<!tpu.dma_semaphore, #tpu.memory_space<semaphore_mem>>)
      %dma_start3A_751 = arith.constant 5 : i32
      %dma_start3A_752 = arith.constant 400 : i32
      %dma_start3A_753 = tpu.memref_slice %arg31[%dma_start3A_752] : memref<2000xi32, #tpu.memory_space<vmem>> -> memref<80xi32, #tpu.memory_space<vmem>>
      %dma_start3A_754 = arith.constant 0 : i32
      %dma_start3A_755 = tpu.memref_slice %arg35[%dma_start3A_751, %dma_start3A_754] : memref<25x80xi32, #tpu.memory_space<vmem>> -> memref<1x80xi32, #tpu.memory_space<vmem>>
      %dma_start3A_756 = tpu.memref_squeeze %dma_start3A_755 : memref<1x80xi32, #tpu.memory_space<vmem>> -> memref<80xi32, #tpu.memory_space<vmem>>
      %dma_start3A_757 = arith.constant 0 : i32
      %dma_start3A_758 = tpu.memref_slice %arg12[%dma_start3A_757] : memref<801056xi32, #tpu.memory_space<vmem_shared>> -> memref<801056xi32, #tpu.memory_space<vmem_shared>>
      tpu.enqueue_indirect_dma source(%dma_start3A_753 : memref<80xi32, #tpu.memory_space<vmem>>) target(%dma_start3A_758 : memref<801056xi32, #tpu.memory_space<vmem_shared>>) offsets(%dma_start3A_756 : memref<80xi32, #tpu.memory_space<vmem>>) semaphore(%arg37 : memref<!tpu.dma_semaphore, #tpu.memory_space<semaphore_mem>>)
      %dma_start3A_759 = arith.constant 6 : i32
      %dma_start3A_760 = arith.constant 480 : i32
      %dma_start3A_761 = tpu.memref_slice %arg30[%dma_start3A_760] : memref<2000xi32, #tpu.memory_space<vmem>> -> memref<80xi32, #tpu.memory_space<vmem>>
      %dma_start3A_762 = arith.constant 0 : i32
      %dma_start3A_763 = tpu.memref_slice %arg35[%dma_start3A_759, %dma_start3A_762] : memref<25x80xi32, #tpu.memory_space<vmem>> -> memref<1x80xi32, #tpu.memory_space<vmem>>
      %dma_start3A_764 = tpu.memref_squeeze %dma_start3A_763 : memref<1x80xi32, #tpu.memory_space<vmem>> -> memref<80xi32, #tpu.memory_space<vmem>>
      %dma_start3A_765 = arith.constant 0 : i32
      %dma_start3A_766 = tpu.memref_slice %arg11[%dma_start3A_765] : memref<801056xi32, #tpu.memory_space<vmem_shared>> -> memref<801056xi32, #tpu.memory_space<vmem_shared>>
      tpu.enqueue_indirect_dma source(%dma_start3A_761 : memref<80xi32, #tpu.memory_space<vmem>>) target(%dma_start3A_766 : memref<801056xi32, #tpu.memory_space<vmem_shared>>) offsets(%dma_start3A_764 : memref<80xi32, #tpu.memory_space<vmem>>) semaphore(%arg37 : memref<!tpu.dma_semaphore, #tpu.memory_space<semaphore_mem>>)
      %dma_start3A_767 = arith.constant 6 : i32
      %dma_start3A_768 = arith.constant 480 : i32
      %dma_start3A_769 = tpu.memref_slice %arg31[%dma_start3A_768] : memref<2000xi32, #tpu.memory_space<vmem>> -> memref<80xi32, #tpu.memory_space<vmem>>
      %dma_start3A_770 = arith.constant 0 : i32
      %dma_start3A_771 = tpu.memref_slice %arg35[%dma_start3A_767, %dma_start3A_770] : memref<25x80xi32, #tpu.memory_space<vmem>> -> memref<1x80xi32, #tpu.memory_space<vmem>>
      %dma_start3A_772 = tpu.memref_squeeze %dma_start3A_771 : memref<1x80xi32, #tpu.memory_space<vmem>> -> memref<80xi32, #tpu.memory_space<vmem>>
      %dma_start3A_773 = arith.constant 0 : i32
      %dma_start3A_774 = tpu.memref_slice %arg12[%dma_start3A_773] : memref<801056xi32, #tpu.memory_space<vmem_shared>> -> memref<801056xi32, #tpu.memory_space<vmem_shared>>
      tpu.enqueue_indirect_dma source(%dma_start3A_769 : memref<80xi32, #tpu.memory_space<vmem>>) target(%dma_start3A_774 : memref<801056xi32, #tpu.memory_space<vmem_shared>>) offsets(%dma_start3A_772 : memref<80xi32, #tpu.memory_space<vmem>>) semaphore(%arg37 : memref<!tpu.dma_semaphore, #tpu.memory_space<semaphore_mem>>)
      %dma_start3A_775 = arith.constant 7 : i32
      %dma_start3A_776 = arith.constant 560 : i32
      %dma_start3A_777 = tpu.memref_slice %arg30[%dma_start3A_776] : memref<2000xi32, #tpu.memory_space<vmem>> -> memref<80xi32, #tpu.memory_space<vmem>>
      %dma_start3A_778 = arith.constant 0 : i32
      %dma_start3A_779 = tpu.memref_slice %arg35[%dma_start3A_775, %dma_start3A_778] : memref<25x80xi32, #tpu.memory_space<vmem>> -> memref<1x80xi32, #tpu.memory_space<vmem>>
      %dma_start3A_780 = tpu.memref_squeeze %dma_start3A_779 : memref<1x80xi32, #tpu.memory_space<vmem>> -> memref<80xi32, #tpu.memory_space<vmem>>
      %dma_start3A_781 = arith.constant 0 : i32
      %dma_start3A_782 = tpu.memref_slice %arg11[%dma_start3A_781] : memref<801056xi32, #tpu.memory_space<vmem_shared>> -> memref<801056xi32, #tpu.memory_space<vmem_shared>>
      tpu.enqueue_indirect_dma source(%dma_start3A_777 : memref<80xi32, #tpu.memory_space<vmem>>) target(%dma_start3A_782 : memref<801056xi32, #tpu.memory_space<vmem_shared>>) offsets(%dma_start3A_780 : memref<80xi32, #tpu.memory_space<vmem>>) semaphore(%arg37 : memref<!tpu.dma_semaphore, #tpu.memory_space<semaphore_mem>>)
      %dma_start3A_783 = arith.constant 7 : i32
      %dma_start3A_784 = arith.constant 560 : i32
      %dma_start3A_785 = tpu.memref_slice %arg31[%dma_start3A_784] : memref<2000xi32, #tpu.memory_space<vmem>> -> memref<80xi32, #tpu.memory_space<vmem>>
      %dma_start3A_786 = arith.constant 0 : i32
      %dma_start3A_787 = tpu.memref_slice %arg35[%dma_start3A_783, %dma_start3A_786] : memref<25x80xi32, #tpu.memory_space<vmem>> -> memref<1x80xi32, #tpu.memory_space<vmem>>
      %dma_start3A_788 = tpu.memref_squeeze %dma_start3A_787 : memref<1x80xi32, #tpu.memory_space<vmem>> -> memref<80xi32, #tpu.memory_space<vmem>>
      %dma_start3A_789 = arith.constant 0 : i32
      %dma_start3A_790 = tpu.memref_slice %arg12[%dma_start3A_789] : memref<801056xi32, #tpu.memory_space<vmem_shared>> -> memref<801056xi32, #tpu.memory_space<vmem_shared>>
      tpu.enqueue_indirect_dma source(%dma_start3A_785 : memref<80xi32, #tpu.memory_space<vmem>>) target(%dma_start3A_790 : memref<801056xi32, #tpu.memory_space<vmem_shared>>) offsets(%dma_start3A_788 : memref<80xi32, #tpu.memory_space<vmem>>) semaphore(%arg37 : memref<!tpu.dma_semaphore, #tpu.memory_space<semaphore_mem>>)
      %dma_start3A_791 = arith.constant 8 : i32
      %dma_start3A_792 = arith.constant 640 : i32
      %dma_start3A_793 = tpu.memref_slice %arg30[%dma_start3A_792] : memref<2000xi32, #tpu.memory_space<vmem>> -> memref<80xi32, #tpu.memory_space<vmem>>
      %dma_start3A_794 = arith.constant 0 : i32
      %dma_start3A_795 = tpu.memref_slice %arg35[%dma_start3A_791, %dma_start3A_794] : memref<25x80xi32, #tpu.memory_space<vmem>> -> memref<1x80xi32, #tpu.memory_space<vmem>>
      %dma_start3A_796 = tpu.memref_squeeze %dma_start3A_795 : memref<1x80xi32, #tpu.memory_space<vmem>> -> memref<80xi32, #tpu.memory_space<vmem>>
      %dma_start3A_797 = arith.constant 0 : i32
      %dma_start3A_798 = tpu.memref_slice %arg11[%dma_start3A_797] : memref<801056xi32, #tpu.memory_space<vmem_shared>> -> memref<801056xi32, #tpu.memory_space<vmem_shared>>
      tpu.enqueue_indirect_dma source(%dma_start3A_793 : memref<80xi32, #tpu.memory_space<vmem>>) target(%dma_start3A_798 : memref<801056xi32, #tpu.memory_space<vmem_shared>>) offsets(%dma_start3A_796 : memref<80xi32, #tpu.memory_space<vmem>>) semaphore(%arg37 : memref<!tpu.dma_semaphore, #tpu.memory_space<semaphore_mem>>)
      %dma_start3A_799 = arith.constant 8 : i32
      %dma_start3A_800 = arith.constant 640 : i32
      %dma_start3A_801 = tpu.memref_slice %arg31[%dma_start3A_800] : memref<2000xi32, #tpu.memory_space<vmem>> -> memref<80xi32, #tpu.memory_space<vmem>>
      %dma_start3A_802 = arith.constant 0 : i32
      %dma_start3A_803 = tpu.memref_slice %arg35[%dma_start3A_799, %dma_start3A_802] : memref<25x80xi32, #tpu.memory_space<vmem>> -> memref<1x80xi32, #tpu.memory_space<vmem>>
      %dma_start3A_804 = tpu.memref_squeeze %dma_start3A_803 : memref<1x80xi32, #tpu.memory_space<vmem>> -> memref<80xi32, #tpu.memory_space<vmem>>
      %dma_start3A_805 = arith.constant 0 : i32
      %dma_start3A_806 = tpu.memref_slice %arg12[%dma_start3A_805] : memref<801056xi32, #tpu.memory_space<vmem_shared>> -> memref<801056xi32, #tpu.memory_space<vmem_shared>>
      tpu.enqueue_indirect_dma source(%dma_start3A_801 : memref<80xi32, #tpu.memory_space<vmem>>) target(%dma_start3A_806 : memref<801056xi32, #tpu.memory_space<vmem_shared>>) offsets(%dma_start3A_804 : memref<80xi32, #tpu.memory_space<vmem>>) semaphore(%arg37 : memref<!tpu.dma_semaphore, #tpu.memory_space<semaphore_mem>>)
      %dma_start3A_807 = arith.constant 9 : i32
      %dma_start3A_808 = arith.constant 720 : i32
      %dma_start3A_809 = tpu.memref_slice %arg30[%dma_start3A_808] : memref<2000xi32, #tpu.memory_space<vmem>> -> memref<80xi32, #tpu.memory_space<vmem>>
      %dma_start3A_810 = arith.constant 0 : i32
      %dma_start3A_811 = tpu.memref_slice %arg35[%dma_start3A_807, %dma_start3A_810] : memref<25x80xi32, #tpu.memory_space<vmem>> -> memref<1x80xi32, #tpu.memory_space<vmem>>
      %dma_start3A_812 = tpu.memref_squeeze %dma_start3A_811 : memref<1x80xi32, #tpu.memory_space<vmem>> -> memref<80xi32, #tpu.memory_space<vmem>>
      %dma_start3A_813 = arith.constant 0 : i32
      %dma_start3A_814 = tpu.memref_slice %arg11[%dma_start3A_813] : memref<801056xi32, #tpu.memory_space<vmem_shared>> -> memref<801056xi32, #tpu.memory_space<vmem_shared>>
      tpu.enqueue_indirect_dma source(%dma_start3A_809 : memref<80xi32, #tpu.memory_space<vmem>>) target(%dma_start3A_814 : memref<801056xi32, #tpu.memory_space<vmem_shared>>) offsets(%dma_start3A_812 : memref<80xi32, #tpu.memory_space<vmem>>) semaphore(%arg37 : memref<!tpu.dma_semaphore, #tpu.memory_space<semaphore_mem>>)
      %dma_start3A_815 = arith.constant 9 : i32
      %dma_start3A_816 = arith.constant 720 : i32
      %dma_start3A_817 = tpu.memref_slice %arg31[%dma_start3A_816] : memref<2000xi32, #tpu.memory_space<vmem>> -> memref<80xi32, #tpu.memory_space<vmem>>
      %dma_start3A_818 = arith.constant 0 : i32
      %dma_start3A_819 = tpu.memref_slice %arg35[%dma_start3A_815, %dma_start3A_818] : memref<25x80xi32, #tpu.memory_space<vmem>> -> memref<1x80xi32, #tpu.memory_space<vmem>>
      %dma_start3A_820 = tpu.memref_squeeze %dma_start3A_819 : memref<1x80xi32, #tpu.memory_space<vmem>> -> memref<80xi32, #tpu.memory_space<vmem>>
      %dma_start3A_821 = arith.constant 0 : i32
      %dma_start3A_822 = tpu.memref_slice %arg12[%dma_start3A_821] : memref<801056xi32, #tpu.memory_space<vmem_shared>> -> memref<801056xi32, #tpu.memory_space<vmem_shared>>
      tpu.enqueue_indirect_dma source(%dma_start3A_817 : memref<80xi32, #tpu.memory_space<vmem>>) target(%dma_start3A_822 : memref<801056xi32, #tpu.memory_space<vmem_shared>>) offsets(%dma_start3A_820 : memref<80xi32, #tpu.memory_space<vmem>>) semaphore(%arg37 : memref<!tpu.dma_semaphore, #tpu.memory_space<semaphore_mem>>)
      %dma_start3A_823 = arith.constant 10 : i32
      %dma_start3A_824 = arith.constant 800 : i32
      %dma_start3A_825 = tpu.memref_slice %arg30[%dma_start3A_824] : memref<2000xi32, #tpu.memory_space<vmem>> -> memref<80xi32, #tpu.memory_space<vmem>>
      %dma_start3A_826 = arith.constant 0 : i32
      %dma_start3A_827 = tpu.memref_slice %arg35[%dma_start3A_823, %dma_start3A_826] : memref<25x80xi32, #tpu.memory_space<vmem>> -> memref<1x80xi32, #tpu.memory_space<vmem>>
      %dma_start3A_828 = tpu.memref_squeeze %dma_start3A_827 : memref<1x80xi32, #tpu.memory_space<vmem>> -> memref<80xi32, #tpu.memory_space<vmem>>
      %dma_start3A_829 = arith.constant 0 : i32
      %dma_start3A_830 = tpu.memref_slice %arg11[%dma_start3A_829] : memref<801056xi32, #tpu.memory_space<vmem_shared>> -> memref<801056xi32, #tpu.memory_space<vmem_shared>>
      tpu.enqueue_indirect_dma source(%dma_start3A_825 : memref<80xi32, #tpu.memory_space<vmem>>) target(%dma_start3A_830 : memref<801056xi32, #tpu.memory_space<vmem_shared>>) offsets(%dma_start3A_828 : memref<80xi32, #tpu.memory_space<vmem>>) semaphore(%arg37 : memref<!tpu.dma_semaphore, #tpu.memory_space<semaphore_mem>>)
      %dma_start3A_831 = arith.constant 10 : i32
      %dma_start3A_832 = arith.constant 800 : i32
      %dma_start3A_833 = tpu.memref_slice %arg31[%dma_start3A_832] : memref<2000xi32, #tpu.memory_space<vmem>> -> memref<80xi32, #tpu.memory_space<vmem>>
      %dma_start3A_834 = arith.constant 0 : i32
      %dma_start3A_835 = tpu.memref_slice %arg35[%dma_start3A_831, %dma_start3A_834] : memref<25x80xi32, #tpu.memory_space<vmem>> -> memref<1x80xi32, #tpu.memory_space<vmem>>
      %dma_start3A_836 = tpu.memref_squeeze %dma_start3A_835 : memref<1x80xi32, #tpu.memory_space<vmem>> -> memref<80xi32, #tpu.memory_space<vmem>>
      %dma_start3A_837 = arith.constant 0 : i32
      %dma_start3A_838 = tpu.memref_slice %arg12[%dma_start3A_837] : memref<801056xi32, #tpu.memory_space<vmem_shared>> -> memref<801056xi32, #tpu.memory_space<vmem_shared>>
      tpu.enqueue_indirect_dma source(%dma_start3A_833 : memref<80xi32, #tpu.memory_space<vmem>>) target(%dma_start3A_838 : memref<801056xi32, #tpu.memory_space<vmem_shared>>) offsets(%dma_start3A_836 : memref<80xi32, #tpu.memory_space<vmem>>) semaphore(%arg37 : memref<!tpu.dma_semaphore, #tpu.memory_space<semaphore_mem>>)
      %dma_start3A_839 = arith.constant 11 : i32
      %dma_start3A_840 = arith.constant 880 : i32
      %dma_start3A_841 = tpu.memref_slice %arg30[%dma_start3A_840] : memref<2000xi32, #tpu.memory_space<vmem>> -> memref<80xi32, #tpu.memory_space<vmem>>
      %dma_start3A_842 = arith.constant 0 : i32
      %dma_start3A_843 = tpu.memref_slice %arg35[%dma_start3A_839, %dma_start3A_842] : memref<25x80xi32, #tpu.memory_space<vmem>> -> memref<1x80xi32, #tpu.memory_space<vmem>>
      %dma_start3A_844 = tpu.memref_squeeze %dma_start3A_843 : memref<1x80xi32, #tpu.memory_space<vmem>> -> memref<80xi32, #tpu.memory_space<vmem>>
      %dma_start3A_845 = arith.constant 0 : i32
      %dma_start3A_846 = tpu.memref_slice %arg11[%dma_start3A_845] : memref<801056xi32, #tpu.memory_space<vmem_shared>> -> memref<801056xi32, #tpu.memory_space<vmem_shared>>
      tpu.enqueue_indirect_dma source(%dma_start3A_841 : memref<80xi32, #tpu.memory_space<vmem>>) target(%dma_start3A_846 : memref<801056xi32, #tpu.memory_space<vmem_shared>>) offsets(%dma_start3A_844 : memref<80xi32, #tpu.memory_space<vmem>>) semaphore(%arg37 : memref<!tpu.dma_semaphore, #tpu.memory_space<semaphore_mem>>)
      %dma_start3A_847 = arith.constant 11 : i32
      %dma_start3A_848 = arith.constant 880 : i32
      %dma_start3A_849 = tpu.memref_slice %arg31[%dma_start3A_848] : memref<2000xi32, #tpu.memory_space<vmem>> -> memref<80xi32, #tpu.memory_space<vmem>>
      %dma_start3A_850 = arith.constant 0 : i32
      %dma_start3A_851 = tpu.memref_slice %arg35[%dma_start3A_847, %dma_start3A_850] : memref<25x80xi32, #tpu.memory_space<vmem>> -> memref<1x80xi32, #tpu.memory_space<vmem>>
      %dma_start3A_852 = tpu.memref_squeeze %dma_start3A_851 : memref<1x80xi32, #tpu.memory_space<vmem>> -> memref<80xi32, #tpu.memory_space<vmem>>
      %dma_start3A_853 = arith.constant 0 : i32
      %dma_start3A_854 = tpu.memref_slice %arg12[%dma_start3A_853] : memref<801056xi32, #tpu.memory_space<vmem_shared>> -> memref<801056xi32, #tpu.memory_space<vmem_shared>>
      tpu.enqueue_indirect_dma source(%dma_start3A_849 : memref<80xi32, #tpu.memory_space<vmem>>) target(%dma_start3A_854 : memref<801056xi32, #tpu.memory_space<vmem_shared>>) offsets(%dma_start3A_852 : memref<80xi32, #tpu.memory_space<vmem>>) semaphore(%arg37 : memref<!tpu.dma_semaphore, #tpu.memory_space<semaphore_mem>>)
      %dma_start3A_855 = arith.constant 12 : i32
      %dma_start3A_856 = arith.constant 960 : i32
      %dma_start3A_857 = tpu.memref_slice %arg30[%dma_start3A_856] : memref<2000xi32, #tpu.memory_space<vmem>> -> memref<80xi32, #tpu.memory_space<vmem>>
      %dma_start3A_858 = arith.constant 0 : i32
      %dma_start3A_859 = tpu.memref_slice %arg35[%dma_start3A_855, %dma_start3A_858] : memref<25x80xi32, #tpu.memory_space<vmem>> -> memref<1x80xi32, #tpu.memory_space<vmem>>
      %dma_start3A_860 = tpu.memref_squeeze %dma_start3A_859 : memref<1x80xi32, #tpu.memory_space<vmem>> -> memref<80xi32, #tpu.memory_space<vmem>>
      %dma_start3A_861 = arith.constant 0 : i32
      %dma_start3A_862 = tpu.memref_slice %arg11[%dma_start3A_861] : memref<801056xi32, #tpu.memory_space<vmem_shared>> -> memref<801056xi32, #tpu.memory_space<vmem_shared>>
      tpu.enqueue_indirect_dma source(%dma_start3A_857 : memref<80xi32, #tpu.memory_space<vmem>>) target(%dma_start3A_862 : memref<801056xi32, #tpu.memory_space<vmem_shared>>) offsets(%dma_start3A_860 : memref<80xi32, #tpu.memory_space<vmem>>) semaphore(%arg37 : memref<!tpu.dma_semaphore, #tpu.memory_space<semaphore_mem>>)
      %dma_start3A_863 = arith.constant 12 : i32
      %dma_start3A_864 = arith.constant 960 : i32
      %dma_start3A_865 = tpu.memref_slice %arg31[%dma_start3A_864] : memref<2000xi32, #tpu.memory_space<vmem>> -> memref<80xi32, #tpu.memory_space<vmem>>
      %dma_start3A_866 = arith.constant 0 : i32
      %dma_start3A_867 = tpu.memref_slice %arg35[%dma_start3A_863, %dma_start3A_866] : memref<25x80xi32, #tpu.memory_space<vmem>> -> memref<1x80xi32, #tpu.memory_space<vmem>>
      %dma_start3A_868 = tpu.memref_squeeze %dma_start3A_867 : memref<1x80xi32, #tpu.memory_space<vmem>> -> memref<80xi32, #tpu.memory_space<vmem>>
      %dma_start3A_869 = arith.constant 0 : i32
      %dma_start3A_870 = tpu.memref_slice %arg12[%dma_start3A_869] : memref<801056xi32, #tpu.memory_space<vmem_shared>> -> memref<801056xi32, #tpu.memory_space<vmem_shared>>
      tpu.enqueue_indirect_dma source(%dma_start3A_865 : memref<80xi32, #tpu.memory_space<vmem>>) target(%dma_start3A_870 : memref<801056xi32, #tpu.memory_space<vmem_shared>>) offsets(%dma_start3A_868 : memref<80xi32, #tpu.memory_space<vmem>>) semaphore(%arg37 : memref<!tpu.dma_semaphore, #tpu.memory_space<semaphore_mem>>)
      %dma_start3A_871 = arith.constant 13 : i32
      %dma_start3A_872 = arith.constant 1040 : i32
      %dma_start3A_873 = tpu.memref_slice %arg30[%dma_start3A_872] : memref<2000xi32, #tpu.memory_space<vmem>> -> memref<80xi32, #tpu.memory_space<vmem>>
      %dma_start3A_874 = arith.constant 0 : i32
      %dma_start3A_875 = tpu.memref_slice %arg35[%dma_start3A_871, %dma_start3A_874] : memref<25x80xi32, #tpu.memory_space<vmem>> -> memref<1x80xi32, #tpu.memory_space<vmem>>
      %dma_start3A_876 = tpu.memref_squeeze %dma_start3A_875 : memref<1x80xi32, #tpu.memory_space<vmem>> -> memref<80xi32, #tpu.memory_space<vmem>>
      %dma_start3A_877 = arith.constant 0 : i32
      %dma_start3A_878 = tpu.memref_slice %arg11[%dma_start3A_877] : memref<801056xi32, #tpu.memory_space<vmem_shared>> -> memref<801056xi32, #tpu.memory_space<vmem_shared>>
      tpu.enqueue_indirect_dma source(%dma_start3A_873 : memref<80xi32, #tpu.memory_space<vmem>>) target(%dma_start3A_878 : memref<801056xi32, #tpu.memory_space<vmem_shared>>) offsets(%dma_start3A_876 : memref<80xi32, #tpu.memory_space<vmem>>) semaphore(%arg37 : memref<!tpu.dma_semaphore, #tpu.memory_space<semaphore_mem>>)
      %dma_start3A_879 = arith.constant 13 : i32
      %dma_start3A_880 = arith.constant 1040 : i32
      %dma_start3A_881 = tpu.memref_slice %arg31[%dma_start3A_880] : memref<2000xi32, #tpu.memory_space<vmem>> -> memref<80xi32, #tpu.memory_space<vmem>>
      %dma_start3A_882 = arith.constant 0 : i32
      %dma_start3A_883 = tpu.memref_slice %arg35[%dma_start3A_879, %dma_start3A_882] : memref<25x80xi32, #tpu.memory_space<vmem>> -> memref<1x80xi32, #tpu.memory_space<vmem>>
      %dma_start3A_884 = tpu.memref_squeeze %dma_start3A_883 : memref<1x80xi32, #tpu.memory_space<vmem>> -> memref<80xi32, #tpu.memory_space<vmem>>
      %dma_start3A_885 = arith.constant 0 : i32
      %dma_start3A_886 = tpu.memref_slice %arg12[%dma_start3A_885] : memref<801056xi32, #tpu.memory_space<vmem_shared>> -> memref<801056xi32, #tpu.memory_space<vmem_shared>>
      tpu.enqueue_indirect_dma source(%dma_start3A_881 : memref<80xi32, #tpu.memory_space<vmem>>) target(%dma_start3A_886 : memref<801056xi32, #tpu.memory_space<vmem_shared>>) offsets(%dma_start3A_884 : memref<80xi32, #tpu.memory_space<vmem>>) semaphore(%arg37 : memref<!tpu.dma_semaphore, #tpu.memory_space<semaphore_mem>>)
      %dma_start3A_887 = arith.constant 14 : i32
      %dma_start3A_888 = arith.constant 1120 : i32
      %dma_start3A_889 = tpu.memref_slice %arg30[%dma_start3A_888] : memref<2000xi32, #tpu.memory_space<vmem>> -> memref<80xi32, #tpu.memory_space<vmem>>
      %dma_start3A_890 = arith.constant 0 : i32
      %dma_start3A_891 = tpu.memref_slice %arg35[%dma_start3A_887, %dma_start3A_890] : memref<25x80xi32, #tpu.memory_space<vmem>> -> memref<1x80xi32, #tpu.memory_space<vmem>>
      %dma_start3A_892 = tpu.memref_squeeze %dma_start3A_891 : memref<1x80xi32, #tpu.memory_space<vmem>> -> memref<80xi32, #tpu.memory_space<vmem>>
      %dma_start3A_893 = arith.constant 0 : i32
      %dma_start3A_894 = tpu.memref_slice %arg11[%dma_start3A_893] : memref<801056xi32, #tpu.memory_space<vmem_shared>> -> memref<801056xi32, #tpu.memory_space<vmem_shared>>
      tpu.enqueue_indirect_dma source(%dma_start3A_889 : memref<80xi32, #tpu.memory_space<vmem>>) target(%dma_start3A_894 : memref<801056xi32, #tpu.memory_space<vmem_shared>>) offsets(%dma_start3A_892 : memref<80xi32, #tpu.memory_space<vmem>>) semaphore(%arg37 : memref<!tpu.dma_semaphore, #tpu.memory_space<semaphore_mem>>)
      %dma_start3A_895 = arith.constant 14 : i32
      %dma_start3A_896 = arith.constant 1120 : i32
      %dma_start3A_897 = tpu.memref_slice %arg31[%dma_start3A_896] : memref<2000xi32, #tpu.memory_space<vmem>> -> memref<80xi32, #tpu.memory_space<vmem>>
      %dma_start3A_898 = arith.constant 0 : i32
      %dma_start3A_899 = tpu.memref_slice %arg35[%dma_start3A_895, %dma_start3A_898] : memref<25x80xi32, #tpu.memory_space<vmem>> -> memref<1x80xi32, #tpu.memory_space<vmem>>
      %dma_start3A_900 = tpu.memref_squeeze %dma_start3A_899 : memref<1x80xi32, #tpu.memory_space<vmem>> -> memref<80xi32, #tpu.memory_space<vmem>>
      %dma_start3A_901 = arith.constant 0 : i32
      %dma_start3A_902 = tpu.memref_slice %arg12[%dma_start3A_901] : memref<801056xi32, #tpu.memory_space<vmem_shared>> -> memref<801056xi32, #tpu.memory_space<vmem_shared>>
      tpu.enqueue_indirect_dma source(%dma_start3A_897 : memref<80xi32, #tpu.memory_space<vmem>>) target(%dma_start3A_902 : memref<801056xi32, #tpu.memory_space<vmem_shared>>) offsets(%dma_start3A_900 : memref<80xi32, #tpu.memory_space<vmem>>) semaphore(%arg37 : memref<!tpu.dma_semaphore, #tpu.memory_space<semaphore_mem>>)
      %dma_start3A_903 = arith.constant 15 : i32
      %dma_start3A_904 = arith.constant 1200 : i32
      %dma_start3A_905 = tpu.memref_slice %arg30[%dma_start3A_904] : memref<2000xi32, #tpu.memory_space<vmem>> -> memref<80xi32, #tpu.memory_space<vmem>>
      %dma_start3A_906 = arith.constant 0 : i32
      %dma_start3A_907 = tpu.memref_slice %arg35[%dma_start3A_903, %dma_start3A_906] : memref<25x80xi32, #tpu.memory_space<vmem>> -> memref<1x80xi32, #tpu.memory_space<vmem>>
      %dma_start3A_908 = tpu.memref_squeeze %dma_start3A_907 : memref<1x80xi32, #tpu.memory_space<vmem>> -> memref<80xi32, #tpu.memory_space<vmem>>
      %dma_start3A_909 = arith.constant 0 : i32
      %dma_start3A_910 = tpu.memref_slice %arg11[%dma_start3A_909] : memref<801056xi32, #tpu.memory_space<vmem_shared>> -> memref<801056xi32, #tpu.memory_space<vmem_shared>>
      tpu.enqueue_indirect_dma source(%dma_start3A_905 : memref<80xi32, #tpu.memory_space<vmem>>) target(%dma_start3A_910 : memref<801056xi32, #tpu.memory_space<vmem_shared>>) offsets(%dma_start3A_908 : memref<80xi32, #tpu.memory_space<vmem>>) semaphore(%arg37 : memref<!tpu.dma_semaphore, #tpu.memory_space<semaphore_mem>>)
      %dma_start3A_911 = arith.constant 15 : i32
      %dma_start3A_912 = arith.constant 1200 : i32
      %dma_start3A_913 = tpu.memref_slice %arg31[%dma_start3A_912] : memref<2000xi32, #tpu.memory_space<vmem>> -> memref<80xi32, #tpu.memory_space<vmem>>
      %dma_start3A_914 = arith.constant 0 : i32
      %dma_start3A_915 = tpu.memref_slice %arg35[%dma_start3A_911, %dma_start3A_914] : memref<25x80xi32, #tpu.memory_space<vmem>> -> memref<1x80xi32, #tpu.memory_space<vmem>>
      %dma_start3A_916 = tpu.memref_squeeze %dma_start3A_915 : memref<1x80xi32, #tpu.memory_space<vmem>> -> memref<80xi32, #tpu.memory_space<vmem>>
      %dma_start3A_917 = arith.constant 0 : i32
      %dma_start3A_918 = tpu.memref_slice %arg12[%dma_start3A_917] : memref<801056xi32, #tpu.memory_space<vmem_shared>> -> memref<801056xi32, #tpu.memory_space<vmem_shared>>
      tpu.enqueue_indirect_dma source(%dma_start3A_913 : memref<80xi32, #tpu.memory_space<vmem>>) target(%dma_start3A_918 : memref<801056xi32, #tpu.memory_space<vmem_shared>>) offsets(%dma_start3A_916 : memref<80xi32, #tpu.memory_space<vmem>>) semaphore(%arg37 : memref<!tpu.dma_semaphore, #tpu.memory_space<semaphore_mem>>)
      %dma_start3A_919 = arith.constant 16 : i32
      %dma_start3A_920 = arith.constant 1280 : i32
      %dma_start3A_921 = tpu.memref_slice %arg30[%dma_start3A_920] : memref<2000xi32, #tpu.memory_space<vmem>> -> memref<80xi32, #tpu.memory_space<vmem>>
      %dma_start3A_922 = arith.constant 0 : i32
      %dma_start3A_923 = tpu.memref_slice %arg35[%dma_start3A_919, %dma_start3A_922] : memref<25x80xi32, #tpu.memory_space<vmem>> -> memref<1x80xi32, #tpu.memory_space<vmem>>
      %dma_start3A_924 = tpu.memref_squeeze %dma_start3A_923 : memref<1x80xi32, #tpu.memory_space<vmem>> -> memref<80xi32, #tpu.memory_space<vmem>>
      %dma_start3A_925 = arith.constant 0 : i32
      %dma_start3A_926 = tpu.memref_slice %arg11[%dma_start3A_925] : memref<801056xi32, #tpu.memory_space<vmem_shared>> -> memref<801056xi32, #tpu.memory_space<vmem_shared>>
      tpu.enqueue_indirect_dma source(%dma_start3A_921 : memref<80xi32, #tpu.memory_space<vmem>>) target(%dma_start3A_926 : memref<801056xi32, #tpu.memory_space<vmem_shared>>) offsets(%dma_start3A_924 : memref<80xi32, #tpu.memory_space<vmem>>) semaphore(%arg37 : memref<!tpu.dma_semaphore, #tpu.memory_space<semaphore_mem>>)
      %dma_start3A_927 = arith.constant 16 : i32
      %dma_start3A_928 = arith.constant 1280 : i32
      %dma_start3A_929 = tpu.memref_slice %arg31[%dma_start3A_928] : memref<2000xi32, #tpu.memory_space<vmem>> -> memref<80xi32, #tpu.memory_space<vmem>>
      %dma_start3A_930 = arith.constant 0 : i32
      %dma_start3A_931 = tpu.memref_slice %arg35[%dma_start3A_927, %dma_start3A_930] : memref<25x80xi32, #tpu.memory_space<vmem>> -> memref<1x80xi32, #tpu.memory_space<vmem>>
      %dma_start3A_932 = tpu.memref_squeeze %dma_start3A_931 : memref<1x80xi32, #tpu.memory_space<vmem>> -> memref<80xi32, #tpu.memory_space<vmem>>
      %dma_start3A_933 = arith.constant 0 : i32
      %dma_start3A_934 = tpu.memref_slice %arg12[%dma_start3A_933] : memref<801056xi32, #tpu.memory_space<vmem_shared>> -> memref<801056xi32, #tpu.memory_space<vmem_shared>>
      tpu.enqueue_indirect_dma source(%dma_start3A_929 : memref<80xi32, #tpu.memory_space<vmem>>) target(%dma_start3A_934 : memref<801056xi32, #tpu.memory_space<vmem_shared>>) offsets(%dma_start3A_932 : memref<80xi32, #tpu.memory_space<vmem>>) semaphore(%arg37 : memref<!tpu.dma_semaphore, #tpu.memory_space<semaphore_mem>>)
      %dma_start3A_935 = arith.constant 17 : i32
      %dma_start3A_936 = arith.constant 1360 : i32
      %dma_start3A_937 = tpu.memref_slice %arg30[%dma_start3A_936] : memref<2000xi32, #tpu.memory_space<vmem>> -> memref<80xi32, #tpu.memory_space<vmem>>
      %dma_start3A_938 = arith.constant 0 : i32
      %dma_start3A_939 = tpu.memref_slice %arg35[%dma_start3A_935, %dma_start3A_938] : memref<25x80xi32, #tpu.memory_space<vmem>> -> memref<1x80xi32, #tpu.memory_space<vmem>>
      %dma_start3A_940 = tpu.memref_squeeze %dma_start3A_939 : memref<1x80xi32, #tpu.memory_space<vmem>> -> memref<80xi32, #tpu.memory_space<vmem>>
      %dma_start3A_941 = arith.constant 0 : i32
      %dma_start3A_942 = tpu.memref_slice %arg11[%dma_start3A_941] : memref<801056xi32, #tpu.memory_space<vmem_shared>> -> memref<801056xi32, #tpu.memory_space<vmem_shared>>
      tpu.enqueue_indirect_dma source(%dma_start3A_937 : memref<80xi32, #tpu.memory_space<vmem>>) target(%dma_start3A_942 : memref<801056xi32, #tpu.memory_space<vmem_shared>>) offsets(%dma_start3A_940 : memref<80xi32, #tpu.memory_space<vmem>>) semaphore(%arg37 : memref<!tpu.dma_semaphore, #tpu.memory_space<semaphore_mem>>)
      %dma_start3A_943 = arith.constant 17 : i32
      %dma_start3A_944 = arith.constant 1360 : i32
      %dma_start3A_945 = tpu.memref_slice %arg31[%dma_start3A_944] : memref<2000xi32, #tpu.memory_space<vmem>> -> memref<80xi32, #tpu.memory_space<vmem>>
      %dma_start3A_946 = arith.constant 0 : i32
      %dma_start3A_947 = tpu.memref_slice %arg35[%dma_start3A_943, %dma_start3A_946] : memref<25x80xi32, #tpu.memory_space<vmem>> -> memref<1x80xi32, #tpu.memory_space<vmem>>
      %dma_start3A_948 = tpu.memref_squeeze %dma_start3A_947 : memref<1x80xi32, #tpu.memory_space<vmem>> -> memref<80xi32, #tpu.memory_space<vmem>>
      %dma_start3A_949 = arith.constant 0 : i32
      %dma_start3A_950 = tpu.memref_slice %arg12[%dma_start3A_949] : memref<801056xi32, #tpu.memory_space<vmem_shared>> -> memref<801056xi32, #tpu.memory_space<vmem_shared>>
      tpu.enqueue_indirect_dma source(%dma_start3A_945 : memref<80xi32, #tpu.memory_space<vmem>>) target(%dma_start3A_950 : memref<801056xi32, #tpu.memory_space<vmem_shared>>) offsets(%dma_start3A_948 : memref<80xi32, #tpu.memory_space<vmem>>) semaphore(%arg37 : memref<!tpu.dma_semaphore, #tpu.memory_space<semaphore_mem>>)
      %dma_start3A_951 = arith.constant 18 : i32
      %dma_start3A_952 = arith.constant 1440 : i32
      %dma_start3A_953 = tpu.memref_slice %arg30[%dma_start3A_952] : memref<2000xi32, #tpu.memory_space<vmem>> -> memref<80xi32, #tpu.memory_space<vmem>>
      %dma_start3A_954 = arith.constant 0 : i32
      %dma_start3A_955 = tpu.memref_slice %arg35[%dma_start3A_951, %dma_start3A_954] : memref<25x80xi32, #tpu.memory_space<vmem>> -> memref<1x80xi32, #tpu.memory_space<vmem>>
      %dma_start3A_956 = tpu.memref_squeeze %dma_start3A_955 : memref<1x80xi32, #tpu.memory_space<vmem>> -> memref<80xi32, #tpu.memory_space<vmem>>
      %dma_start3A_957 = arith.constant 0 : i32
      %dma_start3A_958 = tpu.memref_slice %arg11[%dma_start3A_957] : memref<801056xi32, #tpu.memory_space<vmem_shared>> -> memref<801056xi32, #tpu.memory_space<vmem_shared>>
      tpu.enqueue_indirect_dma source(%dma_start3A_953 : memref<80xi32, #tpu.memory_space<vmem>>) target(%dma_start3A_958 : memref<801056xi32, #tpu.memory_space<vmem_shared>>) offsets(%dma_start3A_956 : memref<80xi32, #tpu.memory_space<vmem>>) semaphore(%arg37 : memref<!tpu.dma_semaphore, #tpu.memory_space<semaphore_mem>>)
      %dma_start3A_959 = arith.constant 18 : i32
      %dma_start3A_960 = arith.constant 1440 : i32
      %dma_start3A_961 = tpu.memref_slice %arg31[%dma_start3A_960] : memref<2000xi32, #tpu.memory_space<vmem>> -> memref<80xi32, #tpu.memory_space<vmem>>
      %dma_start3A_962 = arith.constant 0 : i32
      %dma_start3A_963 = tpu.memref_slice %arg35[%dma_start3A_959, %dma_start3A_962] : memref<25x80xi32, #tpu.memory_space<vmem>> -> memref<1x80xi32, #tpu.memory_space<vmem>>
      %dma_start3A_964 = tpu.memref_squeeze %dma_start3A_963 : memref<1x80xi32, #tpu.memory_space<vmem>> -> memref<80xi32, #tpu.memory_space<vmem>>
      %dma_start3A_965 = arith.constant 0 : i32
      %dma_start3A_966 = tpu.memref_slice %arg12[%dma_start3A_965] : memref<801056xi32, #tpu.memory_space<vmem_shared>> -> memref<801056xi32, #tpu.memory_space<vmem_shared>>
      tpu.enqueue_indirect_dma source(%dma_start3A_961 : memref<80xi32, #tpu.memory_space<vmem>>) target(%dma_start3A_966 : memref<801056xi32, #tpu.memory_space<vmem_shared>>) offsets(%dma_start3A_964 : memref<80xi32, #tpu.memory_space<vmem>>) semaphore(%arg37 : memref<!tpu.dma_semaphore, #tpu.memory_space<semaphore_mem>>)
      %dma_start3A_967 = arith.constant 19 : i32
      %dma_start3A_968 = arith.constant 1520 : i32
      %dma_start3A_969 = tpu.memref_slice %arg30[%dma_start3A_968] : memref<2000xi32, #tpu.memory_space<vmem>> -> memref<80xi32, #tpu.memory_space<vmem>>
      %dma_start3A_970 = arith.constant 0 : i32
      %dma_start3A_971 = tpu.memref_slice %arg35[%dma_start3A_967, %dma_start3A_970] : memref<25x80xi32, #tpu.memory_space<vmem>> -> memref<1x80xi32, #tpu.memory_space<vmem>>
      %dma_start3A_972 = tpu.memref_squeeze %dma_start3A_971 : memref<1x80xi32, #tpu.memory_space<vmem>> -> memref<80xi32, #tpu.memory_space<vmem>>
      %dma_start3A_973 = arith.constant 0 : i32
      %dma_start3A_974 = tpu.memref_slice %arg11[%dma_start3A_973] : memref<801056xi32, #tpu.memory_space<vmem_shared>> -> memref<801056xi32, #tpu.memory_space<vmem_shared>>
      tpu.enqueue_indirect_dma source(%dma_start3A_969 : memref<80xi32, #tpu.memory_space<vmem>>) target(%dma_start3A_974 : memref<801056xi32, #tpu.memory_space<vmem_shared>>) offsets(%dma_start3A_972 : memref<80xi32, #tpu.memory_space<vmem>>) semaphore(%arg37 : memref<!tpu.dma_semaphore, #tpu.memory_space<semaphore_mem>>)
      %dma_start3A_975 = arith.constant 19 : i32
      %dma_start3A_976 = arith.constant 1520 : i32
      %dma_start3A_977 = tpu.memref_slice %arg31[%dma_start3A_976] : memref<2000xi32, #tpu.memory_space<vmem>> -> memref<80xi32, #tpu.memory_space<vmem>>
      %dma_start3A_978 = arith.constant 0 : i32
      %dma_start3A_979 = tpu.memref_slice %arg35[%dma_start3A_975, %dma_start3A_978] : memref<25x80xi32, #tpu.memory_space<vmem>> -> memref<1x80xi32, #tpu.memory_space<vmem>>
      %dma_start3A_980 = tpu.memref_squeeze %dma_start3A_979 : memref<1x80xi32, #tpu.memory_space<vmem>> -> memref<80xi32, #tpu.memory_space<vmem>>
      %dma_start3A_981 = arith.constant 0 : i32
      %dma_start3A_982 = tpu.memref_slice %arg12[%dma_start3A_981] : memref<801056xi32, #tpu.memory_space<vmem_shared>> -> memref<801056xi32, #tpu.memory_space<vmem_shared>>
      tpu.enqueue_indirect_dma source(%dma_start3A_977 : memref<80xi32, #tpu.memory_space<vmem>>) target(%dma_start3A_982 : memref<801056xi32, #tpu.memory_space<vmem_shared>>) offsets(%dma_start3A_980 : memref<80xi32, #tpu.memory_space<vmem>>) semaphore(%arg37 : memref<!tpu.dma_semaphore, #tpu.memory_space<semaphore_mem>>)
      %dma_start3A_983 = arith.constant 20 : i32
      %dma_start3A_984 = arith.constant 1600 : i32
      %dma_start3A_985 = tpu.memref_slice %arg30[%dma_start3A_984] : memref<2000xi32, #tpu.memory_space<vmem>> -> memref<80xi32, #tpu.memory_space<vmem>>
      %dma_start3A_986 = arith.constant 0 : i32
      %dma_start3A_987 = tpu.memref_slice %arg35[%dma_start3A_983, %dma_start3A_986] : memref<25x80xi32, #tpu.memory_space<vmem>> -> memref<1x80xi32, #tpu.memory_space<vmem>>
      %dma_start3A_988 = tpu.memref_squeeze %dma_start3A_987 : memref<1x80xi32, #tpu.memory_space<vmem>> -> memref<80xi32, #tpu.memory_space<vmem>>
      %dma_start3A_989 = arith.constant 0 : i32
      %dma_start3A_990 = tpu.memref_slice %arg11[%dma_start3A_989] : memref<801056xi32, #tpu.memory_space<vmem_shared>> -> memref<801056xi32, #tpu.memory_space<vmem_shared>>
      tpu.enqueue_indirect_dma source(%dma_start3A_985 : memref<80xi32, #tpu.memory_space<vmem>>) target(%dma_start3A_990 : memref<801056xi32, #tpu.memory_space<vmem_shared>>) offsets(%dma_start3A_988 : memref<80xi32, #tpu.memory_space<vmem>>) semaphore(%arg37 : memref<!tpu.dma_semaphore, #tpu.memory_space<semaphore_mem>>)
      %dma_start3A_991 = arith.constant 20 : i32
      %dma_start3A_992 = arith.constant 1600 : i32
      %dma_start3A_993 = tpu.memref_slice %arg31[%dma_start3A_992] : memref<2000xi32, #tpu.memory_space<vmem>> -> memref<80xi32, #tpu.memory_space<vmem>>
      %dma_start3A_994 = arith.constant 0 : i32
      %dma_start3A_995 = tpu.memref_slice %arg35[%dma_start3A_991, %dma_start3A_994] : memref<25x80xi32, #tpu.memory_space<vmem>> -> memref<1x80xi32, #tpu.memory_space<vmem>>
      %dma_start3A_996 = tpu.memref_squeeze %dma_start3A_995 : memref<1x80xi32, #tpu.memory_space<vmem>> -> memref<80xi32, #tpu.memory_space<vmem>>
      %dma_start3A_997 = arith.constant 0 : i32
      %dma_start3A_998 = tpu.memref_slice %arg12[%dma_start3A_997] : memref<801056xi32, #tpu.memory_space<vmem_shared>> -> memref<801056xi32, #tpu.memory_space<vmem_shared>>
      tpu.enqueue_indirect_dma source(%dma_start3A_993 : memref<80xi32, #tpu.memory_space<vmem>>) target(%dma_start3A_998 : memref<801056xi32, #tpu.memory_space<vmem_shared>>) offsets(%dma_start3A_996 : memref<80xi32, #tpu.memory_space<vmem>>) semaphore(%arg37 : memref<!tpu.dma_semaphore, #tpu.memory_space<semaphore_mem>>)
      %dma_start3A_999 = arith.constant 21 : i32
      %dma_start3A_1000 = arith.constant 1680 : i32
      %dma_start3A_1001 = tpu.memref_slice %arg30[%dma_start3A_1000] : memref<2000xi32, #tpu.memory_space<vmem>> -> memref<80xi32, #tpu.memory_space<vmem>>
      %dma_start3A_1002 = arith.constant 0 : i32
      %dma_start3A_1003 = tpu.memref_slice %arg35[%dma_start3A_999, %dma_start3A_1002] : memref<25x80xi32, #tpu.memory_space<vmem>> -> memref<1x80xi32, #tpu.memory_space<vmem>>
      %dma_start3A_1004 = tpu.memref_squeeze %dma_start3A_1003 : memref<1x80xi32, #tpu.memory_space<vmem>> -> memref<80xi32, #tpu.memory_space<vmem>>
      %dma_start3A_1005 = arith.constant 0 : i32
      %dma_start3A_1006 = tpu.memref_slice %arg11[%dma_start3A_1005] : memref<801056xi32, #tpu.memory_space<vmem_shared>> -> memref<801056xi32, #tpu.memory_space<vmem_shared>>
      tpu.enqueue_indirect_dma source(%dma_start3A_1001 : memref<80xi32, #tpu.memory_space<vmem>>) target(%dma_start3A_1006 : memref<801056xi32, #tpu.memory_space<vmem_shared>>) offsets(%dma_start3A_1004 : memref<80xi32, #tpu.memory_space<vmem>>) semaphore(%arg37 : memref<!tpu.dma_semaphore, #tpu.memory_space<semaphore_mem>>)
      %dma_start3A_1007 = arith.constant 21 : i32
      %dma_start3A_1008 = arith.constant 1680 : i32
      %dma_start3A_1009 = tpu.memref_slice %arg31[%dma_start3A_1008] : memref<2000xi32, #tpu.memory_space<vmem>> -> memref<80xi32, #tpu.memory_space<vmem>>
      %dma_start3A_1010 = arith.constant 0 : i32
      %dma_start3A_1011 = tpu.memref_slice %arg35[%dma_start3A_1007, %dma_start3A_1010] : memref<25x80xi32, #tpu.memory_space<vmem>> -> memref<1x80xi32, #tpu.memory_space<vmem>>
      %dma_start3A_1012 = tpu.memref_squeeze %dma_start3A_1011 : memref<1x80xi32, #tpu.memory_space<vmem>> -> memref<80xi32, #tpu.memory_space<vmem>>
      %dma_start3A_1013 = arith.constant 0 : i32
      %dma_start3A_1014 = tpu.memref_slice %arg12[%dma_start3A_1013] : memref<801056xi32, #tpu.memory_space<vmem_shared>> -> memref<801056xi32, #tpu.memory_space<vmem_shared>>
      tpu.enqueue_indirect_dma source(%dma_start3A_1009 : memref<80xi32, #tpu.memory_space<vmem>>) target(%dma_start3A_1014 : memref<801056xi32, #tpu.memory_space<vmem_shared>>) offsets(%dma_start3A_1012 : memref<80xi32, #tpu.memory_space<vmem>>) semaphore(%arg37 : memref<!tpu.dma_semaphore, #tpu.memory_space<semaphore_mem>>)
      %dma_start3A_1015 = arith.constant 22 : i32
      %dma_start3A_1016 = arith.constant 1760 : i32
      %dma_start3A_1017 = tpu.memref_slice %arg30[%dma_start3A_1016] : memref<2000xi32, #tpu.memory_space<vmem>> -> memref<80xi32, #tpu.memory_space<vmem>>
      %dma_start3A_1018 = arith.constant 0 : i32
      %dma_start3A_1019 = tpu.memref_slice %arg35[%dma_start3A_1015, %dma_start3A_1018] : memref<25x80xi32, #tpu.memory_space<vmem>> -> memref<1x80xi32, #tpu.memory_space<vmem>>
      %dma_start3A_1020 = tpu.memref_squeeze %dma_start3A_1019 : memref<1x80xi32, #tpu.memory_space<vmem>> -> memref<80xi32, #tpu.memory_space<vmem>>
      %dma_start3A_1021 = arith.constant 0 : i32
      %dma_start3A_1022 = tpu.memref_slice %arg11[%dma_start3A_1021] : memref<801056xi32, #tpu.memory_space<vmem_shared>> -> memref<801056xi32, #tpu.memory_space<vmem_shared>>
      tpu.enqueue_indirect_dma source(%dma_start3A_1017 : memref<80xi32, #tpu.memory_space<vmem>>) target(%dma_start3A_1022 : memref<801056xi32, #tpu.memory_space<vmem_shared>>) offsets(%dma_start3A_1020 : memref<80xi32, #tpu.memory_space<vmem>>) semaphore(%arg37 : memref<!tpu.dma_semaphore, #tpu.memory_space<semaphore_mem>>)
      %dma_start3A_1023 = arith.constant 22 : i32
      %dma_start3A_1024 = arith.constant 1760 : i32
      %dma_start3A_1025 = tpu.memref_slice %arg31[%dma_start3A_1024] : memref<2000xi32, #tpu.memory_space<vmem>> -> memref<80xi32, #tpu.memory_space<vmem>>
      %dma_start3A_1026 = arith.constant 0 : i32
      %dma_start3A_1027 = tpu.memref_slice %arg35[%dma_start3A_1023, %dma_start3A_1026] : memref<25x80xi32, #tpu.memory_space<vmem>> -> memref<1x80xi32, #tpu.memory_space<vmem>>
      %dma_start3A_1028 = tpu.memref_squeeze %dma_start3A_1027 : memref<1x80xi32, #tpu.memory_space<vmem>> -> memref<80xi32, #tpu.memory_space<vmem>>
      %dma_start3A_1029 = arith.constant 0 : i32
      %dma_start3A_1030 = tpu.memref_slice %arg12[%dma_start3A_1029] : memref<801056xi32, #tpu.memory_space<vmem_shared>> -> memref<801056xi32, #tpu.memory_space<vmem_shared>>
      tpu.enqueue_indirect_dma source(%dma_start3A_1025 : memref<80xi32, #tpu.memory_space<vmem>>) target(%dma_start3A_1030 : memref<801056xi32, #tpu.memory_space<vmem_shared>>) offsets(%dma_start3A_1028 : memref<80xi32, #tpu.memory_space<vmem>>) semaphore(%arg37 : memref<!tpu.dma_semaphore, #tpu.memory_space<semaphore_mem>>)
      %dma_start3A_1031 = arith.constant 23 : i32
      %dma_start3A_1032 = arith.constant 1840 : i32
      %dma_start3A_1033 = tpu.memref_slice %arg30[%dma_start3A_1032] : memref<2000xi32, #tpu.memory_space<vmem>> -> memref<80xi32, #tpu.memory_space<vmem>>
      %dma_start3A_1034 = arith.constant 0 : i32
      %dma_start3A_1035 = tpu.memref_slice %arg35[%dma_start3A_1031, %dma_start3A_1034] : memref<25x80xi32, #tpu.memory_space<vmem>> -> memref<1x80xi32, #tpu.memory_space<vmem>>
      %dma_start3A_1036 = tpu.memref_squeeze %dma_start3A_1035 : memref<1x80xi32, #tpu.memory_space<vmem>> -> memref<80xi32, #tpu.memory_space<vmem>>
      %dma_start3A_1037 = arith.constant 0 : i32
      %dma_start3A_1038 = tpu.memref_slice %arg11[%dma_start3A_1037] : memref<801056xi32, #tpu.memory_space<vmem_shared>> -> memref<801056xi32, #tpu.memory_space<vmem_shared>>
      tpu.enqueue_indirect_dma source(%dma_start3A_1033 : memref<80xi32, #tpu.memory_space<vmem>>) target(%dma_start3A_1038 : memref<801056xi32, #tpu.memory_space<vmem_shared>>) offsets(%dma_start3A_1036 : memref<80xi32, #tpu.memory_space<vmem>>) semaphore(%arg37 : memref<!tpu.dma_semaphore, #tpu.memory_space<semaphore_mem>>)
      %dma_start3A_1039 = arith.constant 23 : i32
      %dma_start3A_1040 = arith.constant 1840 : i32
      %dma_start3A_1041 = tpu.memref_slice %arg31[%dma_start3A_1040] : memref<2000xi32, #tpu.memory_space<vmem>> -> memref<80xi32, #tpu.memory_space<vmem>>
      %dma_start3A_1042 = arith.constant 0 : i32
      %dma_start3A_1043 = tpu.memref_slice %arg35[%dma_start3A_1039, %dma_start3A_1042] : memref<25x80xi32, #tpu.memory_space<vmem>> -> memref<1x80xi32, #tpu.memory_space<vmem>>
      %dma_start3A_1044 = tpu.memref_squeeze %dma_start3A_1043 : memref<1x80xi32, #tpu.memory_space<vmem>> -> memref<80xi32, #tpu.memory_space<vmem>>
      %dma_start3A_1045 = arith.constant 0 : i32
      %dma_start3A_1046 = tpu.memref_slice %arg12[%dma_start3A_1045] : memref<801056xi32, #tpu.memory_space<vmem_shared>> -> memref<801056xi32, #tpu.memory_space<vmem_shared>>
      tpu.enqueue_indirect_dma source(%dma_start3A_1041 : memref<80xi32, #tpu.memory_space<vmem>>) target(%dma_start3A_1046 : memref<801056xi32, #tpu.memory_space<vmem_shared>>) offsets(%dma_start3A_1044 : memref<80xi32, #tpu.memory_space<vmem>>) semaphore(%arg37 : memref<!tpu.dma_semaphore, #tpu.memory_space<semaphore_mem>>)
      %dma_start3A_1047 = arith.constant 24 : i32
      %dma_start3A_1048 = arith.constant 1920 : i32
      %dma_start3A_1049 = tpu.memref_slice %arg30[%dma_start3A_1048] : memref<2000xi32, #tpu.memory_space<vmem>> -> memref<80xi32, #tpu.memory_space<vmem>>
      %dma_start3A_1050 = arith.constant 0 : i32
      %dma_start3A_1051 = tpu.memref_slice %arg35[%dma_start3A_1047, %dma_start3A_1050] : memref<25x80xi32, #tpu.memory_space<vmem>> -> memref<1x80xi32, #tpu.memory_space<vmem>>
      %dma_start3A_1052 = tpu.memref_squeeze %dma_start3A_1051 : memref<1x80xi32, #tpu.memory_space<vmem>> -> memref<80xi32, #tpu.memory_space<vmem>>
      %dma_start3A_1053 = arith.constant 0 : i32
      %dma_start3A_1054 = tpu.memref_slice %arg11[%dma_start3A_1053] : memref<801056xi32, #tpu.memory_space<vmem_shared>> -> memref<801056xi32, #tpu.memory_space<vmem_shared>>
      tpu.enqueue_indirect_dma source(%dma_start3A_1049 : memref<80xi32, #tpu.memory_space<vmem>>) target(%dma_start3A_1054 : memref<801056xi32, #tpu.memory_space<vmem_shared>>) offsets(%dma_start3A_1052 : memref<80xi32, #tpu.memory_space<vmem>>) semaphore(%arg37 : memref<!tpu.dma_semaphore, #tpu.memory_space<semaphore_mem>>)
      %dma_start3A_1055 = arith.constant 24 : i32
      %dma_start3A_1056 = arith.constant 1920 : i32
      %dma_start3A_1057 = tpu.memref_slice %arg31[%dma_start3A_1056] : memref<2000xi32, #tpu.memory_space<vmem>> -> memref<80xi32, #tpu.memory_space<vmem>>
      %dma_start3A_1058 = arith.constant 0 : i32
      %dma_start3A_1059 = tpu.memref_slice %arg35[%dma_start3A_1055, %dma_start3A_1058] : memref<25x80xi32, #tpu.memory_space<vmem>> -> memref<1x80xi32, #tpu.memory_space<vmem>>
      %dma_start3A_1060 = tpu.memref_squeeze %dma_start3A_1059 : memref<1x80xi32, #tpu.memory_space<vmem>> -> memref<80xi32, #tpu.memory_space<vmem>>
      %dma_start3A_1061 = arith.constant 0 : i32
      %dma_start3A_1062 = tpu.memref_slice %arg12[%dma_start3A_1061] : memref<801056xi32, #tpu.memory_space<vmem_shared>> -> memref<801056xi32, #tpu.memory_space<vmem_shared>>
      tpu.enqueue_indirect_dma source(%dma_start3A_1057 : memref<80xi32, #tpu.memory_space<vmem>>) target(%dma_start3A_1062 : memref<801056xi32, #tpu.memory_space<vmem_shared>>) offsets(%dma_start3A_1060 : memref<80xi32, #tpu.memory_space<vmem>>) semaphore(%arg37 : memref<!tpu.dma_semaphore, #tpu.memory_space<semaphore_mem>>)
    }
    %scan3A_608 = arith.constant 25 : i32
    %dma_wait3A = arith.constant 0 : i32
    %dma_wait3A_609 = tpu.memref_slice %arg7[%dma_wait3A] : memref<1600016xi32, #tpu.memory_space<hbm>> -> memref<2000xi32, #tpu.memory_space<hbm>>
    %dma_wait3A_610 = arith.constant 0 : i32
    %dma_wait3A_611 = tpu.memref_slice %arg7[%dma_wait3A_610] : memref<1600016xi32, #tpu.memory_space<hbm>> -> memref<2000xi32, #tpu.memory_space<hbm>>
    tpu.wait_dma2 semaphore(%arg37 : memref<!tpu.dma_semaphore, #tpu.memory_space<semaphore_mem>>) src(%dma_wait3A_611 : memref<2000xi32, #tpu.memory_space<hbm>>) dst(%arg30 : memref<2000xi32, #tpu.memory_space<vmem>>)
    %dma_wait3A_612 = arith.constant 0 : i32
    %dma_wait3A_613 = tpu.memref_slice %arg8[%dma_wait3A_612] : memref<1600016xi32, #tpu.memory_space<hbm>> -> memref<2000xi32, #tpu.memory_space<hbm>>
    %dma_wait3A_614 = arith.constant 0 : i32
    %dma_wait3A_615 = tpu.memref_slice %arg8[%dma_wait3A_614] : memref<1600016xi32, #tpu.memory_space<hbm>> -> memref<2000xi32, #tpu.memory_space<hbm>>
    tpu.wait_dma2 semaphore(%arg37 : memref<!tpu.dma_semaphore, #tpu.memory_space<semaphore_mem>>) src(%dma_wait3A_615 : memref<2000xi32, #tpu.memory_space<hbm>>) dst(%arg31 : memref<2000xi32, #tpu.memory_space<vmem>>)
    %barrier3A_616 = arith.constant 0 : index
    tpu.barrier barrier_id(%barrier3A_616)
    %scan3A_617 = arith.constant 0 : i32
    %scan3A_618 = arith.constant 0 : i32
    %scan3A_619 = arith.constant 4 : i32
    %scan3A_620 = arith.addi %scan3A_618, %scan3A_619 : i32
    %scan3A_621 = arith.constant 1 : i32
    scf.for %scan3A_623 = %scan3A_618 to %scan3A_620 step %scan3A_621  : i32 {
      %mul3A_624 = arith.constant 4 : i32
      %mul3A_625 = arith.muli %arg1, %mul3A_624 : i32
      %add3A_626 = arith.addi %mul3A_625, %scan3A_623 : i32
      %broadcast_in_dim3A_627 = vector.broadcast %add3A_626 : i32 to vector<16xi32>
      %gather3A = tpu.vector_load_idx %arg19[%broadcast_in_dim3A_627] : memref<80xi32, #tpu.memory_space<vmem>>[vector<16xi32>], vector<16xi32>,
      %slice3A = vector.extract_strided_slice %gather3A {offsets = [0], sizes = [1], strides = [1]} : vector<16xi32> to vector<1xi32>
      %squeeze3A = vector.extract %slice3A[0] : i32 from vector<1xi32>
      %gather3A_628 = tpu.vector_load_idx %arg20[%broadcast_in_dim3A_627] : memref<80xi32, #tpu.memory_space<vmem>>[vector<16xi32>], vector<16xi32>,
      %slice3A_629 = vector.extract_strided_slice %gather3A_628 {offsets = [0], sizes = [1], strides = [1]} : vector<16xi32> to vector<1xi32>
      %squeeze3A_630 = vector.extract %slice3A_629[0] : i32 from vector<1xi32>
      %gather3A_631 = tpu.vector_load_idx %arg21[%broadcast_in_dim3A_627] : memref<80xi32, #tpu.memory_space<vmem>>[vector<16xi32>], vector<16xi32>,
      %slice3A_632 = vector.extract_strided_slice %gather3A_631 {offsets = [0], sizes = [1], strides = [1]} : vector<16xi32> to vector<1xi32>
      %squeeze3A_633 = vector.extract %slice3A_632[0] : i32 from vector<1xi32>
      %gt3A = arith.constant 0 : i32
      %gt3A_634 = arith.cmpi sgt, %squeeze3A, %gt3A : i32
      %convert_element_type3A_635 = arith.extui %gt3A_634 : i1 to i32
      %cond3A_636 = arith.constant 0 : i32
      %cond3A_637 = arith.cmpi ne, %convert_element_type3A_635, %cond3A_636 : i32
      scf.if %cond3A_637 {
        %and3A = arith.constant 15 : i32
        %and3A_653 = arith.andi %squeeze3A_630, %and3A : i32
        %sub3A_654 = arith.constant 16 : i32
        %sub3A_655 = arith.subi %sub3A_654, %and3A_653 : i32
        %and3A_656 = arith.constant 15 : i32
        %and3A_657 = arith.andi %sub3A_655, %and3A_656 : i32
        %min3A = arith.minsi %squeeze3A, %and3A_657 : i32
        %gt3A_658 = arith.constant 0 : i32
        %gt3A_659 = arith.cmpi sgt, %min3A, %gt3A_658 : i32
        %convert_element_type3A_660 = arith.extui %gt3A_659 : i1 to i32
        %cond3A_661 = arith.constant 0 : i32
        %cond3A_662 = arith.cmpi ne, %convert_element_type3A_660, %cond3A_661 : i32
        scf.if %cond3A_662 {
          %sub3A_757 = arith.subi %squeeze3A_633, %and3A_653 : i32
          %sub3A_758 = arith.subi %squeeze3A_630, %and3A_653 : i32
          %add3A_759 = arith.addi %and3A_653, %min3A : i32
          %multiple_of3A = tpu.assume_multiple %sub3A_757, 8 : i32
          "tpu.region"() ({
            %run_scoped3A = tpu.sem_alloc : memref<!tpu.dma_semaphore, #tpu.memory_space<semaphore_mem>>
            %dma_start3A_776 = tpu.memref_slice %arg11[%multiple_of3A] : memref<801056xi32, #tpu.memory_space<vmem_shared>> -> memref<16xi32, #tpu.memory_space<vmem_shared>>
            %dma_start3A_777 = tpu.memref_slice %arg11[%multiple_of3A] : memref<801056xi32, #tpu.memory_space<vmem_shared>> -> memref<16xi32, #tpu.memory_space<vmem_shared>>
            tpu.enqueue_dma source(%dma_start3A_777 : memref<16xi32, #tpu.memory_space<vmem_shared>>) target(%arg23 : memref<16xi32, #tpu.memory_space<vmem>>) target_semaphore(%run_scoped3A : memref<!tpu.dma_semaphore, #tpu.memory_space<semaphore_mem>>)
            %dma_wait3A_778 = tpu.memref_slice %arg11[%multiple_of3A] : memref<801056xi32, #tpu.memory_space<vmem_shared>> -> memref<16xi32, #tpu.memory_space<vmem_shared>>
            %dma_wait3A_779 = tpu.memref_slice %arg11[%multiple_of3A] : memref<801056xi32, #tpu.memory_space<vmem_shared>> -> memref<16xi32, #tpu.memory_space<vmem_shared>>
            tpu.wait_dma2 semaphore(%run_scoped3A : memref<!tpu.dma_semaphore, #tpu.memory_space<semaphore_mem>>) src(%dma_wait3A_779 : memref<16xi32, #tpu.memory_space<vmem_shared>>) dst(%arg23 : memref<16xi32, #tpu.memory_space<vmem>>)
            tpu.yield
          }) : () -> ()
          %ge3A_760 = vector.broadcast %and3A_653 : i32 to vector<16xi32>
          %ge3A_761 = arith.cmpi sge, %iota3A, %ge3A_760 : vector<16xi32>
          %lt3A = vector.broadcast %add3A_759 : i32 to vector<16xi32>
          %lt3A_762 = arith.cmpi slt, %iota3A, %lt3A : vector<16xi32>
          %and3A_763 = arith.andi %ge3A_761, %lt3A_762 : vector<16xi1>
          %add3A_764 = vector.broadcast %sub3A_758 : i32 to vector<16xi32>
          %add3A_765 = arith.addi %add3A_764, %iota3A : vector<16xi32>
          %add3A_766 = arith.constant 1600000 : i32
          %add3A_767 = vector.broadcast %add3A_766 : i32 to vector<16xi32>
          %add3A_768 = arith.addi %add3A_767, %iota3A : vector<16xi32>
          %select_n3A_769 = arith.select %and3A_763, %add3A_765, %add3A_768 : vector<16xi1>, vector<16xi32>
          %swap3A_770 = arith.constant 0 : index
          %swap3A_771 = tpu.vector_load %arg24[%swap3A_770] {strides = array<i32>} : memref<16xi32, #tpu.memory_space<vmem>>, vector<16xi32>,
          tpu.vector_store %arg24[%swap3A_770], %select_n3A_769 {strides = array<i32>} : memref<16xi32, #tpu.memory_space<vmem>>, vector<16xi32>,
          %dma_start3A_772 = arith.constant 0 : i32
          %dma_start3A_773 = tpu.memref_slice %arg7[%dma_start3A_772] : memref<1600016xi32, #tpu.memory_space<hbm>> -> memref<1600016xi32, #tpu.memory_space<hbm>>
          tpu.enqueue_indirect_dma source(%arg23 : memref<16xi32, #tpu.memory_space<vmem>>) target(%dma_start3A_773 : memref<1600016xi32, #tpu.memory_space<hbm>>) offsets(%arg24 : memref<16xi32, #tpu.memory_space<vmem>>) semaphore(%arg36 : memref<!tpu.dma_semaphore, #tpu.memory_space<semaphore_mem>>)
          %dma_wait3A_774 = arith.constant 0 : i32
          %dma_wait3A_775 = tpu.memref_slice %arg7[%dma_wait3A_774] : memref<1600016xi32, #tpu.memory_space<hbm>> -> memref<1600016xi32, #tpu.memory_space<hbm>>
          tpu.wait_indirect_dma semaphore(%arg36 : memref<!tpu.dma_semaphore, #tpu.memory_space<semaphore_mem>>) src(%arg23 : memref<16xi32, #tpu.memory_space<vmem>>) dst(%dma_wait3A_775 : memref<1600016xi32, #tpu.memory_space<hbm>>)
        } else {
        }
        %sub3A_663 = arith.subi %squeeze3A, %min3A : i32
        %and3A_664 = arith.constant 15 : i32
        %and3A_665 = arith.andi %sub3A_663, %and3A_664 : i32
        %add3A_666 = arith.addi %squeeze3A_630, %min3A : i32
        %add3A_667 = arith.addi %squeeze3A_633, %min3A : i32
        %jit3A_668 = arith.constant 256 : i32
        %div3A = arith.divsi %sub3A_663, %jit3A_668 : i32
        %sign3A = arith.constant 0 : i32
        %sign3A_669 = arith.cmpi sgt, %sub3A_663, %sign3A : i32
        %sign3A_670 = arith.extui %sign3A_669 : i1 to i32
        %sign3A_671 = arith.constant 0 : i32
        %sign3A_672 = arith.cmpi slt, %sub3A_663, %sign3A_671 : i32
        %sign3A_673 = arith.extui %sign3A_672 : i1 to i32
        %sign3A_674 = arith.subi %sign3A_670, %sign3A_673 : i32
        %sign3A_675 = arith.constant 0 : i32
        %sign3A_676 = arith.cmpi sgt, %jit3A_668, %sign3A_675 : i32
        %sign3A_677 = arith.extui %sign3A_676 : i1 to i32
        %sign3A_678 = arith.constant 0 : i32
        %sign3A_679 = arith.cmpi slt, %jit3A_668, %sign3A_678 : i32
        %sign3A_680 = arith.extui %sign3A_679 : i1 to i32
        %sign3A_681 = arith.subi %sign3A_677, %sign3A_680 : i32
        %ne3A = arith.cmpi ne, %sign3A_674, %sign3A_681 : i32
        %rem3A = arith.remsi %sub3A_663, %jit3A_668 : i32
        %ne3A_682 = arith.constant 0 : i32
        %ne3A_683 = arith.cmpi ne, %rem3A, %ne3A_682 : i32
        %and3A_684 = arith.andi %ne3A, %ne3A_683 : i1
        %sub3A_685 = arith.constant 1 : i32
        %sub3A_686 = arith.subi %div3A, %sub3A_685 : i32
        %select_n3A_687 = arith.select %and3A_684, %sub3A_686, %div3A : i32
        %ge3A = arith.constant 1 : i32
        %ge3A_688 = arith.cmpi sge, %select_n3A_687, %ge3A : i32
        %convert_element_type3A_689 = arith.extui %ge3A_688 : i1 to i32
        %cond3A_690 = arith.constant 0 : i32
        %cond3A_691 = arith.cmpi ne, %convert_element_type3A_689, %cond3A_690 : i32
        scf.if %cond3A_691 {
          %multiple_of3A = tpu.assume_multiple %add3A_667, 8 : i32
          %dma_start3A_757 = tpu.memref_slice %arg11[%multiple_of3A] : memref<801056xi32, #tpu.memory_space<vmem_shared>> -> memref<256xi32, #tpu.memory_space<vmem_shared>>
          %dma_start3A_758 = tpu.memref_slice %arg11[%multiple_of3A] : memref<801056xi32, #tpu.memory_space<vmem_shared>> -> memref<256xi32, #tpu.memory_space<vmem_shared>>
          tpu.enqueue_dma source(%dma_start3A_758 : memref<256xi32, #tpu.memory_space<vmem_shared>>) target(%arg25 : memref<256xi32, #tpu.memory_space<vmem>>) target_semaphore(%arg36 : memref<!tpu.dma_semaphore, #tpu.memory_space<semaphore_mem>>)
        } else {
        }
        %while3A = arith.constant 0 : i32
        %while3A_692 = arith.constant 0 : i32
        %while3A_693 = arith.subi %select_n3A_687, %while3A_692 : i32
        %while3A_694 = arith.addi %while3A_692, %while3A_693 : i32
        %while3A_695 = arith.constant 1 : i32
        %while3A_696 = arith.divsi %while3A_693, %while3A_695 : i32
        %while3A_697 = arith.muli %while3A_696, %while3A_695 : i32
        %while3A_698 = arith.addi %while3A_692, %while3A_697 : i32
        %while3A_699 = arith.constant 1 : i32
        scf.for %while3A_757 = %while3A_692 to %while3A_698 step %while3A_699  : i32 {
          %dma_wait3A_758 = arith.constant 0 : i32
          %dma_wait3A_759 = tpu.memref_slice %arg7[%dma_wait3A_758] : memref<1600016xi32, #tpu.memory_space<hbm>> -> memref<256xi32, #tpu.memory_space<hbm>>
          %dma_wait3A_760 = arith.constant 0 : i32
          %dma_wait3A_761 = tpu.memref_slice %arg7[%dma_wait3A_760] : memref<1600016xi32, #tpu.memory_space<hbm>> -> memref<256xi32, #tpu.memory_space<hbm>>
          tpu.wait_dma2 semaphore(%arg36 : memref<!tpu.dma_semaphore, #tpu.memory_space<semaphore_mem>>) src(%dma_wait3A_761 : memref<256xi32, #tpu.memory_space<hbm>>) dst(%arg25 : memref<256xi32, #tpu.memory_space<vmem>>)
          %ge3A_762 = arith.constant 1 : i32
          %ge3A_763 = arith.cmpi sge, %while3A_757, %ge3A_762 : i32
          %convert_element_type3A_764 = arith.extui %ge3A_763 : i1 to i32
          %cond3A_765 = arith.constant 0 : i32
          %cond3A_766 = arith.cmpi ne, %convert_element_type3A_764, %cond3A_765 : i32
          scf.if %cond3A_766 {
            %dma_wait3A_802 = arith.constant 0 : i32
            %dma_wait3A_803 = tpu.memref_slice %arg7[%dma_wait3A_802] : memref<1600016xi32, #tpu.memory_space<hbm>> -> memref<256xi32, #tpu.memory_space<hbm>>
            %dma_wait3A_804 = arith.constant 0 : i32
            %dma_wait3A_805 = tpu.memref_slice %arg7[%dma_wait3A_804] : memref<1600016xi32, #tpu.memory_space<hbm>> -> memref<256xi32, #tpu.memory_space<hbm>>
            tpu.wait_dma2 semaphore(%arg37 : memref<!tpu.dma_semaphore, #tpu.memory_space<semaphore_mem>>) src(%dma_wait3A_805 : memref<256xi32, #tpu.memory_space<hbm>>) dst(%arg25 : memref<256xi32, #tpu.memory_space<vmem>>)
          } else {
          }
          %add3A_767 = arith.constant 1 : i32
          %add3A_768 = arith.addi %while3A_757, %add3A_767 : i32
          %lt3A = arith.cmpi slt, %add3A_768, %select_n3A_687 : i32
          %and3A_769 = arith.constant 1 : i32
          %and3A_770 = arith.andi %while3A_757, %and3A_769 : i32
          %eq3A_771 = arith.constant 1 : i32
          %eq3A_772 = arith.cmpi eq, %and3A_770, %eq3A_771 : i32
          %and3A_773 = arith.andi %lt3A, %eq3A_772 : i1
          %convert_element_type3A_774 = arith.extui %and3A_773 : i1 to i32
          %cond3A_775 = arith.constant 0 : i32
          %cond3A_776 = arith.cmpi ne, %convert_element_type3A_774, %cond3A_775 : i32
          scf.if %cond3A_776 {
            %add3A_802 = arith.constant 1 : i32
            %add3A_803 = arith.addi %while3A_757, %add3A_802 : i32
            %mul3A_804 = arith.constant 256 : i32
            %mul3A_805 = arith.muli %add3A_803, %mul3A_804 : i32
            %add3A_806 = arith.addi %add3A_667, %mul3A_805 : i32
            %multiple_of3A = tpu.assume_multiple %add3A_806, 8 : i32
            %dma_start3A_807 = tpu.memref_slice %arg11[%multiple_of3A] : memref<801056xi32, #tpu.memory_space<vmem_shared>> -> memref<256xi32, #tpu.memory_space<vmem_shared>>
            %dma_start3A_808 = tpu.memref_slice %arg11[%multiple_of3A] : memref<801056xi32, #tpu.memory_space<vmem_shared>> -> memref<256xi32, #tpu.memory_space<vmem_shared>>
            tpu.enqueue_dma source(%dma_start3A_808 : memref<256xi32, #tpu.memory_space<vmem_shared>>) target(%arg25 : memref<256xi32, #tpu.memory_space<vmem>>) target_semaphore(%arg36 : memref<!tpu.dma_semaphore, #tpu.memory_space<semaphore_mem>>)
          } else {
          }
          %add3A_777 = arith.constant 1 : i32
          %add3A_778 = arith.addi %while3A_757, %add3A_777 : i32
          %lt3A_779 = arith.cmpi slt, %add3A_778, %select_n3A_687 : i32
          %and3A_780 = arith.constant 1 : i32
          %and3A_781 = arith.andi %while3A_757, %and3A_780 : i32
          %eq3A_782 = arith.constant 0 : i32
          %eq3A_783 = arith.cmpi eq, %and3A_781, %eq3A_782 : i32
          %and3A_784 = arith.andi %lt3A_779, %eq3A_783 : i1
          %convert_element_type3A_785 = arith.extui %and3A_784 : i1 to i32
          %cond3A_786 = arith.constant 0 : i32
          %cond3A_787 = arith.cmpi ne, %convert_element_type3A_785, %cond3A_786 : i32
          scf.if %cond3A_787 {
            %add3A_802 = arith.constant 1 : i32
            %add3A_803 = arith.addi %while3A_757, %add3A_802 : i32
            %mul3A_804 = arith.constant 256 : i32
            %mul3A_805 = arith.muli %add3A_803, %mul3A_804 : i32
            %add3A_806 = arith.addi %add3A_667, %mul3A_805 : i32
            %multiple_of3A = tpu.assume_multiple %add3A_806, 8 : i32
            %dma_start3A_807 = tpu.memref_slice %arg11[%multiple_of3A] : memref<801056xi32, #tpu.memory_space<vmem_shared>> -> memref<256xi32, #tpu.memory_space<vmem_shared>>
            %dma_start3A_808 = tpu.memref_slice %arg11[%multiple_of3A] : memref<801056xi32, #tpu.memory_space<vmem_shared>> -> memref<256xi32, #tpu.memory_space<vmem_shared>>
            tpu.enqueue_dma source(%dma_start3A_808 : memref<256xi32, #tpu.memory_space<vmem_shared>>) target(%arg26 : memref<256xi32, #tpu.memory_space<vmem>>) target_semaphore(%arg36 : memref<!tpu.dma_semaphore, #tpu.memory_space<semaphore_mem>>)
          } else {
          }
          %and3A_788 = arith.constant 1 : i32
          %and3A_789 = arith.andi %while3A_757, %and3A_788 : i32
          %eq3A_790 = arith.constant 0 : i32
          %eq3A_791 = arith.cmpi eq, %and3A_789, %eq3A_790 : i32
          %convert_element_type3A_792 = arith.extui %eq3A_791 : i1 to i32
          %cond3A_793 = arith.constant 0 : i32
          %cond3A_794 = arith.cmpi ne, %convert_element_type3A_792, %cond3A_793 : i32
          scf.if %cond3A_794 {
            %mul3A_802 = arith.constant 256 : i32
            %mul3A_803 = arith.muli %while3A_757, %mul3A_802 : i32
            %add3A_804 = arith.addi %add3A_666, %mul3A_803 : i32
            %multiple_of3A = tpu.assume_multiple %add3A_804, 8 : i32
            %dma_start3A_805 = tpu.memref_slice %arg7[%multiple_of3A] : memref<1600016xi32, #tpu.memory_space<hbm>> -> memref<256xi32, #tpu.memory_space<hbm>>
            %dma_start3A_806 = tpu.memref_slice %arg7[%multiple_of3A] : memref<1600016xi32, #tpu.memory_space<hbm>> -> memref<256xi32, #tpu.memory_space<hbm>>
            tpu.enqueue_dma source(%arg25 : memref<256xi32, #tpu.memory_space<vmem>>) target(%dma_start3A_806 : memref<256xi32, #tpu.memory_space<hbm>>) target_semaphore(%arg37 : memref<!tpu.dma_semaphore, #tpu.memory_space<semaphore_mem>>)
          } else {
          }
          %and3A_795 = arith.constant 1 : i32
          %and3A_796 = arith.andi %while3A_757, %and3A_795 : i32
          %eq3A_797 = arith.constant 1 : i32
          %eq3A_798 = arith.cmpi eq, %and3A_796, %eq3A_797 : i32
          %convert_element_type3A_799 = arith.extui %eq3A_798 : i1 to i32
          %cond3A_800 = arith.constant 0 : i32
          %cond3A_801 = arith.cmpi ne, %convert_element_type3A_799, %cond3A_800 : i32
          scf.if %cond3A_801 {
            %mul3A_802 = arith.constant 256 : i32
            %mul3A_803 = arith.muli %while3A_757, %mul3A_802 : i32
            %add3A_804 = arith.addi %add3A_666, %mul3A_803 : i32
            %multiple_of3A = tpu.assume_multiple %add3A_804, 8 : i32
            %dma_start3A_805 = tpu.memref_slice %arg7[%multiple_of3A] : memref<1600016xi32, #tpu.memory_space<hbm>> -> memref<256xi32, #tpu.memory_space<hbm>>
            %dma_start3A_806 = tpu.memref_slice %arg7[%multiple_of3A] : memref<1600016xi32, #tpu.memory_space<hbm>> -> memref<256xi32, #tpu.memory_space<hbm>>
            tpu.enqueue_dma source(%arg26 : memref<256xi32, #tpu.memory_space<vmem>>) target(%dma_start3A_806 : memref<256xi32, #tpu.memory_space<hbm>>) target_semaphore(%arg37 : memref<!tpu.dma_semaphore, #tpu.memory_space<semaphore_mem>>)
          } else {
          }
        }
        %while3A_700 = arith.constant 1 : i32
        scf.for %while3A_757 = %while3A_698 to %while3A_694 step %while3A_700  : i32 {
          %dma_wait3A_758 = arith.constant 0 : i32
          %dma_wait3A_759 = tpu.memref_slice %arg7[%dma_wait3A_758] : memref<1600016xi32, #tpu.memory_space<hbm>> -> memref<256xi32, #tpu.memory_space<hbm>>
          %dma_wait3A_760 = arith.constant 0 : i32
          %dma_wait3A_761 = tpu.memref_slice %arg7[%dma_wait3A_760] : memref<1600016xi32, #tpu.memory_space<hbm>> -> memref<256xi32, #tpu.memory_space<hbm>>
          tpu.wait_dma2 semaphore(%arg36 : memref<!tpu.dma_semaphore, #tpu.memory_space<semaphore_mem>>) src(%dma_wait3A_761 : memref<256xi32, #tpu.memory_space<hbm>>) dst(%arg25 : memref<256xi32, #tpu.memory_space<vmem>>)
          %ge3A_762 = arith.constant 1 : i32
          %ge3A_763 = arith.cmpi sge, %while3A_757, %ge3A_762 : i32
          %convert_element_type3A_764 = arith.extui %ge3A_763 : i1 to i32
          %cond3A_765 = arith.constant 0 : i32
          %cond3A_766 = arith.cmpi ne, %convert_element_type3A_764, %cond3A_765 : i32
          scf.if %cond3A_766 {
            %dma_wait3A_802 = arith.constant 0 : i32
            %dma_wait3A_803 = tpu.memref_slice %arg7[%dma_wait3A_802] : memref<1600016xi32, #tpu.memory_space<hbm>> -> memref<256xi32, #tpu.memory_space<hbm>>
            %dma_wait3A_804 = arith.constant 0 : i32
            %dma_wait3A_805 = tpu.memref_slice %arg7[%dma_wait3A_804] : memref<1600016xi32, #tpu.memory_space<hbm>> -> memref<256xi32, #tpu.memory_space<hbm>>
            tpu.wait_dma2 semaphore(%arg37 : memref<!tpu.dma_semaphore, #tpu.memory_space<semaphore_mem>>) src(%dma_wait3A_805 : memref<256xi32, #tpu.memory_space<hbm>>) dst(%arg25 : memref<256xi32, #tpu.memory_space<vmem>>)
          } else {
          }
          %add3A_767 = arith.constant 1 : i32
          %add3A_768 = arith.addi %while3A_757, %add3A_767 : i32
          %lt3A = arith.cmpi slt, %add3A_768, %select_n3A_687 : i32
          %and3A_769 = arith.constant 1 : i32
          %and3A_770 = arith.andi %while3A_757, %and3A_769 : i32
          %eq3A_771 = arith.constant 1 : i32
          %eq3A_772 = arith.cmpi eq, %and3A_770, %eq3A_771 : i32
          %and3A_773 = arith.andi %lt3A, %eq3A_772 : i1
          %convert_element_type3A_774 = arith.extui %and3A_773 : i1 to i32
          %cond3A_775 = arith.constant 0 : i32
          %cond3A_776 = arith.cmpi ne, %convert_element_type3A_774, %cond3A_775 : i32
          scf.if %cond3A_776 {
            %add3A_802 = arith.constant 1 : i32
            %add3A_803 = arith.addi %while3A_757, %add3A_802 : i32
            %mul3A_804 = arith.constant 256 : i32
            %mul3A_805 = arith.muli %add3A_803, %mul3A_804 : i32
            %add3A_806 = arith.addi %add3A_667, %mul3A_805 : i32
            %multiple_of3A = tpu.assume_multiple %add3A_806, 8 : i32
            %dma_start3A_807 = tpu.memref_slice %arg11[%multiple_of3A] : memref<801056xi32, #tpu.memory_space<vmem_shared>> -> memref<256xi32, #tpu.memory_space<vmem_shared>>
            %dma_start3A_808 = tpu.memref_slice %arg11[%multiple_of3A] : memref<801056xi32, #tpu.memory_space<vmem_shared>> -> memref<256xi32, #tpu.memory_space<vmem_shared>>
            tpu.enqueue_dma source(%dma_start3A_808 : memref<256xi32, #tpu.memory_space<vmem_shared>>) target(%arg25 : memref<256xi32, #tpu.memory_space<vmem>>) target_semaphore(%arg36 : memref<!tpu.dma_semaphore, #tpu.memory_space<semaphore_mem>>)
          } else {
          }
          %add3A_777 = arith.constant 1 : i32
          %add3A_778 = arith.addi %while3A_757, %add3A_777 : i32
          %lt3A_779 = arith.cmpi slt, %add3A_778, %select_n3A_687 : i32
          %and3A_780 = arith.constant 1 : i32
          %and3A_781 = arith.andi %while3A_757, %and3A_780 : i32
          %eq3A_782 = arith.constant 0 : i32
          %eq3A_783 = arith.cmpi eq, %and3A_781, %eq3A_782 : i32
          %and3A_784 = arith.andi %lt3A_779, %eq3A_783 : i1
          %convert_element_type3A_785 = arith.extui %and3A_784 : i1 to i32
          %cond3A_786 = arith.constant 0 : i32
          %cond3A_787 = arith.cmpi ne, %convert_element_type3A_785, %cond3A_786 : i32
          scf.if %cond3A_787 {
            %add3A_802 = arith.constant 1 : i32
            %add3A_803 = arith.addi %while3A_757, %add3A_802 : i32
            %mul3A_804 = arith.constant 256 : i32
            %mul3A_805 = arith.muli %add3A_803, %mul3A_804 : i32
            %add3A_806 = arith.addi %add3A_667, %mul3A_805 : i32
            %multiple_of3A = tpu.assume_multiple %add3A_806, 8 : i32
            %dma_start3A_807 = tpu.memref_slice %arg11[%multiple_of3A] : memref<801056xi32, #tpu.memory_space<vmem_shared>> -> memref<256xi32, #tpu.memory_space<vmem_shared>>
            %dma_start3A_808 = tpu.memref_slice %arg11[%multiple_of3A] : memref<801056xi32, #tpu.memory_space<vmem_shared>> -> memref<256xi32, #tpu.memory_space<vmem_shared>>
            tpu.enqueue_dma source(%dma_start3A_808 : memref<256xi32, #tpu.memory_space<vmem_shared>>) target(%arg26 : memref<256xi32, #tpu.memory_space<vmem>>) target_semaphore(%arg36 : memref<!tpu.dma_semaphore, #tpu.memory_space<semaphore_mem>>)
          } else {
          }
          %and3A_788 = arith.constant 1 : i32
          %and3A_789 = arith.andi %while3A_757, %and3A_788 : i32
          %eq3A_790 = arith.constant 0 : i32
          %eq3A_791 = arith.cmpi eq, %and3A_789, %eq3A_790 : i32
          %convert_element_type3A_792 = arith.extui %eq3A_791 : i1 to i32
          %cond3A_793 = arith.constant 0 : i32
          %cond3A_794 = arith.cmpi ne, %convert_element_type3A_792, %cond3A_793 : i32
          scf.if %cond3A_794 {
            %mul3A_802 = arith.constant 256 : i32
            %mul3A_803 = arith.muli %while3A_757, %mul3A_802 : i32
            %add3A_804 = arith.addi %add3A_666, %mul3A_803 : i32
            %multiple_of3A = tpu.assume_multiple %add3A_804, 8 : i32
            %dma_start3A_805 = tpu.memref_slice %arg7[%multiple_of3A] : memref<1600016xi32, #tpu.memory_space<hbm>> -> memref<256xi32, #tpu.memory_space<hbm>>
            %dma_start3A_806 = tpu.memref_slice %arg7[%multiple_of3A] : memref<1600016xi32, #tpu.memory_space<hbm>> -> memref<256xi32, #tpu.memory_space<hbm>>
            tpu.enqueue_dma source(%arg25 : memref<256xi32, #tpu.memory_space<vmem>>) target(%dma_start3A_806 : memref<256xi32, #tpu.memory_space<hbm>>) target_semaphore(%arg37 : memref<!tpu.dma_semaphore, #tpu.memory_space<semaphore_mem>>)
          } else {
          }
          %and3A_795 = arith.constant 1 : i32
          %and3A_796 = arith.andi %while3A_757, %and3A_795 : i32
          %eq3A_797 = arith.constant 1 : i32
          %eq3A_798 = arith.cmpi eq, %and3A_796, %eq3A_797 : i32
          %convert_element_type3A_799 = arith.extui %eq3A_798 : i1 to i32
          %cond3A_800 = arith.constant 0 : i32
          %cond3A_801 = arith.cmpi ne, %convert_element_type3A_799, %cond3A_800 : i32
          scf.if %cond3A_801 {
            %mul3A_802 = arith.constant 256 : i32
            %mul3A_803 = arith.muli %while3A_757, %mul3A_802 : i32
            %add3A_804 = arith.addi %add3A_666, %mul3A_803 : i32
            %multiple_of3A = tpu.assume_multiple %add3A_804, 8 : i32
            %dma_start3A_805 = tpu.memref_slice %arg7[%multiple_of3A] : memref<1600016xi32, #tpu.memory_space<hbm>> -> memref<256xi32, #tpu.memory_space<hbm>>
            %dma_start3A_806 = tpu.memref_slice %arg7[%multiple_of3A] : memref<1600016xi32, #tpu.memory_space<hbm>> -> memref<256xi32, #tpu.memory_space<hbm>>
            tpu.enqueue_dma source(%arg26 : memref<256xi32, #tpu.memory_space<vmem>>) target(%dma_start3A_806 : memref<256xi32, #tpu.memory_space<hbm>>) target_semaphore(%arg37 : memref<!tpu.dma_semaphore, #tpu.memory_space<semaphore_mem>>)
          } else {
          }
        }
        %ge3A_701 = arith.constant 1 : i32
        %ge3A_702 = arith.cmpi sge, %select_n3A_687, %ge3A_701 : i32
        %convert_element_type3A_703 = arith.extui %ge3A_702 : i1 to i32
        %cond3A_704 = arith.constant 0 : i32
        %cond3A_705 = arith.cmpi ne, %convert_element_type3A_703, %cond3A_704 : i32
        scf.if %cond3A_705 {
          %dma_wait3A_757 = arith.constant 0 : i32
          %dma_wait3A_758 = tpu.memref_slice %arg7[%dma_wait3A_757] : memref<1600016xi32, #tpu.memory_space<hbm>> -> memref<256xi32, #tpu.memory_space<hbm>>
          %dma_wait3A_759 = arith.constant 0 : i32
          %dma_wait3A_760 = tpu.memref_slice %arg7[%dma_wait3A_759] : memref<1600016xi32, #tpu.memory_space<hbm>> -> memref<256xi32, #tpu.memory_space<hbm>>
          tpu.wait_dma2 semaphore(%arg37 : memref<!tpu.dma_semaphore, #tpu.memory_space<semaphore_mem>>) src(%dma_wait3A_760 : memref<256xi32, #tpu.memory_space<hbm>>) dst(%arg25 : memref<256xi32, #tpu.memory_space<vmem>>)
        } else {
        }
        %sub3A_706 = arith.subi %sub3A_663, %and3A_665 : i32
        %mul3A_707 = arith.constant 256 : i32
        %mul3A_708 = arith.muli %select_n3A_687, %mul3A_707 : i32
        %sub3A_709 = arith.subi %sub3A_706, %mul3A_708 : i32
        %mul3A_710 = arith.constant 256 : i32
        %mul3A_711 = arith.muli %select_n3A_687, %mul3A_710 : i32
        %and3A_712 = arith.constant -256 : i32
        %and3A_713 = arith.andi %sub3A_709, %and3A_712 : i32
        %add3A_714 = arith.addi %mul3A_711, %and3A_713 : i32
        %and3A_715 = arith.constant 128 : i32
        %and3A_716 = arith.andi %sub3A_709, %and3A_715 : i32
        %ne3A_717 = arith.constant 0 : i32
        %ne3A_718 = arith.cmpi ne, %and3A_716, %ne3A_717 : i32
        %convert_element_type3A_719 = arith.extui %ne3A_718 : i1 to i32
        %cond3A_720 = arith.constant 0 : i32
        %cond3A_721 = arith.cmpi ne, %convert_element_type3A_719, %cond3A_720 : i32
        scf.if %cond3A_721 {
          %add3A_757 = arith.addi %add3A_667, %add3A_714 : i32
          %multiple_of3A = tpu.assume_multiple %add3A_757, 8 : i32
          "tpu.region"() ({
            %run_scoped3A = tpu.sem_alloc : memref<!tpu.dma_semaphore, #tpu.memory_space<semaphore_mem>>
            %dma_start3A_760 = arith.constant 0 : i32
            %dma_start3A_761 = tpu.memref_slice %arg25[%dma_start3A_760] : memref<256xi32, #tpu.memory_space<vmem>> -> memref<128xi32, #tpu.memory_space<vmem>>
            %dma_start3A_762 = tpu.memref_slice %arg11[%multiple_of3A] : memref<801056xi32, #tpu.memory_space<vmem_shared>> -> memref<128xi32, #tpu.memory_space<vmem_shared>>
            %dma_start3A_763 = arith.constant 0 : i32
            %dma_start3A_764 = tpu.memref_slice %arg25[%dma_start3A_763] : memref<256xi32, #tpu.memory_space<vmem>> -> memref<128xi32, #tpu.memory_space<vmem>>
            %dma_start3A_765 = tpu.memref_slice %arg11[%multiple_of3A] : memref<801056xi32, #tpu.memory_space<vmem_shared>> -> memref<128xi32, #tpu.memory_space<vmem_shared>>
            tpu.enqueue_dma source(%dma_start3A_765 : memref<128xi32, #tpu.memory_space<vmem_shared>>) target(%dma_start3A_764 : memref<128xi32, #tpu.memory_space<vmem>>) target_semaphore(%run_scoped3A : memref<!tpu.dma_semaphore, #tpu.memory_space<semaphore_mem>>)
            %dma_wait3A_766 = arith.constant 0 : i32
            %dma_wait3A_767 = tpu.memref_slice %arg25[%dma_wait3A_766] : memref<256xi32, #tpu.memory_space<vmem>> -> memref<128xi32, #tpu.memory_space<vmem>>
            %dma_wait3A_768 = tpu.memref_slice %arg11[%multiple_of3A] : memref<801056xi32, #tpu.memory_space<vmem_shared>> -> memref<128xi32, #tpu.memory_space<vmem_shared>>
            %dma_wait3A_769 = arith.constant 0 : i32
            %dma_wait3A_770 = tpu.memref_slice %arg25[%dma_wait3A_769] : memref<256xi32, #tpu.memory_space<vmem>> -> memref<128xi32, #tpu.memory_space<vmem>>
            %dma_wait3A_771 = tpu.memref_slice %arg11[%multiple_of3A] : memref<801056xi32, #tpu.memory_space<vmem_shared>> -> memref<128xi32, #tpu.memory_space<vmem_shared>>
            tpu.wait_dma2 semaphore(%run_scoped3A : memref<!tpu.dma_semaphore, #tpu.memory_space<semaphore_mem>>) src(%dma_wait3A_771 : memref<128xi32, #tpu.memory_space<vmem_shared>>) dst(%dma_wait3A_770 : memref<128xi32, #tpu.memory_space<vmem>>)
            tpu.yield
          }) : () -> ()
          %add3A_758 = arith.addi %add3A_666, %add3A_714 : i32
          %multiple_of3A_759 = tpu.assume_multiple %add3A_758, 8 : i32
          "tpu.region"() ({
            %run_scoped3A = tpu.sem_alloc : memref<!tpu.dma_semaphore, #tpu.memory_space<semaphore_mem>>
            %dma_start3A_760 = arith.constant 0 : i32
            %dma_start3A_761 = tpu.memref_slice %arg25[%dma_start3A_760] : memref<256xi32, #tpu.memory_space<vmem>> -> memref<128xi32, #tpu.memory_space<vmem>>
            %dma_start3A_762 = tpu.memref_slice %arg7[%multiple_of3A_759] : memref<1600016xi32, #tpu.memory_space<hbm>> -> memref<128xi32, #tpu.memory_space<hbm>>
            %dma_start3A_763 = tpu.memref_slice %arg7[%multiple_of3A_759] : memref<1600016xi32, #tpu.memory_space<hbm>> -> memref<128xi32, #tpu.memory_space<hbm>>
            %dma_start3A_764 = arith.constant 0 : i32
            %dma_start3A_765 = tpu.memref_slice %arg25[%dma_start3A_764] : memref<256xi32, #tpu.memory_space<vmem>> -> memref<128xi32, #tpu.memory_space<vmem>>
            tpu.enqueue_dma source(%dma_start3A_765 : memref<128xi32, #tpu.memory_space<vmem>>) target(%dma_start3A_763 : memref<128xi32, #tpu.memory_space<hbm>>) target_semaphore(%run_scoped3A : memref<!tpu.dma_semaphore, #tpu.memory_space<semaphore_mem>>)
            %dma_wait3A_766 = arith.constant 0 : i32
            %dma_wait3A_767 = tpu.memref_slice %arg25[%dma_wait3A_766] : memref<256xi32, #tpu.memory_space<vmem>> -> memref<128xi32, #tpu.memory_space<vmem>>
            %dma_wait3A_768 = tpu.memref_slice %arg7[%multiple_of3A_759] : memref<1600016xi32, #tpu.memory_space<hbm>> -> memref<128xi32, #tpu.memory_space<hbm>>
            %dma_wait3A_769 = tpu.memref_slice %arg7[%multiple_of3A_759] : memref<1600016xi32, #tpu.memory_space<hbm>> -> memref<128xi32, #tpu.memory_space<hbm>>
            %dma_wait3A_770 = arith.constant 0 : i32
            %dma_wait3A_771 = tpu.memref_slice %arg25[%dma_wait3A_770] : memref<256xi32, #tpu.memory_space<vmem>> -> memref<128xi32, #tpu.memory_space<vmem>>
            tpu.wait_dma2 semaphore(%run_scoped3A : memref<!tpu.dma_semaphore, #tpu.memory_space<semaphore_mem>>) src(%dma_wait3A_771 : memref<128xi32, #tpu.memory_space<vmem>>) dst(%dma_wait3A_769 : memref<128xi32, #tpu.memory_space<hbm>>)
            tpu.yield
          }) : () -> ()
        } else {
        }
        %and3A_722 = arith.constant -128 : i32
        %and3A_723 = arith.andi %sub3A_709, %and3A_722 : i32
        %add3A_724 = arith.addi %mul3A_711, %and3A_723 : i32
        %and3A_725 = arith.constant 64 : i32
        %and3A_726 = arith.andi %sub3A_709, %and3A_725 : i32
        %ne3A_727 = arith.constant 0 : i32
        %ne3A_728 = arith.cmpi ne, %and3A_726, %ne3A_727 : i32
        %convert_element_type3A_729 = arith.extui %ne3A_728 : i1 to i32
        %cond3A_730 = arith.constant 0 : i32
        %cond3A_731 = arith.cmpi ne, %convert_element_type3A_729, %cond3A_730 : i32
        scf.if %cond3A_731 {
          %add3A_757 = arith.addi %add3A_667, %add3A_724 : i32
          %multiple_of3A = tpu.assume_multiple %add3A_757, 8 : i32
          "tpu.region"() ({
            %run_scoped3A = tpu.sem_alloc : memref<!tpu.dma_semaphore, #tpu.memory_space<semaphore_mem>>
            %dma_start3A_760 = arith.constant 0 : i32
            %dma_start3A_761 = tpu.memref_slice %arg25[%dma_start3A_760] : memref<256xi32, #tpu.memory_space<vmem>> -> memref<64xi32, #tpu.memory_space<vmem>>
            %dma_start3A_762 = tpu.memref_slice %arg11[%multiple_of3A] : memref<801056xi32, #tpu.memory_space<vmem_shared>> -> memref<64xi32, #tpu.memory_space<vmem_shared>>
            %dma_start3A_763 = arith.constant 0 : i32
            %dma_start3A_764 = tpu.memref_slice %arg25[%dma_start3A_763] : memref<256xi32, #tpu.memory_space<vmem>> -> memref<64xi32, #tpu.memory_space<vmem>>
            %dma_start3A_765 = tpu.memref_slice %arg11[%multiple_of3A] : memref<801056xi32, #tpu.memory_space<vmem_shared>> -> memref<64xi32, #tpu.memory_space<vmem_shared>>
            tpu.enqueue_dma source(%dma_start3A_765 : memref<64xi32, #tpu.memory_space<vmem_shared>>) target(%dma_start3A_764 : memref<64xi32, #tpu.memory_space<vmem>>) target_semaphore(%run_scoped3A : memref<!tpu.dma_semaphore, #tpu.memory_space<semaphore_mem>>)
            %dma_wait3A_766 = arith.constant 0 : i32
            %dma_wait3A_767 = tpu.memref_slice %arg25[%dma_wait3A_766] : memref<256xi32, #tpu.memory_space<vmem>> -> memref<64xi32, #tpu.memory_space<vmem>>
            %dma_wait3A_768 = tpu.memref_slice %arg11[%multiple_of3A] : memref<801056xi32, #tpu.memory_space<vmem_shared>> -> memref<64xi32, #tpu.memory_space<vmem_shared>>
            %dma_wait3A_769 = arith.constant 0 : i32
            %dma_wait3A_770 = tpu.memref_slice %arg25[%dma_wait3A_769] : memref<256xi32, #tpu.memory_space<vmem>> -> memref<64xi32, #tpu.memory_space<vmem>>
            %dma_wait3A_771 = tpu.memref_slice %arg11[%multiple_of3A] : memref<801056xi32, #tpu.memory_space<vmem_shared>> -> memref<64xi32, #tpu.memory_space<vmem_shared>>
            tpu.wait_dma2 semaphore(%run_scoped3A : memref<!tpu.dma_semaphore, #tpu.memory_space<semaphore_mem>>) src(%dma_wait3A_771 : memref<64xi32, #tpu.memory_space<vmem_shared>>) dst(%dma_wait3A_770 : memref<64xi32, #tpu.memory_space<vmem>>)
            tpu.yield
          }) : () -> ()
          %add3A_758 = arith.addi %add3A_666, %add3A_724 : i32
          %multiple_of3A_759 = tpu.assume_multiple %add3A_758, 8 : i32
          "tpu.region"() ({
            %run_scoped3A = tpu.sem_alloc : memref<!tpu.dma_semaphore, #tpu.memory_space<semaphore_mem>>
            %dma_start3A_760 = arith.constant 0 : i32
            %dma_start3A_761 = tpu.memref_slice %arg25[%dma_start3A_760] : memref<256xi32, #tpu.memory_space<vmem>> -> memref<64xi32, #tpu.memory_space<vmem>>
            %dma_start3A_762 = tpu.memref_slice %arg7[%multiple_of3A_759] : memref<1600016xi32, #tpu.memory_space<hbm>> -> memref<64xi32, #tpu.memory_space<hbm>>
            %dma_start3A_763 = tpu.memref_slice %arg7[%multiple_of3A_759] : memref<1600016xi32, #tpu.memory_space<hbm>> -> memref<64xi32, #tpu.memory_space<hbm>>
            %dma_start3A_764 = arith.constant 0 : i32
            %dma_start3A_765 = tpu.memref_slice %arg25[%dma_start3A_764] : memref<256xi32, #tpu.memory_space<vmem>> -> memref<64xi32, #tpu.memory_space<vmem>>
            tpu.enqueue_dma source(%dma_start3A_765 : memref<64xi32, #tpu.memory_space<vmem>>) target(%dma_start3A_763 : memref<64xi32, #tpu.memory_space<hbm>>) target_semaphore(%run_scoped3A : memref<!tpu.dma_semaphore, #tpu.memory_space<semaphore_mem>>)
            %dma_wait3A_766 = arith.constant 0 : i32
            %dma_wait3A_767 = tpu.memref_slice %arg25[%dma_wait3A_766] : memref<256xi32, #tpu.memory_space<vmem>> -> memref<64xi32, #tpu.memory_space<vmem>>
            %dma_wait3A_768 = tpu.memref_slice %arg7[%multiple_of3A_759] : memref<1600016xi32, #tpu.memory_space<hbm>> -> memref<64xi32, #tpu.memory_space<hbm>>
            %dma_wait3A_769 = tpu.memref_slice %arg7[%multiple_of3A_759] : memref<1600016xi32, #tpu.memory_space<hbm>> -> memref<64xi32, #tpu.memory_space<hbm>>
            %dma_wait3A_770 = arith.constant 0 : i32
            %dma_wait3A_771 = tpu.memref_slice %arg25[%dma_wait3A_770] : memref<256xi32, #tpu.memory_space<vmem>> -> memref<64xi32, #tpu.memory_space<vmem>>
            tpu.wait_dma2 semaphore(%run_scoped3A : memref<!tpu.dma_semaphore, #tpu.memory_space<semaphore_mem>>) src(%dma_wait3A_771 : memref<64xi32, #tpu.memory_space<vmem>>) dst(%dma_wait3A_769 : memref<64xi32, #tpu.memory_space<hbm>>)
            tpu.yield
          }) : () -> ()
        } else {
        }
        %and3A_732 = arith.constant -64 : i32
        %and3A_733 = arith.andi %sub3A_709, %and3A_732 : i32
        %add3A_734 = arith.addi %mul3A_711, %and3A_733 : i32
        %and3A_735 = arith.constant 32 : i32
        %and3A_736 = arith.andi %sub3A_709, %and3A_735 : i32
        %ne3A_737 = arith.constant 0 : i32
        %ne3A_738 = arith.cmpi ne, %and3A_736, %ne3A_737 : i32
        %convert_element_type3A_739 = arith.extui %ne3A_738 : i1 to i32
        %cond3A_740 = arith.constant 0 : i32
        %cond3A_741 = arith.cmpi ne, %convert_element_type3A_739, %cond3A_740 : i32
        scf.if %cond3A_741 {
          %add3A_757 = arith.addi %add3A_667, %add3A_734 : i32
          %multiple_of3A = tpu.assume_multiple %add3A_757, 8 : i32
          "tpu.region"() ({
            %run_scoped3A = tpu.sem_alloc : memref<!tpu.dma_semaphore, #tpu.memory_space<semaphore_mem>>
            %dma_start3A_760 = arith.constant 0 : i32
            %dma_start3A_761 = tpu.memref_slice %arg25[%dma_start3A_760] : memref<256xi32, #tpu.memory_space<vmem>> -> memref<32xi32, #tpu.memory_space<vmem>>
            %dma_start3A_762 = tpu.memref_slice %arg11[%multiple_of3A] : memref<801056xi32, #tpu.memory_space<vmem_shared>> -> memref<32xi32, #tpu.memory_space<vmem_shared>>
            %dma_start3A_763 = arith.constant 0 : i32
            %dma_start3A_764 = tpu.memref_slice %arg25[%dma_start3A_763] : memref<256xi32, #tpu.memory_space<vmem>> -> memref<32xi32, #tpu.memory_space<vmem>>
            %dma_start3A_765 = tpu.memref_slice %arg11[%multiple_of3A] : memref<801056xi32, #tpu.memory_space<vmem_shared>> -> memref<32xi32, #tpu.memory_space<vmem_shared>>
            tpu.enqueue_dma source(%dma_start3A_765 : memref<32xi32, #tpu.memory_space<vmem_shared>>) target(%dma_start3A_764 : memref<32xi32, #tpu.memory_space<vmem>>) target_semaphore(%run_scoped3A : memref<!tpu.dma_semaphore, #tpu.memory_space<semaphore_mem>>)
            %dma_wait3A_766 = arith.constant 0 : i32
            %dma_wait3A_767 = tpu.memref_slice %arg25[%dma_wait3A_766] : memref<256xi32, #tpu.memory_space<vmem>> -> memref<32xi32, #tpu.memory_space<vmem>>
            %dma_wait3A_768 = tpu.memref_slice %arg11[%multiple_of3A] : memref<801056xi32, #tpu.memory_space<vmem_shared>> -> memref<32xi32, #tpu.memory_space<vmem_shared>>
            %dma_wait3A_769 = arith.constant 0 : i32
            %dma_wait3A_770 = tpu.memref_slice %arg25[%dma_wait3A_769] : memref<256xi32, #tpu.memory_space<vmem>> -> memref<32xi32, #tpu.memory_space<vmem>>
            %dma_wait3A_771 = tpu.memref_slice %arg11[%multiple_of3A] : memref<801056xi32, #tpu.memory_space<vmem_shared>> -> memref<32xi32, #tpu.memory_space<vmem_shared>>
            tpu.wait_dma2 semaphore(%run_scoped3A : memref<!tpu.dma_semaphore, #tpu.memory_space<semaphore_mem>>) src(%dma_wait3A_771 : memref<32xi32, #tpu.memory_space<vmem_shared>>) dst(%dma_wait3A_770 : memref<32xi32, #tpu.memory_space<vmem>>)
            tpu.yield
          }) : () -> ()
          %add3A_758 = arith.addi %add3A_666, %add3A_734 : i32
          %multiple_of3A_759 = tpu.assume_multiple %add3A_758, 8 : i32
          "tpu.region"() ({
            %run_scoped3A = tpu.sem_alloc : memref<!tpu.dma_semaphore, #tpu.memory_space<semaphore_mem>>
            %dma_start3A_760 = arith.constant 0 : i32
            %dma_start3A_761 = tpu.memref_slice %arg25[%dma_start3A_760] : memref<256xi32, #tpu.memory_space<vmem>> -> memref<32xi32, #tpu.memory_space<vmem>>
            %dma_start3A_762 = tpu.memref_slice %arg7[%multiple_of3A_759] : memref<1600016xi32, #tpu.memory_space<hbm>> -> memref<32xi32, #tpu.memory_space<hbm>>
            %dma_start3A_763 = tpu.memref_slice %arg7[%multiple_of3A_759] : memref<1600016xi32, #tpu.memory_space<hbm>> -> memref<32xi32, #tpu.memory_space<hbm>>
            %dma_start3A_764 = arith.constant 0 : i32
            %dma_start3A_765 = tpu.memref_slice %arg25[%dma_start3A_764] : memref<256xi32, #tpu.memory_space<vmem>> -> memref<32xi32, #tpu.memory_space<vmem>>
            tpu.enqueue_dma source(%dma_start3A_765 : memref<32xi32, #tpu.memory_space<vmem>>) target(%dma_start3A_763 : memref<32xi32, #tpu.memory_space<hbm>>) target_semaphore(%run_scoped3A : memref<!tpu.dma_semaphore, #tpu.memory_space<semaphore_mem>>)
            %dma_wait3A_766 = arith.constant 0 : i32
            %dma_wait3A_767 = tpu.memref_slice %arg25[%dma_wait3A_766] : memref<256xi32, #tpu.memory_space<vmem>> -> memref<32xi32, #tpu.memory_space<vmem>>
            %dma_wait3A_768 = tpu.memref_slice %arg7[%multiple_of3A_759] : memref<1600016xi32, #tpu.memory_space<hbm>> -> memref<32xi32, #tpu.memory_space<hbm>>
            %dma_wait3A_769 = tpu.memref_slice %arg7[%multiple_of3A_759] : memref<1600016xi32, #tpu.memory_space<hbm>> -> memref<32xi32, #tpu.memory_space<hbm>>
            %dma_wait3A_770 = arith.constant 0 : i32
            %dma_wait3A_771 = tpu.memref_slice %arg25[%dma_wait3A_770] : memref<256xi32, #tpu.memory_space<vmem>> -> memref<32xi32, #tpu.memory_space<vmem>>
            tpu.wait_dma2 semaphore(%run_scoped3A : memref<!tpu.dma_semaphore, #tpu.memory_space<semaphore_mem>>) src(%dma_wait3A_771 : memref<32xi32, #tpu.memory_space<vmem>>) dst(%dma_wait3A_769 : memref<32xi32, #tpu.memory_space<hbm>>)
            tpu.yield
          }) : () -> ()
        } else {
        }
        %and3A_742 = arith.constant -32 : i32
        %and3A_743 = arith.andi %sub3A_709, %and3A_742 : i32
        %add3A_744 = arith.addi %mul3A_711, %and3A_743 : i32
        %and3A_745 = arith.constant 16 : i32
        %and3A_746 = arith.andi %sub3A_709, %and3A_745 : i32
        %ne3A_747 = arith.constant 0 : i32
        %ne3A_748 = arith.cmpi ne, %and3A_746, %ne3A_747 : i32
        %convert_element_type3A_749 = arith.extui %ne3A_748 : i1 to i32
        %cond3A_750 = arith.constant 0 : i32
        %cond3A_751 = arith.cmpi ne, %convert_element_type3A_749, %cond3A_750 : i32
        scf.if %cond3A_751 {
          %add3A_757 = arith.addi %add3A_667, %add3A_744 : i32
          %multiple_of3A = tpu.assume_multiple %add3A_757, 8 : i32
          "tpu.region"() ({
            %run_scoped3A = tpu.sem_alloc : memref<!tpu.dma_semaphore, #tpu.memory_space<semaphore_mem>>
            %dma_start3A_760 = arith.constant 0 : i32
            %dma_start3A_761 = tpu.memref_slice %arg25[%dma_start3A_760] : memref<256xi32, #tpu.memory_space<vmem>> -> memref<16xi32, #tpu.memory_space<vmem>>
            %dma_start3A_762 = tpu.memref_slice %arg11[%multiple_of3A] : memref<801056xi32, #tpu.memory_space<vmem_shared>> -> memref<16xi32, #tpu.memory_space<vmem_shared>>
            %dma_start3A_763 = arith.constant 0 : i32
            %dma_start3A_764 = tpu.memref_slice %arg25[%dma_start3A_763] : memref<256xi32, #tpu.memory_space<vmem>> -> memref<16xi32, #tpu.memory_space<vmem>>
            %dma_start3A_765 = tpu.memref_slice %arg11[%multiple_of3A] : memref<801056xi32, #tpu.memory_space<vmem_shared>> -> memref<16xi32, #tpu.memory_space<vmem_shared>>
            tpu.enqueue_dma source(%dma_start3A_765 : memref<16xi32, #tpu.memory_space<vmem_shared>>) target(%dma_start3A_764 : memref<16xi32, #tpu.memory_space<vmem>>) target_semaphore(%run_scoped3A : memref<!tpu.dma_semaphore, #tpu.memory_space<semaphore_mem>>)
            %dma_wait3A_766 = arith.constant 0 : i32
            %dma_wait3A_767 = tpu.memref_slice %arg25[%dma_wait3A_766] : memref<256xi32, #tpu.memory_space<vmem>> -> memref<16xi32, #tpu.memory_space<vmem>>
            %dma_wait3A_768 = tpu.memref_slice %arg11[%multiple_of3A] : memref<801056xi32, #tpu.memory_space<vmem_shared>> -> memref<16xi32, #tpu.memory_space<vmem_shared>>
            %dma_wait3A_769 = arith.constant 0 : i32
            %dma_wait3A_770 = tpu.memref_slice %arg25[%dma_wait3A_769] : memref<256xi32, #tpu.memory_space<vmem>> -> memref<16xi32, #tpu.memory_space<vmem>>
            %dma_wait3A_771 = tpu.memref_slice %arg11[%multiple_of3A] : memref<801056xi32, #tpu.memory_space<vmem_shared>> -> memref<16xi32, #tpu.memory_space<vmem_shared>>
            tpu.wait_dma2 semaphore(%run_scoped3A : memref<!tpu.dma_semaphore, #tpu.memory_space<semaphore_mem>>) src(%dma_wait3A_771 : memref<16xi32, #tpu.memory_space<vmem_shared>>) dst(%dma_wait3A_770 : memref<16xi32, #tpu.memory_space<vmem>>)
            tpu.yield
          }) : () -> ()
          %add3A_758 = arith.addi %add3A_666, %add3A_744 : i32
          %multiple_of3A_759 = tpu.assume_multiple %add3A_758, 8 : i32
          "tpu.region"() ({
            %run_scoped3A = tpu.sem_alloc : memref<!tpu.dma_semaphore, #tpu.memory_space<semaphore_mem>>
            %dma_start3A_760 = arith.constant 0 : i32
            %dma_start3A_761 = tpu.memref_slice %arg25[%dma_start3A_760] : memref<256xi32, #tpu.memory_space<vmem>> -> memref<16xi32, #tpu.memory_space<vmem>>
            %dma_start3A_762 = tpu.memref_slice %arg7[%multiple_of3A_759] : memref<1600016xi32, #tpu.memory_space<hbm>> -> memref<16xi32, #tpu.memory_space<hbm>>
            %dma_start3A_763 = tpu.memref_slice %arg7[%multiple_of3A_759] : memref<1600016xi32, #tpu.memory_space<hbm>> -> memref<16xi32, #tpu.memory_space<hbm>>
            %dma_start3A_764 = arith.constant 0 : i32
            %dma_start3A_765 = tpu.memref_slice %arg25[%dma_start3A_764] : memref<256xi32, #tpu.memory_space<vmem>> -> memref<16xi32, #tpu.memory_space<vmem>>
            tpu.enqueue_dma source(%dma_start3A_765 : memref<16xi32, #tpu.memory_space<vmem>>) target(%dma_start3A_763 : memref<16xi32, #tpu.memory_space<hbm>>) target_semaphore(%run_scoped3A : memref<!tpu.dma_semaphore, #tpu.memory_space<semaphore_mem>>)
            %dma_wait3A_766 = arith.constant 0 : i32
            %dma_wait3A_767 = tpu.memref_slice %arg25[%dma_wait3A_766] : memref<256xi32, #tpu.memory_space<vmem>> -> memref<16xi32, #tpu.memory_space<vmem>>
            %dma_wait3A_768 = tpu.memref_slice %arg7[%multiple_of3A_759] : memref<1600016xi32, #tpu.memory_space<hbm>> -> memref<16xi32, #tpu.memory_space<hbm>>
            %dma_wait3A_769 = tpu.memref_slice %arg7[%multiple_of3A_759] : memref<1600016xi32, #tpu.memory_space<hbm>> -> memref<16xi32, #tpu.memory_space<hbm>>
            %dma_wait3A_770 = arith.constant 0 : i32
            %dma_wait3A_771 = tpu.memref_slice %arg25[%dma_wait3A_770] : memref<256xi32, #tpu.memory_space<vmem>> -> memref<16xi32, #tpu.memory_space<vmem>>
            tpu.wait_dma2 semaphore(%run_scoped3A : memref<!tpu.dma_semaphore, #tpu.memory_space<semaphore_mem>>) src(%dma_wait3A_771 : memref<16xi32, #tpu.memory_space<vmem>>) dst(%dma_wait3A_769 : memref<16xi32, #tpu.memory_space<hbm>>)
            tpu.yield
          }) : () -> ()
        } else {
        }
        %gt3A_752 = arith.constant 0 : i32
        %gt3A_753 = arith.cmpi sgt, %and3A_665, %gt3A_752 : i32
        %convert_element_type3A_754 = arith.extui %gt3A_753 : i1 to i32
        %cond3A_755 = arith.constant 0 : i32
        %cond3A_756 = arith.cmpi ne, %convert_element_type3A_754, %cond3A_755 : i32
        scf.if %cond3A_756 {
          %add3A_757 = arith.addi %add3A_667, %sub3A_663 : i32
          %sub3A_758 = arith.subi %add3A_757, %and3A_665 : i32
          %add3A_759 = arith.addi %add3A_666, %sub3A_663 : i32
          %sub3A_760 = arith.subi %add3A_759, %and3A_665 : i32
          %multiple_of3A = tpu.assume_multiple %sub3A_758, 8 : i32
          "tpu.region"() ({
            %run_scoped3A = tpu.sem_alloc : memref<!tpu.dma_semaphore, #tpu.memory_space<semaphore_mem>>
            %dma_start3A_778 = tpu.memref_slice %arg11[%multiple_of3A] : memref<801056xi32, #tpu.memory_space<vmem_shared>> -> memref<16xi32, #tpu.memory_space<vmem_shared>>
            %dma_start3A_779 = tpu.memref_slice %arg11[%multiple_of3A] : memref<801056xi32, #tpu.memory_space<vmem_shared>> -> memref<16xi32, #tpu.memory_space<vmem_shared>>
            tpu.enqueue_dma source(%dma_start3A_779 : memref<16xi32, #tpu.memory_space<vmem_shared>>) target(%arg23 : memref<16xi32, #tpu.memory_space<vmem>>) target_semaphore(%run_scoped3A : memref<!tpu.dma_semaphore, #tpu.memory_space<semaphore_mem>>)
            %dma_wait3A_780 = tpu.memref_slice %arg11[%multiple_of3A] : memref<801056xi32, #tpu.memory_space<vmem_shared>> -> memref<16xi32, #tpu.memory_space<vmem_shared>>
            %dma_wait3A_781 = tpu.memref_slice %arg11[%multiple_of3A] : memref<801056xi32, #tpu.memory_space<vmem_shared>> -> memref<16xi32, #tpu.memory_space<vmem_shared>>
            tpu.wait_dma2 semaphore(%run_scoped3A : memref<!tpu.dma_semaphore, #tpu.memory_space<semaphore_mem>>) src(%dma_wait3A_781 : memref<16xi32, #tpu.memory_space<vmem_shared>>) dst(%arg23 : memref<16xi32, #tpu.memory_space<vmem>>)
            tpu.yield
          }) : () -> ()
          %ge3A_761 = arith.constant 0 : i32
          %ge3A_762 = vector.broadcast %ge3A_761 : i32 to vector<16xi32>
          %ge3A_763 = arith.cmpi sge, %iota3A, %ge3A_762 : vector<16xi32>
          %lt3A = vector.broadcast %and3A_665 : i32 to vector<16xi32>
          %lt3A_764 = arith.cmpi slt, %iota3A, %lt3A : vector<16xi32>
          %and3A_765 = arith.andi %ge3A_763, %lt3A_764 : vector<16xi1>
          %add3A_766 = vector.broadcast %sub3A_760 : i32 to vector<16xi32>
          %add3A_767 = arith.addi %add3A_766, %iota3A : vector<16xi32>
          %add3A_768 = arith.constant 1600000 : i32
          %add3A_769 = vector.broadcast %add3A_768 : i32 to vector<16xi32>
          %add3A_770 = arith.addi %add3A_769, %iota3A : vector<16xi32>
          %select_n3A_771 = arith.select %and3A_765, %add3A_767, %add3A_770 : vector<16xi1>, vector<16xi32>
          %swap3A_772 = arith.constant 0 : index
          %swap3A_773 = tpu.vector_load %arg24[%swap3A_772] {strides = array<i32>} : memref<16xi32, #tpu.memory_space<vmem>>, vector<16xi32>,
          tpu.vector_store %arg24[%swap3A_772], %select_n3A_771 {strides = array<i32>} : memref<16xi32, #tpu.memory_space<vmem>>, vector<16xi32>,
          %dma_start3A_774 = arith.constant 0 : i32
          %dma_start3A_775 = tpu.memref_slice %arg7[%dma_start3A_774] : memref<1600016xi32, #tpu.memory_space<hbm>> -> memref<1600016xi32, #tpu.memory_space<hbm>>
          tpu.enqueue_indirect_dma source(%arg23 : memref<16xi32, #tpu.memory_space<vmem>>) target(%dma_start3A_775 : memref<1600016xi32, #tpu.memory_space<hbm>>) offsets(%arg24 : memref<16xi32, #tpu.memory_space<vmem>>) semaphore(%arg36 : memref<!tpu.dma_semaphore, #tpu.memory_space<semaphore_mem>>)
          %dma_wait3A_776 = arith.constant 0 : i32
          %dma_wait3A_777 = tpu.memref_slice %arg7[%dma_wait3A_776] : memref<1600016xi32, #tpu.memory_space<hbm>> -> memref<1600016xi32, #tpu.memory_space<hbm>>
          tpu.wait_indirect_dma semaphore(%arg36 : memref<!tpu.dma_semaphore, #tpu.memory_space<semaphore_mem>>) src(%arg23 : memref<16xi32, #tpu.memory_space<vmem>>) dst(%dma_wait3A_777 : memref<1600016xi32, #tpu.memory_space<hbm>>)
        } else {
        }
      } else {
      }
      %broadcast_in_dim3A_638 = vector.broadcast %add3A_626 : i32 to vector<16xi32>
      %gather3A_639 = tpu.vector_load_idx %arg19[%broadcast_in_dim3A_638] : memref<80xi32, #tpu.memory_space<vmem>>[vector<16xi32>], vector<16xi32>,
      %slice3A_640 = vector.extract_strided_slice %gather3A_639 {offsets = [0], sizes = [1], strides = [1]} : vector<16xi32> to vector<1xi32>
      %squeeze3A_641 = vector.extract %slice3A_640[0] : i32 from vector<1xi32>
      %gather3A_642 = tpu.vector_load_idx %arg20[%broadcast_in_dim3A_638] : memref<80xi32, #tpu.memory_space<vmem>>[vector<16xi32>], vector<16xi32>,
      %slice3A_643 = vector.extract_strided_slice %gather3A_642 {offsets = [0], sizes = [1], strides = [1]} : vector<16xi32> to vector<1xi32>
      %squeeze3A_644 = vector.extract %slice3A_643[0] : i32 from vector<1xi32>
      %gather3A_645 = tpu.vector_load_idx %arg21[%broadcast_in_dim3A_638] : memref<80xi32, #tpu.memory_space<vmem>>[vector<16xi32>], vector<16xi32>,
      %slice3A_646 = vector.extract_strided_slice %gather3A_645 {offsets = [0], sizes = [1], strides = [1]} : vector<16xi32> to vector<1xi32>
      %squeeze3A_647 = vector.extract %slice3A_646[0] : i32 from vector<1xi32>
      %gt3A_648 = arith.constant 0 : i32
      %gt3A_649 = arith.cmpi sgt, %squeeze3A_641, %gt3A_648 : i32
      %convert_element_type3A_650 = arith.extui %gt3A_649 : i1 to i32
      %cond3A_651 = arith.constant 0 : i32
      %cond3A_652 = arith.cmpi ne, %convert_element_type3A_650, %cond3A_651 : i32
      scf.if %cond3A_652 {
        %and3A = arith.constant 15 : i32
        %and3A_653 = arith.andi %squeeze3A_644, %and3A : i32
        %sub3A_654 = arith.constant 16 : i32
        %sub3A_655 = arith.subi %sub3A_654, %and3A_653 : i32
        %and3A_656 = arith.constant 15 : i32
        %and3A_657 = arith.andi %sub3A_655, %and3A_656 : i32
        %min3A = arith.minsi %squeeze3A_641, %and3A_657 : i32
        %gt3A_658 = arith.constant 0 : i32
        %gt3A_659 = arith.cmpi sgt, %min3A, %gt3A_658 : i32
        %convert_element_type3A_660 = arith.extui %gt3A_659 : i1 to i32
        %cond3A_661 = arith.constant 0 : i32
        %cond3A_662 = arith.cmpi ne, %convert_element_type3A_660, %cond3A_661 : i32
        scf.if %cond3A_662 {
          %sub3A_757 = arith.subi %squeeze3A_647, %and3A_653 : i32
          %sub3A_758 = arith.subi %squeeze3A_644, %and3A_653 : i32
          %add3A_759 = arith.addi %and3A_653, %min3A : i32
          %multiple_of3A = tpu.assume_multiple %sub3A_757, 8 : i32
          "tpu.region"() ({
            %run_scoped3A = tpu.sem_alloc : memref<!tpu.dma_semaphore, #tpu.memory_space<semaphore_mem>>
            %dma_start3A_776 = tpu.memref_slice %arg12[%multiple_of3A] : memref<801056xi32, #tpu.memory_space<vmem_shared>> -> memref<16xi32, #tpu.memory_space<vmem_shared>>
            %dma_start3A_777 = tpu.memref_slice %arg12[%multiple_of3A] : memref<801056xi32, #tpu.memory_space<vmem_shared>> -> memref<16xi32, #tpu.memory_space<vmem_shared>>
            tpu.enqueue_dma source(%dma_start3A_777 : memref<16xi32, #tpu.memory_space<vmem_shared>>) target(%arg23 : memref<16xi32, #tpu.memory_space<vmem>>) target_semaphore(%run_scoped3A : memref<!tpu.dma_semaphore, #tpu.memory_space<semaphore_mem>>)
            %dma_wait3A_778 = tpu.memref_slice %arg12[%multiple_of3A] : memref<801056xi32, #tpu.memory_space<vmem_shared>> -> memref<16xi32, #tpu.memory_space<vmem_shared>>
            %dma_wait3A_779 = tpu.memref_slice %arg12[%multiple_of3A] : memref<801056xi32, #tpu.memory_space<vmem_shared>> -> memref<16xi32, #tpu.memory_space<vmem_shared>>
            tpu.wait_dma2 semaphore(%run_scoped3A : memref<!tpu.dma_semaphore, #tpu.memory_space<semaphore_mem>>) src(%dma_wait3A_779 : memref<16xi32, #tpu.memory_space<vmem_shared>>) dst(%arg23 : memref<16xi32, #tpu.memory_space<vmem>>)
            tpu.yield
          }) : () -> ()
          %ge3A_760 = vector.broadcast %and3A_653 : i32 to vector<16xi32>
          %ge3A_761 = arith.cmpi sge, %iota3A, %ge3A_760 : vector<16xi32>
          %lt3A = vector.broadcast %add3A_759 : i32 to vector<16xi32>
          %lt3A_762 = arith.cmpi slt, %iota3A, %lt3A : vector<16xi32>
          %and3A_763 = arith.andi %ge3A_761, %lt3A_762 : vector<16xi1>
          %add3A_764 = vector.broadcast %sub3A_758 : i32 to vector<16xi32>
          %add3A_765 = arith.addi %add3A_764, %iota3A : vector<16xi32>
          %add3A_766 = arith.constant 1600000 : i32
          %add3A_767 = vector.broadcast %add3A_766 : i32 to vector<16xi32>
          %add3A_768 = arith.addi %add3A_767, %iota3A : vector<16xi32>
          %select_n3A_769 = arith.select %and3A_763, %add3A_765, %add3A_768 : vector<16xi1>, vector<16xi32>
          %swap3A_770 = arith.constant 0 : index
          %swap3A_771 = tpu.vector_load %arg24[%swap3A_770] {strides = array<i32>} : memref<16xi32, #tpu.memory_space<vmem>>, vector<16xi32>,
          tpu.vector_store %arg24[%swap3A_770], %select_n3A_769 {strides = array<i32>} : memref<16xi32, #tpu.memory_space<vmem>>, vector<16xi32>,
          %dma_start3A_772 = arith.constant 0 : i32
          %dma_start3A_773 = tpu.memref_slice %arg8[%dma_start3A_772] : memref<1600016xi32, #tpu.memory_space<hbm>> -> memref<1600016xi32, #tpu.memory_space<hbm>>
          tpu.enqueue_indirect_dma source(%arg23 : memref<16xi32, #tpu.memory_space<vmem>>) target(%dma_start3A_773 : memref<1600016xi32, #tpu.memory_space<hbm>>) offsets(%arg24 : memref<16xi32, #tpu.memory_space<vmem>>) semaphore(%arg36 : memref<!tpu.dma_semaphore, #tpu.memory_space<semaphore_mem>>)
          %dma_wait3A_774 = arith.constant 0 : i32
          %dma_wait3A_775 = tpu.memref_slice %arg8[%dma_wait3A_774] : memref<1600016xi32, #tpu.memory_space<hbm>> -> memref<1600016xi32, #tpu.memory_space<hbm>>
          tpu.wait_indirect_dma semaphore(%arg36 : memref<!tpu.dma_semaphore, #tpu.memory_space<semaphore_mem>>) src(%arg23 : memref<16xi32, #tpu.memory_space<vmem>>) dst(%dma_wait3A_775 : memref<1600016xi32, #tpu.memory_space<hbm>>)
        } else {
        }
        %sub3A_663 = arith.subi %squeeze3A_641, %min3A : i32
        %and3A_664 = arith.constant 15 : i32
        %and3A_665 = arith.andi %sub3A_663, %and3A_664 : i32
        %add3A_666 = arith.addi %squeeze3A_644, %min3A : i32
        %add3A_667 = arith.addi %squeeze3A_647, %min3A : i32
        %jit3A_668 = arith.constant 256 : i32
        %div3A = arith.divsi %sub3A_663, %jit3A_668 : i32
        %sign3A = arith.constant 0 : i32
        %sign3A_669 = arith.cmpi sgt, %sub3A_663, %sign3A : i32
        %sign3A_670 = arith.extui %sign3A_669 : i1 to i32
        %sign3A_671 = arith.constant 0 : i32
        %sign3A_672 = arith.cmpi slt, %sub3A_663, %sign3A_671 : i32
        %sign3A_673 = arith.extui %sign3A_672 : i1 to i32
        %sign3A_674 = arith.subi %sign3A_670, %sign3A_673 : i32
        %sign3A_675 = arith.constant 0 : i32
        %sign3A_676 = arith.cmpi sgt, %jit3A_668, %sign3A_675 : i32
        %sign3A_677 = arith.extui %sign3A_676 : i1 to i32
        %sign3A_678 = arith.constant 0 : i32
        %sign3A_679 = arith.cmpi slt, %jit3A_668, %sign3A_678 : i32
        %sign3A_680 = arith.extui %sign3A_679 : i1 to i32
        %sign3A_681 = arith.subi %sign3A_677, %sign3A_680 : i32
        %ne3A = arith.cmpi ne, %sign3A_674, %sign3A_681 : i32
        %rem3A = arith.remsi %sub3A_663, %jit3A_668 : i32
        %ne3A_682 = arith.constant 0 : i32
        %ne3A_683 = arith.cmpi ne, %rem3A, %ne3A_682 : i32
        %and3A_684 = arith.andi %ne3A, %ne3A_683 : i1
        %sub3A_685 = arith.constant 1 : i32
        %sub3A_686 = arith.subi %div3A, %sub3A_685 : i32
        %select_n3A_687 = arith.select %and3A_684, %sub3A_686, %div3A : i32
        %ge3A = arith.constant 1 : i32
        %ge3A_688 = arith.cmpi sge, %select_n3A_687, %ge3A : i32
        %convert_element_type3A_689 = arith.extui %ge3A_688 : i1 to i32
        %cond3A_690 = arith.constant 0 : i32
        %cond3A_691 = arith.cmpi ne, %convert_element_type3A_689, %cond3A_690 : i32
        scf.if %cond3A_691 {
          %multiple_of3A = tpu.assume_multiple %add3A_667, 8 : i32
          %dma_start3A_757 = tpu.memref_slice %arg12[%multiple_of3A] : memref<801056xi32, #tpu.memory_space<vmem_shared>> -> memref<256xi32, #tpu.memory_space<vmem_shared>>
          %dma_start3A_758 = tpu.memref_slice %arg12[%multiple_of3A] : memref<801056xi32, #tpu.memory_space<vmem_shared>> -> memref<256xi32, #tpu.memory_space<vmem_shared>>
          tpu.enqueue_dma source(%dma_start3A_758 : memref<256xi32, #tpu.memory_space<vmem_shared>>) target(%arg25 : memref<256xi32, #tpu.memory_space<vmem>>) target_semaphore(%arg36 : memref<!tpu.dma_semaphore, #tpu.memory_space<semaphore_mem>>)
        } else {
        }
        %while3A = arith.constant 0 : i32
        %while3A_692 = arith.constant 0 : i32
        %while3A_693 = arith.subi %select_n3A_687, %while3A_692 : i32
        %while3A_694 = arith.addi %while3A_692, %while3A_693 : i32
        %while3A_695 = arith.constant 1 : i32
        %while3A_696 = arith.divsi %while3A_693, %while3A_695 : i32
        %while3A_697 = arith.muli %while3A_696, %while3A_695 : i32
        %while3A_698 = arith.addi %while3A_692, %while3A_697 : i32
        %while3A_699 = arith.constant 1 : i32
        scf.for %while3A_757 = %while3A_692 to %while3A_698 step %while3A_699  : i32 {
          %dma_wait3A_758 = arith.constant 0 : i32
          %dma_wait3A_759 = tpu.memref_slice %arg8[%dma_wait3A_758] : memref<1600016xi32, #tpu.memory_space<hbm>> -> memref<256xi32, #tpu.memory_space<hbm>>
          %dma_wait3A_760 = arith.constant 0 : i32
          %dma_wait3A_761 = tpu.memref_slice %arg8[%dma_wait3A_760] : memref<1600016xi32, #tpu.memory_space<hbm>> -> memref<256xi32, #tpu.memory_space<hbm>>
          tpu.wait_dma2 semaphore(%arg36 : memref<!tpu.dma_semaphore, #tpu.memory_space<semaphore_mem>>) src(%dma_wait3A_761 : memref<256xi32, #tpu.memory_space<hbm>>) dst(%arg25 : memref<256xi32, #tpu.memory_space<vmem>>)
          %ge3A_762 = arith.constant 1 : i32
          %ge3A_763 = arith.cmpi sge, %while3A_757, %ge3A_762 : i32
          %convert_element_type3A_764 = arith.extui %ge3A_763 : i1 to i32
          %cond3A_765 = arith.constant 0 : i32
          %cond3A_766 = arith.cmpi ne, %convert_element_type3A_764, %cond3A_765 : i32
          scf.if %cond3A_766 {
            %dma_wait3A_802 = arith.constant 0 : i32
            %dma_wait3A_803 = tpu.memref_slice %arg8[%dma_wait3A_802] : memref<1600016xi32, #tpu.memory_space<hbm>> -> memref<256xi32, #tpu.memory_space<hbm>>
            %dma_wait3A_804 = arith.constant 0 : i32
            %dma_wait3A_805 = tpu.memref_slice %arg8[%dma_wait3A_804] : memref<1600016xi32, #tpu.memory_space<hbm>> -> memref<256xi32, #tpu.memory_space<hbm>>
            tpu.wait_dma2 semaphore(%arg37 : memref<!tpu.dma_semaphore, #tpu.memory_space<semaphore_mem>>) src(%dma_wait3A_805 : memref<256xi32, #tpu.memory_space<hbm>>) dst(%arg25 : memref<256xi32, #tpu.memory_space<vmem>>)
          } else {
          }
          %add3A_767 = arith.constant 1 : i32
          %add3A_768 = arith.addi %while3A_757, %add3A_767 : i32
          %lt3A = arith.cmpi slt, %add3A_768, %select_n3A_687 : i32
          %and3A_769 = arith.constant 1 : i32
          %and3A_770 = arith.andi %while3A_757, %and3A_769 : i32
          %eq3A_771 = arith.constant 1 : i32
          %eq3A_772 = arith.cmpi eq, %and3A_770, %eq3A_771 : i32
          %and3A_773 = arith.andi %lt3A, %eq3A_772 : i1
          %convert_element_type3A_774 = arith.extui %and3A_773 : i1 to i32
          %cond3A_775 = arith.constant 0 : i32
          %cond3A_776 = arith.cmpi ne, %convert_element_type3A_774, %cond3A_775 : i32
          scf.if %cond3A_776 {
            %add3A_802 = arith.constant 1 : i32
            %add3A_803 = arith.addi %while3A_757, %add3A_802 : i32
            %mul3A_804 = arith.constant 256 : i32
            %mul3A_805 = arith.muli %add3A_803, %mul3A_804 : i32
            %add3A_806 = arith.addi %add3A_667, %mul3A_805 : i32
            %multiple_of3A = tpu.assume_multiple %add3A_806, 8 : i32
            %dma_start3A_807 = tpu.memref_slice %arg12[%multiple_of3A] : memref<801056xi32, #tpu.memory_space<vmem_shared>> -> memref<256xi32, #tpu.memory_space<vmem_shared>>
            %dma_start3A_808 = tpu.memref_slice %arg12[%multiple_of3A] : memref<801056xi32, #tpu.memory_space<vmem_shared>> -> memref<256xi32, #tpu.memory_space<vmem_shared>>
            tpu.enqueue_dma source(%dma_start3A_808 : memref<256xi32, #tpu.memory_space<vmem_shared>>) target(%arg25 : memref<256xi32, #tpu.memory_space<vmem>>) target_semaphore(%arg36 : memref<!tpu.dma_semaphore, #tpu.memory_space<semaphore_mem>>)
          } else {
          }
          %add3A_777 = arith.constant 1 : i32
          %add3A_778 = arith.addi %while3A_757, %add3A_777 : i32
          %lt3A_779 = arith.cmpi slt, %add3A_778, %select_n3A_687 : i32
          %and3A_780 = arith.constant 1 : i32
          %and3A_781 = arith.andi %while3A_757, %and3A_780 : i32
          %eq3A_782 = arith.constant 0 : i32
          %eq3A_783 = arith.cmpi eq, %and3A_781, %eq3A_782 : i32
          %and3A_784 = arith.andi %lt3A_779, %eq3A_783 : i1
          %convert_element_type3A_785 = arith.extui %and3A_784 : i1 to i32
          %cond3A_786 = arith.constant 0 : i32
          %cond3A_787 = arith.cmpi ne, %convert_element_type3A_785, %cond3A_786 : i32
          scf.if %cond3A_787 {
            %add3A_802 = arith.constant 1 : i32
            %add3A_803 = arith.addi %while3A_757, %add3A_802 : i32
            %mul3A_804 = arith.constant 256 : i32
            %mul3A_805 = arith.muli %add3A_803, %mul3A_804 : i32
            %add3A_806 = arith.addi %add3A_667, %mul3A_805 : i32
            %multiple_of3A = tpu.assume_multiple %add3A_806, 8 : i32
            %dma_start3A_807 = tpu.memref_slice %arg12[%multiple_of3A] : memref<801056xi32, #tpu.memory_space<vmem_shared>> -> memref<256xi32, #tpu.memory_space<vmem_shared>>
            %dma_start3A_808 = tpu.memref_slice %arg12[%multiple_of3A] : memref<801056xi32, #tpu.memory_space<vmem_shared>> -> memref<256xi32, #tpu.memory_space<vmem_shared>>
            tpu.enqueue_dma source(%dma_start3A_808 : memref<256xi32, #tpu.memory_space<vmem_shared>>) target(%arg26 : memref<256xi32, #tpu.memory_space<vmem>>) target_semaphore(%arg36 : memref<!tpu.dma_semaphore, #tpu.memory_space<semaphore_mem>>)
          } else {
          }
          %and3A_788 = arith.constant 1 : i32
          %and3A_789 = arith.andi %while3A_757, %and3A_788 : i32
          %eq3A_790 = arith.constant 0 : i32
          %eq3A_791 = arith.cmpi eq, %and3A_789, %eq3A_790 : i32
          %convert_element_type3A_792 = arith.extui %eq3A_791 : i1 to i32
          %cond3A_793 = arith.constant 0 : i32
          %cond3A_794 = arith.cmpi ne, %convert_element_type3A_792, %cond3A_793 : i32
          scf.if %cond3A_794 {
            %mul3A_802 = arith.constant 256 : i32
            %mul3A_803 = arith.muli %while3A_757, %mul3A_802 : i32
            %add3A_804 = arith.addi %add3A_666, %mul3A_803 : i32
            %multiple_of3A = tpu.assume_multiple %add3A_804, 8 : i32
            %dma_start3A_805 = tpu.memref_slice %arg8[%multiple_of3A] : memref<1600016xi32, #tpu.memory_space<hbm>> -> memref<256xi32, #tpu.memory_space<hbm>>
            %dma_start3A_806 = tpu.memref_slice %arg8[%multiple_of3A] : memref<1600016xi32, #tpu.memory_space<hbm>> -> memref<256xi32, #tpu.memory_space<hbm>>
            tpu.enqueue_dma source(%arg25 : memref<256xi32, #tpu.memory_space<vmem>>) target(%dma_start3A_806 : memref<256xi32, #tpu.memory_space<hbm>>) target_semaphore(%arg37 : memref<!tpu.dma_semaphore, #tpu.memory_space<semaphore_mem>>)
          } else {
          }
          %and3A_795 = arith.constant 1 : i32
          %and3A_796 = arith.andi %while3A_757, %and3A_795 : i32
          %eq3A_797 = arith.constant 1 : i32
          %eq3A_798 = arith.cmpi eq, %and3A_796, %eq3A_797 : i32
          %convert_element_type3A_799 = arith.extui %eq3A_798 : i1 to i32
          %cond3A_800 = arith.constant 0 : i32
          %cond3A_801 = arith.cmpi ne, %convert_element_type3A_799, %cond3A_800 : i32
          scf.if %cond3A_801 {
            %mul3A_802 = arith.constant 256 : i32
            %mul3A_803 = arith.muli %while3A_757, %mul3A_802 : i32
            %add3A_804 = arith.addi %add3A_666, %mul3A_803 : i32
            %multiple_of3A = tpu.assume_multiple %add3A_804, 8 : i32
            %dma_start3A_805 = tpu.memref_slice %arg8[%multiple_of3A] : memref<1600016xi32, #tpu.memory_space<hbm>> -> memref<256xi32, #tpu.memory_space<hbm>>
            %dma_start3A_806 = tpu.memref_slice %arg8[%multiple_of3A] : memref<1600016xi32, #tpu.memory_space<hbm>> -> memref<256xi32, #tpu.memory_space<hbm>>
            tpu.enqueue_dma source(%arg26 : memref<256xi32, #tpu.memory_space<vmem>>) target(%dma_start3A_806 : memref<256xi32, #tpu.memory_space<hbm>>) target_semaphore(%arg37 : memref<!tpu.dma_semaphore, #tpu.memory_space<semaphore_mem>>)
          } else {
          }
        }
        %while3A_700 = arith.constant 1 : i32
        scf.for %while3A_757 = %while3A_698 to %while3A_694 step %while3A_700  : i32 {
          %dma_wait3A_758 = arith.constant 0 : i32
          %dma_wait3A_759 = tpu.memref_slice %arg8[%dma_wait3A_758] : memref<1600016xi32, #tpu.memory_space<hbm>> -> memref<256xi32, #tpu.memory_space<hbm>>
          %dma_wait3A_760 = arith.constant 0 : i32
          %dma_wait3A_761 = tpu.memref_slice %arg8[%dma_wait3A_760] : memref<1600016xi32, #tpu.memory_space<hbm>> -> memref<256xi32, #tpu.memory_space<hbm>>
          tpu.wait_dma2 semaphore(%arg36 : memref<!tpu.dma_semaphore, #tpu.memory_space<semaphore_mem>>) src(%dma_wait3A_761 : memref<256xi32, #tpu.memory_space<hbm>>) dst(%arg25 : memref<256xi32, #tpu.memory_space<vmem>>)
          %ge3A_762 = arith.constant 1 : i32
          %ge3A_763 = arith.cmpi sge, %while3A_757, %ge3A_762 : i32
          %convert_element_type3A_764 = arith.extui %ge3A_763 : i1 to i32
          %cond3A_765 = arith.constant 0 : i32
          %cond3A_766 = arith.cmpi ne, %convert_element_type3A_764, %cond3A_765 : i32
          scf.if %cond3A_766 {
            %dma_wait3A_802 = arith.constant 0 : i32
            %dma_wait3A_803 = tpu.memref_slice %arg8[%dma_wait3A_802] : memref<1600016xi32, #tpu.memory_space<hbm>> -> memref<256xi32, #tpu.memory_space<hbm>>
            %dma_wait3A_804 = arith.constant 0 : i32
            %dma_wait3A_805 = tpu.memref_slice %arg8[%dma_wait3A_804] : memref<1600016xi32, #tpu.memory_space<hbm>> -> memref<256xi32, #tpu.memory_space<hbm>>
            tpu.wait_dma2 semaphore(%arg37 : memref<!tpu.dma_semaphore, #tpu.memory_space<semaphore_mem>>) src(%dma_wait3A_805 : memref<256xi32, #tpu.memory_space<hbm>>) dst(%arg25 : memref<256xi32, #tpu.memory_space<vmem>>)
          } else {
          }
          %add3A_767 = arith.constant 1 : i32
          %add3A_768 = arith.addi %while3A_757, %add3A_767 : i32
          %lt3A = arith.cmpi slt, %add3A_768, %select_n3A_687 : i32
          %and3A_769 = arith.constant 1 : i32
          %and3A_770 = arith.andi %while3A_757, %and3A_769 : i32
          %eq3A_771 = arith.constant 1 : i32
          %eq3A_772 = arith.cmpi eq, %and3A_770, %eq3A_771 : i32
          %and3A_773 = arith.andi %lt3A, %eq3A_772 : i1
          %convert_element_type3A_774 = arith.extui %and3A_773 : i1 to i32
          %cond3A_775 = arith.constant 0 : i32
          %cond3A_776 = arith.cmpi ne, %convert_element_type3A_774, %cond3A_775 : i32
          scf.if %cond3A_776 {
            %add3A_802 = arith.constant 1 : i32
            %add3A_803 = arith.addi %while3A_757, %add3A_802 : i32
            %mul3A_804 = arith.constant 256 : i32
            %mul3A_805 = arith.muli %add3A_803, %mul3A_804 : i32
            %add3A_806 = arith.addi %add3A_667, %mul3A_805 : i32
            %multiple_of3A = tpu.assume_multiple %add3A_806, 8 : i32
            %dma_start3A_807 = tpu.memref_slice %arg12[%multiple_of3A] : memref<801056xi32, #tpu.memory_space<vmem_shared>> -> memref<256xi32, #tpu.memory_space<vmem_shared>>
            %dma_start3A_808 = tpu.memref_slice %arg12[%multiple_of3A] : memref<801056xi32, #tpu.memory_space<vmem_shared>> -> memref<256xi32, #tpu.memory_space<vmem_shared>>
            tpu.enqueue_dma source(%dma_start3A_808 : memref<256xi32, #tpu.memory_space<vmem_shared>>) target(%arg25 : memref<256xi32, #tpu.memory_space<vmem>>) target_semaphore(%arg36 : memref<!tpu.dma_semaphore, #tpu.memory_space<semaphore_mem>>)
          } else {
          }
          %add3A_777 = arith.constant 1 : i32
          %add3A_778 = arith.addi %while3A_757, %add3A_777 : i32
          %lt3A_779 = arith.cmpi slt, %add3A_778, %select_n3A_687 : i32
          %and3A_780 = arith.constant 1 : i32
          %and3A_781 = arith.andi %while3A_757, %and3A_780 : i32
          %eq3A_782 = arith.constant 0 : i32
          %eq3A_783 = arith.cmpi eq, %and3A_781, %eq3A_782 : i32
          %and3A_784 = arith.andi %lt3A_779, %eq3A_783 : i1
          %convert_element_type3A_785 = arith.extui %and3A_784 : i1 to i32
          %cond3A_786 = arith.constant 0 : i32
          %cond3A_787 = arith.cmpi ne, %convert_element_type3A_785, %cond3A_786 : i32
          scf.if %cond3A_787 {
            %add3A_802 = arith.constant 1 : i32
            %add3A_803 = arith.addi %while3A_757, %add3A_802 : i32
            %mul3A_804 = arith.constant 256 : i32
            %mul3A_805 = arith.muli %add3A_803, %mul3A_804 : i32
            %add3A_806 = arith.addi %add3A_667, %mul3A_805 : i32
            %multiple_of3A = tpu.assume_multiple %add3A_806, 8 : i32
            %dma_start3A_807 = tpu.memref_slice %arg12[%multiple_of3A] : memref<801056xi32, #tpu.memory_space<vmem_shared>> -> memref<256xi32, #tpu.memory_space<vmem_shared>>
            %dma_start3A_808 = tpu.memref_slice %arg12[%multiple_of3A] : memref<801056xi32, #tpu.memory_space<vmem_shared>> -> memref<256xi32, #tpu.memory_space<vmem_shared>>
            tpu.enqueue_dma source(%dma_start3A_808 : memref<256xi32, #tpu.memory_space<vmem_shared>>) target(%arg26 : memref<256xi32, #tpu.memory_space<vmem>>) target_semaphore(%arg36 : memref<!tpu.dma_semaphore, #tpu.memory_space<semaphore_mem>>)
          } else {
          }
          %and3A_788 = arith.constant 1 : i32
          %and3A_789 = arith.andi %while3A_757, %and3A_788 : i32
          %eq3A_790 = arith.constant 0 : i32
          %eq3A_791 = arith.cmpi eq, %and3A_789, %eq3A_790 : i32
          %convert_element_type3A_792 = arith.extui %eq3A_791 : i1 to i32
          %cond3A_793 = arith.constant 0 : i32
          %cond3A_794 = arith.cmpi ne, %convert_element_type3A_792, %cond3A_793 : i32
          scf.if %cond3A_794 {
            %mul3A_802 = arith.constant 256 : i32
            %mul3A_803 = arith.muli %while3A_757, %mul3A_802 : i32
            %add3A_804 = arith.addi %add3A_666, %mul3A_803 : i32
            %multiple_of3A = tpu.assume_multiple %add3A_804, 8 : i32
            %dma_start3A_805 = tpu.memref_slice %arg8[%multiple_of3A] : memref<1600016xi32, #tpu.memory_space<hbm>> -> memref<256xi32, #tpu.memory_space<hbm>>
            %dma_start3A_806 = tpu.memref_slice %arg8[%multiple_of3A] : memref<1600016xi32, #tpu.memory_space<hbm>> -> memref<256xi32, #tpu.memory_space<hbm>>
            tpu.enqueue_dma source(%arg25 : memref<256xi32, #tpu.memory_space<vmem>>) target(%dma_start3A_806 : memref<256xi32, #tpu.memory_space<hbm>>) target_semaphore(%arg37 : memref<!tpu.dma_semaphore, #tpu.memory_space<semaphore_mem>>)
          } else {
          }
          %and3A_795 = arith.constant 1 : i32
          %and3A_796 = arith.andi %while3A_757, %and3A_795 : i32
          %eq3A_797 = arith.constant 1 : i32
          %eq3A_798 = arith.cmpi eq, %and3A_796, %eq3A_797 : i32
          %convert_element_type3A_799 = arith.extui %eq3A_798 : i1 to i32
          %cond3A_800 = arith.constant 0 : i32
          %cond3A_801 = arith.cmpi ne, %convert_element_type3A_799, %cond3A_800 : i32
          scf.if %cond3A_801 {
            %mul3A_802 = arith.constant 256 : i32
            %mul3A_803 = arith.muli %while3A_757, %mul3A_802 : i32
            %add3A_804 = arith.addi %add3A_666, %mul3A_803 : i32
            %multiple_of3A = tpu.assume_multiple %add3A_804, 8 : i32
            %dma_start3A_805 = tpu.memref_slice %arg8[%multiple_of3A] : memref<1600016xi32, #tpu.memory_space<hbm>> -> memref<256xi32, #tpu.memory_space<hbm>>
            %dma_start3A_806 = tpu.memref_slice %arg8[%multiple_of3A] : memref<1600016xi32, #tpu.memory_space<hbm>> -> memref<256xi32, #tpu.memory_space<hbm>>
            tpu.enqueue_dma source(%arg26 : memref<256xi32, #tpu.memory_space<vmem>>) target(%dma_start3A_806 : memref<256xi32, #tpu.memory_space<hbm>>) target_semaphore(%arg37 : memref<!tpu.dma_semaphore, #tpu.memory_space<semaphore_mem>>)
          } else {
          }
        }
        %ge3A_701 = arith.constant 1 : i32
        %ge3A_702 = arith.cmpi sge, %select_n3A_687, %ge3A_701 : i32
        %convert_element_type3A_703 = arith.extui %ge3A_702 : i1 to i32
        %cond3A_704 = arith.constant 0 : i32
        %cond3A_705 = arith.cmpi ne, %convert_element_type3A_703, %cond3A_704 : i32
        scf.if %cond3A_705 {
          %dma_wait3A_757 = arith.constant 0 : i32
          %dma_wait3A_758 = tpu.memref_slice %arg8[%dma_wait3A_757] : memref<1600016xi32, #tpu.memory_space<hbm>> -> memref<256xi32, #tpu.memory_space<hbm>>
          %dma_wait3A_759 = arith.constant 0 : i32
          %dma_wait3A_760 = tpu.memref_slice %arg8[%dma_wait3A_759] : memref<1600016xi32, #tpu.memory_space<hbm>> -> memref<256xi32, #tpu.memory_space<hbm>>
          tpu.wait_dma2 semaphore(%arg37 : memref<!tpu.dma_semaphore, #tpu.memory_space<semaphore_mem>>) src(%dma_wait3A_760 : memref<256xi32, #tpu.memory_space<hbm>>) dst(%arg25 : memref<256xi32, #tpu.memory_space<vmem>>)
        } else {
        }
        %sub3A_706 = arith.subi %sub3A_663, %and3A_665 : i32
        %mul3A_707 = arith.constant 256 : i32
        %mul3A_708 = arith.muli %select_n3A_687, %mul3A_707 : i32
        %sub3A_709 = arith.subi %sub3A_706, %mul3A_708 : i32
        %mul3A_710 = arith.constant 256 : i32
        %mul3A_711 = arith.muli %select_n3A_687, %mul3A_710 : i32
        %and3A_712 = arith.constant -256 : i32
        %and3A_713 = arith.andi %sub3A_709, %and3A_712 : i32
        %add3A_714 = arith.addi %mul3A_711, %and3A_713 : i32
        %and3A_715 = arith.constant 128 : i32
        %and3A_716 = arith.andi %sub3A_709, %and3A_715 : i32
        %ne3A_717 = arith.constant 0 : i32
        %ne3A_718 = arith.cmpi ne, %and3A_716, %ne3A_717 : i32
        %convert_element_type3A_719 = arith.extui %ne3A_718 : i1 to i32
        %cond3A_720 = arith.constant 0 : i32
        %cond3A_721 = arith.cmpi ne, %convert_element_type3A_719, %cond3A_720 : i32
        scf.if %cond3A_721 {
          %add3A_757 = arith.addi %add3A_667, %add3A_714 : i32
          %multiple_of3A = tpu.assume_multiple %add3A_757, 8 : i32
          "tpu.region"() ({
            %run_scoped3A = tpu.sem_alloc : memref<!tpu.dma_semaphore, #tpu.memory_space<semaphore_mem>>
            %dma_start3A_760 = arith.constant 0 : i32
            %dma_start3A_761 = tpu.memref_slice %arg25[%dma_start3A_760] : memref<256xi32, #tpu.memory_space<vmem>> -> memref<128xi32, #tpu.memory_space<vmem>>
            %dma_start3A_762 = tpu.memref_slice %arg12[%multiple_of3A] : memref<801056xi32, #tpu.memory_space<vmem_shared>> -> memref<128xi32, #tpu.memory_space<vmem_shared>>
            %dma_start3A_763 = arith.constant 0 : i32
            %dma_start3A_764 = tpu.memref_slice %arg25[%dma_start3A_763] : memref<256xi32, #tpu.memory_space<vmem>> -> memref<128xi32, #tpu.memory_space<vmem>>
            %dma_start3A_765 = tpu.memref_slice %arg12[%multiple_of3A] : memref<801056xi32, #tpu.memory_space<vmem_shared>> -> memref<128xi32, #tpu.memory_space<vmem_shared>>
            tpu.enqueue_dma source(%dma_start3A_765 : memref<128xi32, #tpu.memory_space<vmem_shared>>) target(%dma_start3A_764 : memref<128xi32, #tpu.memory_space<vmem>>) target_semaphore(%run_scoped3A : memref<!tpu.dma_semaphore, #tpu.memory_space<semaphore_mem>>)
            %dma_wait3A_766 = arith.constant 0 : i32
            %dma_wait3A_767 = tpu.memref_slice %arg25[%dma_wait3A_766] : memref<256xi32, #tpu.memory_space<vmem>> -> memref<128xi32, #tpu.memory_space<vmem>>
            %dma_wait3A_768 = tpu.memref_slice %arg12[%multiple_of3A] : memref<801056xi32, #tpu.memory_space<vmem_shared>> -> memref<128xi32, #tpu.memory_space<vmem_shared>>
            %dma_wait3A_769 = arith.constant 0 : i32
            %dma_wait3A_770 = tpu.memref_slice %arg25[%dma_wait3A_769] : memref<256xi32, #tpu.memory_space<vmem>> -> memref<128xi32, #tpu.memory_space<vmem>>
            %dma_wait3A_771 = tpu.memref_slice %arg12[%multiple_of3A] : memref<801056xi32, #tpu.memory_space<vmem_shared>> -> memref<128xi32, #tpu.memory_space<vmem_shared>>
            tpu.wait_dma2 semaphore(%run_scoped3A : memref<!tpu.dma_semaphore, #tpu.memory_space<semaphore_mem>>) src(%dma_wait3A_771 : memref<128xi32, #tpu.memory_space<vmem_shared>>) dst(%dma_wait3A_770 : memref<128xi32, #tpu.memory_space<vmem>>)
            tpu.yield
          }) : () -> ()
          %add3A_758 = arith.addi %add3A_666, %add3A_714 : i32
          %multiple_of3A_759 = tpu.assume_multiple %add3A_758, 8 : i32
          "tpu.region"() ({
            %run_scoped3A = tpu.sem_alloc : memref<!tpu.dma_semaphore, #tpu.memory_space<semaphore_mem>>
            %dma_start3A_760 = arith.constant 0 : i32
            %dma_start3A_761 = tpu.memref_slice %arg25[%dma_start3A_760] : memref<256xi32, #tpu.memory_space<vmem>> -> memref<128xi32, #tpu.memory_space<vmem>>
            %dma_start3A_762 = tpu.memref_slice %arg8[%multiple_of3A_759] : memref<1600016xi32, #tpu.memory_space<hbm>> -> memref<128xi32, #tpu.memory_space<hbm>>
            %dma_start3A_763 = tpu.memref_slice %arg8[%multiple_of3A_759] : memref<1600016xi32, #tpu.memory_space<hbm>> -> memref<128xi32, #tpu.memory_space<hbm>>
            %dma_start3A_764 = arith.constant 0 : i32
            %dma_start3A_765 = tpu.memref_slice %arg25[%dma_start3A_764] : memref<256xi32, #tpu.memory_space<vmem>> -> memref<128xi32, #tpu.memory_space<vmem>>
            tpu.enqueue_dma source(%dma_start3A_765 : memref<128xi32, #tpu.memory_space<vmem>>) target(%dma_start3A_763 : memref<128xi32, #tpu.memory_space<hbm>>) target_semaphore(%run_scoped3A : memref<!tpu.dma_semaphore, #tpu.memory_space<semaphore_mem>>)
            %dma_wait3A_766 = arith.constant 0 : i32
            %dma_wait3A_767 = tpu.memref_slice %arg25[%dma_wait3A_766] : memref<256xi32, #tpu.memory_space<vmem>> -> memref<128xi32, #tpu.memory_space<vmem>>
            %dma_wait3A_768 = tpu.memref_slice %arg8[%multiple_of3A_759] : memref<1600016xi32, #tpu.memory_space<hbm>> -> memref<128xi32, #tpu.memory_space<hbm>>
            %dma_wait3A_769 = tpu.memref_slice %arg8[%multiple_of3A_759] : memref<1600016xi32, #tpu.memory_space<hbm>> -> memref<128xi32, #tpu.memory_space<hbm>>
            %dma_wait3A_770 = arith.constant 0 : i32
            %dma_wait3A_771 = tpu.memref_slice %arg25[%dma_wait3A_770] : memref<256xi32, #tpu.memory_space<vmem>> -> memref<128xi32, #tpu.memory_space<vmem>>
            tpu.wait_dma2 semaphore(%run_scoped3A : memref<!tpu.dma_semaphore, #tpu.memory_space<semaphore_mem>>) src(%dma_wait3A_771 : memref<128xi32, #tpu.memory_space<vmem>>) dst(%dma_wait3A_769 : memref<128xi32, #tpu.memory_space<hbm>>)
            tpu.yield
          }) : () -> ()
        } else {
        }
        %and3A_722 = arith.constant -128 : i32
        %and3A_723 = arith.andi %sub3A_709, %and3A_722 : i32
        %add3A_724 = arith.addi %mul3A_711, %and3A_723 : i32
        %and3A_725 = arith.constant 64 : i32
        %and3A_726 = arith.andi %sub3A_709, %and3A_725 : i32
        %ne3A_727 = arith.constant 0 : i32
        %ne3A_728 = arith.cmpi ne, %and3A_726, %ne3A_727 : i32
        %convert_element_type3A_729 = arith.extui %ne3A_728 : i1 to i32
        %cond3A_730 = arith.constant 0 : i32
        %cond3A_731 = arith.cmpi ne, %convert_element_type3A_729, %cond3A_730 : i32
        scf.if %cond3A_731 {
          %add3A_757 = arith.addi %add3A_667, %add3A_724 : i32
          %multiple_of3A = tpu.assume_multiple %add3A_757, 8 : i32
          "tpu.region"() ({
            %run_scoped3A = tpu.sem_alloc : memref<!tpu.dma_semaphore, #tpu.memory_space<semaphore_mem>>
            %dma_start3A_760 = arith.constant 0 : i32
            %dma_start3A_761 = tpu.memref_slice %arg25[%dma_start3A_760] : memref<256xi32, #tpu.memory_space<vmem>> -> memref<64xi32, #tpu.memory_space<vmem>>
            %dma_start3A_762 = tpu.memref_slice %arg12[%multiple_of3A] : memref<801056xi32, #tpu.memory_space<vmem_shared>> -> memref<64xi32, #tpu.memory_space<vmem_shared>>
            %dma_start3A_763 = arith.constant 0 : i32
            %dma_start3A_764 = tpu.memref_slice %arg25[%dma_start3A_763] : memref<256xi32, #tpu.memory_space<vmem>> -> memref<64xi32, #tpu.memory_space<vmem>>
            %dma_start3A_765 = tpu.memref_slice %arg12[%multiple_of3A] : memref<801056xi32, #tpu.memory_space<vmem_shared>> -> memref<64xi32, #tpu.memory_space<vmem_shared>>
            tpu.enqueue_dma source(%dma_start3A_765 : memref<64xi32, #tpu.memory_space<vmem_shared>>) target(%dma_start3A_764 : memref<64xi32, #tpu.memory_space<vmem>>) target_semaphore(%run_scoped3A : memref<!tpu.dma_semaphore, #tpu.memory_space<semaphore_mem>>)
            %dma_wait3A_766 = arith.constant 0 : i32
            %dma_wait3A_767 = tpu.memref_slice %arg25[%dma_wait3A_766] : memref<256xi32, #tpu.memory_space<vmem>> -> memref<64xi32, #tpu.memory_space<vmem>>
            %dma_wait3A_768 = tpu.memref_slice %arg12[%multiple_of3A] : memref<801056xi32, #tpu.memory_space<vmem_shared>> -> memref<64xi32, #tpu.memory_space<vmem_shared>>
            %dma_wait3A_769 = arith.constant 0 : i32
            %dma_wait3A_770 = tpu.memref_slice %arg25[%dma_wait3A_769] : memref<256xi32, #tpu.memory_space<vmem>> -> memref<64xi32, #tpu.memory_space<vmem>>
            %dma_wait3A_771 = tpu.memref_slice %arg12[%multiple_of3A] : memref<801056xi32, #tpu.memory_space<vmem_shared>> -> memref<64xi32, #tpu.memory_space<vmem_shared>>
            tpu.wait_dma2 semaphore(%run_scoped3A : memref<!tpu.dma_semaphore, #tpu.memory_space<semaphore_mem>>) src(%dma_wait3A_771 : memref<64xi32, #tpu.memory_space<vmem_shared>>) dst(%dma_wait3A_770 : memref<64xi32, #tpu.memory_space<vmem>>)
            tpu.yield
          }) : () -> ()
          %add3A_758 = arith.addi %add3A_666, %add3A_724 : i32
          %multiple_of3A_759 = tpu.assume_multiple %add3A_758, 8 : i32
          "tpu.region"() ({
            %run_scoped3A = tpu.sem_alloc : memref<!tpu.dma_semaphore, #tpu.memory_space<semaphore_mem>>
            %dma_start3A_760 = arith.constant 0 : i32
            %dma_start3A_761 = tpu.memref_slice %arg25[%dma_start3A_760] : memref<256xi32, #tpu.memory_space<vmem>> -> memref<64xi32, #tpu.memory_space<vmem>>
            %dma_start3A_762 = tpu.memref_slice %arg8[%multiple_of3A_759] : memref<1600016xi32, #tpu.memory_space<hbm>> -> memref<64xi32, #tpu.memory_space<hbm>>
            %dma_start3A_763 = tpu.memref_slice %arg8[%multiple_of3A_759] : memref<1600016xi32, #tpu.memory_space<hbm>> -> memref<64xi32, #tpu.memory_space<hbm>>
            %dma_start3A_764 = arith.constant 0 : i32
            %dma_start3A_765 = tpu.memref_slice %arg25[%dma_start3A_764] : memref<256xi32, #tpu.memory_space<vmem>> -> memref<64xi32, #tpu.memory_space<vmem>>
            tpu.enqueue_dma source(%dma_start3A_765 : memref<64xi32, #tpu.memory_space<vmem>>) target(%dma_start3A_763 : memref<64xi32, #tpu.memory_space<hbm>>) target_semaphore(%run_scoped3A : memref<!tpu.dma_semaphore, #tpu.memory_space<semaphore_mem>>)
            %dma_wait3A_766 = arith.constant 0 : i32
            %dma_wait3A_767 = tpu.memref_slice %arg25[%dma_wait3A_766] : memref<256xi32, #tpu.memory_space<vmem>> -> memref<64xi32, #tpu.memory_space<vmem>>
            %dma_wait3A_768 = tpu.memref_slice %arg8[%multiple_of3A_759] : memref<1600016xi32, #tpu.memory_space<hbm>> -> memref<64xi32, #tpu.memory_space<hbm>>
            %dma_wait3A_769 = tpu.memref_slice %arg8[%multiple_of3A_759] : memref<1600016xi32, #tpu.memory_space<hbm>> -> memref<64xi32, #tpu.memory_space<hbm>>
            %dma_wait3A_770 = arith.constant 0 : i32
            %dma_wait3A_771 = tpu.memref_slice %arg25[%dma_wait3A_770] : memref<256xi32, #tpu.memory_space<vmem>> -> memref<64xi32, #tpu.memory_space<vmem>>
            tpu.wait_dma2 semaphore(%run_scoped3A : memref<!tpu.dma_semaphore, #tpu.memory_space<semaphore_mem>>) src(%dma_wait3A_771 : memref<64xi32, #tpu.memory_space<vmem>>) dst(%dma_wait3A_769 : memref<64xi32, #tpu.memory_space<hbm>>)
            tpu.yield
          }) : () -> ()
        } else {
        }
        %and3A_732 = arith.constant -64 : i32
        %and3A_733 = arith.andi %sub3A_709, %and3A_732 : i32
        %add3A_734 = arith.addi %mul3A_711, %and3A_733 : i32
        %and3A_735 = arith.constant 32 : i32
        %and3A_736 = arith.andi %sub3A_709, %and3A_735 : i32
        %ne3A_737 = arith.constant 0 : i32
        %ne3A_738 = arith.cmpi ne, %and3A_736, %ne3A_737 : i32
        %convert_element_type3A_739 = arith.extui %ne3A_738 : i1 to i32
        %cond3A_740 = arith.constant 0 : i32
        %cond3A_741 = arith.cmpi ne, %convert_element_type3A_739, %cond3A_740 : i32
        scf.if %cond3A_741 {
          %add3A_757 = arith.addi %add3A_667, %add3A_734 : i32
          %multiple_of3A = tpu.assume_multiple %add3A_757, 8 : i32
          "tpu.region"() ({
            %run_scoped3A = tpu.sem_alloc : memref<!tpu.dma_semaphore, #tpu.memory_space<semaphore_mem>>
            %dma_start3A_760 = arith.constant 0 : i32
            %dma_start3A_761 = tpu.memref_slice %arg25[%dma_start3A_760] : memref<256xi32, #tpu.memory_space<vmem>> -> memref<32xi32, #tpu.memory_space<vmem>>
            %dma_start3A_762 = tpu.memref_slice %arg12[%multiple_of3A] : memref<801056xi32, #tpu.memory_space<vmem_shared>> -> memref<32xi32, #tpu.memory_space<vmem_shared>>
            %dma_start3A_763 = arith.constant 0 : i32
            %dma_start3A_764 = tpu.memref_slice %arg25[%dma_start3A_763] : memref<256xi32, #tpu.memory_space<vmem>> -> memref<32xi32, #tpu.memory_space<vmem>>
            %dma_start3A_765 = tpu.memref_slice %arg12[%multiple_of3A] : memref<801056xi32, #tpu.memory_space<vmem_shared>> -> memref<32xi32, #tpu.memory_space<vmem_shared>>
            tpu.enqueue_dma source(%dma_start3A_765 : memref<32xi32, #tpu.memory_space<vmem_shared>>) target(%dma_start3A_764 : memref<32xi32, #tpu.memory_space<vmem>>) target_semaphore(%run_scoped3A : memref<!tpu.dma_semaphore, #tpu.memory_space<semaphore_mem>>)
            %dma_wait3A_766 = arith.constant 0 : i32
            %dma_wait3A_767 = tpu.memref_slice %arg25[%dma_wait3A_766] : memref<256xi32, #tpu.memory_space<vmem>> -> memref<32xi32, #tpu.memory_space<vmem>>
            %dma_wait3A_768 = tpu.memref_slice %arg12[%multiple_of3A] : memref<801056xi32, #tpu.memory_space<vmem_shared>> -> memref<32xi32, #tpu.memory_space<vmem_shared>>
            %dma_wait3A_769 = arith.constant 0 : i32
            %dma_wait3A_770 = tpu.memref_slice %arg25[%dma_wait3A_769] : memref<256xi32, #tpu.memory_space<vmem>> -> memref<32xi32, #tpu.memory_space<vmem>>
            %dma_wait3A_771 = tpu.memref_slice %arg12[%multiple_of3A] : memref<801056xi32, #tpu.memory_space<vmem_shared>> -> memref<32xi32, #tpu.memory_space<vmem_shared>>
            tpu.wait_dma2 semaphore(%run_scoped3A : memref<!tpu.dma_semaphore, #tpu.memory_space<semaphore_mem>>) src(%dma_wait3A_771 : memref<32xi32, #tpu.memory_space<vmem_shared>>) dst(%dma_wait3A_770 : memref<32xi32, #tpu.memory_space<vmem>>)
            tpu.yield
          }) : () -> ()
          %add3A_758 = arith.addi %add3A_666, %add3A_734 : i32
          %multiple_of3A_759 = tpu.assume_multiple %add3A_758, 8 : i32
          "tpu.region"() ({
            %run_scoped3A = tpu.sem_alloc : memref<!tpu.dma_semaphore, #tpu.memory_space<semaphore_mem>>
            %dma_start3A_760 = arith.constant 0 : i32
            %dma_start3A_761 = tpu.memref_slice %arg25[%dma_start3A_760] : memref<256xi32, #tpu.memory_space<vmem>> -> memref<32xi32, #tpu.memory_space<vmem>>
            %dma_start3A_762 = tpu.memref_slice %arg8[%multiple_of3A_759] : memref<1600016xi32, #tpu.memory_space<hbm>> -> memref<32xi32, #tpu.memory_space<hbm>>
            %dma_start3A_763 = tpu.memref_slice %arg8[%multiple_of3A_759] : memref<1600016xi32, #tpu.memory_space<hbm>> -> memref<32xi32, #tpu.memory_space<hbm>>
            %dma_start3A_764 = arith.constant 0 : i32
            %dma_start3A_765 = tpu.memref_slice %arg25[%dma_start3A_764] : memref<256xi32, #tpu.memory_space<vmem>> -> memref<32xi32, #tpu.memory_space<vmem>>
            tpu.enqueue_dma source(%dma_start3A_765 : memref<32xi32, #tpu.memory_space<vmem>>) target(%dma_start3A_763 : memref<32xi32, #tpu.memory_space<hbm>>) target_semaphore(%run_scoped3A : memref<!tpu.dma_semaphore, #tpu.memory_space<semaphore_mem>>)
            %dma_wait3A_766 = arith.constant 0 : i32
            %dma_wait3A_767 = tpu.memref_slice %arg25[%dma_wait3A_766] : memref<256xi32, #tpu.memory_space<vmem>> -> memref<32xi32, #tpu.memory_space<vmem>>
            %dma_wait3A_768 = tpu.memref_slice %arg8[%multiple_of3A_759] : memref<1600016xi32, #tpu.memory_space<hbm>> -> memref<32xi32, #tpu.memory_space<hbm>>
            %dma_wait3A_769 = tpu.memref_slice %arg8[%multiple_of3A_759] : memref<1600016xi32, #tpu.memory_space<hbm>> -> memref<32xi32, #tpu.memory_space<hbm>>
            %dma_wait3A_770 = arith.constant 0 : i32
            %dma_wait3A_771 = tpu.memref_slice %arg25[%dma_wait3A_770] : memref<256xi32, #tpu.memory_space<vmem>> -> memref<32xi32, #tpu.memory_space<vmem>>
            tpu.wait_dma2 semaphore(%run_scoped3A : memref<!tpu.dma_semaphore, #tpu.memory_space<semaphore_mem>>) src(%dma_wait3A_771 : memref<32xi32, #tpu.memory_space<vmem>>) dst(%dma_wait3A_769 : memref<32xi32, #tpu.memory_space<hbm>>)
            tpu.yield
          }) : () -> ()
        } else {
        }
        %and3A_742 = arith.constant -32 : i32
        %and3A_743 = arith.andi %sub3A_709, %and3A_742 : i32
        %add3A_744 = arith.addi %mul3A_711, %and3A_743 : i32
        %and3A_745 = arith.constant 16 : i32
        %and3A_746 = arith.andi %sub3A_709, %and3A_745 : i32
        %ne3A_747 = arith.constant 0 : i32
        %ne3A_748 = arith.cmpi ne, %and3A_746, %ne3A_747 : i32
        %convert_element_type3A_749 = arith.extui %ne3A_748 : i1 to i32
        %cond3A_750 = arith.constant 0 : i32
        %cond3A_751 = arith.cmpi ne, %convert_element_type3A_749, %cond3A_750 : i32
        scf.if %cond3A_751 {
          %add3A_757 = arith.addi %add3A_667, %add3A_744 : i32
          %multiple_of3A = tpu.assume_multiple %add3A_757, 8 : i32
          "tpu.region"() ({
            %run_scoped3A = tpu.sem_alloc : memref<!tpu.dma_semaphore, #tpu.memory_space<semaphore_mem>>
            %dma_start3A_760 = arith.constant 0 : i32
            %dma_start3A_761 = tpu.memref_slice %arg25[%dma_start3A_760] : memref<256xi32, #tpu.memory_space<vmem>> -> memref<16xi32, #tpu.memory_space<vmem>>
            %dma_start3A_762 = tpu.memref_slice %arg12[%multiple_of3A] : memref<801056xi32, #tpu.memory_space<vmem_shared>> -> memref<16xi32, #tpu.memory_space<vmem_shared>>
            %dma_start3A_763 = arith.constant 0 : i32
            %dma_start3A_764 = tpu.memref_slice %arg25[%dma_start3A_763] : memref<256xi32, #tpu.memory_space<vmem>> -> memref<16xi32, #tpu.memory_space<vmem>>
            %dma_start3A_765 = tpu.memref_slice %arg12[%multiple_of3A] : memref<801056xi32, #tpu.memory_space<vmem_shared>> -> memref<16xi32, #tpu.memory_space<vmem_shared>>
            tpu.enqueue_dma source(%dma_start3A_765 : memref<16xi32, #tpu.memory_space<vmem_shared>>) target(%dma_start3A_764 : memref<16xi32, #tpu.memory_space<vmem>>) target_semaphore(%run_scoped3A : memref<!tpu.dma_semaphore, #tpu.memory_space<semaphore_mem>>)
            %dma_wait3A_766 = arith.constant 0 : i32
            %dma_wait3A_767 = tpu.memref_slice %arg25[%dma_wait3A_766] : memref<256xi32, #tpu.memory_space<vmem>> -> memref<16xi32, #tpu.memory_space<vmem>>
            %dma_wait3A_768 = tpu.memref_slice %arg12[%multiple_of3A] : memref<801056xi32, #tpu.memory_space<vmem_shared>> -> memref<16xi32, #tpu.memory_space<vmem_shared>>
            %dma_wait3A_769 = arith.constant 0 : i32
            %dma_wait3A_770 = tpu.memref_slice %arg25[%dma_wait3A_769] : memref<256xi32, #tpu.memory_space<vmem>> -> memref<16xi32, #tpu.memory_space<vmem>>
            %dma_wait3A_771 = tpu.memref_slice %arg12[%multiple_of3A] : memref<801056xi32, #tpu.memory_space<vmem_shared>> -> memref<16xi32, #tpu.memory_space<vmem_shared>>
            tpu.wait_dma2 semaphore(%run_scoped3A : memref<!tpu.dma_semaphore, #tpu.memory_space<semaphore_mem>>) src(%dma_wait3A_771 : memref<16xi32, #tpu.memory_space<vmem_shared>>) dst(%dma_wait3A_770 : memref<16xi32, #tpu.memory_space<vmem>>)
            tpu.yield
          }) : () -> ()
          %add3A_758 = arith.addi %add3A_666, %add3A_744 : i32
          %multiple_of3A_759 = tpu.assume_multiple %add3A_758, 8 : i32
          "tpu.region"() ({
            %run_scoped3A = tpu.sem_alloc : memref<!tpu.dma_semaphore, #tpu.memory_space<semaphore_mem>>
            %dma_start3A_760 = arith.constant 0 : i32
            %dma_start3A_761 = tpu.memref_slice %arg25[%dma_start3A_760] : memref<256xi32, #tpu.memory_space<vmem>> -> memref<16xi32, #tpu.memory_space<vmem>>
            %dma_start3A_762 = tpu.memref_slice %arg8[%multiple_of3A_759] : memref<1600016xi32, #tpu.memory_space<hbm>> -> memref<16xi32, #tpu.memory_space<hbm>>
            %dma_start3A_763 = tpu.memref_slice %arg8[%multiple_of3A_759] : memref<1600016xi32, #tpu.memory_space<hbm>> -> memref<16xi32, #tpu.memory_space<hbm>>
            %dma_start3A_764 = arith.constant 0 : i32
            %dma_start3A_765 = tpu.memref_slice %arg25[%dma_start3A_764] : memref<256xi32, #tpu.memory_space<vmem>> -> memref<16xi32, #tpu.memory_space<vmem>>
            tpu.enqueue_dma source(%dma_start3A_765 : memref<16xi32, #tpu.memory_space<vmem>>) target(%dma_start3A_763 : memref<16xi32, #tpu.memory_space<hbm>>) target_semaphore(%run_scoped3A : memref<!tpu.dma_semaphore, #tpu.memory_space<semaphore_mem>>)
            %dma_wait3A_766 = arith.constant 0 : i32
            %dma_wait3A_767 = tpu.memref_slice %arg25[%dma_wait3A_766] : memref<256xi32, #tpu.memory_space<vmem>> -> memref<16xi32, #tpu.memory_space<vmem>>
            %dma_wait3A_768 = tpu.memref_slice %arg8[%multiple_of3A_759] : memref<1600016xi32, #tpu.memory_space<hbm>> -> memref<16xi32, #tpu.memory_space<hbm>>
            %dma_wait3A_769 = tpu.memref_slice %arg8[%multiple_of3A_759] : memref<1600016xi32, #tpu.memory_space<hbm>> -> memref<16xi32, #tpu.memory_space<hbm>>
            %dma_wait3A_770 = arith.constant 0 : i32
            %dma_wait3A_771 = tpu.memref_slice %arg25[%dma_wait3A_770] : memref<256xi32, #tpu.memory_space<vmem>> -> memref<16xi32, #tpu.memory_space<vmem>>
            tpu.wait_dma2 semaphore(%run_scoped3A : memref<!tpu.dma_semaphore, #tpu.memory_space<semaphore_mem>>) src(%dma_wait3A_771 : memref<16xi32, #tpu.memory_space<vmem>>) dst(%dma_wait3A_769 : memref<16xi32, #tpu.memory_space<hbm>>)
            tpu.yield
          }) : () -> ()
        } else {
        }
        %gt3A_752 = arith.constant 0 : i32
        %gt3A_753 = arith.cmpi sgt, %and3A_665, %gt3A_752 : i32
        %convert_element_type3A_754 = arith.extui %gt3A_753 : i1 to i32
        %cond3A_755 = arith.constant 0 : i32
        %cond3A_756 = arith.cmpi ne, %convert_element_type3A_754, %cond3A_755 : i32
        scf.if %cond3A_756 {
          %add3A_757 = arith.addi %add3A_667, %sub3A_663 : i32
          %sub3A_758 = arith.subi %add3A_757, %and3A_665 : i32
          %add3A_759 = arith.addi %add3A_666, %sub3A_663 : i32
          %sub3A_760 = arith.subi %add3A_759, %and3A_665 : i32
          %multiple_of3A = tpu.assume_multiple %sub3A_758, 8 : i32
          "tpu.region"() ({
            %run_scoped3A = tpu.sem_alloc : memref<!tpu.dma_semaphore, #tpu.memory_space<semaphore_mem>>
            %dma_start3A_778 = tpu.memref_slice %arg12[%multiple_of3A] : memref<801056xi32, #tpu.memory_space<vmem_shared>> -> memref<16xi32, #tpu.memory_space<vmem_shared>>
            %dma_start3A_779 = tpu.memref_slice %arg12[%multiple_of3A] : memref<801056xi32, #tpu.memory_space<vmem_shared>> -> memref<16xi32, #tpu.memory_space<vmem_shared>>
            tpu.enqueue_dma source(%dma_start3A_779 : memref<16xi32, #tpu.memory_space<vmem_shared>>) target(%arg23 : memref<16xi32, #tpu.memory_space<vmem>>) target_semaphore(%run_scoped3A : memref<!tpu.dma_semaphore, #tpu.memory_space<semaphore_mem>>)
            %dma_wait3A_780 = tpu.memref_slice %arg12[%multiple_of3A] : memref<801056xi32, #tpu.memory_space<vmem_shared>> -> memref<16xi32, #tpu.memory_space<vmem_shared>>
            %dma_wait3A_781 = tpu.memref_slice %arg12[%multiple_of3A] : memref<801056xi32, #tpu.memory_space<vmem_shared>> -> memref<16xi32, #tpu.memory_space<vmem_shared>>
            tpu.wait_dma2 semaphore(%run_scoped3A : memref<!tpu.dma_semaphore, #tpu.memory_space<semaphore_mem>>) src(%dma_wait3A_781 : memref<16xi32, #tpu.memory_space<vmem_shared>>) dst(%arg23 : memref<16xi32, #tpu.memory_space<vmem>>)
            tpu.yield
          }) : () -> ()
          %ge3A_761 = arith.constant 0 : i32
          %ge3A_762 = vector.broadcast %ge3A_761 : i32 to vector<16xi32>
          %ge3A_763 = arith.cmpi sge, %iota3A, %ge3A_762 : vector<16xi32>
          %lt3A = vector.broadcast %and3A_665 : i32 to vector<16xi32>
          %lt3A_764 = arith.cmpi slt, %iota3A, %lt3A : vector<16xi32>
          %and3A_765 = arith.andi %ge3A_763, %lt3A_764 : vector<16xi1>
          %add3A_766 = vector.broadcast %sub3A_760 : i32 to vector<16xi32>
          %add3A_767 = arith.addi %add3A_766, %iota3A : vector<16xi32>
          %add3A_768 = arith.constant 1600000 : i32
          %add3A_769 = vector.broadcast %add3A_768 : i32 to vector<16xi32>
          %add3A_770 = arith.addi %add3A_769, %iota3A : vector<16xi32>
          %select_n3A_771 = arith.select %and3A_765, %add3A_767, %add3A_770 : vector<16xi1>, vector<16xi32>
          %swap3A_772 = arith.constant 0 : index
          %swap3A_773 = tpu.vector_load %arg24[%swap3A_772] {strides = array<i32>} : memref<16xi32, #tpu.memory_space<vmem>>, vector<16xi32>,
          tpu.vector_store %arg24[%swap3A_772], %select_n3A_771 {strides = array<i32>} : memref<16xi32, #tpu.memory_space<vmem>>, vector<16xi32>,
          %dma_start3A_774 = arith.constant 0 : i32
          %dma_start3A_775 = tpu.memref_slice %arg8[%dma_start3A_774] : memref<1600016xi32, #tpu.memory_space<hbm>> -> memref<1600016xi32, #tpu.memory_space<hbm>>
          tpu.enqueue_indirect_dma source(%arg23 : memref<16xi32, #tpu.memory_space<vmem>>) target(%dma_start3A_775 : memref<1600016xi32, #tpu.memory_space<hbm>>) offsets(%arg24 : memref<16xi32, #tpu.memory_space<vmem>>) semaphore(%arg36 : memref<!tpu.dma_semaphore, #tpu.memory_space<semaphore_mem>>)
          %dma_wait3A_776 = arith.constant 0 : i32
          %dma_wait3A_777 = tpu.memref_slice %arg8[%dma_wait3A_776] : memref<1600016xi32, #tpu.memory_space<hbm>> -> memref<1600016xi32, #tpu.memory_space<hbm>>
          tpu.wait_indirect_dma semaphore(%arg36 : memref<!tpu.dma_semaphore, #tpu.memory_space<semaphore_mem>>) src(%arg23 : memref<16xi32, #tpu.memory_space<vmem>>) dst(%dma_wait3A_777 : memref<1600016xi32, #tpu.memory_space<hbm>>)
        } else {
        }
      } else {
      }
    }
    %scan3A_622 = arith.constant 4 : i32
    return
  }
}

</mosaic_0001>

<sc_bundles>
// kernel: kernel.4.cloned.1.call-start
scs
__scs_entry_jumppad:
0x0: {  	(pc) =	sbr.rel $0x88, $3  }
0x1: {  	(tag) =	ssettag $0x0;
	lr =	simm.s32 $0x1  }
0x2: {  	[smem:$0x3F9B] =	sst lr;
	_ =	strace $0xD0000000  }
0x3: {  	_ = 	snop  }
0x4: {  	_ = 	snop  }
0x5: {  	_ = 	snop  }
0x6: {  	_ = 	snop  }
0x7: {  	_ = 	snop  }
__scs_overlays_trampoline_lowered:
0x8: {  	[smem:$0x3FAA] =	sst s0  }
0x9: {  	[smem:$0x3FAB] =	sst s1  }
0xa: {  	[smem:$0x3FAC] =	sst s2  }
0xb: {  	[smem:$0x3FAD] =	sst s3  }
0xc: {  	[smem:$0x3FAE] =	sst s4  }
0xd: {  	[smem:$0x3FAF] =	sst s5  }
0xe: {  	[smem:$0x3FB0] =	sst s6  }
0xf: {  	[smem:$0x3FB1] =	sst s7  }
0x10: {  	[smem:$0x3FB2] =	sst s8  }
0x11: {  	[smem:$0x3FB3] =	sst s9;
	s0 =	simm.s32 @!p0 $0x0  }
0x12: {  	s1 =	sld [smem:$0x3F99];
	s0 =	simm.s32 @p0 $0x1  }
0x13: {  	[smem:$0x3FB4] =	sst s0;
	s0 =	simm.s32 @!p1 $0x0  }
0x14: {  	s2 =	sld [smem:$0x3F98];
	s0 =	simm.s32 @p1 $0x1  }
0x15: {  	[smem:$0x3FB5] =	sst s0;
	s0 =	simm.s32 @!p2 $0x0  }
0x16: {  	s3 =	sld [smem:$0x3FDB];
	s0 =	simm.s32 @p2 $0x1  }
0x17: {  	s4 =	simm.s32 $0x1BF5;
	[smem:$0x3FB7] =	sst s0  }
0x18: {  	s0 =	sld [smem:$0x3F9A];
	_ =	swait.ge [sflag:s4], $0x0  }
0x19: {  	s7 =	sld [smem:$0x3F9B]  }
0x1a: {  	s8 =	sadd.s32 $0xFFFFE003, lr  }
0x1b: {  	s9 =	sadd.s32 $0xFFFFFEF7, lr;
	s5 =	simm.s32 $0xFFFFFFFF;
	p2 =	slt.u32 s8, $0xFFFFF086  }
0x1c: {  	p1 =	slt.u32 s9, $0xF7A;
	s5 =	simm.s32 @!p2 $0x0  }
0x1d: {  	s5 =	simm.s32 @p1 $0x1;
	p0 =	seq.s32 s7, s2  }
0x1e: {  	s7 =	smul.u32 @!p0 $0xF7A, s2;
	p2 =	seq.s32 @!p0 s5, $0x0  }
0x1f: {  	s9 =	smul.u32 $0xF7A, s1;
	s8 =	simm.s32 @!p0 $0x1BF5;
	p2 =	por !p2, p0  }
0x20: {  	[sflag:s8] =	ssyncset.s32 @!p0 $0xFFFFF086;
	s6 =	sadd.s32 @!p0 s3, s7;
	s7 =	simm.s32 @!p0 $0x108  }
0x21: {  	s3 =	sadd.s32 s3, s9;
	s6 =	sadd.s32 @!p0 $0x88, s6;
	s7 =	simm.s32 @p2 $0x1082  }
0x22: {  	[simem:s7], [sflag:s8] =	dma.local @!p0 [hbm:s6], $0xF7A  }
0x23: {  	s9 =	sor.u32 $0xD0000000, s2;
	s6 =	simm.s32 $0x108;
	_ =	swait.ge @!p0 [sflag:s8], $0x0  }
0x24: {  	s3 =	sadd.s32 $0x88, s3;
	s6 =	simm.s32 @!p1 $0x1082;
	[sflag:s4] =	ssyncset.s32 $0xFFFFF086  }
0x25: {  	[simem:s6], [sflag:s4] =	dma.local [hbm:s3], $0xF7A  }
0x26: {  	[smem:$0x3F9B] =	sst s1;
	(tag) =	ssettag s2;
	_ =	strace s9  }
0x27: {  	s1 =	sld [smem:$0x3FAB]  }
0x28: {  	s2 =	sld [smem:$0x3FAC]  }
0x29: {  	s4 =	sld [smem:$0x3FAE]  }
0x2a: {  	p0 =	seq.s32 s5, $0x0;
	s5 =	sld [smem:$0x3FAF]  }
0x2b: {  	s6 =	sld [smem:$0x3FB0]  }
0x2c: {  	s7 =	sld [smem:$0x3FB1]  }
0x2d: {  	s3 =	simm.s32 $0x108;
	s8 =	sld [smem:$0x3FB2]  }
0x2e: {  	s3 =	simm.s32 @!p0 $0x1082;
	s9 =	sld [smem:$0x3FB3]  }
0x2f: {  	lr =	sadd.s32 s0, s3;
	s0 =	sld [smem:$0x3FAA]  }
0x30: {  	s3 =	sld [smem:$0x3FAD]  }
0x31: {  	[smem:$0x3FB6] =	sst s10  }
0x32: {  	s10 =	sld [smem:$0x3FB4];
	_ =	sdelay $0x3  }
0x33: {  	p0 =	seq.s32 s10, $0x1;
	s10 =	sld [smem:$0x3FB6];
	_ =	sdelay $0x3  }
0x34: {  	[smem:$0x3FB6] =	sst s10  }
0x35: {  	s10 =	sld [smem:$0x3FB5];
	_ =	sdelay $0x3  }
0x36: {  	p1 =	seq.s32 s10, $0x1;
	s10 =	sld [smem:$0x3FB6];
	_ =	sdelay $0x3  }
0x37: {  	[smem:$0x3FB6] =	sst s10  }
0x38: {  	s10 =	sld [smem:$0x3FB7]  }
0x39: {  	_ = 	snop;
	(pc) =	sbr.ind lr, $3  }
0x3a: {  	_ = 	snop  }
0x3b: {  	_ = 	snop  }
0x3c: {  	p2 =	seq.s32 s10, $0x1;
	s10 =	sld [smem:$0x3FB6]  }
0x3d: {  	_ =	shalt  }
0x3e: {  	_ =	shalt  }
0x3f: {  	_ =	shalt  }
0x40: {  	_ =	shalt  }
0x41: {  	_ =	shalt  }
0x42: {  	_ =	shalt  }
0x43: {  	_ =	shalt  }
0x44: {  	_ =	shalt  }
0x45: {  	_ =	shalt  }
0x46: {  	_ =	shalt  }
0x47: {  	_ =	shalt  }
0x48: {  	_ =	shalt  }
0x49: {  	_ =	shalt  }
0x4a: {  	_ =	shalt  }
0x4b: {  	_ =	shalt  }
0x4c: {  	_ =	shalt  }
0x4d: {  	_ =	shalt  }
0x4e: {  	_ =	shalt  }
0x4f: {  	_ =	shalt  }
0x50: {  	_ =	shalt  }
0x51: {  	_ =	shalt  }
0x52: {  	_ =	shalt  }
0x53: {  	_ =	shalt  }
0x54: {  	_ =	shalt  }
0x55: {  	_ =	shalt  }
0x56: {  	_ =	shalt  }
0x57: {  	_ =	shalt  }
0x58: {  	_ =	shalt  }
0x59: {  	_ =	shalt  }
0x5a: {  	_ =	shalt  }
0x5b: {  	_ =	shalt  }
0x5c: {  	_ =	shalt  }
0x5d: {  	_ =	shalt  }
0x5e: {  	_ =	shalt  }
0x5f: {  	_ =	shalt  }
0x60: {  	_ =	shalt  }
0x61: {  	_ =	shalt  }
0x62: {  	_ =	shalt  }
0x63: {  	_ =	shalt  }
0x64: {  	_ =	shalt  }
0x65: {  	_ =	shalt  }
0x66: {  	_ =	shalt  }
0x67: {  	_ =	shalt  }
0x68: {  	_ =	shalt  }
0x69: {  	_ =	shalt  }
0x6a: {  	_ =	shalt  }
0x6b: {  	_ =	shalt  }
0x6c: {  	_ =	shalt  }
0x6d: {  	_ =	shalt  }
0x6e: {  	_ =	shalt  }
0x6f: {  	_ =	shalt  }
0x70: {  	_ =	shalt  }
0x71: {  	_ =	shalt  }
0x72: {  	_ =	shalt  }
0x73: {  	_ =	shalt  }
0x74: {  	_ =	shalt  }
0x75: {  	_ =	shalt  }
0x76: {  	_ =	shalt  }
0x77: {  	_ =	shalt  }
0x78: {  	_ =	shalt  }
0x79: {  	_ =	shalt  }
0x7a: {  	_ =	shalt  }
0x7b: {  	_ =	shalt  }
0x7c: {  	_ =	shalt  }
0x7d: {  	_ =	shalt  }
0x7e: {  	_ =	shalt  }
0x7f: {  	_ =	shalt  }
0x80: {  	_ =	shalt  }
0x81: {  	_ =	shalt  }
0x82: {  	_ =	shalt  }
0x83: {  	_ =	shalt  }
0x84: {  	_ =	shalt  }
0x85: {  	_ =	shalt  }
0x86: {  	_ =	shalt  }
0x87: {  	_ =	shalt  }
.Lfunc_end0:
.L_simem_size_0:
called_computation.1_lowered:
.L_overlay_start_0:
0x88: {  	s2 =	sld [smem:$0x3FD9]  }
0x89: {  	s3 =	sld [smem:$0x3FFE];
	_ =	sdelay $0x1  }
0x8a: {  	s1 =	srdreg.scid  }
0x8b: {  	s0 =	sand.u32 $0x1, s1  }
0x8c: {  	s14 =	sshll.u32 s0, $0xA;
	s2 =	sadd.s32 s3, s2  }
0x8d: {  	s2 =	sadd.s32 s2, s14  }
0x8e: {  	[smem:$0x3FC2] =	sst s2  }
0x8f: {  	_ = 	snop  }
0x90: {  	s2 =	sld [smem:$0x3FC9]  }
0x91: {  	s15 =	sld [smem:$0x3FC8]  }
0x92: {  	s4 =	sld [smem:$0x3FD0]  }
0x93: {  	s5 =	sld [smem:$0x3FC7]  }
0x94: {  	s6 =	sld [smem:$0x3FC5]  }
0x95: {  	s8 =	simm.s32 $0xA;
	s9 =	simm.s32 $0x10;
	s7 =	sld [smem:$0x3FC4]  }
0x96: {  	[smem:s9], [sflag:s8] =	dma.local [hbm:s4], $0x1  }
0x97: {  	_ =	swait.eq [sflag:s8], $0x1  }
0x98: {  	[sflag:s8] =	ssyncset.done $0x0  }
0x99: {  	[sflag:s8] =	ssyncadd.s32 $0xFFFFFFFF  }
0x9a: {  	s16 =	sld [smem:$0x12];
	(tm) =	ssettm $0x1  }
0x9b: {  	s17 =	sld [smem:$0x3FFB];
	_ =	sdelay $0x3  }
0x9c: {  	_ =	strace s17  }
0x9d: {  	s8 =	sld [smem:$0x3FFC];
	_ =	sdelay $0x3  }
0x9e: {  	_ =	strace s8  }
0x9f: {  	s8 =	sld [smem:$0x3FFD];
	_ =	sdelay $0x3  }
0xa0: {  	_ =	strace s8  }
0xa1: {  	_ =	strace $0x8FFFFFFF  }
0xa2: {  	s18 =	sld [smem:$0x3FDB];
	_ =	sdelay $0x1  }
0xa3: {  	s19 =	simm.s32 $_scs_section_size  }
0xa4: {  	s10 =	simm.s32 $_size__tile_overlayer_lowered;
	s11 =	simm.s32 $_tile_overlayer_lowered  }
0xa5: {  	s22 =	simm.s32 $0x1BFF;
	s21 =	sshll.u32 s11, $0x1;
	s8 =	sadd.s32 s19, s18  }
0xa6: {  	s12 =	simm.s32 $0x0;
	s20 =	sshll.u32 s10, $0x1;
	s10 =	sadd.s32 s21, s8  }
0xa7: {  	[timem:s12], [sflag:s22] =	dma.local [hbm:s10], s20  }
0xa8: {  	_ =	swait.ge [sflag:s22], s20  }
0xa9: {  	s9 =	ssub.s32 $0x0, s20;
	[sflag:s22] =	ssyncset.done $0x0  }
0xaa: {  	[sflag:s22] =	ssyncadd.s32 s9;
	_ =	sdelay $0x1  }
0xab: {  	s23 =	simm.s32 $0x1B8B  }
0xac: {  	_ =	swait.ge [sflag:s23], $0x1  }
0xad: {  	[sflag:s23] =	ssyncset.done $0x0  }
0xae: {  	s25 =	simm.s32 $0x1B8E;
	s24 =	sld [smem:$0x3FFE];
	[sflag:s23] =	ssyncadd.s32 $0xFFFFFFFF  }
0xaf: {  	s26 =	simm.s32 $execute0_lowered;
	[smem:$0x3FD2] =	sst s25  }
0xb0: {  	s10 =	sshll.u32 s26, $0x1;
	_ =	strace $0x80000046;
	[dreg:$0x1] =	wrdreg $0xFFFFFFFF  }
0xb1: {  	s28 =	simm.s32 $_size_execute0_lowered;
	s8 =	sadd.s32 s8, s10;
	[dreg:$0x0] =	wrdreg $0x0  }
0xb2: {  	s10 =	sshll.u32 s28, $0x1;
	[dreg:$0x2] =	wrdreg s8  }
0xb3: {  	[dreg:$0x3] =	wrdreg s10  }
0xb4: {  	[dreg:$0x4] =	wrdreg $0xC0  }
0xb5: {  	_ =	task [dreg:s12], $0x5FFFF  }
0xb6: {  	[dreg:$0x1] =	wrdreg $0xFFFFFFFF  }
0xb7: {  	[dreg:$0x0] =	wrdreg $0x60  }
0xb8: {  	[dreg:$0x2] =	wrdreg s2  }
0xb9: {  	[dreg:$0x3] =	wrdreg s15  }
0xba: {  	[dreg:$0x4] =	wrdreg s5  }
0xbb: {  	[dreg:$0x5] =	wrdreg s6  }
0xbc: {  	[dreg:$0x6] =	wrdreg s7  }
0xbd: {  	[dreg:$0x7] =	wrdreg s24  }
0xbe: {  	[dreg:$0x8] =	wrdreg s16  }
0xbf: {  	[dreg:$0x9] =	wrdreg $0x187300  }
0xc0: {  	[dreg:$0xa] =	wrdreg $0x193680  }
0xc1: {  	[dreg:$0xb] =	wrdreg $0x19FA00  }
0xc2: {  	[dreg:$0xc] =	wrdreg $0x0  }
0xc3: {  	[dreg:$0xd] =	wrdreg $0xC3980  }
0xc4: {  	[dreg:$0xe] =	wrdreg $0x9  }
0xc5: {  	_ =	task.clear_ibuf [dreg:s12], $0xFFFFF;
	_ =	strace $0x90000046  }
0xc6: {  	s29 =	simm.s32 $0x9;
	_ =	strace $0x80000048  }
0xc7: {  	_ =	swait.ge [sflag:s29], $0x1  }
0xc8: {  	[sflag:s29] =	ssyncadd.s32 $0xFFFFFFFF  }
0xc9: {  	_ =	strace $0x90000048  }
0xca: {  	_ =	sfence  }
0xcb: {  	s30 =	sld [smem:$0x0];
	_ =	sdelay $0x2  }
0xcc: {  	s31 =	sshll.u32 s1, $0xD;
	s1 =	sshrl.u32 s1, $0x2  }
0xcd: {  	s3 =	sand.u32 $0x4000, s31;
	s1 =	sadd.s32 s1, s30  }
0xce: {  	s0 =	sor.u32 s3, s0;
	s1 =	sshll.u32 s1, $0x11  }
0xcf: {  	s0 =	sor.u32 s1, s0  }
0xd0: {  	s0 =	sadd.s32 $0x8F2B, s0  }
0xd1: {  	[sflag:s0] =	ssyncadd.remote.s32 $0x1  }
0xd2: {  	_ =	sfence.sel $0xFFFF  }
0xd3: {  	[dreg:$0x0] =	wrdreg $0xFFFFFFFF;
	(pc) =	sbr.abs _section_cstart, $3  }
0xd4: {  	[dreg:$0x1] =	wrdreg $0xFFFFFFFF  }
0xd5: {  	_ =	task.clear_ibuf [dreg:s12], $0x2FFFF;
	_ =	strace $0x9FFFFFFF  }
0xd6: {  	(tm) =	ssettm $0x7FFFFFFF  }
0xd7: {  	_ =	shalt  }
tec
execute0_lowered:
.L_overlay_start_1:
0x0: {  	(tag) =	ssettag $0x1  }
0x1: {  	s16 =	rddreg [dreg:$0x0]  }
0x2: {  	s0 =	rddreg [dreg:$0x5]  }
0x3: {  	s7 =	rddreg [dreg:$0x7]  }
0x4: {  	s8 =	rddreg [dreg:$0x9]  }
0x5: {  	s10 =	rddreg [dreg:$0xa]  }
0x6: {  	s11 =	rddreg [dreg:$0xb];
	s12 =	simm.s32 $0x0;
	s1 =	srdreg.scid  }
0x7: {  	s2 =	stileid.u32;
	s28 =	simm.s32 $0x1;
	s29 =	simm.s32 $0x1C620  }
0x8: {  	s9 =	simm.s32 $0x1AAA0;
	s30 =	simm.s32 $0x1A820;
	s31 =	simm.s32 $0x50  }
0x9: {  	[smem:$0x7FF] =	sst s12;
	s13 =	sadd.s32 $0x1800, s0;
	s1 =	sand.u32 $0x1, s1  }
0xa: {  	s14 =	sadd.s32 $0x32600, s0;
	s20 =	smul.u32 $0xC350, s2;
	s0 =	sadd.s32 $0x63400, s0  }
0xb: {  	s4 =	sor.u32 $0x10, s2;
	s19 =	sshll.u32 s2, $0x6;
	s26 =	sshll.u32 s2, $0x2  }
0xc: {  	_ =	strace $0x80000047;
	s3 =	ssub.s32 $0x2, s1;
	[dreg:$0xe] =	wrdreg s0  }
0xd: {  	s5 =	sshll.u32 s1, $0x4;
	s21 =	smul.u32 $0xC350, s4;
	s4 =	sshll.u32 s4, $0x6  }
0xe: {  	p0 =	seq.s32 s1, $0x0;
	[dreg:$0x15] =	wrdreg s26;
	s26 =	simm.s32 $0x1AE20  }
0xf: {  	s15 =	sshrl.u32 s3, $0x1;
	s6 =	sshrl.u32 s20, $0x3;
	s18 =	sor.u32 s2, s5  }
0x10: {  	s24 =	sadd.s32 s4, s8;
	s1 =	simm.s32 @!p0 $0x0;
	s4 =	simm.s32 $0x1A920  }
0x11: {  	s5 =	simm.s32 $0x1AA20;
	[dreg:$0xd] =	wrdreg s20;
	s0 =	ssub.s32 s3, s15  }
0x12: {  	s17 =	sadd.s32 s16, s6;
	s22 =	sshrl.u32 s21, $0x3;
	[dreg:$0x13] =	wrdreg s24  }
0x13: {  	s3 =	sadd.s32 s19, s8;
	s1 =	simm.s32 @p0 $0x1;
	[dreg:$0xf] =	wrdreg s21  }
0x14: {  	s25 =	smul.u32 $0xC350, s18;
	p0 =	sne.s32 s2, $0x0;
	[dreg:$0x10] =	wrdreg s17  }
0x15: {  	s19 =	simm.s32 $0x1AC20;
	s2 =	simm.s32 $0x0;
	[dreg:$0x11] =	wrdreg s3  }
0x16: {  	s23 =	sadd.s32 s16, s22;
	[smem:$0x7FB] =	sst s1;
	s1 =	simm.s32 @!p0 $0x0  }
.Ltmp0:
0x17: {  	s0 =	smax.u32 s0, $0x1;
	[dreg:$0x12] =	wrdreg s23;
	(pc) =	sbr.rel .LBB2_1-.Ltmp0, $4  }
0x18: {  	[dreg:$0x14] =	wrdreg s25;
	s1 =	simm.s32 @p0 $0x1;
	p0 =	sne.s32 s18, $0x0  }
0x19: {  	v0 =	vlaneseq.u32;
	s22 =	simm.s32 $0x1A8A0;
	[dreg:$0x16] =	wrdreg s0;
	s0 =	simm.s32 @!p0 $0x0  }
0x1a: {  	v1 =	vimm.s32 $0x0;
	v3 =	vimm.s32 $0x1;
	v2 =	vmul.u32 $0x40, v0;
	s3 =	simm.s32 $0x1A9A0;
	[smem:$0x7FC] =	sst s1;
	s0 =	simm.s32 @p0 $0x1  }
0x1b: {  	v4 =	vor.u32 $0x10, v0;
	v5 =	vor.u32 $0x20, v0;
	v6 =	vor.u32 $0x30, v0;
	s23 =	simm.s32 $0x3;
	s1 =	simm.s32 $0x1AD20;
	[smem:$0x7FD] =	sst s0  }
.LBB2_63:
0x1c: {  	s2 =	rddreg [dreg:$0x17]  }
0x1d: {  	s0 =	rddreg [dreg:$0x16];
	s2 =	sadd.s32 $0x1, s2  }
0x1e: {  	p0 =	sne.s32 s2, s0  }
.Ltmp1:
0x1f: {  	_ = 	snop;
	(pc) =	sbr.rel @!p0 .LBB2_64-.Ltmp1, $4  }
0x20: {  	_ = 	snop  }
0x21: {  	s16 =	rddreg [dreg:$0x0]  }
0x22: {  	s20 =	rddreg [dreg:$0xd]  }
0x23: {  	s21 =	rddreg [dreg:$0xf];
	s22 =	simm.s32 $0x1A8A0;
	s23 =	simm.s32 $0x3  }
.LBB2_1:
0x24: {  	s0 =	sld [smem:$0x7FC];
	_ =	sdelay $0x2  }
0x25: {  	[dreg:$0x17] =	wrdreg s2;
	p0 =	seq.s32 s0, $0x1  }
0x26: {  	s6 =	rddreg [dreg:$0x4];
	s0 =	sshrl.u32 @!p0 s7, $0x3;
	s2 =	simm.s32 @!p0 $0x1C03  }
0x27: {  	[spmem:s0], [sflag:s2] =	dma.local @!p0 [hbm:s6], $0x1870  }
0x28: {  	s0 =	simm.s32 @!p0 $0x3  }
0x29: {  	_ =	swait.ge @!p0 [sflag:s0], $0x1870  }
0x2a: {  	[sflag:s0] =	ssyncset.done @!p0 $0x0  }
0x2b: {  	[sflag:s0] =	ssyncadd.s32 @!p0 $0xFFFFE790  }
0x2c: {  	s6 =	rddreg [dreg:$0x8]  }
0x2d: {  	s8 =	rddreg [dreg:$0x3];
	s6 =	sshrl.u32 @!p0 s6, $0x3  }
0x2e: {  	[spmem:s6], [sflag:s2] =	dma.local @!p0 [hbm:s8], $0x1870  }
0x2f: {  	_ =	swait.ge @!p0 [sflag:s0], $0x1870  }
0x30: {  	[sflag:s0] =	ssyncset.done @!p0 $0x0  }
0x31: {  	[sflag:s0] =	ssyncadd.s32 @!p0 $0xFFFFE790  }
0x32: {  	s2 =	simm.s32 $0x0;
	s0 =	simm.s32 $0x40;
	[bflag:$0x0] =	sbarrier.arrive $0xFFFF  }
.LBB2_2:
0x33: {  	p1 =	sne.s32 s0, $0xFC0;
	[tilespmem:s2+$0x1C620] =	vst v1;
	s2 =	smov.u32 s0;
	s0 =	sadd.s32 $0x40, s0  }
.Ltmp2:
0x34: {  	(pc) =	sbr.rel @p1 .LBB2_2-.Ltmp2, $2  }
0x35: {  	_ =	sdelay $0x2  }
0x36: {  	s2 =	sshra.s32 s2, $0x2  }
0x37: {  	[tilespmem:s2+$0x1C620] =	vst v1;
	s2 =	simm.s32 $0x0;
	s0 =	rddreg [dreg:$0x10]  }
0x38: {  	[tilespmem:s26], [sflag:$0x1] =	stream.linear.gather [hbm4b:s0+s2], $0x7D0, $0x38;
	[tilespmem:$0x1FE20] =	vst v63  }
.LBB2_5:
0x39: {  	p1 =	seq.s32 s2, $0x18;
	s0 =	sand.u32 $0x1, s2  }
0x3a: {  	p3 =	sne.s32 @!p1 s0, $0x0  }
0x3b: {  	s2 =	sadd.s32 $0x1, s2;
	p1 =	por p3, p1  }
0x3c: {  	_ =	swait.ge [sflag:s28], $0x7D0;
	s6 =	smul.u32 @!p1 $0x7D0, s2  }
0x3d: {  	[sflag:s28] =	ssyncset.done $0x0  }
0x3e: {  	[sflag:s28] =	ssyncadd.s32 $0xFFFFF830;
	s6 =	sadd.s32 @!p1 s20, s6  }
0x3f: {  	p3 =	seq.s32 s0, $0x0;
	s8 =	simm.s32 @!p1 $0x0;
	s6 =	sshrl.u32 @!p1 s6, $0x3  }
0x40: {  	s15 =	simm.s32 @!p1 $0x1B620;
	s17 =	smul.u32 @!p3 $0x7D0, s2;
	s6 =	sadd.s32 @!p1 s16, s6  }
0x41: {  	[tilespmem:s15], [sflag:$0x1] =	stream.linear.gather @!p1 [hbm4b:s6+s8], $0x7D0, $0x38;
	[tilespmem:$0x1FE20] =	vst v63  }
0x42: {  	s6 =	sadd.s32 @!p3 s20, s17  }
0x43: {  	s8 =	simm.s32 @!p3 $0x0;
	s6 =	sshrl.u32 @!p3 s6, $0x3  }
0x44: {  	s15 =	simm.s32 @!p3 $0x1AE20;
	p1 =	sne.s32 s0, $0x0;
	s6 =	sadd.s32 @!p3 s16, s6  }
0x45: {  	[tilespmem:s15], [sflag:$0x1] =	stream.linear.gather @!p3 [hbm4b:s6+s8], $0x7D0, $0x38;
	[tilespmem:$0x1FE20] =	vst v63  }
0x46: {  	s6 =	simm.s32 @!p1 $0x7D0;
	s8 =	simm.s32 @!p1 $0x1AE20;
	s15 =	simm.s32 @!p1 $0x1D620  }
0x47: {  	[tilespmem:s15], [sflag:$0x2] =	stream.indirect.gather @!p1 [spmem:s7], $0x1, s8, s6, $0xb8;
	[tilespmem:$0x1FE20] =	vst v63  }
0x48: {  	s6 =	simm.s32 @!p1 $0x2  }
0x49: {  	p3 =	seq.s32 s0, $0x1;
	_ =	swait.ge @!p1 [sflag:s6], $0x7D0  }
0x4a: {  	s0 =	simm.s32 @p3 $0x7D0;
	[sflag:s6] =	ssyncset.done @!p1 $0x0  }
0x4b: {  	s8 =	simm.s32 @p3 $0x1D620;
	[sflag:s6] =	ssyncadd.s32 @!p1 $0xFFFFF830;
	s6 =	simm.s32 @p3 $0x1B620  }
0x4c: {  	[tilespmem:s8], [sflag:$0x2] =	stream.indirect.gather @p3 [spmem:s7], $0x1, s6, s0, $0xb8;
	[tilespmem:$0x1FE20] =	vst v63  }
0x4d: {  	s0 =	simm.s32 @p3 $0x2  }
0x4e: {  	_ =	swait.ge @p3 [sflag:s0], $0x7D0  }
0x4f: {  	[sflag:s0] =	ssyncset.done @p3 $0x0  }
0x50: {  	s6 =	simm.s32 $0x0;
	[sflag:s0] =	ssyncadd.s32 @p3 $0xFFFFF830;
	s0 =	simm.s32 $0x40  }
.LBB2_6:
0x51: {  	p1 =	seq.s32 s0, $0x1F00;
	v7 =	vld [tilespmem:s6+$0x1D620];
	_ =	sdelay $0x4  }
0x52: {  	v7 =	vadd.s32 v2, v7  }
.Ltmp3:
0x53: {  	(pc) =	sbr.rel @!p1 .LBB2_6-.Ltmp3, $2  }
0x54: {  	_ =	sdelay $0x2  }
0x55: {  	s6 =	sshra.s32 s0, $0x2;
	s0 =	sadd.s32 $0x40, s0;
	[tilespmem:v7+s29+$0x0] =	vst.idx.add.s32.msk $0xffff, v3  }
0x56: {  	v7 =	vld [tilespmem:s6+$0x1D620];
	_ =	sdelay $0x4  }
0x57: {  	v7 =	vadd.s32 v2, v7;
	_ =	sdelay $0x4  }
0x58: {  	[tilespmem:v7+s29+$0x0] =	vst.idx.add.s32.msk $0xffff, v3  }
0x59: {  	p1 =	seq.s32 s2, $0x19  }
.Ltmp4:
0x5a: {  	_ = 	snop;
	(pc) =	sbr.rel @!p1 .LBB2_5-.Ltmp4, $1  }
0x5b: {  	_ =	sdelay $0x3  }
0x5c: {  	v7 =	vld [tilespmem:$0x1C620]  }
0x5d: {  	v8 =	vld [tilespmem:$0x1C660]  }
0x5e: {  	v9 =	vld [tilespmem:$0x1C6A0]  }
0x5f: {  	v10 =	vld [tilespmem:$0x1C6E0]  }
0x60: {  	v11 =	vld [tilespmem:$0x1C720]  }
0x61: {  	v12 =	vld [tilespmem:$0x1C760]  }
0x62: {  	v13 =	vld [tilespmem:$0x1C7A0]  }
0x63: {  	v14 =	vld [tilespmem:$0x1C7E0]  }
0x64: {  	v15 =	vld [tilespmem:$0x1C820]  }
0x65: {  	v16 =	vld [tilespmem:$0x1C860]  }
0x66: {  	v17 =	vld [tilespmem:$0x1C8A0]  }
0x67: {  	v18 =	vld [tilespmem:$0x1C8E0]  }
0x68: {  	v19 =	vld [tilespmem:$0x1C920]  }
0x69: {  	v20 =	vld [tilespmem:$0x1C960]  }
0x6a: {  	v21 =	vld [tilespmem:$0x1C9A0]  }
0x6b: {  	v22 =	vld [tilespmem:$0x1C9E0]  }
0x6c: {  	v23 =	vld [tilespmem:$0x1C630]  }
0x6d: {  	v24 =	vld [tilespmem:$0x1C670]  }
0x6e: {  	v25 =	vld [tilespmem:$0x1C6B0]  }
0x6f: {  	v26 =	vld [tilespmem:$0x1C6F0]  }
0x70: {  	v27 =	vld [tilespmem:$0x1C730]  }
0x71: {  	v28 =	vld [tilespmem:$0x1C770]  }
0x72: {  	v29 =	vld [tilespmem:$0x1C7B0]  }
0x73: {  	v30 =	vld [tilespmem:$0x1C7F0]  }
0x74: {  	v31 =	vld [tilespmem:$0x1C830]  }
0x75: {  	v32 =	vld [tilespmem:$0x1C870]  }
0x76: {  	v33 =	vld [tilespmem:$0x1C8B0]  }
0x77: {  	v34 =	vld [tilespmem:$0x1C8F0]  }
0x78: {  	v35 =	vld [tilespmem:$0x1C930]  }
0x79: {  	v36 =	vld [tilespmem:$0x1C970]  }
0x7a: {  	v37 =	vld [tilespmem:$0x1C9B0]  }
0x7b: {  	v38 =	vld [tilespmem:$0x1C9F0]  }
0x7c: {  	v39 =	vld [tilespmem:$0x1C640]  }
0x7d: {  	v40 =	vld [tilespmem:$0x1C680]  }
0x7e: {  	v41 =	vld [tilespmem:$0x1C6C0]  }
0x7f: {  	v42 =	vld [tilespmem:$0x1C700]  }
0x80: {  	v43 =	vld [tilespmem:$0x1C740]  }
0x81: {  	v44 =	vld [tilespmem:$0x1C780]  }
0x82: {  	v45 =	vld [tilespmem:$0x1C7C0]  }
0x83: {  	v59 =	vld [tilespmem:$0x1C840]  }
0x84: {  	v60 =	vld [tilespmem:$0x1C880];
	v7 =	vadd.s32 v7, v8  }
0x85: {  	v61 =	vld [tilespmem:$0x1C650];
	v7 =	vadd.s32 v9, v7  }
0x86: {  	v62 =	vld [tilespmem:$0x1C690];
	v7 =	vadd.s32 v10, v7  }
0x87: {  	v63 =	vld [tilespmem:$0x1C6D0];
	v7 =	vadd.s32 v11, v7  }
0x88: {  	v46 =	vld [tilespmem:$0x1C710];
	v7 =	vadd.s32 v12, v7  }
0x89: {  	v48 =	vld [tilespmem:$0x1C750];
	v7 =	vadd.s32 v13, v7  }
0x8a: {  	v50 =	vld [tilespmem:$0x1C790];
	v7 =	vadd.s32 v14, v7  }
0x8b: {  	v51 =	vld [tilespmem:$0x1C7D0];
	v7 =	vadd.s32 v15, v7  }
0x8c: {  	v52 =	vld [tilespmem:$0x1C810];
	v7 =	vadd.s32 v16, v7  }
0x8d: {  	v53 =	vld [tilespmem:$0x1C850];
	v7 =	vadd.s32 v17, v7  }
0x8e: {  	v54 =	vld [tilespmem:$0x1C890];
	v7 =	vadd.s32 v18, v7  }
0x8f: {  	v55 =	vld [tilespmem:$0x1C8D0];
	v7 =	vadd.s32 v19, v7  }
0x90: {  	v56 =	vld [tilespmem:$0x1C910];
	v47 =	vadd.s32 v23, v24;
	v49 =	vadd.s32 v39, v40;
	v7 =	vadd.s32 v20, v7  }
0x91: {  	v58 =	vld [tilespmem:$0x1C950];
	v17 =	vadd.s32 v61, v62;
	v7 =	vadd.s32 v21, v7;
	v21 =	vadd.s32 v25, v47  }
0x92: {  	v8 =	vld [tilespmem:$0x1C800];
	v7 =	vadd.s32 v22, v7;
	v21 =	vadd.s32 v26, v21;
	v22 =	vadd.s32 v41, v49  }
0x93: {  	v11 =	vld [tilespmem:$0x1C8C0];
	v17 =	vadd.s32 v63, v17;
	v21 =	vadd.s32 v27, v21;
	v22 =	vadd.s32 v42, v22  }
0x94: {  	v12 =	vld [tilespmem:$0x1C900];
	v17 =	vadd.s32 v46, v17;
	v21 =	vadd.s32 v28, v21;
	v22 =	vadd.s32 v43, v22  }
0x95: {  	v13 =	vld [tilespmem:$0x1C940];
	v17 =	vadd.s32 v48, v17;
	v21 =	vadd.s32 v29, v21;
	v22 =	vadd.s32 v44, v22  }
0x96: {  	v14 =	vld [tilespmem:$0x1C980];
	v17 =	vadd.s32 v50, v17;
	v21 =	vadd.s32 v30, v21;
	v22 =	vadd.s32 v45, v22  }
0x97: {  	v15 =	vld [tilespmem:$0x1C9C0];
	v17 =	vadd.s32 v51, v17;
	v21 =	vadd.s32 v31, v21;
	v8 =	vadd.s32 v8, v22  }
0x98: {  	v16 =	vld [tilespmem:$0x1CA00];
	v57 =	vadd.s32 v52, v17;
	v21 =	vadd.s32 v32, v21;
	v8 =	vadd.s32 v59, v8  }
0x99: {  	v9 =	vadd.s32 v53, v57;
	v59 =	vadd.s32 v33, v21;
	v8 =	vadd.s32 v60, v8;
	v60 =	vld [tilespmem:$0x1C990]  }
0x9a: {  	v61 =	vld [tilespmem:$0x1C9D0];
	v9 =	vadd.s32 v54, v9;
	v19 =	vadd.s32 v34, v59;
	v8 =	vadd.s32 v11, v8  }
0x9b: {  	v62 =	vld [tilespmem:$0x1CA10];
	v9 =	vadd.s32 v55, v9;
	v19 =	vadd.s32 v35, v19;
	v8 =	vadd.s32 v12, v8  }
0x9c: {  	v9 =	vadd.s32 v56, v9;
	v19 =	vadd.s32 v36, v19;
	v8 =	vadd.s32 v13, v8  }
0x9d: {  	v9 =	vadd.s32 v58, v9;
	v63 =	vadd.s32 v37, v19;
	v8 =	vadd.s32 v14, v8  }
0x9e: {  	[tilespmem:$0x1A8A0] =	vst v7;
	v7 =	vadd.s32 v38, v63;
	v8 =	vadd.s32 v15, v8;
	v9 =	vadd.s32 v60, v9  }
0x9f: {  	[tilespmem:$0x1A8B0] =	vst v7;
	v7 =	vadd.s32 v16, v8;
	v8 =	vadd.s32 v61, v9  }
0xa0: {  	[tilespmem:$0x1A8C0] =	vst v7;
	v7 =	vadd.s32 v62, v8  }
0xa1: {  	s0 =	rddreg [dreg:$0x11];
	[tilespmem:$0x1A8D0] =	vst v7  }
0xa2: {  	[spmem:s0] =	stream.linear.scatter [tilespmem:s22], [sflag:$0x3], $0x40, $0x38;
	[tilespmem:$0x1FE20] =	vst v63  }
0xa3: {  	_ =	swait.ge [sflag:s23], $0x40  }
0xa4: {  	[sflag:s23] =	ssyncset.done $0x0  }
0xa5: {  	s2 =	simm.s32 $0x0;
	s0 =	simm.s32 $0x40;
	[sflag:s23] =	ssyncadd.s32 $0xFFFFFFC0  }
.LBB2_9:
0xa6: {  	p1 =	sne.s32 s0, $0xFC0;
	[tilespmem:s2+$0x1C620] =	vst v1;
	s2 =	smov.u32 s0;
	s0 =	sadd.s32 $0x40, s0  }
.Ltmp5:
0xa7: {  	(pc) =	sbr.rel @p1 .LBB2_9-.Ltmp5, $2  }
0xa8: {  	_ =	sdelay $0x2  }
0xa9: {  	s2 =	sshra.s32 s2, $0x2  }
0xaa: {  	[tilespmem:s2+$0x1C620] =	vst v1;
	s2 =	simm.s32 $0x0;
	s0 =	rddreg [dreg:$0x12]  }
0xab: {  	[tilespmem:s26], [sflag:$0x1] =	stream.linear.gather [hbm4b:s0+s2], $0x7D0, $0x38;
	[tilespmem:$0x1FE20] =	vst v63  }
.LBB2_12:
0xac: {  	p1 =	seq.s32 s2, $0x18;
	s0 =	sand.u32 $0x1, s2  }
0xad: {  	p3 =	sne.s32 @!p1 s0, $0x0  }
0xae: {  	s2 =	sadd.s32 $0x1, s2;
	p1 =	por p3, p1  }
0xaf: {  	_ =	swait.ge [sflag:s28], $0x7D0;
	s6 =	smul.u32 @!p1 $0x7D0, s2  }
0xb0: {  	[sflag:s28] =	ssyncset.done $0x0  }
0xb1: {  	[sflag:s28] =	ssyncadd.s32 $0xFFFFF830;
	s6 =	sadd.s32 @!p1 s21, s6  }
0xb2: {  	p3 =	seq.s32 s0, $0x0;
	s8 =	simm.s32 @!p1 $0x0;
	s6 =	sshrl.u32 @!p1 s6, $0x3  }
0xb3: {  	s15 =	simm.s32 @!p1 $0x1B620;
	s17 =	smul.u32 @!p3 $0x7D0, s2;
	s6 =	sadd.s32 @!p1 s16, s6  }
0xb4: {  	[tilespmem:s15], [sflag:$0x1] =	stream.linear.gather @!p1 [hbm4b:s6+s8], $0x7D0, $0x38;
	[tilespmem:$0x1FE20] =	vst v63  }
0xb5: {  	s6 =	sadd.s32 @!p3 s21, s17  }
0xb6: {  	s8 =	simm.s32 @!p3 $0x0;
	s6 =	sshrl.u32 @!p3 s6, $0x3  }
0xb7: {  	s15 =	simm.s32 @!p3 $0x1AE20;
	p1 =	sne.s32 s0, $0x0;
	s6 =	sadd.s32 @!p3 s16, s6  }
0xb8: {  	[tilespmem:s15], [sflag:$0x1] =	stream.linear.gather @!p3 [hbm4b:s6+s8], $0x7D0, $0x38;
	[tilespmem:$0x1FE20] =	vst v63  }
0xb9: {  	s6 =	simm.s32 @!p1 $0x7D0;
	s8 =	simm.s32 @!p1 $0x1AE20;
	s15 =	simm.s32 @!p1 $0x1D620  }
0xba: {  	[tilespmem:s15], [sflag:$0x2] =	stream.indirect.gather @!p1 [spmem:s7], $0x1, s8, s6, $0xb8;
	[tilespmem:$0x1FE20] =	vst v63  }
0xbb: {  	s6 =	simm.s32 @!p1 $0x2  }
0xbc: {  	p3 =	seq.s32 s0, $0x1;
	_ =	swait.ge @!p1 [sflag:s6], $0x7D0  }
0xbd: {  	s0 =	simm.s32 @p3 $0x7D0;
	[sflag:s6] =	ssyncset.done @!p1 $0x0  }
0xbe: {  	s8 =	simm.s32 @p3 $0x1D620;
	[sflag:s6] =	ssyncadd.s32 @!p1 $0xFFFFF830;
	s6 =	simm.s32 @p3 $0x1B620  }
0xbf: {  	[tilespmem:s8], [sflag:$0x2] =	stream.indirect.gather @p3 [spmem:s7], $0x1, s6, s0, $0xb8;
	[tilespmem:$0x1FE20] =	vst v63  }
0xc0: {  	s0 =	simm.s32 @p3 $0x2  }
0xc1: {  	_ =	swait.ge @p3 [sflag:s0], $0x7D0  }
0xc2: {  	[sflag:s0] =	ssyncset.done @p3 $0x0  }
0xc3: {  	s6 =	simm.s32 $0x0;
	[sflag:s0] =	ssyncadd.s32 @p3 $0xFFFFF830;
	s0 =	simm.s32 $0x40  }
.LBB2_13:
0xc4: {  	p1 =	seq.s32 s0, $0x1F00;
	v7 =	vld [tilespmem:s6+$0x1D620];
	_ =	sdelay $0x4  }
0xc5: {  	v7 =	vadd.s32 v2, v7  }
.Ltmp6:
0xc6: {  	(pc) =	sbr.rel @!p1 .LBB2_13-.Ltmp6, $2  }
0xc7: {  	_ =	sdelay $0x2  }
0xc8: {  	s6 =	sshra.s32 s0, $0x2;
	s0 =	sadd.s32 $0x40, s0;
	[tilespmem:v7+s29+$0x0] =	vst.idx.add.s32.msk $0xffff, v3  }
0xc9: {  	v7 =	vld [tilespmem:s6+$0x1D620];
	_ =	sdelay $0x4  }
0xca: {  	v7 =	vadd.s32 v2, v7;
	_ =	sdelay $0x4  }
0xcb: {  	[tilespmem:v7+s29+$0x0] =	vst.idx.add.s32.msk $0xffff, v3  }
0xcc: {  	p1 =	seq.s32 s2, $0x19  }
.Ltmp7:
0xcd: {  	_ = 	snop;
	(pc) =	sbr.rel @!p1 .LBB2_12-.Ltmp7, $1  }
0xce: {  	_ =	sdelay $0x3  }
0xcf: {  	v7 =	vld [tilespmem:$0x1C620]  }
0xd0: {  	v8 =	vld [tilespmem:$0x1C660]  }
0xd1: {  	v9 =	vld [tilespmem:$0x1C6A0]  }
0xd2: {  	v10 =	vld [tilespmem:$0x1C6E0]  }
0xd3: {  	v11 =	vld [tilespmem:$0x1C720]  }
0xd4: {  	v12 =	vld [tilespmem:$0x1C760]  }
0xd5: {  	v13 =	vld [tilespmem:$0x1C7A0]  }
0xd6: {  	v14 =	vld [tilespmem:$0x1C7E0]  }
0xd7: {  	v15 =	vld [tilespmem:$0x1C820]  }
0xd8: {  	v16 =	vld [tilespmem:$0x1C860]  }
0xd9: {  	v17 =	vld [tilespmem:$0x1C8A0]  }
0xda: {  	v18 =	vld [tilespmem:$0x1C8E0]  }
0xdb: {  	v19 =	vld [tilespmem:$0x1C920]  }
0xdc: {  	v20 =	vld [tilespmem:$0x1C960]  }
0xdd: {  	v21 =	vld [tilespmem:$0x1C9A0]  }
0xde: {  	v22 =	vld [tilespmem:$0x1C9E0]  }
0xdf: {  	v23 =	vld [tilespmem:$0x1C630]  }
0xe0: {  	v24 =	vld [tilespmem:$0x1C670]  }
0xe1: {  	v25 =	vld [tilespmem:$0x1C6B0]  }
0xe2: {  	v26 =	vld [tilespmem:$0x1C6F0]  }
0xe3: {  	v27 =	vld [tilespmem:$0x1C730]  }
0xe4: {  	v28 =	vld [tilespmem:$0x1C770]  }
0xe5: {  	v29 =	vld [tilespmem:$0x1C7B0]  }
0xe6: {  	v30 =	vld [tilespmem:$0x1C7F0]  }
0xe7: {  	v31 =	vld [tilespmem:$0x1C830]  }
0xe8: {  	v32 =	vld [tilespmem:$0x1C870]  }
0xe9: {  	v33 =	vld [tilespmem:$0x1C8B0]  }
0xea: {  	v34 =	vld [tilespmem:$0x1C8F0]  }
0xeb: {  	v35 =	vld [tilespmem:$0x1C930]  }
0xec: {  	v36 =	vld [tilespmem:$0x1C970]  }
0xed: {  	v37 =	vld [tilespmem:$0x1C9B0]  }
0xee: {  	v38 =	vld [tilespmem:$0x1C9F0]  }
0xef: {  	v39 =	vld [tilespmem:$0x1C640]  }
0xf0: {  	v40 =	vld [tilespmem:$0x1C680]  }
0xf1: {  	v41 =	vld [tilespmem:$0x1C6C0]  }
0xf2: {  	v42 =	vld [tilespmem:$0x1C700]  }
0xf3: {  	v43 =	vld [tilespmem:$0x1C740]  }
0xf4: {  	v44 =	vld [tilespmem:$0x1C780]  }
0xf5: {  	v45 =	vld [tilespmem:$0x1C7C0]  }
0xf6: {  	v59 =	vld [tilespmem:$0x1C840]  }
0xf7: {  	v60 =	vld [tilespmem:$0x1C880];
	v7 =	vadd.s32 v7, v8  }
0xf8: {  	v61 =	vld [tilespmem:$0x1C650];
	v7 =	vadd.s32 v9, v7  }
0xf9: {  	v62 =	vld [tilespmem:$0x1C690];
	v7 =	vadd.s32 v10, v7  }
0xfa: {  	v63 =	vld [tilespmem:$0x1C6D0];
	v7 =	vadd.s32 v11, v7  }
0xfb: {  	v46 =	vld [tilespmem:$0x1C710];
	v7 =	vadd.s32 v12, v7  }
0xfc: {  	v48 =	vld [tilespmem:$0x1C750];
	v7 =	vadd.s32 v13, v7  }
0xfd: {  	v50 =	vld [tilespmem:$0x1C790];
	v7 =	vadd.s32 v14, v7  }
0xfe: {  	v51 =	vld [tilespmem:$0x1C7D0];
	v7 =	vadd.s32 v15, v7  }
0xff: {  	v52 =	vld [tilespmem:$0x1C810];
	v7 =	vadd.s32 v16, v7  }
0x100: {  	v53 =	vld [tilespmem:$0x1C850];
	v7 =	vadd.s32 v17, v7  }
0x101: {  	v54 =	vld [tilespmem:$0x1C890];
	v7 =	vadd.s32 v18, v7  }
0x102: {  	v55 =	vld [tilespmem:$0x1C8D0];
	v7 =	vadd.s32 v19, v7  }
0x103: {  	v56 =	vld [tilespmem:$0x1C910];
	v47 =	vadd.s32 v23, v24;
	v49 =	vadd.s32 v39, v40;
	v7 =	vadd.s32 v20, v7  }
0x104: {  	v58 =	vld [tilespmem:$0x1C950];
	v17 =	vadd.s32 v61, v62;
	v7 =	vadd.s32 v21, v7;
	v21 =	vadd.s32 v25, v47  }
0x105: {  	v8 =	vld [tilespmem:$0x1C800];
	v7 =	vadd.s32 v22, v7;
	v21 =	vadd.s32 v26, v21;
	v22 =	vadd.s32 v41, v49  }
0x106: {  	v11 =	vld [tilespmem:$0x1C8C0];
	v17 =	vadd.s32 v63, v17;
	v21 =	vadd.s32 v27, v21;
	v22 =	vadd.s32 v42, v22  }
0x107: {  	v12 =	vld [tilespmem:$0x1C900];
	v17 =	vadd.s32 v46, v17;
	v21 =	vadd.s32 v28, v21;
	v22 =	vadd.s32 v43, v22  }
0x108: {  	v13 =	vld [tilespmem:$0x1C940];
	v17 =	vadd.s32 v48, v17;
	v21 =	vadd.s32 v29, v21;
	v22 =	vadd.s32 v44, v22  }
0x109: {  	v14 =	vld [tilespmem:$0x1C980];
	v17 =	vadd.s32 v50, v17;
	v21 =	vadd.s32 v30, v21;
	v22 =	vadd.s32 v45, v22  }
0x10a: {  	v15 =	vld [tilespmem:$0x1C9C0];
	v17 =	vadd.s32 v51, v17;
	v21 =	vadd.s32 v31, v21;
	v8 =	vadd.s32 v8, v22  }
0x10b: {  	v16 =	vld [tilespmem:$0x1CA00];
	v57 =	vadd.s32 v52, v17;
	v21 =	vadd.s32 v32, v21;
	v8 =	vadd.s32 v59, v8  }
0x10c: {  	v9 =	vadd.s32 v53, v57;
	v59 =	vadd.s32 v33, v21;
	v8 =	vadd.s32 v60, v8;
	v60 =	vld [tilespmem:$0x1C990]  }
0x10d: {  	v61 =	vld [tilespmem:$0x1C9D0];
	v9 =	vadd.s32 v54, v9;
	v19 =	vadd.s32 v34, v59;
	v8 =	vadd.s32 v11, v8  }
0x10e: {  	v62 =	vld [tilespmem:$0x1CA10];
	v9 =	vadd.s32 v55, v9;
	v19 =	vadd.s32 v35, v19;
	v8 =	vadd.s32 v12, v8  }
0x10f: {  	v9 =	vadd.s32 v56, v9;
	v19 =	vadd.s32 v36, v19;
	v8 =	vadd.s32 v13, v8  }
0x110: {  	v9 =	vadd.s32 v58, v9;
	v63 =	vadd.s32 v37, v19;
	v8 =	vadd.s32 v14, v8  }
0x111: {  	[tilespmem:$0x1A8A0] =	vst v7;
	v7 =	vadd.s32 v38, v63;
	v8 =	vadd.s32 v15, v8;
	v9 =	vadd.s32 v60, v9  }
0x112: {  	[tilespmem:$0x1A8B0] =	vst v7;
	v7 =	vadd.s32 v16, v8;
	v8 =	vadd.s32 v61, v9  }
0x113: {  	[tilespmem:$0x1A8C0] =	vst v7;
	v7 =	vadd.s32 v62, v8  }
0x114: {  	s0 =	rddreg [dreg:$0x13];
	[tilespmem:$0x1A8D0] =	vst v7  }
0x115: {  	[spmem:s0] =	stream.linear.scatter [tilespmem:s22], [sflag:$0x3], $0x40, $0x38;
	[tilespmem:$0x1FE20] =	vst v63  }
0x116: {  	_ =	swait.ge [sflag:s23], $0x40  }
0x117: {  	s25 =	sld [smem:$0x7FD];
	_ =	sdelay $0x2  }
0x118: {  	p0 =	seq.s32 s25, $0x1  }
.Ltmp8:
0x119: {  	_ = 	snop;
	(pc) =	sbr.rel @p0 .LBB2_19-.Ltmp8, $3  }
0x11a: {  	_ =	sdelay $0x1  }
0x11b: {  	[sflag:s23] =	ssyncset.done $0x0  }
0x11c: {  	s15 =	simm.s32 $0x1D620;
	[sflag:s23] =	ssyncadd.s32 $0xFFFFFFC0  }
0x11d: {  	v7 =	vimm.s32 $0x0;
	v9 =	vimm.s32 $0xC350  }
0x11e: {  	v8 =	vadd.s32 v7, v9  }
0x11f: {  	v8 =	vshra.s32 v8, $0x1  }
0x120: {  	vm0 =	vlt.s32 v8, $0xC34F  }
0x121: {  	v12 =	vnsel vm0, $0xC34F, v8  }
0x122: {  	[tilespmem:$0x1AE30] =	vst v12  }
0x123: {  	[tilespmem:$0x1AE40] =	vst v12  }
0x124: {  	[tilespmem:$0x1AE20] =	vst v12  }
0x125: {  	s0 =	simm.s32 $0x40;
	[tilespmem:$0x1AE50] =	vst v12  }
0x126: {  	[tilespmem:s15], [sflag:$0x1] =	stream.indirect.gather [spmem:s7], $0x1, s26, s0, $0xb8;
	[tilespmem:$0x1FE20] =	vst v63  }
0x127: {  	_ =	swait.ge [sflag:s28], $0x40  }
0x128: {  	[sflag:s28] =	ssyncset.done $0x0  }
0x129: {  	[sflag:s28] =	ssyncadd.s32 $0xFFFFFFC0  }
0x12a: {  	v13 =	vimm.s32 $0xC350;
	v21 =	vld [tilespmem:$0x1D630]  }
0x12b: {  	v11 =	vimm.s32 $0x0;
	v14 =	vimm.s32 $0xC350;
	v10 =	vimm.s32 $0x0;
	v20 =	vld [tilespmem:$0x1D620]  }
0x12c: {  	s2 =	simm.s32 $0xF;
	v15 =	vimm.s32 $0xC350;
	v8 =	vimm.s32 $0x0;
	v16 =	vmovc v12;
	v17 =	vmovc v12;
	v18 =	vmov v12;
	v19 =	vld [tilespmem:$0x1D650]  }
.LBB2_17:
0x12d: {  	p3 =	sne.s32 s2, $0x1;
	s2 =	sadd.s32 $0xFFFFFFFF, s2;
	vm2 =	vlt.s32 v7, v9;
	vm0 =	vlt.s32 v8, v13;
	v22 =	vld [tilespmem:$0x1D640]  }
0x12e: {  	vm3 =	vlt.s32 v11, v14;
	vm1 =	vlt.s32 v10, v15;
	v23 =	vadd.s32 $0x1, v12  }
0x12f: {  	v24 =	vadd.s32 $0x1, v17;
	vm4 =	vlt.s32 v21, v4;
	v21 =	vadd.s32 $0x1, v16  }
0x130: {  	vm5 =	vlt.s32 v20, v0;
	v20 =	vadd.s32 $0x1, v18;
	vm4 =	vmand vm2, vm4  }
0x131: {  	vm5 =	vmand vm3, vm5;
	v7 =	vsel vm4, v21, v7;
	vm2 =	vmxor vm2, vm4  }
0x132: {  	v11 =	vsel vm5, v20, v11;
	vm3 =	vmxor vm3, vm5;
	vm4 =	vlt.s32 v22, v5  }
0x133: {  	v9 =	vsel vm2, v16, v9;
	vm2 =	vlt.s32 v19, v6;
	v14 =	vsel vm3, v18, v14  }
0x134: {  	v16 =	vadd.s32 v7, v9;
	vm3 =	vmand vm0, vm4;
	vm2 =	vmand vm1, vm2  }
0x135: {  	v16 =	vshra.s32 v16, $0x1;
	v8 =	vsel vm3, v24, v8;
	vm0 =	vmxor vm0, vm3  }
0x136: {  	vm3 =	vlt.s32 v16, $0xC34F;
	v13 =	vsel vm0, v17, v13;
	vm0 =	vmxor vm1, vm2  }
0x137: {  	v16 =	vnsel vm3, $0xC34F, v16;
	v17 =	vadd.s32 v8, v13;
	v15 =	vsel vm0, v12, v15  }
0x138: {  	v10 =	vsel vm2, v23, v10;
	v12 =	vadd.s32 v11, v14;
	v17 =	vshra.s32 v17, $0x1;
	[tilespmem:$0x1AE30] =	vst v16  }
0x139: {  	v12 =	vshra.s32 v12, $0x1;
	v18 =	vadd.s32 v10, v15;
	vm0 =	vlt.s32 v17, $0xC34F  }
0x13a: {  	vm1 =	vlt.s32 v12, $0xC34F;
	v19 =	vshra.s32 v18, $0x1;
	v17 =	vnsel vm0, $0xC34F, v17  }
0x13b: {  	v18 =	vnsel vm1, $0xC34F, v12;
	vm0 =	vlt.s32 v19, $0xC34F;
	[tilespmem:$0x1AE40] =	vst v17  }
0x13c: {  	v12 =	vnsel vm0, $0xC34F, v19;
	[tilespmem:$0x1AE20] =	vst v18  }
0x13d: {  	[tilespmem:$0x1AE50] =	vst v12  }
0x13e: {  	[tilespmem:s15], [sflag:$0x1] =	stream.indirect.gather [spmem:s7], $0x1, s26, s0, $0xb8;
	[tilespmem:$0x1FE20] =	vst v63  }
0x13f: {  	_ =	swait.ge [sflag:s28], $0x40  }
.Ltmp9:
0x140: {  	[sflag:s28] =	ssyncset.done $0x0;
	(pc) =	sbr.rel @p3 .LBB2_17-.Ltmp9, $4  }
0x141: {  	[sflag:s28] =	ssyncadd.s32 $0xFFFFFFC0  }
0x142: {  	v21 =	vld [tilespmem:$0x1D630]  }
0x143: {  	v20 =	vld [tilespmem:$0x1D620]  }
0x144: {  	v19 =	vld [tilespmem:$0x1D650]  }
0x145: {  	v22 =	vld [tilespmem:$0x1D640];
	vm0 =	vlt.s32 v7, v9  }
0x146: {  	vm1 =	vlt.s32 v8, v13;
	vm2 =	vlt.s32 v11, v14;
	vm3 =	vlt.s32 v10, v15  }
0x147: {  	v59 =	vadd.s32 $0x1, v16;
	v61 =	vadd.s32 $0x1, v18;
	vm4 =	vlt.s32 v21, v4  }
0x148: {  	v63 =	vadd.s32 $0x1, v12;
	vm5 =	vlt.s32 v20, v0;
	vm0 =	vmand vm0, vm4  }
0x149: {  	vm2 =	vmand vm2, vm5;
	v7 =	vsel vm0, v59, v7;
	vm15 =	vlt.s32 v19, v6  }
0x14a: {  	v62 =	vsel vm2, v61, v11;
	vm14 =	vlt.s32 v22, v5;
	vm0 =	vmand vm3, vm15;
	[tilespmem:$0x1A8B0] =	vst v7  }
0x14b: {  	v60 =	vadd.s32 $0x1, v17;
	vm1 =	vmand vm1, vm14;
	[tilespmem:$0x1A8A0] =	vst v62;
	v7 =	vsel vm0, v63, v10  }
0x14c: {  	v8 =	vsel vm1, v60, v8;
	[tilespmem:$0x1A8D0] =	vst v7  }
0x14d: {  	s0 =	rddreg [dreg:$0xe];
	[tilespmem:$0x1A8C0] =	vst v8  }
0x14e: {  	[hbm4b:s0+s12] =	stream.linear.scatter [tilespmem:s22], [sflag:$0x3], $0x80, $0x38;
	[tilespmem:$0x1FE20] =	vst v63  }
0x14f: {  	_ =	swait.ge [sflag:s23], $0x80  }
0x150: {  	[sflag:s23] =	ssyncset.done $0x0  }
0x151: {  	[sflag:s23] =	ssyncadd.s32 $0xFFFFFF80  }
.LBB2_19:
0x152: {  	[bflag:$0x0] =	sbarrier.arrive $0xFFFF  }
0x153: {  	s0 =	simm.s32 $0x1A020;
	s2 =	rddreg [dreg:$0x9]  }
0x154: {  	[tilespmem:s0], [sflag:$0x3] =	stream.linear.gather [spmem:s2], $0x800, $0x38;
	[tilespmem:$0x1FE20] =	vst v63  }
0x155: {  	_ =	swait.ge [sflag:s23], $0x800  }
0x156: {  	[sflag:s23] =	ssyncset.done $0x0  }
0x157: {  	[sflag:s23] =	ssyncadd.s32 $0xFFFFF800  }
0x158: {  	v8 =	vld [tilespmem:s0+$0x0];
	_ =	sdelay $0x3  }
0x159: {  	v9 =	vimm.s32 $0x0  }
0x15a: {  	p3 =	sgt.u32 s18, $0x0;
	p4 =	por $0x1, $0x1;
	v10 =	vimm.s32 $0x0;
	v7 =	vadd.s32 v9, v8  }
0x15b: {  	s2 =	simm.s32 $0x1A060;
	s0 =	simm.s32 $0x1;
	v11 =	vpsel !p3, $0x0, v8;
	v13 =	vpsel !p4, $0x0, v8;
	v8 =	vimm.s32 $0x0  }
.LBB2_20:
0x15c: {  	v12 =	vld [tilespmem:s2+$0x0];
	p1 =	sne.s32 s0, $0x1F;
	v8 =	vadd.s32 v8, v11;
	v10 =	vadd.s32 v10, v13;
	s6 =	smov.u32 s0;
	s0 =	sadd.s32 $0x1, s0  }
.Ltmp10:
0x15d: {  	(pc) =	sbr.rel @p1 .LBB2_20-.Ltmp10, $3  }
0x15e: {  	_ =	sdelay $0x1  }
0x15f: {  	p5 =	slt.u32 s6, s18;
	p6 =	slt.u32 s6, $0x10  }
0x160: {  	s2 =	sadd.s32 $0x40, s2;
	v7 =	vadd.s32 v7, v12;
	v11 =	vpsel !p5, $0x0, v12;
	v13 =	vpsel !p6, $0x0, v12  }
0x161: {  	s0 =	simm.s32 $0x1A030  }
0x162: {  	v14 =	vld [tilespmem:s0+$0x0];
	_ =	sdelay $0x3  }
0x163: {  	v12 =	vadd.s32 v8, v11;
	v11 =	vadd.s32 v10, v13;
	v10 =	vimm.s32 $0x0  }
0x164: {  	s2 =	simm.s32 $0x1A070;
	s0 =	simm.s32 $0x1;
	v8 =	vadd.s32 v9, v14;
	v13 =	vpsel !p3, $0x0, v14;
	v14 =	vpsel !p4, $0x0, v14  }
.LBB2_22:
0x165: {  	v15 =	vld [tilespmem:s2+$0x0];
	p1 =	sne.s32 s0, $0x1F;
	v9 =	vadd.s32 v9, v13;
	v10 =	vadd.s32 v10, v14;
	s6 =	smov.u32 s0;
	s0 =	sadd.s32 $0x1, s0  }
.Ltmp11:
0x166: {  	(pc) =	sbr.rel @p1 .LBB2_22-.Ltmp11, $3  }
0x167: {  	_ =	sdelay $0x1  }
0x168: {  	p3 =	slt.u32 s6, s18;
	p4 =	slt.u32 s6, $0x10  }
0x169: {  	s2 =	sadd.s32 $0x40, s2;
	v8 =	vadd.s32 v8, v15;
	v13 =	vpsel !p3, $0x0, v15;
	v14 =	vpsel !p4, $0x0, v15  }
0x16a: {  	s0 =	simm.s32 $0x1A040  }
0x16b: {  	v16 =	vld [tilespmem:s0+$0x0];
	_ =	sdelay $0x3  }
0x16c: {  	v15 =	vadd.s32 v9, v13;
	v13 =	vimm.s32 $0x0  }
0x16d: {  	p3 =	sgt.u32 s18, $0x0;
	v14 =	vadd.s32 v10, v14;
	p4 =	por $0x1, $0x1;
	v10 =	vimm.s32 $0x0;
	v9 =	vadd.s32 v13, v16  }
0x16e: {  	s2 =	simm.s32 $0x1A080;
	s0 =	simm.s32 $0x1;
	v17 =	vpsel !p3, $0x0, v16;
	v18 =	vpsel !p4, $0x0, v16;
	v16 =	vimm.s32 $0x0  }
.LBB2_24:
0x16f: {  	v19 =	vld [tilespmem:s2+$0x0];
	p1 =	sne.s32 s0, $0x1F;
	v10 =	vadd.s32 v10, v17;
	v16 =	vadd.s32 v16, v18;
	s6 =	smov.u32 s0;
	s0 =	sadd.s32 $0x1, s0  }
.Ltmp12:
0x170: {  	(pc) =	sbr.rel @p1 .LBB2_24-.Ltmp12, $3  }
0x171: {  	_ =	sdelay $0x1  }
0x172: {  	p5 =	slt.u32 s6, s18;
	p6 =	slt.u32 s6, $0x10  }
0x173: {  	s2 =	sadd.s32 $0x40, s2;
	v9 =	vadd.s32 v9, v19;
	v17 =	vpsel !p5, $0x0, v19;
	v18 =	vpsel !p6, $0x0, v19  }
0x174: {  	s0 =	simm.s32 $0x1A050  }
0x175: {  	v19 =	vld [tilespmem:s0+$0x0];
	_ =	sdelay $0x3  }
0x176: {  	v17 =	vadd.s32 v10, v17;
	v16 =	vadd.s32 v16, v18;
	v18 =	vimm.s32 $0x0  }
0x177: {  	s2 =	simm.s32 $0x1A090;
	s0 =	simm.s32 $0x1;
	v10 =	vadd.s32 v13, v19;
	v20 =	vpsel !p3, $0x0, v19;
	v19 =	vpsel !p4, $0x0, v19  }
.LBB2_26:
0x178: {  	v21 =	vld [tilespmem:s2+$0x0];
	p1 =	sne.s32 s0, $0x1F;
	v13 =	vadd.s32 v13, v20;
	v18 =	vadd.s32 v18, v19;
	s6 =	smov.u32 s0;
	s0 =	sadd.s32 $0x1, s0  }
.Ltmp13:
0x179: {  	(pc) =	sbr.rel @p1 .LBB2_26-.Ltmp13, $3  }
0x17a: {  	_ =	sdelay $0x1  }
0x17b: {  	p3 =	slt.u32 s6, s18;
	p4 =	slt.u32 s6, $0x10  }
0x17c: {  	s2 =	sadd.s32 $0x40, s2;
	v10 =	vadd.s32 v10, v21;
	v20 =	vpsel !p3, $0x0, v21;
	v19 =	vpsel !p4, $0x0, v21  }
0x17d: {  	(xrf0) =	vadd.scan.msk.s32 $0xffff, v7  }
0x17e: {  	(xrf0) =	vadd.scan.msk.s32 $0xffff, v8;
	_ =	sdelay $0x2  }
0x17f: {  	(xrf0) =	vadd.scan.msk.s32 $0xffff, v9;
	_ =	sdelay $0x1  }
0x180: {  	v21, _, _ =	vpop (xrf0)  }
0x181: {  	v22, _, _ =	vpop (xrf0);
	(v2sf) =	vpush v21, $0xF  }
0x182: {  	(v2sf) =	vpush v22, $0xF;
	_ =	sdelay $0x1  }
0x183: {  	v23, _, _ =	vpop (xrf0)  }
0x184: {  	(v2sf) =	vpush v23, $0xF;
	_ =	sdelay $0x5  }
0x185: {  	s0 =	sld [smem:$0x7FB];
	_ =	sdelay $0x1  }
0x186: {  	v24 =	vsub.s32 v21, v7  }
0x187: {  	v25 =	vsub.s32 v7, v11;
	p0 =	seq.s32 s0, $0x1;
	(xrf0) =	vadd.scan.msk.s32 $0xffff, v10;
	v21 =	vbroadcast v21, $0xF;
	v12 =	vadd.s32 v12, v24  }
0x188: {  	v22 =	vsub.s32 v22, v8;
	[tilespmem:$0x1A820] =	vst v12;
	v12 =	vpsel p0, v11, v25;
	v11 =	vpsel p0, $0x0, v11  }
0x189: {  	v11 =	vadd.s32 v11, v24;
	[tilespmem:$0x1A920] =	vst v12;
	v12 =	vadd.s32 v21, v22;
	s23 =	spop (v2sf)  }
0x18a: {  	[tilespmem:$0x1A9A0] =	vst v11;
	v11 =	vadd.s32 v15, v12;
	v15 =	vsub.s32 v8, v14;
	s2 =	spop (v2sf)  }
0x18b: {  	[tilespmem:$0x1A830] =	vst v11;
	v11 =	vpsel p0, v14, v15;
	v14 =	vpsel p0, $0x0, v14;
	v15 =	vsub.s32 v23, v9;
	s0 =	sadd.s32 s23, s2  }
0x18c: {  	v13 =	vadd.s32 v13, v20;
	v12 =	vadd.s32 v14, v12;
	[tilespmem:$0x1A930] =	vst v11;
	v11 =	vadd.s32 s0, v15  }
0x18d: {  	v62, _, _ =	vpop (xrf0);
	v14 =	vadd.s32 v18, v19;
	[tilespmem:$0x1A9B0] =	vst v12;
	s24 =	spop (v2sf);
	v15 =	vsub.s32 v9, v16;
	v12 =	vadd.s32 v17, v11  }
0x18e: {  	v63 =	vsub.s32 v62, v10;
	s2 =	simm.s32 $0x0;
	s0 =	sadd.s32 s0, s24;
	[tilespmem:$0x1A840] =	vst v12;
	v12 =	vpsel p0, v16, v15;
	v15 =	vpsel p0, $0x0, v16  }
0x18f: {  	v15 =	vadd.s32 v15, v11;
	[tilespmem:$0x1A940] =	vst v12;
	v12 =	vadd.s32 s0, v63;
	v11 =	vmov s2  }
0x190: {  	[tilespmem:$0x1A9C0] =	vst v15;
	v13 =	vadd.s32 v13, v12;
	v15 =	vsub.s32 v10, v14  }
0x191: {  	[tilespmem:$0x1A850] =	vst v13;
	v13 =	vpsel p0, v14, v15;
	v14 =	vpsel p0, $0x0, v14  }
0x192: {  	v12 =	vadd.s32 v14, v12;
	[tilespmem:$0x1A950] =	vst v13  }
0x193: {  	[tilespmem:$0x1A9D0] =	vst v12  }
0x194: {  	v12 =	vld.idx.msk [tilespmem:v11+s3+$0x0], $0xffff;
	_ =	sdelay $0x4  }
0x195: {  	(v2sf) =	vpush v12, $0x0;
	_ =	sdelay $0xe  }
0x196: {  	s6 =	spop (v2sf)  }
0x197: {  	s25 =	simm.s32 $0x1;
	s8 =	ssub.s32 s6, s2  }
0x198: {  	s0 =	simm.s32 $0x2;
	v12 =	vmov s25;
	s8 =	sand.u32 $0xF, s8  }
.LBB2_28:
0x199: {  	p3 =	sne.s32 s0, $0x3F;
	s2 =	sadd.s32 s2, s8  }
0x19a: {  	v13 =	vmov s2;
	s6 =	ssub.s32 s2, s6  }
0x19b: {  	v14 =	vld.idx.msk [tilespmem:v11+s4+$0x0], $0xffff;
	[tilespmem:v11+s5+$0x0] =	vst.idx.msk $0x1, v13;
	v13 =	vmov s6  }
0x19c: {  	[tilespmem:v11+s9+$0x0] =	vst.idx.msk $0x1, v13;
	v11 =	vmov v12  }
0x19d: {  	v12 =	vld.idx.msk [tilespmem:v12+s3+$0x0], $0xffff;
	_ =	sdelay $0x3  }
0x19e: {  	(v2sf) =	vpush v14, $0x0;
	_ =	sdelay $0x1  }
0x19f: {  	(v2sf) =	vpush v12, $0x0;
	_ =	sdelay $0xc  }
.Ltmp14:
0x1a0: {  	s6 =	spop (v2sf);
	(pc) =	sbr.rel @p3 .LBB2_28-.Ltmp14, $4  }
0x1a1: {  	s2 =	sadd.s32 s6, s2  }
0x1a2: {  	s6 =	spop (v2sf)  }
0x1a3: {  	s8 =	ssub.s32 s6, s2  }
0x1a4: {  	v12 =	vmov s0;
	s0 =	sadd.s32 $0x1, s0;
	s8 =	sand.u32 $0xF, s8  }
0x1a5: {  	_ =	sdelay $0x1  }
0x1a6: {  	s0 =	sadd.s32 s2, s8  }
0x1a7: {  	v13 =	vmov s0;
	s2 =	ssub.s32 s0, s6  }
0x1a8: {  	v14 =	vld.idx.msk [tilespmem:v11+s4+$0x0], $0xffff;
	[tilespmem:v11+s5+$0x0] =	vst.idx.msk $0x1, v13;
	v60 =	vmov s2  }
0x1a9: {  	[tilespmem:v11+s9+$0x0] =	vst.idx.msk $0x1, v60  }
0x1aa: {  	v11 =	vld.idx.msk [tilespmem:v12+s3+$0x0], $0xffff;
	_ =	sdelay $0x3  }
0x1ab: {  	(v2sf) =	vpush v14, $0x0  }
0x1ac: {  	(v2sf) =	vpush v11, $0x0;
	_ =	sdelay $0x6  }
0x1ad: {  	v61 =	vld.idx.msk [tilespmem:v12+s4+$0x0], $0xffff;
	_ =	sdelay $0x4  }
0x1ae: {  	(v2sf) =	vpush v61, $0x0;
	_ =	sdelay $0x1  }
0x1af: {  	s21 =	spop (v2sf)  }
0x1b0: {  	s0 =	sadd.s32 s21, s0;
	s22 =	spop (v2sf)  }
0x1b1: {  	s23 =	ssub.s32 s22, s0  }
0x1b2: {  	s6 =	sand.u32 $0xF, s23  }
0x1b3: {  	s24 =	sld [smem:$0x7FD];
	s0 =	sadd.s32 s0, s6  }
0x1b4: {  	v62 =	vmov s0;
	s0 =	ssub.s32 s0, s22  }
0x1b5: {  	[tilespmem:v12+s5+$0x0] =	vst.idx.msk $0x1, v62;
	v63 =	vmov s0  }
0x1b6: {  	p0 =	seq.s32 s24, $0x1;
	[tilespmem:v12+s9+$0x0] =	vst.idx.msk $0x1, v63  }
0x1b7: {  	[tilespmem:$0x1A8A0] =	vst @!p0 v7  }
0x1b8: {  	[tilespmem:$0x1A8B0] =	vst @!p0 v8  }
0x1b9: {  	[tilespmem:$0x1A8C0] =	vst @!p0 v9  }
0x1ba: {  	s2 =	simm.s32 @!p0 $0x1A8A0;
	s6 =	rddreg [dreg:$0x6];
	s0 =	simm.s32 @!p0 $0x0;
	[tilespmem:$0x1A8D0] =	vst @!p0 v10  }
0x1bb: {  	[hbm4b:s6+s0] =	stream.linear.scatter @!p0 [tilespmem:s2], [sflag:$0x3], $0x80, $0x38;
	[tilespmem:$0x1FE20] =	vst v63  }
0x1bc: {  	s25 =	spop (v2sf);
	s0 =	simm.s32 @!p0 $0x3  }
0x1bd: {  	_ =	swait.ge @!p0 [sflag:s0], $0x80  }
0x1be: {  	[sflag:s0] =	ssyncset.done @!p0 $0x0  }
0x1bf: {  	s20 =	simm.s32 $0x0;
	[sflag:s0] =	ssyncadd.s32 @!p0 $0xFFFFFF80  }
.LBB2_30:
0x1c0: {  	s0 =	smul.u32 $0x7D0, s20  }
0x1c1: {  	s2 =	rddreg [dreg:$0x14]  }
0x1c2: {  	s0 =	sadd.s32 s2, s0  }
0x1c3: {  	s16 =	rddreg [dreg:$0x0];
	s0 =	sshrl.u32 s0, $0x3  }
0x1c4: {  	s17 =	rddreg [dreg:$0x1];
	s2 =	sadd.s32 s16, s0  }
0x1c5: {  	[tilespmem:s26], [sflag:$0x1] =	stream.linear.gather [hbm4b:s2+s12], $0x7D0, $0x38;
	[tilespmem:$0x1FE20] =	vst v63  }
0x1c6: {  	s6 =	simm.s32 $0x1B620;
	s21 =	rddreg [dreg:$0x2];
	s2 =	sadd.s32 s17, s0  }
0x1c7: {  	[tilespmem:s6], [sflag:$0x1] =	stream.linear.gather [hbm4b:s2+s12], $0x7D0, $0x38;
	[tilespmem:$0x1FE20] =	vst v63  }
0x1c8: {  	s22 =	simm.s32 $0x1BE20;
	s0 =	sadd.s32 s21, s0  }
0x1c9: {  	[tilespmem:s22], [sflag:$0x1] =	stream.linear.gather [hbm4b:s0+s12], $0x7D0, $0x38;
	[tilespmem:$0x1FE20] =	vst v63  }
0x1ca: {  	_ =	swait.ge [sflag:s28], $0x7D0  }
0x1cb: {  	[sflag:s28] =	ssyncset.done $0x0  }
0x1cc: {  	[sflag:s28] =	ssyncadd.s32 $0xFFFFF830  }
0x1cd: {  	_ =	swait.ge [sflag:s28], $0x7D0  }
0x1ce: {  	[sflag:s28] =	ssyncset.done $0x0  }
0x1cf: {  	[sflag:s28] =	ssyncadd.s32 $0xFFFFF830  }
0x1d0: {  	_ =	swait.ge [sflag:s28], $0x7D0  }
0x1d1: {  	[sflag:s28] =	ssyncset.done $0x0  }
0x1d2: {  	s23 =	simm.s32 $0x7D0;
	[sflag:s28] =	ssyncadd.s32 $0xFFFFF830  }
0x1d3: {  	[tilespmem:s15], [sflag:$0x1] =	stream.indirect.gather [spmem:s7], $0x1, s26, s23, $0xb8;
	[tilespmem:$0x1FE20] =	vst v63  }
0x1d4: {  	s8 =	simm.s32 $0x1DE20;
	s24 =	rddreg [dreg:$0x8]  }
0x1d5: {  	[tilespmem:s8], [sflag:$0x1] =	stream.indirect.gather [spmem:s24], $0x1, s26, s23, $0xb8;
	[tilespmem:$0x1FE20] =	vst v63  }
0x1d6: {  	s25 =	simm.s32 $0x1E620  }
0x1d7: {  	[tilespmem:s25], [sflag:$0x1] =	stream.indirect.gather [spmem:s24], $0x1, s6, s23, $0xb8;
	[tilespmem:$0x1FE20] =	vst v63  }
0x1d8: {  	_ =	swait.ge [sflag:s28], $0x7D0  }
0x1d9: {  	[sflag:s28] =	ssyncset.done $0x0  }
0x1da: {  	[sflag:s28] =	ssyncadd.s32 $0xFFFFF830  }
0x1db: {  	_ =	swait.ge [sflag:s28], $0x7D0  }
0x1dc: {  	[sflag:s28] =	ssyncset.done $0x0  }
0x1dd: {  	[sflag:s28] =	ssyncadd.s32 $0xFFFFF830  }
0x1de: {  	_ =	swait.ge [sflag:s28], $0x7D0  }
0x1df: {  	p1 =	seq.s32 s20, $0x0;
	[sflag:s28] =	ssyncset.done $0x0  }
0x1e0: {  	s0 =	simm.s32 @!p1 $0x2;
	[sflag:s28] =	ssyncadd.s32 $0xFFFFF830  }
0x1e1: {  	_ =	swait.ge @!p1 [sflag:s0], $0x7D0  }
0x1e2: {  	[sflag:s0] =	ssyncset.done @!p1 $0x0  }
0x1e3: {  	[sflag:s0] =	ssyncadd.s32 @!p1 $0xFFFFF830  }
0x1e4: {  	_ =	swait.ge @!p1 [sflag:s0], $0x7D0  }
0x1e5: {  	[sflag:s0] =	ssyncset.done @!p1 $0x0  }
0x1e6: {  	s2 =	simm.s32 $0x0;
	[sflag:s0] =	ssyncadd.s32 @!p1 $0xFFFFF830  }
0x1e7: {  	v7 =	vld [tilespmem:s2+$0x1D620];
	_ =	sdelay $0x4  }
0x1e8: {  	(xrf1) =	vunique.msk.u32 $0xffff, v7;
	_ =	sdelay $0xd  }
0x1e9: {  	v8 =	vld.idx.msk [tilespmem:v7+s30+$0x0], $0xffff;
	_, v9, vm0 =	vpop (xrf1);
	_ =	sdelay $0x3  }
0x1ea: {  	v10 =	vld [tilespmem:s2+$0x1BE20]  }
0x1eb: {  	v11 =	vld [tilespmem:s2+$0x1B620];
	v8 =	vadd.s32 v8, v9  }
0x1ec: {  	v9 =	vld [tilespmem:s2+$0x1AE20];
	[tilespmem:v7+s30+$0x0] =	vst.idx.msk vm0, v8  }
0x1ed: {  	v12 =	vld.idx.msk [tilespmem:v7+s9+$0x0], $0xffff;
	_ =	sdelay $0x4  }
0x1ee: {  	v8 =	vadd.s32 v12, v8  }
0x1ef: {  	s22 =	simm.s32 $0x1EE40;
	v8 =	vadd.s32 $0xFFFFFFFF, v8  }
0x1f0: {  	[tilespmem:s22+$0xFFFFFFE0] =	vst v8  }
0x1f1: {  	v8 =	vld [tilespmem:s2+$0x1D630];
	_ =	sdelay $0x4  }
0x1f2: {  	v57 =	vld [tilespmem:s2+$0x1E620];
	(xrf1) =	vunique.msk.u32 $0xffff, v8  }
0x1f3: {  	v13 =	vld [tilespmem:s2+$0x1DE20];
	_ =	sdelay $0x4  }
0x1f4: {  	v12 =	vsub.s32 v13, v57  }
0x1f5: {  	v13 =	vsub.s32 $0x0, v12  }
0x1f6: {  	v14 =	vshrl.u32 v11, $0xF;
	v10 =	vshll.u32 v10, $0x2;
	v12 =	vmin.u32 v12, v13  }
0x1f7: {  	v11 =	vshll.u32 v11, $0x11;
	v10 =	vor.u32 v14, v10;
	vm8 =	vlt.s32 v12, $0xA  }
0x1f8: {  	v9 =	vor.u32 v9, v11;
	v7 =	vshll.u32 v7, $0x9;
	v12 =	vnsel vm8, $0xA, v12  }
0x1f9: {  	v7 =	vor.u32 v7, v10;
	v11 =	vshll.u32 v12, $0x5  }
0x1fa: {  	[tilespmem:s2+$0x1C620] =	vst v9;
	v7 =	vor.u32 v11, v7  }
0x1fb: {  	[tilespmem:s2+$0x1CE20] =	vst v7  }
0x1fc: {  	v7 =	vld.idx.msk [tilespmem:v8+s30+$0x0], $0xffff;
	_, v9, vm9 =	vpop (xrf1);
	_ =	sdelay $0x3  }
0x1fd: {  	v10 =	vld [tilespmem:s2+$0x1BE30]  }
0x1fe: {  	v58 =	vld [tilespmem:s2+$0x1AE30];
	v7 =	vadd.s32 v7, v9  }
0x1ff: {  	v11 =	vld [tilespmem:s2+$0x1B630];
	[tilespmem:v8+s30+$0x0] =	vst.idx.msk vm9, v7  }
0x200: {  	v9 =	vld.idx.msk [tilespmem:v8+s9+$0x0], $0xffff;
	_ =	sdelay $0x4  }
0x201: {  	v7 =	vadd.s32 v9, v7  }
0x202: {  	v7 =	vadd.s32 $0xFFFFFFFF, v7  }
0x203: {  	[tilespmem:s22+$0xFFFFFFF0] =	vst v7  }
0x204: {  	v7 =	vld [tilespmem:s2+$0x1D640];
	_ =	sdelay $0x3  }
0x205: {  	v9 =	vld [tilespmem:s2+$0x1E630]  }
0x206: {  	v59 =	vld [tilespmem:s2+$0x1DE30];
	(xrf1) =	vunique.msk.u32 $0xffff, v7;
	_ =	sdelay $0x4  }
0x207: {  	v9 =	vsub.s32 v59, v9  }
0x208: {  	v13 =	vsub.s32 $0x0, v9  }
0x209: {  	v9 =	vmin.u32 v9, v13  }
0x20a: {  	v10 =	vshll.u32 v10, $0x2;
	vm10 =	vlt.s32 v9, $0xA  }
0x20b: {  	v60 =	vshrl.u32 v11, $0xF;
	v11 =	vshll.u32 v11, $0x11;
	v9 =	vnsel vm10, $0xA, v9  }
0x20c: {  	v10 =	vor.u32 v60, v10;
	v8 =	vshll.u32 v8, $0x9;
	v9 =	vshll.u32 v9, $0x5  }
0x20d: {  	v11 =	vor.u32 v58, v11;
	v8 =	vor.u32 v8, v10  }
0x20e: {  	[tilespmem:s2+$0x1C630] =	vst v11;
	v8 =	vor.u32 v9, v8  }
0x20f: {  	[tilespmem:s2+$0x1CE30] =	vst v8  }
0x210: {  	v8 =	vld.idx.msk [tilespmem:v7+s30+$0x0], $0xffff;
	_, v9, vm11 =	vpop (xrf1);
	_ =	sdelay $0x3  }
0x211: {  	v10 =	vld [tilespmem:s2+$0x1BE40]  }
0x212: {  	v11 =	vld [tilespmem:s2+$0x1B640];
	v8 =	vadd.s32 v8, v9  }
0x213: {  	v61 =	vld [tilespmem:s2+$0x1AE40];
	[tilespmem:v7+s30+$0x0] =	vst.idx.msk vm11, v8  }
0x214: {  	v9 =	vld.idx.msk [tilespmem:v7+s9+$0x0], $0xffff;
	_ =	sdelay $0x4  }
0x215: {  	v8 =	vadd.s32 v9, v8  }
0x216: {  	v8 =	vadd.s32 $0xFFFFFFFF, v8  }
0x217: {  	[tilespmem:s22+$0x0] =	vst v8  }
0x218: {  	v62 =	vld [tilespmem:s2+$0x1D650];
	_ =	sdelay $0x2  }
0x219: {  	v9 =	vshll.u32 v11, $0x11  }
0x21a: {  	v8 =	vor.u32 v61, v9;
	v9 =	vld [tilespmem:s2+$0x1DE40]  }
0x21b: {  	[tilespmem:s2+$0x1C640] =	vst v8;
	v8 =	vld [tilespmem:s2+$0x1E640];
	(xrf1) =	vunique.msk.u32 $0xffff, v62;
	_ =	sdelay $0x4  }
0x21c: {  	v8 =	vsub.s32 v9, v8  }
0x21d: {  	v9 =	vsub.s32 $0x0, v8  }
0x21e: {  	v8 =	vmin.u32 v8, v9  }
0x21f: {  	vm12 =	vlt.s32 v8, $0xA  }
0x220: {  	v10 =	vshll.u32 v10, $0x2;
	v9 =	vshrl.u32 v11, $0xF;
	v8 =	vnsel vm12, $0xA, v8  }
0x221: {  	v7 =	vshll.u32 v7, $0x9;
	v9 =	vor.u32 v9, v10;
	v8 =	vshll.u32 v8, $0x5  }
0x222: {  	v7 =	vor.u32 v7, v9  }
0x223: {  	v7 =	vor.u32 v8, v7  }
0x224: {  	[tilespmem:s2+$0x1CE40] =	vst v7  }
0x225: {  	v7 =	vld.idx.msk [tilespmem:v62+s30+$0x0], $0xffff;
	_, v8, vm13 =	vpop (xrf1);
	_ =	sdelay $0x3  }
0x226: {  	v11 =	vld [tilespmem:s2+$0x1B650]  }
0x227: {  	v10 =	vld [tilespmem:s2+$0x1AE50];
	v7 =	vadd.s32 v7, v8  }
0x228: {  	v9 =	vld [tilespmem:s2+$0x1BE50];
	[tilespmem:v62+s30+$0x0] =	vst.idx.msk vm13, v7  }
0x229: {  	v8 =	vld.idx.msk [tilespmem:v62+s9+$0x0], $0xffff;
	_ =	sdelay $0x4  }
0x22a: {  	v7 =	vadd.s32 v8, v7  }
0x22b: {  	v7 =	vadd.s32 $0xFFFFFFFF, v7  }
0x22c: {  	v8 =	vshll.u32 v11, $0x11;
	[tilespmem:s22+$0x10] =	vst v7  }
0x22d: {  	v7 =	vor.u32 v10, v8;
	v8 =	vld [tilespmem:s2+$0x1D660];
	_ =	sdelay $0x4  }
0x22e: {  	[tilespmem:s2+$0x1C650] =	vst v7;
	v7 =	vld [tilespmem:s2+$0x1DE50];
	(xrf1) =	vunique.msk.u32 $0xffff, v8  }
0x22f: {  	v10 =	vld [tilespmem:s2+$0x1E650];
	_ =	sdelay $0x4  }
0x230: {  	v7 =	vsub.s32 v7, v10  }
0x231: {  	v10 =	vsub.s32 $0x0, v7  }
0x232: {  	v9 =	vshll.u32 v9, $0x2;
	v7 =	vmin.u32 v7, v10;
	v10 =	vshrl.u32 v11, $0xF  }
0x233: {  	v11 =	vshll.u32 v62, $0x9;
	vm14 =	vlt.s32 v7, $0xA;
	v9 =	vor.u32 v10, v9  }
0x234: {  	v7 =	vnsel vm14, $0xA, v7;
	v9 =	vor.u32 v11, v9  }
0x235: {  	v7 =	vshll.u32 v7, $0x5  }
0x236: {  	v7 =	vor.u32 v7, v9  }
0x237: {  	[tilespmem:s2+$0x1CE50] =	vst v7  }
0x238: {  	v7 =	vld.idx.msk [tilespmem:v8+s30+$0x0], $0xffff;
	_, v9, vm15 =	vpop (xrf1);
	_ =	sdelay $0x3  }
0x239: {  	v63 =	vld [tilespmem:s2+$0x1B660]  }
0x23a: {  	v10 =	vld [tilespmem:s2+$0x1AE60];
	v7 =	vadd.s32 v7, v9  }
0x23b: {  	v11 =	vld [tilespmem:s2+$0x1BE60];
	[tilespmem:v8+s30+$0x0] =	vst.idx.msk vm15, v7  }
0x23c: {  	v9 =	vld.idx.msk [tilespmem:v8+s9+$0x0], $0xffff;
	_ =	sdelay $0x4  }
0x23d: {  	v7 =	vadd.s32 v9, v7  }
0x23e: {  	v7 =	vadd.s32 $0xFFFFFFFF, v7  }
0x23f: {  	s24 =	simm.s32 $0x50;
	[tilespmem:s22+$0x20] =	vst v7  }
0x240: {  	v9 =	vshll.u32 v63, $0x11;
	v7 =	vld [tilespmem:s24+$0x1D620]  }
0x241: {  	v9 =	vor.u32 v10, v9  }
0x242: {  	v11 =	vshll.u32 v11, $0x2;
	[tilespmem:s2+$0x1C660] =	vst v9;
	v9 =	vshrl.u32 v63, $0xF;
	v10 =	vld [tilespmem:s2+$0x1DE60]  }
0x243: {  	v9 =	vor.u32 v9, v11;
	v11 =	vld [tilespmem:s2+$0x1E660];
	_ =	sdelay $0x1  }
0x244: {  	s25 =	simm.s32 $0x280;
	(xrf1) =	vunique.msk.u32 $0xffff, v7  }
.LBB2_31:
0x245: {  	p3 =	sne.s32 s25, $0x1E00  }
0x246: {  	s22 =	sadd.s32 $0x80, s22;
	s23 =	smov.u32 s25;
	s25 =	sadd.s32 $0x140, s25  }
0x247: {  	v10 =	vsub.s32 v10, v11  }
0x248: {  	v11 =	vsub.s32 $0x0, v10  }
0x249: {  	v10 =	vmin.u32 v10, v11  }
0x24a: {  	vm0 =	vlt.s32 v10, $0xA  }
0x24b: {  	v8 =	vshll.u32 v8, $0x9;
	v10 =	vnsel vm0, $0xA, v10  }
0x24c: {  	v8 =	vor.u32 v8, v9;
	v10 =	vshll.u32 v10, $0x5  }
0x24d: {  	v8 =	vor.u32 v10, v8  }
0x24e: {  	[tilespmem:s2+$0x1CE60] =	vst v8;
	s2 =	smov.u32 s24;
	_ =	sdelay $0x2  }
0x24f: {  	v8 =	vld.idx.msk [tilespmem:v7+s30+$0x0], $0xffff;
	_ =	sdelay $0x1  }
0x250: {  	_, v9, vm0 =	vpop (xrf1);
	_ =	sdelay $0x2  }
0x251: {  	v10 =	vld [tilespmem:s2+$0x1BE20]  }
0x252: {  	v8 =	vadd.s32 v8, v9;
	v11 =	vld [tilespmem:s2+$0x1B620]  }
0x253: {  	v9 =	vld [tilespmem:s2+$0x1AE20]  }
0x254: {  	[tilespmem:v7+s30+$0x0] =	vst.idx.msk vm0, v8  }
0x255: {  	v12 =	vld.idx.msk [tilespmem:v7+s9+$0x0], $0xffff;
	_ =	sdelay $0x1  }
0x256: {  	v10 =	vshll.u32 v10, $0x2;
	v13 =	vshrl.u32 v11, $0xF  }
0x257: {  	v10 =	vor.u32 v13, v10;
	_ =	sdelay $0x2  }
0x258: {  	v8 =	vadd.s32 v12, v8  }
0x259: {  	v8 =	vadd.s32 $0xFFFFFFFF, v8  }
0x25a: {  	[tilespmem:s22+$0xFFFFFFE0] =	vst v8  }
0x25b: {  	v8 =	vld [tilespmem:s2+$0x1D630];
	_ =	sdelay $0x3  }
0x25c: {  	v12 =	vld [tilespmem:s2+$0x1E620]  }
0x25d: {  	v13 =	vld [tilespmem:s2+$0x1DE20];
	(xrf1) =	vunique.msk.u32 $0xffff, v8;
	_ =	sdelay $0x4  }
0x25e: {  	v12 =	vsub.s32 v13, v12  }
0x25f: {  	v13 =	vsub.s32 $0x0, v12  }
0x260: {  	v12 =	vmin.u32 v12, v13  }
0x261: {  	vm0 =	vlt.s32 v12, $0xA  }
0x262: {  	v7 =	vshll.u32 v7, $0x9;
	v11 =	vshll.u32 v11, $0x11;
	v12 =	vnsel vm0, $0xA, v12  }
0x263: {  	v9 =	vor.u32 v9, v11;
	v7 =	vor.u32 v7, v10;
	v11 =	vshll.u32 v12, $0x5  }
0x264: {  	[tilespmem:s2+$0x1C620] =	vst v9;
	v7 =	vor.u32 v11, v7  }
0x265: {  	[tilespmem:s2+$0x1CE20] =	vst v7  }
0x266: {  	v7 =	vld.idx.msk [tilespmem:v8+s30+$0x0], $0xffff  }
0x267: {  	_, v9, vm0 =	vpop (xrf1);
	_ =	sdelay $0x2  }
0x268: {  	v10 =	vld [tilespmem:s2+$0x1BE30]  }
0x269: {  	v11 =	vld [tilespmem:s2+$0x1B630]  }
0x26a: {  	v7 =	vadd.s32 v7, v9;
	v12 =	vld [tilespmem:s2+$0x1AE30]  }
0x26b: {  	[tilespmem:v8+s30+$0x0] =	vst.idx.msk vm0, v7  }
0x26c: {  	v9 =	vld.idx.msk [tilespmem:v8+s9+$0x0], $0xffff  }
0x26d: {  	v10 =	vshll.u32 v10, $0x2  }
0x26e: {  	v13 =	vshrl.u32 v11, $0xF  }
0x26f: {  	v10 =	vor.u32 v13, v10;
	_ =	sdelay $0x2  }
0x270: {  	v7 =	vadd.s32 v9, v7  }
0x271: {  	v7 =	vadd.s32 $0xFFFFFFFF, v7  }
0x272: {  	[tilespmem:s22+$0xFFFFFFF0] =	vst v7  }
0x273: {  	v7 =	vld [tilespmem:s2+$0x1D640];
	_ =	sdelay $0x3  }
0x274: {  	v9 =	vld [tilespmem:s2+$0x1E630]  }
0x275: {  	v13 =	vld [tilespmem:s2+$0x1DE30];
	(xrf1) =	vunique.msk.u32 $0xffff, v7;
	_ =	sdelay $0x4  }
0x276: {  	v9 =	vsub.s32 v13, v9  }
0x277: {  	v13 =	vsub.s32 $0x0, v9  }
0x278: {  	v9 =	vmin.u32 v9, v13  }
0x279: {  	vm0 =	vlt.s32 v9, $0xA  }
0x27a: {  	v8 =	vshll.u32 v8, $0x9;
	v11 =	vshll.u32 v11, $0x11;
	v9 =	vnsel vm0, $0xA, v9  }
0x27b: {  	v11 =	vor.u32 v12, v11;
	v8 =	vor.u32 v8, v10;
	v9 =	vshll.u32 v9, $0x5  }
0x27c: {  	[tilespmem:s2+$0x1C630] =	vst v11;
	v8 =	vor.u32 v9, v8  }
0x27d: {  	[tilespmem:s2+$0x1CE30] =	vst v8  }
0x27e: {  	v8 =	vld.idx.msk [tilespmem:v7+s30+$0x0], $0xffff  }
0x27f: {  	_, v9, vm0 =	vpop (xrf1);
	_ =	sdelay $0x2  }
0x280: {  	v10 =	vld [tilespmem:s2+$0x1BE40]  }
0x281: {  	v11 =	vld [tilespmem:s2+$0x1B640]  }
0x282: {  	v8 =	vadd.s32 v8, v9;
	v12 =	vld [tilespmem:s2+$0x1AE40]  }
0x283: {  	[tilespmem:v7+s30+$0x0] =	vst.idx.msk vm0, v8  }
0x284: {  	v9 =	vld.idx.msk [tilespmem:v7+s9+$0x0], $0xffff;
	_ =	sdelay $0x1  }
0x285: {  	v10 =	vshll.u32 v10, $0x2;
	v13 =	vshll.u32 v11, $0x11;
	v11 =	vshrl.u32 v11, $0xF  }
0x286: {  	v12 =	vor.u32 v12, v13;
	v10 =	vor.u32 v11, v10;
	_ =	sdelay $0x2  }
0x287: {  	v8 =	vadd.s32 v9, v8  }
0x288: {  	v8 =	vadd.s32 $0xFFFFFFFF, v8  }
0x289: {  	[tilespmem:s22+$0x0] =	vst v8  }
0x28a: {  	v8 =	vld [tilespmem:s2+$0x1DE40];
	[tilespmem:s2+$0x1C640] =	vst v12  }
0x28b: {  	v9 =	vld [tilespmem:s2+$0x1D650]  }
0x28c: {  	v11 =	vld [tilespmem:s2+$0x1E640]  }
0x28d: {  	v12 =	vld [tilespmem:s2+$0x1AE50]  }
0x28e: {  	v13 =	vld [tilespmem:s2+$0x1B650]  }
0x28f: {  	v14 =	vld [tilespmem:s2+$0x1BE50]  }
0x290: {  	(xrf1) =	vunique.msk.u32 $0xffff, v9  }
0x291: {  	v8 =	vsub.s32 v8, v11  }
0x292: {  	v11 =	vsub.s32 $0x0, v8  }
0x293: {  	v8 =	vmin.u32 v8, v11  }
0x294: {  	v11 =	vshrl.u32 v13, $0xF;
	vm0 =	vlt.s32 v8, $0xA;
	v14 =	vshll.u32 v14, $0x2  }
0x295: {  	v7 =	vshll.u32 v7, $0x9;
	v8 =	vnsel vm0, $0xA, v8;
	v11 =	vor.u32 v11, v14  }
0x296: {  	v7 =	vor.u32 v7, v10;
	v8 =	vshll.u32 v8, $0x5  }
0x297: {  	v7 =	vor.u32 v8, v7  }
0x298: {  	[tilespmem:s2+$0x1CE40] =	vst v7  }
0x299: {  	v7 =	vld.idx.msk [tilespmem:v9+s30+$0x0], $0xffff;
	_ =	sdelay $0x4  }
0x29a: {  	_, v8, vm0 =	vpop (xrf1);
	_ =	sdelay $0x3  }
0x29b: {  	v7 =	vadd.s32 v7, v8;
	_ =	sdelay $0x1  }
0x29c: {  	[tilespmem:v9+s30+$0x0] =	vst.idx.msk vm0, v7  }
0x29d: {  	v8 =	vld.idx.msk [tilespmem:v9+s9+$0x0], $0xffff;
	_ =	sdelay $0x5  }
0x29e: {  	v7 =	vadd.s32 v8, v7  }
0x29f: {  	v8 =	vshll.u32 v13, $0x11;
	v7 =	vadd.s32 $0xFFFFFFFF, v7  }
0x2a0: {  	[tilespmem:s22+$0x10] =	vst v7;
	v7 =	vor.u32 v12, v8  }
0x2a1: {  	[tilespmem:s2+$0x1C650] =	vst v7;
	v8 =	vld [tilespmem:s2+$0x1D660]  }
0x2a2: {  	v7 =	vld [tilespmem:s2+$0x1DE50]  }
0x2a3: {  	v10 =	vld [tilespmem:s2+$0x1E650]  }
0x2a4: {  	v12 =	vld [tilespmem:s2+$0x1AE60]  }
0x2a5: {  	v13 =	vld [tilespmem:s2+$0x1B660]  }
0x2a6: {  	v14 =	vld [tilespmem:s2+$0x1BE60];
	(xrf1) =	vunique.msk.u32 $0xffff, v8;
	_ =	sdelay $0x1  }
0x2a7: {  	v7 =	vsub.s32 v7, v10  }
0x2a8: {  	v10 =	vsub.s32 $0x0, v7  }
0x2a9: {  	v7 =	vmin.u32 v7, v10;
	v10 =	vshll.u32 v13, $0x11;
	v13 =	vshrl.u32 v13, $0xF  }
0x2aa: {  	vm0 =	vlt.s32 v7, $0xA;
	v10 =	vor.u32 v12, v10;
	v12 =	vshll.u32 v14, $0x2  }
0x2ab: {  	v14 =	vshll.u32 v9, $0x9;
	v7 =	vnsel vm0, $0xA, v7;
	v9 =	vor.u32 v13, v12  }
0x2ac: {  	v11 =	vor.u32 v14, v11;
	v7 =	vshll.u32 v7, $0x5  }
0x2ad: {  	v7 =	vor.u32 v7, v11  }
0x2ae: {  	[tilespmem:s2+$0x1CE50] =	vst v7  }
0x2af: {  	v7 =	vld.idx.msk [tilespmem:v8+s30+$0x0], $0xffff;
	_ =	sdelay $0x3  }
0x2b0: {  	_, v11, vm0 =	vpop (xrf1);
	_ =	sdelay $0x3  }
0x2b1: {  	v7 =	vadd.s32 v7, v11;
	_ =	sdelay $0x1  }
0x2b2: {  	[tilespmem:v8+s30+$0x0] =	vst.idx.msk vm0, v7  }
0x2b3: {  	v11 =	vld.idx.msk [tilespmem:v8+s9+$0x0], $0xffff;
	_ =	sdelay $0x2  }
0x2b4: {  	s24 =	sshra.s32 s23, $0x2;
	_ =	sdelay $0x2  }
0x2b5: {  	v7 =	vadd.s32 v11, v7  }
0x2b6: {  	v7 =	vadd.s32 $0xFFFFFFFF, v7  }
0x2b7: {  	[tilespmem:s22+$0x20] =	vst v7  }
0x2b8: {  	v7 =	vld [tilespmem:s24+$0x1D620];
	[tilespmem:s2+$0x1C660] =	vst v10  }
.Ltmp15:
0x2b9: {  	v10 =	vld [tilespmem:s2+$0x1DE60];
	(pc) =	sbr.rel @p3 .LBB2_31-.Ltmp15, $2  }
0x2ba: {  	v11 =	vld [tilespmem:s2+$0x1E660];
	_ =	sdelay $0x2  }
0x2bb: {  	(xrf1) =	vunique.msk.u32 $0xffff, v7  }
0x2bc: {  	_ =	sdelay $0x4  }
0x2bd: {  	v10 =	vsub.s32 v10, v11  }
0x2be: {  	v11 =	vsub.s32 $0x0, v10  }
0x2bf: {  	v10 =	vmin.u32 v10, v11  }
0x2c0: {  	vm0 =	vlt.s32 v10, $0xA  }
0x2c1: {  	v8 =	vshll.u32 v8, $0x9;
	v10 =	vnsel vm0, $0xA, v10  }
0x2c2: {  	v8 =	vor.u32 v8, v9;
	v10 =	vshll.u32 v10, $0x5  }
0x2c3: {  	v8 =	vor.u32 v10, v8  }
0x2c4: {  	[tilespmem:s2+$0x1CE60] =	vst v8  }
0x2c5: {  	v8 =	vld.idx.msk [tilespmem:v7+s30+$0x0], $0xffff;
	_, v25, vm6 =	vpop (xrf1);
	_ =	sdelay $0x3  }
0x2c6: {  	v26 =	vld [tilespmem:s24+$0x1BE20]  }
0x2c7: {  	v27 =	vld [tilespmem:s24+$0x1B620];
	v8 =	vadd.s32 v8, v25  }
0x2c8: {  	v28 =	vld [tilespmem:s24+$0x1AE20];
	[tilespmem:v7+s30+$0x0] =	vst.idx.msk vm6, v8  }
0x2c9: {  	v12 =	vld.idx.msk [tilespmem:v7+s9+$0x0], $0xffff;
	_ =	sdelay $0x4  }
0x2ca: {  	v8 =	vadd.s32 v12, v8  }
0x2cb: {  	s23 =	sadd.s32 $0x80, s22;
	v8 =	vadd.s32 $0xFFFFFFFF, v8  }
0x2cc: {  	[tilespmem:s23+$0xFFFFFFE0] =	vst v8  }
0x2cd: {  	v8 =	vld [tilespmem:s24+$0x1D630];
	_ =	sdelay $0x4  }
0x2ce: {  	v29 =	vld [tilespmem:s24+$0x1E620];
	(xrf1) =	vunique.msk.u32 $0xffff, v8  }
0x2cf: {  	v13 =	vld [tilespmem:s24+$0x1DE20];
	_ =	sdelay $0x4  }
0x2d0: {  	v12 =	vsub.s32 v13, v29  }
0x2d1: {  	v13 =	vsub.s32 $0x0, v12  }
0x2d2: {  	v14 =	vshrl.u32 v27, $0xF;
	v12 =	vmin.u32 v12, v13  }
0x2d3: {  	v10 =	vshll.u32 v26, $0x2;
	v11 =	vshll.u32 v27, $0x11;
	vm7 =	vlt.s32 v12, $0xA  }
0x2d4: {  	v10 =	vor.u32 v14, v10;
	v7 =	vshll.u32 v7, $0x9;
	v12 =	vnsel vm7, $0xA, v12  }
0x2d5: {  	v9 =	vor.u32 v28, v11;
	v7 =	vor.u32 v7, v10;
	v30 =	vshll.u32 v12, $0x5  }
0x2d6: {  	[tilespmem:s24+$0x1C620] =	vst v9;
	v7 =	vor.u32 v30, v7  }
0x2d7: {  	[tilespmem:s24+$0x1CE20] =	vst v7  }
0x2d8: {  	v7 =	vld.idx.msk [tilespmem:v8+s30+$0x0], $0xffff;
	_, v31, vm8 =	vpop (xrf1);
	_ =	sdelay $0x3  }
0x2d9: {  	v32 =	vld [tilespmem:s24+$0x1BE30]  }
0x2da: {  	v33 =	vld [tilespmem:s24+$0x1B630];
	v7 =	vadd.s32 v7, v31  }
0x2db: {  	v34 =	vld [tilespmem:s24+$0x1AE30];
	[tilespmem:v8+s30+$0x0] =	vst.idx.msk vm8, v7  }
0x2dc: {  	v35 =	vld.idx.msk [tilespmem:v8+s9+$0x0], $0xffff;
	_ =	sdelay $0x4  }
0x2dd: {  	v7 =	vadd.s32 v35, v7  }
0x2de: {  	v7 =	vadd.s32 $0xFFFFFFFF, v7  }
0x2df: {  	[tilespmem:s23+$0xFFFFFFF0] =	vst v7  }
0x2e0: {  	v7 =	vld [tilespmem:s24+$0x1D640];
	_ =	sdelay $0x4  }
0x2e1: {  	v36 =	vld [tilespmem:s24+$0x1E630];
	(xrf1) =	vunique.msk.u32 $0xffff, v7  }
0x2e2: {  	v37 =	vld [tilespmem:s24+$0x1DE30];
	_ =	sdelay $0x4  }
0x2e3: {  	v9 =	vsub.s32 v37, v36  }
0x2e4: {  	v13 =	vsub.s32 $0x0, v9  }
0x2e5: {  	v10 =	vshll.u32 v32, $0x2;
	v9 =	vmin.u32 v9, v13  }
0x2e6: {  	v38 =	vshrl.u32 v33, $0xF;
	v11 =	vshll.u32 v33, $0x11;
	vm9 =	vlt.s32 v9, $0xA  }
0x2e7: {  	v10 =	vor.u32 v38, v10;
	v8 =	vshll.u32 v8, $0x9;
	v9 =	vnsel vm9, $0xA, v9  }
0x2e8: {  	v11 =	vor.u32 v34, v11;
	v8 =	vor.u32 v8, v10;
	v9 =	vshll.u32 v9, $0x5  }
0x2e9: {  	[tilespmem:s24+$0x1C630] =	vst v11;
	v8 =	vor.u32 v9, v8  }
0x2ea: {  	[tilespmem:s24+$0x1CE30] =	vst v8  }
0x2eb: {  	v8 =	vld.idx.msk [tilespmem:v7+s30+$0x0], $0xffff;
	_, v39, vm10 =	vpop (xrf1);
	_ =	sdelay $0x3  }
0x2ec: {  	v40 =	vld [tilespmem:s24+$0x1BE40]  }
0x2ed: {  	v41 =	vld [tilespmem:s24+$0x1B640];
	v8 =	vadd.s32 v8, v39  }
0x2ee: {  	v42 =	vld [tilespmem:s24+$0x1AE40];
	[tilespmem:v7+s30+$0x0] =	vst.idx.msk vm10, v8  }
0x2ef: {  	v43 =	vld.idx.msk [tilespmem:v7+s9+$0x0], $0xffff;
	_ =	sdelay $0x4  }
0x2f0: {  	v8 =	vadd.s32 v43, v8  }
0x2f1: {  	v44 =	vshll.u32 v41, $0x11;
	v8 =	vadd.s32 $0xFFFFFFFF, v8  }
0x2f2: {  	[tilespmem:s23+$0x0] =	vst v8;
	v8 =	vor.u32 v42, v44  }
0x2f3: {  	[tilespmem:s24+$0x1C640] =	vst v8;
	v8 =	vld [tilespmem:s24+$0x1D650];
	_ =	sdelay $0x4  }
0x2f4: {  	v45 =	vld [tilespmem:s24+$0x1DE40];
	(xrf1) =	vunique.msk.u32 $0xffff, v8  }
0x2f5: {  	v46 =	vld [tilespmem:s24+$0x1E640];
	_ =	sdelay $0x4  }
0x2f6: {  	v9 =	vsub.s32 v45, v46  }
0x2f7: {  	v12 =	vsub.s32 $0x0, v9  }
0x2f8: {  	v9 =	vmin.u32 v9, v12  }
0x2f9: {  	v11 =	vshrl.u32 v41, $0xF;
	v10 =	vshll.u32 v40, $0x2;
	vm11 =	vlt.s32 v9, $0xA  }
0x2fa: {  	v10 =	vor.u32 v11, v10;
	v7 =	vshll.u32 v7, $0x9;
	v9 =	vnsel vm11, $0xA, v9  }
0x2fb: {  	v7 =	vor.u32 v7, v10;
	v9 =	vshll.u32 v9, $0x5  }
0x2fc: {  	v7 =	vor.u32 v9, v7  }
0x2fd: {  	[tilespmem:s24+$0x1CE40] =	vst v7  }
0x2fe: {  	v7 =	vld.idx.msk [tilespmem:v8+s30+$0x0], $0xffff;
	_, v50, vm12 =	vpop (xrf1);
	_ =	sdelay $0x3  }
0x2ff: {  	v47 =	vld [tilespmem:s24+$0x1AE50]  }
0x300: {  	v48 =	vld [tilespmem:s24+$0x1B650];
	v7 =	vadd.s32 v7, v50  }
0x301: {  	v49 =	vld [tilespmem:s24+$0x1BE50];
	[tilespmem:v8+s30+$0x0] =	vst.idx.msk vm12, v7  }
0x302: {  	v51 =	vld.idx.msk [tilespmem:v8+s9+$0x0], $0xffff;
	_ =	sdelay $0x4  }
0x303: {  	v7 =	vadd.s32 v51, v7  }
0x304: {  	v52 =	vshll.u32 v48, $0x11;
	v7 =	vadd.s32 $0xFFFFFFFF, v7  }
0x305: {  	[tilespmem:s23+$0x10] =	vst v7;
	v7 =	vor.u32 v47, v52  }
0x306: {  	[tilespmem:s24+$0x1C650] =	vst v7;
	v7 =	vld [tilespmem:s24+$0x1D660];
	_ =	sdelay $0x4  }
0x307: {  	v53 =	vld [tilespmem:s24+$0x1DE50];
	(xrf1) =	vunique.msk.u32 $0xffff, v7  }
0x308: {  	v54 =	vld [tilespmem:s24+$0x1E650];
	_ =	sdelay $0x4  }
0x309: {  	v9 =	vsub.s32 v53, v54  }
0x30a: {  	v11 =	vsub.s32 $0x0, v9  }
0x30b: {  	v9 =	vmin.u32 v9, v11  }
0x30c: {  	v55 =	vshrl.u32 v48, $0xF;
	v10 =	vshll.u32 v49, $0x2;
	vm13 =	vlt.s32 v9, $0xA  }
0x30d: {  	v10 =	vor.u32 v55, v10;
	v8 =	vshll.u32 v8, $0x9;
	v9 =	vnsel vm13, $0xA, v9  }
0x30e: {  	v8 =	vor.u32 v8, v10;
	v9 =	vshll.u32 v9, $0x5  }
0x30f: {  	v8 =	vor.u32 v9, v8  }
0x310: {  	[tilespmem:s24+$0x1CE50] =	vst v8  }
0x311: {  	v8 =	vld.idx.msk [tilespmem:v7+s30+$0x0], $0xffff;
	_, v59, vm14 =	vpop (xrf1);
	_ =	sdelay $0x3  }
0x312: {  	v56 =	vld [tilespmem:s24+$0x1AE60]  }
0x313: {  	v57 =	vld [tilespmem:s24+$0x1B660];
	v8 =	vadd.s32 v8, v59  }
0x314: {  	v58 =	vld [tilespmem:s24+$0x1BE60];
	[tilespmem:v7+s30+$0x0] =	vst.idx.msk vm14, v8  }
0x315: {  	v60 =	vld.idx.msk [tilespmem:v7+s9+$0x0], $0xffff;
	_ =	sdelay $0x4  }
0x316: {  	v8 =	vadd.s32 v60, v8  }
0x317: {  	v61 =	vshll.u32 v57, $0x11;
	v8 =	vadd.s32 $0xFFFFFFFF, v8  }
0x318: {  	[tilespmem:s23+$0x20] =	vst v8;
	v8 =	vor.u32 v56, v61  }
0x319: {  	[tilespmem:s24+$0x1C660] =	vst v8;
	v8 =	vld [tilespmem:s24+$0x1DE60]  }
0x31a: {  	v62 =	vld [tilespmem:s24+$0x1E660];
	_ =	sdelay $0x4  }
0x31b: {  	v8 =	vsub.s32 v8, v62  }
0x31c: {  	v9 =	vsub.s32 $0x0, v8  }
0x31d: {  	v8 =	vmin.u32 v8, v9  }
0x31e: {  	v63 =	vshrl.u32 v57, $0xF;
	v10 =	vshll.u32 v58, $0x2;
	vm15 =	vlt.s32 v8, $0xA  }
0x31f: {  	v7 =	vshll.u32 v7, $0x9;
	v9 =	vor.u32 v63, v10;
	v8 =	vnsel vm15, $0xA, v8  }
0x320: {  	v7 =	vor.u32 v7, v9;
	v8 =	vshll.u32 v8, $0x5  }
0x321: {  	v7 =	vor.u32 v8, v7  }
0x322: {  	s0 =	simm.s32 $0x1EE20;
	[tilespmem:s24+$0x1CE60] =	vst v7  }
0x323: {  	[spmem:s10] =	stream.indirect.scatter [tilespmem:s29], [sflag:$0x2], $0x1, s0, s31, $0xb8;
	[tilespmem:$0x1FE20] =	vst v63  }
0x324: {  	s25 =	simm.s32 $0x1CE20  }
0x325: {  	[spmem:s11] =	stream.indirect.scatter [tilespmem:s25], [sflag:$0x2], $0x1, s0, s31, $0xb8;
	[tilespmem:$0x1FE20] =	vst v63  }
0x326: {  	s6 =	simm.s32 $0x1EEA0;
	s8 =	simm.s32 $0x1C670  }
0x327: {  	[spmem:s10] =	stream.indirect.scatter [tilespmem:s8], [sflag:$0x2], $0x1, s6, s31, $0xb8;
	[tilespmem:$0x1FE20] =	vst v63  }
0x328: {  	s16 =	simm.s32 $0x1CE70  }
0x329: {  	[spmem:s11] =	stream.indirect.scatter [tilespmem:s16], [sflag:$0x2], $0x1, s6, s31, $0xb8;
	[tilespmem:$0x1FE20] =	vst v63  }
0x32a: {  	s17 =	simm.s32 $0x1EF20;
	s21 =	simm.s32 $0x1C6C0  }
0x32b: {  	[spmem:s10] =	stream.indirect.scatter [tilespmem:s21], [sflag:$0x2], $0x1, s17, s31, $0xb8;
	[tilespmem:$0x1FE20] =	vst v63  }
0x32c: {  	s22 =	simm.s32 $0x1CEC0  }
0x32d: {  	[spmem:s11] =	stream.indirect.scatter [tilespmem:s22], [sflag:$0x2], $0x1, s17, s31, $0xb8;
	[tilespmem:$0x1FE20] =	vst v63  }
0x32e: {  	s23 =	simm.s32 $0x1EFA0;
	s24 =	simm.s32 $0x1C710  }
0x32f: {  	[spmem:s10] =	stream.indirect.scatter [tilespmem:s24], [sflag:$0x2], $0x1, s23, s31, $0xb8;
	[tilespmem:$0x1FE20] =	vst v63  }
0x330: {  	s25 =	simm.s32 $0x1CF10  }
0x331: {  	[spmem:s11] =	stream.indirect.scatter [tilespmem:s25], [sflag:$0x2], $0x1, s23, s31, $0xb8;
	[tilespmem:$0x1FE20] =	vst v63  }
0x332: {  	s8 =	simm.s32 $0x1C760;
	s6 =	simm.s32 $0x1F020  }
0x333: {  	[spmem:s10] =	stream.indirect.scatter [tilespmem:s8], [sflag:$0x2], $0x1, s6, s31, $0xb8;
	[tilespmem:$0x1FE20] =	vst v63  }
0x334: {  	s16 =	simm.s32 $0x1CF60  }
0x335: {  	[spmem:s11] =	stream.indirect.scatter [tilespmem:s16], [sflag:$0x2], $0x1, s6, s31, $0xb8;
	[tilespmem:$0x1FE20] =	vst v63  }
0x336: {  	s21 =	simm.s32 $0x1C7B0;
	s17 =	simm.s32 $0x1F0A0  }
0x337: {  	[spmem:s10] =	stream.indirect.scatter [tilespmem:s21], [sflag:$0x2], $0x1, s17, s31, $0xb8;
	[tilespmem:$0x1FE20] =	vst v63  }
0x338: {  	s22 =	simm.s32 $0x1CFB0  }
0x339: {  	[spmem:s11] =	stream.indirect.scatter [tilespmem:s22], [sflag:$0x2], $0x1, s17, s31, $0xb8;
	[tilespmem:$0x1FE20] =	vst v63  }
0x33a: {  	s24 =	simm.s32 $0x1C800;
	s23 =	simm.s32 $0x1F120  }
0x33b: {  	[spmem:s10] =	stream.indirect.scatter [tilespmem:s24], [sflag:$0x2], $0x1, s23, s31, $0xb8;
	[tilespmem:$0x1FE20] =	vst v63  }
0x33c: {  	s25 =	simm.s32 $0x1D000  }
0x33d: {  	[spmem:s11] =	stream.indirect.scatter [tilespmem:s25], [sflag:$0x2], $0x1, s23, s31, $0xb8;
	[tilespmem:$0x1FE20] =	vst v63  }
0x33e: {  	s8 =	simm.s32 $0x1C850;
	s6 =	simm.s32 $0x1F1A0  }
0x33f: {  	[spmem:s10] =	stream.indirect.scatter [tilespmem:s8], [sflag:$0x2], $0x1, s6, s31, $0xb8;
	[tilespmem:$0x1FE20] =	vst v63  }
0x340: {  	s16 =	simm.s32 $0x1D050  }
0x341: {  	[spmem:s11] =	stream.indirect.scatter [tilespmem:s16], [sflag:$0x2], $0x1, s6, s31, $0xb8;
	[tilespmem:$0x1FE20] =	vst v63  }
0x342: {  	s21 =	simm.s32 $0x1C8A0;
	s17 =	simm.s32 $0x1F220  }
0x343: {  	[spmem:s10] =	stream.indirect.scatter [tilespmem:s21], [sflag:$0x2], $0x1, s17, s31, $0xb8;
	[tilespmem:$0x1FE20] =	vst v63  }
0x344: {  	s22 =	simm.s32 $0x1D0A0  }
0x345: {  	[spmem:s11] =	stream.indirect.scatter [tilespmem:s22], [sflag:$0x2], $0x1, s17, s31, $0xb8;
	[tilespmem:$0x1FE20] =	vst v63  }
0x346: {  	s24 =	simm.s32 $0x1C8F0;
	s23 =	simm.s32 $0x1F2A0  }
0x347: {  	[spmem:s10] =	stream.indirect.scatter [tilespmem:s24], [sflag:$0x2], $0x1, s23, s31, $0xb8;
	[tilespmem:$0x1FE20] =	vst v63  }
0x348: {  	s25 =	simm.s32 $0x1D0F0  }
0x349: {  	[spmem:s11] =	stream.indirect.scatter [tilespmem:s25], [sflag:$0x2], $0x1, s23, s31, $0xb8;
	[tilespmem:$0x1FE20] =	vst v63  }
0x34a: {  	s8 =	simm.s32 $0x1C940;
	s6 =	simm.s32 $0x1F320  }
0x34b: {  	[spmem:s10] =	stream.indirect.scatter [tilespmem:s8], [sflag:$0x2], $0x1, s6, s31, $0xb8;
	[tilespmem:$0x1FE20] =	vst v63  }
0x34c: {  	s16 =	simm.s32 $0x1D140  }
0x34d: {  	[spmem:s11] =	stream.indirect.scatter [tilespmem:s16], [sflag:$0x2], $0x1, s6, s31, $0xb8;
	[tilespmem:$0x1FE20] =	vst v63  }
0x34e: {  	s21 =	simm.s32 $0x1C990;
	s17 =	simm.s32 $0x1F3A0  }
0x34f: {  	[spmem:s10] =	stream.indirect.scatter [tilespmem:s21], [sflag:$0x2], $0x1, s17, s31, $0xb8;
	[tilespmem:$0x1FE20] =	vst v63  }
0x350: {  	s22 =	simm.s32 $0x1D190  }
0x351: {  	[spmem:s11] =	stream.indirect.scatter [tilespmem:s22], [sflag:$0x2], $0x1, s17, s31, $0xb8;
	[tilespmem:$0x1FE20] =	vst v63  }
0x352: {  	s24 =	simm.s32 $0x1C9E0;
	s23 =	simm.s32 $0x1F420  }
0x353: {  	[spmem:s10] =	stream.indirect.scatter [tilespmem:s24], [sflag:$0x2], $0x1, s23, s31, $0xb8;
	[tilespmem:$0x1FE20] =	vst v63  }
0x354: {  	s25 =	simm.s32 $0x1D1E0  }
0x355: {  	[spmem:s11] =	stream.indirect.scatter [tilespmem:s25], [sflag:$0x2], $0x1, s23, s31, $0xb8;
	[tilespmem:$0x1FE20] =	vst v63  }
0x356: {  	s8 =	simm.s32 $0x1CA30;
	s6 =	simm.s32 $0x1F4A0  }
0x357: {  	[spmem:s10] =	stream.indirect.scatter [tilespmem:s8], [sflag:$0x2], $0x1, s6, s31, $0xb8;
	[tilespmem:$0x1FE20] =	vst v63  }
0x358: {  	s16 =	simm.s32 $0x1D230  }
0x359: {  	[spmem:s11] =	stream.indirect.scatter [tilespmem:s16], [sflag:$0x2], $0x1, s6, s31, $0xb8;
	[tilespmem:$0x1FE20] =	vst v63  }
0x35a: {  	s21 =	simm.s32 $0x1CA80;
	s17 =	simm.s32 $0x1F520  }
0x35b: {  	[spmem:s10] =	stream.indirect.scatter [tilespmem:s21], [sflag:$0x2], $0x1, s17, s31, $0xb8;
	[tilespmem:$0x1FE20] =	vst v63  }
0x35c: {  	s22 =	simm.s32 $0x1D280  }
0x35d: {  	[spmem:s11] =	stream.indirect.scatter [tilespmem:s22], [sflag:$0x2], $0x1, s17, s31, $0xb8;
	[tilespmem:$0x1FE20] =	vst v63  }
0x35e: {  	s24 =	simm.s32 $0x1CAD0;
	s23 =	simm.s32 $0x1F5A0  }
0x35f: {  	[spmem:s10] =	stream.indirect.scatter [tilespmem:s24], [sflag:$0x2], $0x1, s23, s31, $0xb8;
	[tilespmem:$0x1FE20] =	vst v63  }
0x360: {  	s25 =	simm.s32 $0x1D2D0  }
0x361: {  	[spmem:s11] =	stream.indirect.scatter [tilespmem:s25], [sflag:$0x2], $0x1, s23, s31, $0xb8;
	[tilespmem:$0x1FE20] =	vst v63  }
0x362: {  	s8 =	simm.s32 $0x1CB20;
	s6 =	simm.s32 $0x1F620  }
0x363: {  	[spmem:s10] =	stream.indirect.scatter [tilespmem:s8], [sflag:$0x2], $0x1, s6, s31, $0xb8;
	[tilespmem:$0x1FE20] =	vst v63  }
0x364: {  	s16 =	simm.s32 $0x1D320  }
0x365: {  	[spmem:s11] =	stream.indirect.scatter [tilespmem:s16], [sflag:$0x2], $0x1, s6, s31, $0xb8;
	[tilespmem:$0x1FE20] =	vst v63  }
0x366: {  	s21 =	simm.s32 $0x1CB70;
	s17 =	simm.s32 $0x1F6A0  }
0x367: {  	[spmem:s10] =	stream.indirect.scatter [tilespmem:s21], [sflag:$0x2], $0x1, s17, s31, $0xb8;
	[tilespmem:$0x1FE20] =	vst v63  }
0x368: {  	s22 =	simm.s32 $0x1D370  }
0x369: {  	[spmem:s11] =	stream.indirect.scatter [tilespmem:s22], [sflag:$0x2], $0x1, s17, s31, $0xb8;
	[tilespmem:$0x1FE20] =	vst v63  }
0x36a: {  	s24 =	simm.s32 $0x1CBC0;
	s23 =	simm.s32 $0x1F720  }
0x36b: {  	[spmem:s10] =	stream.indirect.scatter [tilespmem:s24], [sflag:$0x2], $0x1, s23, s31, $0xb8;
	[tilespmem:$0x1FE20] =	vst v63  }
0x36c: {  	s25 =	simm.s32 $0x1D3C0  }
0x36d: {  	[spmem:s11] =	stream.indirect.scatter [tilespmem:s25], [sflag:$0x2], $0x1, s23, s31, $0xb8;
	[tilespmem:$0x1FE20] =	vst v63  }
0x36e: {  	s8 =	simm.s32 $0x1CC10;
	s6 =	simm.s32 $0x1F7A0  }
0x36f: {  	[spmem:s10] =	stream.indirect.scatter [tilespmem:s8], [sflag:$0x2], $0x1, s6, s31, $0xb8;
	[tilespmem:$0x1FE20] =	vst v63  }
0x370: {  	s16 =	simm.s32 $0x1D410  }
0x371: {  	[spmem:s11] =	stream.indirect.scatter [tilespmem:s16], [sflag:$0x2], $0x1, s6, s31, $0xb8;
	[tilespmem:$0x1FE20] =	vst v63  }
0x372: {  	s21 =	simm.s32 $0x1CC60;
	s17 =	simm.s32 $0x1F820  }
0x373: {  	[spmem:s10] =	stream.indirect.scatter [tilespmem:s21], [sflag:$0x2], $0x1, s17, s31, $0xb8;
	[tilespmem:$0x1FE20] =	vst v63  }
0x374: {  	s22 =	simm.s32 $0x1D460  }
0x375: {  	[spmem:s11] =	stream.indirect.scatter [tilespmem:s22], [sflag:$0x2], $0x1, s17, s31, $0xb8;
	[tilespmem:$0x1FE20] =	vst v63  }
0x376: {  	s24 =	simm.s32 $0x1CCB0;
	s23 =	simm.s32 $0x1F8A0  }
0x377: {  	[spmem:s10] =	stream.indirect.scatter [tilespmem:s24], [sflag:$0x2], $0x1, s23, s31, $0xb8;
	[tilespmem:$0x1FE20] =	vst v63  }
0x378: {  	s25 =	simm.s32 $0x1D4B0  }
0x379: {  	[spmem:s11] =	stream.indirect.scatter [tilespmem:s25], [sflag:$0x2], $0x1, s23, s31, $0xb8;
	[tilespmem:$0x1FE20] =	vst v63  }
0x37a: {  	s8 =	simm.s32 $0x1CD00;
	s6 =	simm.s32 $0x1F920  }
0x37b: {  	[spmem:s10] =	stream.indirect.scatter [tilespmem:s8], [sflag:$0x2], $0x1, s6, s31, $0xb8;
	[tilespmem:$0x1FE20] =	vst v63  }
0x37c: {  	s16 =	simm.s32 $0x1D500  }
0x37d: {  	[spmem:s11] =	stream.indirect.scatter [tilespmem:s16], [sflag:$0x2], $0x1, s6, s31, $0xb8;
	[tilespmem:$0x1FE20] =	vst v63  }
0x37e: {  	s20 =	sadd.s32 $0x1, s20;
	s21 =	simm.s32 $0x1CD50;
	s17 =	simm.s32 $0x1F9A0  }
0x37f: {  	[spmem:s10] =	stream.indirect.scatter [tilespmem:s21], [sflag:$0x2], $0x1, s17, s31, $0xb8;
	[tilespmem:$0x1FE20] =	vst v63  }
0x380: {  	p1 =	sne.s32 s20, $0x19;
	s22 =	simm.s32 $0x1D550  }
0x381: {  	[spmem:s11] =	stream.indirect.scatter [tilespmem:s22], [sflag:$0x2], $0x1, s17, s31, $0xb8;
	[tilespmem:$0x1FE20] =	vst v63  }
.Ltmp16:
0x382: {  	_ = 	snop;
	(pc) =	sbr.rel @p1 .LBB2_30-.Ltmp16, $4  }
0x383: {  	s24 =	simm.s32 $0x1CDA0;
	s23 =	simm.s32 $0x1FA20  }
0x384: {  	[spmem:s10] =	stream.indirect.scatter [tilespmem:s24], [sflag:$0x2], $0x1, s23, s31, $0xb8;
	[tilespmem:$0x1FE20] =	vst v63  }
0x385: {  	s25 =	simm.s32 $0x1D5A0  }
0x386: {  	[spmem:s11] =	stream.indirect.scatter [tilespmem:s25], [sflag:$0x2], $0x1, s23, s31, $0xb8;
	[tilespmem:$0x1FE20] =	vst v63  }
0x387: {  	s0 =	simm.s32 $0x2  }
0x388: {  	_ =	swait.ge [sflag:s0], $0x7D0  }
0x389: {  	[sflag:s0] =	ssyncset.done $0x0  }
0x38a: {  	[sflag:s0] =	ssyncadd.s32 $0xFFFFF830  }
.Ltmp17:
0x38b: {  	_ =	swait.ge [sflag:s0], $0x7D0;
	(pc) =	sbr.rel .LBB2_34-.Ltmp17, $4  }
0x38c: {  	[sflag:s0] =	ssyncset.done $0x0  }
0x38d: {  	[sflag:s0] =	ssyncadd.s32 $0xFFFFF830  }
0x38e: {  	[bflag:$0x0] =	sbarrier.arrive $0xFFFF  }
0x38f: {  	s20 =	simm.s32 $0x0  }
.LBB2_60:
0x390: {  	s0 =	simm.s32 $0x2  }
0x391: {  	_ =	swait.ge [sflag:s0], $0x100  }
0x392: {  	[sflag:s0] =	ssyncset.done $0x0  }
0x393: {  	[sflag:s0] =	ssyncadd.s32 $0xFFFFFF00  }
.LBB2_61:
0x394: {  	s0 =	sshll.u32 s21, $0x8;
	s6 =	sand.u32 $0x80, s24  }
0x395: {  	s15 =	ssub.s32 s24, s0;
	p4 =	seq.s32 s6, $0x0  }
0x396: {  	s6 =	sand.u32 @!p4 $0xFFFFFF00, s15  }
0x397: {  	s16 =	sadd.s32 @!p4 s8, s11;
	s6 =	sadd.s32 @!p4 s0, s6  }
0x398: {  	s17 =	simm.s32 @!p4 $0x1AC20;
	s16 =	sadd.s32 @!p4 s6, s16  }
0x399: {  	[tilespmem:s17], [sflag:$0x3] =	stream.linear.gather @!p4 [spmem:s16], $0x80, $0x38;
	[tilespmem:$0x1FE20] =	vst v63  }
0x39a: {  	s16 =	simm.s32 @!p4 $0x3  }
0x39b: {  	s6 =	sadd.s32 @!p4 s25, s6;
	_ =	swait.ge @!p4 [sflag:s16], $0x80  }
0x39c: {  	s6 =	sshrl.u32 @!p4 s6, $0x3;
	[sflag:s16] =	ssyncset.done @!p4 $0x0  }
0x39d: {  	s21 =	simm.s32 @!p4 $0x0;
	s6 =	sadd.s32 @!p4 s14, s6;
	[sflag:s16] =	ssyncadd.s32 @!p4 $0xFFFFFF80  }
0x39e: {  	[hbm4b:s6+s21] =	stream.linear.scatter @!p4 [tilespmem:s17], [sflag:$0x3], $0x80, $0x38;
	[tilespmem:$0x1FE20] =	vst v63  }
0x39f: {  	s21 =	sand.u32 $0x40, s24  }
0x3a0: {  	p3 =	seq.s32 s21, $0x0  }
0x3a1: {  	_ =	swait.ge @!p4 [sflag:s16], $0x80;
	s6 =	sand.u32 @!p3 $0xFFFFFF80, s15  }
0x3a2: {  	[sflag:s16] =	ssyncset.done @!p4 $0x0;
	s17 =	sadd.s32 @!p3 s8, s11;
	s6 =	sadd.s32 @!p3 s0, s6  }
0x3a3: {  	[sflag:s16] =	ssyncadd.s32 @!p4 $0xFFFFFF80;
	s16 =	sadd.s32 @!p3 s6, s17;
	s17 =	simm.s32 @!p3 $0x1AC20  }
0x3a4: {  	[tilespmem:s17], [sflag:$0x3] =	stream.linear.gather @!p3 [spmem:s16], $0x40, $0x38;
	[tilespmem:$0x1FE20] =	vst v63  }
0x3a5: {  	s16 =	simm.s32 @!p3 $0x3  }
0x3a6: {  	s6 =	sadd.s32 @!p3 s25, s6;
	_ =	swait.ge @!p3 [sflag:s16], $0x40  }
0x3a7: {  	s6 =	sshrl.u32 @!p3 s6, $0x3;
	[sflag:s16] =	ssyncset.done @!p3 $0x0  }
0x3a8: {  	s21 =	simm.s32 @!p3 $0x0;
	s6 =	sadd.s32 @!p3 s14, s6;
	[sflag:s16] =	ssyncadd.s32 @!p3 $0xFFFFFFC0  }
0x3a9: {  	[hbm4b:s6+s21] =	stream.linear.scatter @!p3 [tilespmem:s17], [sflag:$0x3], $0x40, $0x38;
	[tilespmem:$0x1FE20] =	vst v63  }
0x3aa: {  	s17 =	sand.u32 $0x20, s24  }
0x3ab: {  	p4 =	seq.s32 s17, $0x0  }
0x3ac: {  	_ =	swait.ge @!p3 [sflag:s16], $0x40;
	s6 =	sand.u32 @!p4 $0xFFFFFFC0, s15  }
0x3ad: {  	[sflag:s16] =	ssyncset.done @!p3 $0x0;
	s17 =	sadd.s32 @!p4 s8, s11;
	s6 =	sadd.s32 @!p4 s0, s6  }
0x3ae: {  	[sflag:s16] =	ssyncadd.s32 @!p3 $0xFFFFFFC0;
	s16 =	sadd.s32 @!p4 s6, s17;
	s17 =	simm.s32 @!p4 $0x1AC20  }
0x3af: {  	[tilespmem:s17], [sflag:$0x3] =	stream.linear.gather @!p4 [spmem:s16], $0x20, $0x38;
	[tilespmem:$0x1FE20] =	vst v63  }
0x3b0: {  	s16 =	simm.s32 @!p4 $0x3  }
0x3b1: {  	s6 =	sadd.s32 @!p4 s25, s6;
	_ =	swait.ge @!p4 [sflag:s16], $0x20  }
0x3b2: {  	s6 =	sshrl.u32 @!p4 s6, $0x3;
	[sflag:s16] =	ssyncset.done @!p4 $0x0  }
0x3b3: {  	s21 =	simm.s32 @!p4 $0x0;
	s6 =	sadd.s32 @!p4 s14, s6;
	[sflag:s16] =	ssyncadd.s32 @!p4 $0xFFFFFFE0  }
0x3b4: {  	[hbm4b:s6+s21] =	stream.linear.scatter @!p4 [tilespmem:s17], [sflag:$0x3], $0x20, $0x38;
	[tilespmem:$0x1FE20] =	vst v63  }
0x3b5: {  	s21 =	sand.u32 $0x10, s24  }
0x3b6: {  	p5 =	seq.s32 s21, $0x0  }
0x3b7: {  	_ =	swait.ge @!p4 [sflag:s16], $0x20;
	s6 =	sand.u32 @!p5 $0xFFFFFFE0, s15  }
0x3b8: {  	[sflag:s16] =	ssyncset.done @!p4 $0x0;
	s0 =	sadd.s32 @!p5 s0, s6;
	s6 =	sadd.s32 @!p5 s8, s11  }
0x3b9: {  	[sflag:s16] =	ssyncadd.s32 @!p4 $0xFFFFFFE0;
	s8 =	simm.s32 @!p5 $0x1AC20;
	s6 =	sadd.s32 @!p5 s0, s6  }
0x3ba: {  	[tilespmem:s8], [sflag:$0x3] =	stream.linear.gather @!p5 [spmem:s6], $0x10, $0x38;
	[tilespmem:$0x1FE20] =	vst v63  }
0x3bb: {  	s6 =	simm.s32 @!p5 $0x3  }
0x3bc: {  	s15 =	sand.u32 $0xF, s24;
	s0 =	sadd.s32 @!p5 s25, s0;
	_ =	swait.ge @!p5 [sflag:s6], $0x10  }
0x3bd: {  	s16 =	simm.s32 @!p5 $0x0;
	s0 =	sshrl.u32 @!p5 s0, $0x3;
	[sflag:s6] =	ssyncset.done @!p5 $0x0  }
0x3be: {  	p3 =	seq.s32 s15, $0x0;
	s0 =	sadd.s32 @!p5 s14, s0;
	[sflag:s6] =	ssyncadd.s32 @!p5 $0xFFFFFFF0  }
0x3bf: {  	[hbm4b:s0+s16] =	stream.linear.scatter @!p5 [tilespmem:s8], [sflag:$0x3], $0x10, $0x38;
	[tilespmem:$0x1FE20] =	vst v63  }
0x3c0: {  	s0 =	sadd.s32 @!p3 s2, s23;
	_ =	swait.ge @!p5 [sflag:s6], $0x10  }
0x3c1: {  	s0 =	ssub.s32 @!p3 s0, s15;
	[sflag:s6] =	ssyncset.done @!p5 $0x0  }
0x3c2: {  	s0 =	sadd.s32 @!p3 s0, s11;
	[sflag:s6] =	ssyncadd.s32 @!p5 $0xFFFFFFF0;
	s6 =	simm.s32 @!p3 $0x1AB20  }
0x3c3: {  	[tilespmem:s6], [sflag:$0x3] =	stream.linear.gather @!p3 [spmem:s0], $0x10, $0x38;
	[tilespmem:$0x1FE20] =	vst v63  }
0x3c4: {  	s0 =	sadd.s32 @!p3 s2, s22;
	s2 =	simm.s32 @!p3 $0x3  }
0x3c5: {  	v7 =	vmov @!p3 s15;
	v8 =	vlaneseq.u32 @!p3;
	s0 =	ssub.s32 @!p3 s0, s15;
	_ =	swait.ge @!p3 [sflag:s2], $0x10  }
0x3c6: {  	vm0 =	vgt.u32 @!p3 v7, v8;
	[sflag:s2] =	ssyncset.done @!p3 $0x0;
	v7 =	vadd.s32 @!p3 s0, v8;
	v8 =	vor.u32 @!p3 $0x186A00, v8  }
0x3c7: {  	[sflag:s2] =	ssyncadd.s32 @!p3 $0xFFFFFFF0;
	v7 =	vsel @!p3 vm0, v7, v8  }
0x3c8: {  	s0 =	simm.s32 @!p3 $0x10;
	s2 =	simm.s32 @!p3 $0x1ABA0;
	[tilespmem:$0x1ABA0] =	vst @!p3 v7  }
0x3c9: {  	[hbm4b:s14+s0] =	stream.indirect.scatter @!p3 [tilespmem:s6], [sflag:$0x1], $0x1, s2, s0, $0xb8;
	[tilespmem:$0x1FE20] =	vst v63  }
0x3ca: {  	s0 =	simm.s32 @!p3 $0x1  }
0x3cb: {  	_ =	swait.ge @!p3 [sflag:s0], $0x10  }
0x3cc: {  	[sflag:s0] =	ssyncset.done @!p3 $0x0  }
0x3cd: {  	[sflag:s0] =	ssyncadd.s32 @!p3 $0xFFFFFFF0  }
.LBB2_62:
0x3ce: {  	s20 =	sadd.s32 $0x1, s20  }
0x3cf: {  	p0 =	sne.s32 s20, $0x4  }
.Ltmp18:
0x3d0: {  	_ = 	snop;
	(pc) =	sbr.rel @!p0 .LBB2_63-.Ltmp18, $1  }
0x3d1: {  	_ =	sdelay $0x3  }
.LBB2_34:
0x3d2: {  	s0 =	rddreg [dreg:$0x15]  }
0x3d3: {  	s0 =	sadd.s32 s0, s20  }
0x3d4: {  	v7 =	vmov s0;
	_ =	sdelay $0x4  }
0x3d5: {  	v8 =	vld.idx.msk [tilespmem:v7+s4+$0x0], $0xffff;
	_ =	sdelay $0x4  }
0x3d6: {  	v9 =	vld.idx.msk [tilespmem:v7+s3+$0x0], $0xffff;
	(v2sf) =	vpush v8, $0x0  }
0x3d7: {  	v10 =	vld.idx.msk [tilespmem:v7+s5+$0x0], $0xffff;
	_ =	sdelay $0x3  }
0x3d8: {  	(v2sf) =	vpush v9, $0x0  }
0x3d9: {  	(v2sf) =	vpush v10, $0x0;
	_ =	sdelay $0x8  }
0x3da: {  	s2 =	spop (v2sf)  }
0x3db: {  	p1 =	slt.s32 s2, $0x1  }
.Ltmp19:
0x3dc: {  	_ = 	snop;
	(pc) =	sbr.rel @p1 .LBB2_48-.Ltmp19, $3  }
0x3dd: {  	_ =	sdelay $0x1  }
0x3de: {  	s22 =	spop (v2sf)  }
0x3df: {  	s23 =	spop (v2sf)  }
0x3e0: {  	s0 =	ssub.s32 $0x0, s22  }
0x3e1: {  	s0 =	sand.u32 $0xF, s0  }
0x3e2: {  	p3 =	seq.s32 s0, $0x0  }
0x3e3: {  	s6 =	sand.u32 @!p3 $0xF, s22  }
0x3e4: {  	s0 =	smin.u32 s2, s0;
	s8 =	ssub.s32 @!p3 s23, s6  }
0x3e5: {  	s17 =	simm.s32 @!p3 $0x1AB20;
	s15 =	sadd.s32 @!p3 s6, s0;
	s8 =	sadd.s32 @!p3 s8, s10  }
0x3e6: {  	v8 =	vlaneseq.u32 @!p3;
	[tilespmem:s17], [sflag:$0x3] =	stream.linear.gather @!p3 [spmem:s8], $0x10, $0x38;
	[tilespmem:$0x1FE20] =	vst v63  }
0x3e7: {  	v9 =	vmov @!p3 s6;
	v10 =	vadd.s32 @!p3 $0x1, v8;
	v11 =	vmov @!p3 s15;
	s8 =	simm.s32 @!p3 $0x3  }
0x3e8: {  	s24 =	ssub.s32 s2, s0;
	s6 =	sand.u32 @!p3 $0xFFFFFFF0, s22;
	vm0 =	vlt.u32 @!p3 v9, v10;
	vm1 =	vgt.u32 @!p3 v11, v8;
	_ =	swait.ge @!p3 [sflag:s8], $0x10  }
0x3e9: {  	s21 =	sand.u32 $0xFF, s24;
	v9 =	vor.u32 @!p3 s6, v8;
	v8 =	vor.u32 @!p3 $0x186A00, v8;
	vm0 =	vmand @!p3 vm0, vm1;
	[sflag:s8] =	ssyncset.done @!p3 $0x0  }
0x3ea: {  	p1 =	slt.s32 s24, $0x1;
	p4 =	sne.s32 s21, $0x0;
	v8 =	vsel @!p3 vm0, v9, v8;
	[sflag:s8] =	ssyncadd.s32 @!p3 $0xFFFFFFF0  }
0x3eb: {  	s6 =	simm.s32 @!p3 $0x10;
	p1 =	por !p1, !p4;
	s8 =	simm.s32 @!p3 $0x1ABA0;
	[tilespmem:$0x1ABA0] =	vst @!p3 v8  }
0x3ec: {  	[hbm4b:s13+s6] =	stream.indirect.scatter @!p3 [tilespmem:s17], [sflag:$0x1], $0x1, s8, s6, $0xb8;
	[tilespmem:$0x1FE20] =	vst v63  }
0x3ed: {  	p1 =	por !p1, !p1;
	s6 =	simm.s32 $0x1  }
0x3ee: {  	s25 =	sshrl.u32 s24, $0x8;
	s6 =	simm.s32 @!p1 $0x0  }
0x3ef: {  	s21 =	ssub.s32 s25, s6  }
0x3f0: {  	p1 =	slt.s32 s21, $0x1  }
.Ltmp20:
0x3f1: {  	_ = 	snop;
	(pc) =	sbr.rel @p1 .LBB2_47-.Ltmp20, $4  }
0x3f2: {  	s8 =	simm.s32 @!p3 $0x1  }
0x3f3: {  	_ =	swait.ge @!p3 [sflag:s8], $0x10  }
0x3f4: {  	[sflag:s8] =	ssyncset.done @!p3 $0x0  }
0x3f5: {  	s25 =	sadd.s32 s22, s0;
	[sflag:s8] =	ssyncadd.s32 @!p3 $0xFFFFFFF0;
	s8 =	sadd.s32 s23, s0  }
.Ltmp21:
0x3f6: {  	(pc) =	sbr.rel .LBB2_37-.Ltmp21, $3  }
0x3f7: {  	_ =	sdelay $0x1  }
0x3f8: {  	s15 =	sadd.s32 s8, s10;
	p2 =	sne.s32 s21, $0x1;
	s17 =	simm.s32 $0x0  }
0x3f9: {  	[tilespmem:s19], [sflag:$0x1] =	stream.linear.gather [spmem:s15], $0x100, $0x38;
	[tilespmem:$0x1FE20] =	vst v63  }
.LBB2_38:
0x3fa: {  	s6 =	sshll.u32 s0, $0xA  }
0x3fb: {  	s6 =	sshra.s32 s6, $0x2  }
0x3fc: {  	s6 =	sadd.s32 s6, s15  }
0x3fd: {  	[tilespmem:s19], [sflag:$0x1] =	stream.linear.gather [spmem:s6], $0x100, $0x38;
	[tilespmem:$0x1FE20] =	vst v63  }
.LBB2_44:
0x3fe: {  	s6 =	sshll.u32 s17, $0x8  }
0x3ff: {  	s6 =	sadd.s32 s25, s6  }
0x400: {  	s6 =	sshrl.u32 s6, $0x3  }
0x401: {  	s6 =	sadd.s32 s13, s6  }
0x402: {  	[hbm4b:s6+s12] =	stream.linear.scatter [tilespmem:s1], [sflag:$0x2], $0x100, $0x38;
	[tilespmem:$0x1FE20] =	vst v63  }
.LBB2_45:
0x403: {  	p0 =	slt.s32 s0, s21  }
.Ltmp22:
0x404: {  	_ = 	snop;
	(pc) =	sbr.rel @!p0 .LBB2_46-.Ltmp22, $2  }
0x405: {  	_ =	sdelay $0x2  }
0x406: {  	s17 =	smov.u32 s0  }
.LBB2_37:
0x407: {  	p5 =	seq.s32 s17, $0x0  }
0x408: {  	s0 =	sadd.s32 @!p5 $0x1, s17  }
0x409: {  	s6 =	sand.u32 @!p5 $0x1, s17;
	p1 =	sge.s32 @!p5 s0, s21  }
0x40a: {  	p6 =	seq.s32 @!p5 s6, $0x1;
	p1 =	por p5, p1  }
0x40b: {  	_ =	swait.ge [sflag:s28], $0x100;
	p4 =	por p1, !p6  }
.Ltmp23:
0x40c: {  	[sflag:s28] =	ssyncset.done $0x0;
	(pc) =	sbr.rel @!p4 .LBB2_38-.Ltmp23, $4  }
0x40d: {  	s16 =	simm.s32 @!p5 $0x2;
	[sflag:s28] =	ssyncadd.s32 $0xFFFFFF00  }
0x40e: {  	_ =	swait.ge @!p5 [sflag:s16], $0x100  }
0x40f: {  	[sflag:s16] =	ssyncset.done @!p5 $0x0  }
0x410: {  	[sflag:s16] =	ssyncadd.s32 @!p5 $0xFFFFFF00  }
0x411: {  	p4 =	slt.s32 @!p5 s0, s21;
	s16 =	smov.u32 s6;
	p3 =	por p2, p2  }
0x412: {  	s16 =	simm.s32 @p5 $0x0;
	p3 =	por @!p5 p4, p4  }
0x413: {  	s6 =	smov.u32 @p1 s16;
	p3 =	por @!p1 p4, p4  }
0x414: {  	p0 =	sne.s32 @p3 s6, $0x0  }
0x415: {  	p0 =	por !p3, p0  }
.Ltmp24:
0x416: {  	_ = 	snop;
	(pc) =	sbr.rel @p0 .LBB2_41-.Ltmp24, $4  }
0x417: {  	_ = 	snop  }
0x418: {  	p4 =	por $0x0, $0x0;
	s16 =	smov.u32 s0  }
0x419: {  	p4 =	por @!p5 p6, p6;
	s16 =	simm.s32 @p5 $0x1  }
0x41a: {  	p4 =	por @!p1 p6, p6;
	s0 =	smov.u32 @p1 s16  }
0x41b: {  	s6 =	sshll.u32 s0, $0xA  }
0x41c: {  	s6 =	sshra.s32 s6, $0x2  }
0x41d: {  	s6 =	sadd.s32 s6, s15  }
0x41e: {  	[tilespmem:s1], [sflag:$0x1] =	stream.linear.gather [spmem:s6], $0x100, $0x38;
	[tilespmem:$0x1FE20] =	vst v63  }
.LBB2_42:
.Ltmp25:
0x41f: {  	s6 =	sshll.u32 s17, $0x8;
	(pc) =	sbr.rel @p4 .LBB2_44-.Ltmp25, $4  }
.Ltmp26:
0x420: {  	s6 =	sadd.s32 s25, s6;
	(pc) =	sbr.rel @!p4 .LBB2_45-.Ltmp26, $4  }
0x421: {  	s6 =	sshrl.u32 s6, $0x3  }
0x422: {  	s6 =	sadd.s32 s13, s6  }
0x423: {  	[hbm4b:s6+s12] =	stream.linear.scatter [tilespmem:s19], [sflag:$0x2], $0x100, $0x38;
	[tilespmem:$0x1FE20] =	vst v63  }
0x424: {  	_ = 	snop  }
.LBB2_41:
0x425: {  	p0 =	sne.s32 s6, $0x0  }
.Ltmp27:
0x426: {  	_ = 	snop;
	(pc) =	sbr.rel @!p0 .LBB2_42-.Ltmp27, $1  }
0x427: {  	_ =	sdelay $0x3  }
.Ltmp28:
0x428: {  	(pc) =	sbr.rel @!p4 .LBB2_45-.Ltmp28, $4  }
.Ltmp29:
0x429: {  	(pc) =	sbr.rel @p4 .LBB2_44-.Ltmp29, $4  }
0x42a: {  	_ = 	snop  }
0x42b: {  	_ = 	snop  }
0x42c: {  	_ = 	snop  }
0x42d: {  	_ = 	snop  }
.LBB2_46:
0x42e: {  	s0 =	simm.s32 $0x2  }
0x42f: {  	_ =	swait.ge [sflag:s0], $0x100  }
0x430: {  	[sflag:s0] =	ssyncset.done $0x0  }
0x431: {  	[sflag:s0] =	ssyncadd.s32 $0xFFFFFF00  }
.LBB2_47:
0x432: {  	s0 =	sshll.u32 s21, $0x8;
	s6 =	sand.u32 $0x80, s24  }
0x433: {  	s15 =	ssub.s32 s24, s0;
	p4 =	seq.s32 s6, $0x0  }
0x434: {  	s6 =	sand.u32 @!p4 $0xFFFFFF00, s15  }
0x435: {  	s16 =	sadd.s32 @!p4 s8, s10;
	s6 =	sadd.s32 @!p4 s0, s6  }
0x436: {  	s17 =	simm.s32 @!p4 $0x1AC20;
	s16 =	sadd.s32 @!p4 s6, s16  }
0x437: {  	[tilespmem:s17], [sflag:$0x3] =	stream.linear.gather @!p4 [spmem:s16], $0x80, $0x38;
	[tilespmem:$0x1FE20] =	vst v63  }
0x438: {  	s16 =	simm.s32 @!p4 $0x3  }
0x439: {  	s6 =	sadd.s32 @!p4 s25, s6;
	_ =	swait.ge @!p4 [sflag:s16], $0x80  }
0x43a: {  	s6 =	sshrl.u32 @!p4 s6, $0x3;
	[sflag:s16] =	ssyncset.done @!p4 $0x0  }
0x43b: {  	s21 =	simm.s32 @!p4 $0x0;
	s6 =	sadd.s32 @!p4 s13, s6;
	[sflag:s16] =	ssyncadd.s32 @!p4 $0xFFFFFF80  }
0x43c: {  	[hbm4b:s6+s21] =	stream.linear.scatter @!p4 [tilespmem:s17], [sflag:$0x3], $0x80, $0x38;
	[tilespmem:$0x1FE20] =	vst v63  }
0x43d: {  	s21 =	sand.u32 $0x40, s24  }
0x43e: {  	p3 =	seq.s32 s21, $0x0  }
0x43f: {  	_ =	swait.ge @!p4 [sflag:s16], $0x80;
	s6 =	sand.u32 @!p3 $0xFFFFFF80, s15  }
0x440: {  	[sflag:s16] =	ssyncset.done @!p4 $0x0;
	s17 =	sadd.s32 @!p3 s8, s10;
	s6 =	sadd.s32 @!p3 s0, s6  }
0x441: {  	[sflag:s16] =	ssyncadd.s32 @!p4 $0xFFFFFF80;
	s16 =	sadd.s32 @!p3 s6, s17;
	s17 =	simm.s32 @!p3 $0x1AC20  }
0x442: {  	[tilespmem:s17], [sflag:$0x3] =	stream.linear.gather @!p3 [spmem:s16], $0x40, $0x38;
	[tilespmem:$0x1FE20] =	vst v63  }
0x443: {  	s16 =	simm.s32 @!p3 $0x3  }
0x444: {  	s6 =	sadd.s32 @!p3 s25, s6;
	_ =	swait.ge @!p3 [sflag:s16], $0x40  }
0x445: {  	s6 =	sshrl.u32 @!p3 s6, $0x3;
	[sflag:s16] =	ssyncset.done @!p3 $0x0  }
0x446: {  	s21 =	simm.s32 @!p3 $0x0;
	s6 =	sadd.s32 @!p3 s13, s6;
	[sflag:s16] =	ssyncadd.s32 @!p3 $0xFFFFFFC0  }
0x447: {  	[hbm4b:s6+s21] =	stream.linear.scatter @!p3 [tilespmem:s17], [sflag:$0x3], $0x40, $0x38;
	[tilespmem:$0x1FE20] =	vst v63  }
0x448: {  	s17 =	sand.u32 $0x20, s24  }
0x449: {  	p4 =	seq.s32 s17, $0x0  }
0x44a: {  	_ =	swait.ge @!p3 [sflag:s16], $0x40;
	s6 =	sand.u32 @!p4 $0xFFFFFFC0, s15  }
0x44b: {  	[sflag:s16] =	ssyncset.done @!p3 $0x0;
	s17 =	sadd.s32 @!p4 s8, s10;
	s6 =	sadd.s32 @!p4 s0, s6  }
0x44c: {  	[sflag:s16] =	ssyncadd.s32 @!p3 $0xFFFFFFC0;
	s16 =	sadd.s32 @!p4 s6, s17;
	s17 =	simm.s32 @!p4 $0x1AC20  }
0x44d: {  	[tilespmem:s17], [sflag:$0x3] =	stream.linear.gather @!p4 [spmem:s16], $0x20, $0x38;
	[tilespmem:$0x1FE20] =	vst v63  }
0x44e: {  	s16 =	simm.s32 @!p4 $0x3  }
0x44f: {  	s6 =	sadd.s32 @!p4 s25, s6;
	_ =	swait.ge @!p4 [sflag:s16], $0x20  }
0x450: {  	s6 =	sshrl.u32 @!p4 s6, $0x3;
	[sflag:s16] =	ssyncset.done @!p4 $0x0  }
0x451: {  	s21 =	simm.s32 @!p4 $0x0;
	s6 =	sadd.s32 @!p4 s13, s6;
	[sflag:s16] =	ssyncadd.s32 @!p4 $0xFFFFFFE0  }
0x452: {  	[hbm4b:s6+s21] =	stream.linear.scatter @!p4 [tilespmem:s17], [sflag:$0x3], $0x20, $0x38;
	[tilespmem:$0x1FE20] =	vst v63  }
0x453: {  	s21 =	sand.u32 $0x10, s24  }
0x454: {  	p5 =	seq.s32 s21, $0x0  }
0x455: {  	_ =	swait.ge @!p4 [sflag:s16], $0x20;
	s6 =	sand.u32 @!p5 $0xFFFFFFE0, s15  }
0x456: {  	[sflag:s16] =	ssyncset.done @!p4 $0x0;
	s0 =	sadd.s32 @!p5 s0, s6;
	s6 =	sadd.s32 @!p5 s8, s10  }
0x457: {  	[sflag:s16] =	ssyncadd.s32 @!p4 $0xFFFFFFE0;
	s8 =	simm.s32 @!p5 $0x1AC20;
	s6 =	sadd.s32 @!p5 s0, s6  }
0x458: {  	[tilespmem:s8], [sflag:$0x3] =	stream.linear.gather @!p5 [spmem:s6], $0x10, $0x38;
	[tilespmem:$0x1FE20] =	vst v63  }
0x459: {  	s6 =	simm.s32 @!p5 $0x3  }
0x45a: {  	s15 =	sand.u32 $0xF, s24;
	s0 =	sadd.s32 @!p5 s25, s0;
	_ =	swait.ge @!p5 [sflag:s6], $0x10  }
0x45b: {  	s16 =	simm.s32 @!p5 $0x0;
	s0 =	sshrl.u32 @!p5 s0, $0x3;
	[sflag:s6] =	ssyncset.done @!p5 $0x0  }
0x45c: {  	p3 =	seq.s32 s15, $0x0;
	s0 =	sadd.s32 @!p5 s13, s0;
	[sflag:s6] =	ssyncadd.s32 @!p5 $0xFFFFFFF0  }
0x45d: {  	[hbm4b:s0+s16] =	stream.linear.scatter @!p5 [tilespmem:s8], [sflag:$0x3], $0x10, $0x38;
	[tilespmem:$0x1FE20] =	vst v63  }
0x45e: {  	s0 =	sadd.s32 @!p3 s2, s23;
	_ =	swait.ge @!p5 [sflag:s6], $0x10  }
0x45f: {  	s0 =	ssub.s32 @!p3 s0, s15;
	[sflag:s6] =	ssyncset.done @!p5 $0x0  }
0x460: {  	s0 =	sadd.s32 @!p3 s0, s10;
	[sflag:s6] =	ssyncadd.s32 @!p5 $0xFFFFFFF0;
	s6 =	simm.s32 @!p3 $0x1AB20  }
0x461: {  	[tilespmem:s6], [sflag:$0x3] =	stream.linear.gather @!p3 [spmem:s0], $0x10, $0x38;
	[tilespmem:$0x1FE20] =	vst v63  }
0x462: {  	s0 =	sadd.s32 @!p3 s2, s22;
	s2 =	simm.s32 @!p3 $0x3  }
0x463: {  	v8 =	vmov @!p3 s15;
	v9 =	vlaneseq.u32 @!p3;
	s0 =	ssub.s32 @!p3 s0, s15;
	_ =	swait.ge @!p3 [sflag:s2], $0x10  }
0x464: {  	vm0 =	vgt.u32 @!p3 v8, v9;
	[sflag:s2] =	ssyncset.done @!p3 $0x0;
	v8 =	vadd.s32 @!p3 s0, v9;
	v9 =	vor.u32 @!p3 $0x186A00, v9  }
0x465: {  	[sflag:s2] =	ssyncadd.s32 @!p3 $0xFFFFFFF0;
	v8 =	vsel @!p3 vm0, v8, v9  }
0x466: {  	s0 =	simm.s32 @!p3 $0x10;
	s2 =	simm.s32 @!p3 $0x1ABA0;
	[tilespmem:$0x1ABA0] =	vst @!p3 v8  }
0x467: {  	[hbm4b:s13+s0] =	stream.indirect.scatter @!p3 [tilespmem:s6], [sflag:$0x1], $0x1, s2, s0, $0xb8;
	[tilespmem:$0x1FE20] =	vst v63  }
0x468: {  	s0 =	simm.s32 @!p3 $0x1  }
0x469: {  	_ =	swait.ge @!p3 [sflag:s0], $0x10  }
0x46a: {  	[sflag:s0] =	ssyncset.done @!p3 $0x0  }
0x46b: {  	[sflag:s0] =	ssyncadd.s32 @!p3 $0xFFFFFFF0  }
.LBB2_48:
0x46c: {  	_ =	sdelay $0x3  }
0x46d: {  	v8 =	vld.idx.msk [tilespmem:v7+s4+$0x0], $0xffff;
	_ =	sdelay $0x4  }
0x46e: {  	v9 =	vld.idx.msk [tilespmem:v7+s3+$0x0], $0xffff;
	(v2sf) =	vpush v8, $0x0  }
0x46f: {  	v7 =	vld.idx.msk [tilespmem:v7+s5+$0x0], $0xffff;
	_ =	sdelay $0x3  }
0x470: {  	(v2sf) =	vpush v9, $0x0  }
0x471: {  	(v2sf) =	vpush v7, $0x0;
	_ =	sdelay $0x8  }
0x472: {  	s2 =	spop (v2sf)  }
0x473: {  	p0 =	slt.s32 s2, $0x1  }
.Ltmp30:
0x474: {  	_ = 	snop;
	(pc) =	sbr.rel @p0 .LBB2_62-.Ltmp30, $3  }
0x475: {  	_ =	sdelay $0x1  }
0x476: {  	s22 =	spop (v2sf)  }
0x477: {  	s23 =	spop (v2sf)  }
0x478: {  	s0 =	ssub.s32 $0x0, s22  }
0x479: {  	s0 =	sand.u32 $0xF, s0  }
0x47a: {  	p3 =	seq.s32 s0, $0x0  }
0x47b: {  	s6 =	sand.u32 @!p3 $0xF, s22  }
0x47c: {  	s0 =	smin.u32 s2, s0;
	s8 =	ssub.s32 @!p3 s23, s6  }
0x47d: {  	s16 =	simm.s32 @!p3 $0x1AB20;
	s15 =	sadd.s32 @!p3 s6, s0;
	s8 =	sadd.s32 @!p3 s8, s11  }
0x47e: {  	v7 =	vlaneseq.u32 @!p3;
	[tilespmem:s16], [sflag:$0x3] =	stream.linear.gather @!p3 [spmem:s8], $0x10, $0x38;
	[tilespmem:$0x1FE20] =	vst v63  }
0x47f: {  	v8 =	vmov @!p3 s6;
	v9 =	vadd.s32 @!p3 $0x1, v7;
	v10 =	vmov @!p3 s15;
	s8 =	simm.s32 @!p3 $0x3  }
0x480: {  	s24 =	ssub.s32 s2, s0;
	s6 =	sand.u32 @!p3 $0xFFFFFFF0, s22;
	vm0 =	vlt.u32 @!p3 v8, v9;
	vm1 =	vgt.u32 @!p3 v10, v7;
	_ =	swait.ge @!p3 [sflag:s8], $0x10  }
0x481: {  	s21 =	sand.u32 $0xFF, s24;
	v8 =	vor.u32 @!p3 s6, v7;
	v7 =	vor.u32 @!p3 $0x186A00, v7;
	vm0 =	vmand @!p3 vm0, vm1;
	[sflag:s8] =	ssyncset.done @!p3 $0x0  }
0x482: {  	p0 =	slt.s32 s24, $0x1;
	p1 =	sne.s32 s21, $0x0;
	v7 =	vsel @!p3 vm0, v8, v7;
	[sflag:s8] =	ssyncadd.s32 @!p3 $0xFFFFFFF0  }
0x483: {  	s6 =	simm.s32 @!p3 $0x10;
	p0 =	por !p0, !p1;
	s8 =	simm.s32 @!p3 $0x1ABA0;
	[tilespmem:$0x1ABA0] =	vst @!p3 v7  }
0x484: {  	[hbm4b:s14+s6] =	stream.indirect.scatter @!p3 [tilespmem:s16], [sflag:$0x1], $0x1, s8, s6, $0xb8;
	[tilespmem:$0x1FE20] =	vst v63  }
0x485: {  	p0 =	por !p0, !p0;
	s6 =	simm.s32 $0x1  }
0x486: {  	s25 =	sshrl.u32 s24, $0x8;
	s6 =	simm.s32 @!p0 $0x0  }
0x487: {  	s21 =	ssub.s32 s25, s6  }
0x488: {  	p0 =	slt.s32 s21, $0x1  }
.Ltmp31:
0x489: {  	_ = 	snop;
	(pc) =	sbr.rel @p0 .LBB2_61-.Ltmp31, $4  }
0x48a: {  	s8 =	simm.s32 @!p3 $0x1  }
0x48b: {  	_ =	swait.ge @!p3 [sflag:s8], $0x10  }
0x48c: {  	[sflag:s8] =	ssyncset.done @!p3 $0x0  }
0x48d: {  	s25 =	sadd.s32 s22, s0;
	[sflag:s8] =	ssyncadd.s32 @!p3 $0xFFFFFFF0;
	s8 =	sadd.s32 s23, s0  }
.Ltmp32:
0x48e: {  	(pc) =	sbr.rel .LBB2_51-.Ltmp32, $3  }
0x48f: {  	_ =	sdelay $0x1  }
0x490: {  	s15 =	sadd.s32 s8, s11;
	p3 =	sne.s32 s21, $0x1;
	s17 =	simm.s32 $0x0  }
0x491: {  	[tilespmem:s19], [sflag:$0x1] =	stream.linear.gather [spmem:s15], $0x100, $0x38;
	[tilespmem:$0x1FE20] =	vst v63  }
.LBB2_52:
0x492: {  	s6 =	sshll.u32 s0, $0xA  }
0x493: {  	s6 =	sshra.s32 s6, $0x2  }
0x494: {  	s6 =	sadd.s32 s6, s15  }
0x495: {  	[tilespmem:s19], [sflag:$0x1] =	stream.linear.gather [spmem:s6], $0x100, $0x38;
	[tilespmem:$0x1FE20] =	vst v63  }
.LBB2_58:
0x496: {  	s6 =	sshll.u32 s17, $0x8  }
0x497: {  	s6 =	sadd.s32 s25, s6  }
0x498: {  	s6 =	sshrl.u32 s6, $0x3  }
0x499: {  	s6 =	sadd.s32 s14, s6  }
0x49a: {  	[hbm4b:s6+s12] =	stream.linear.scatter [tilespmem:s1], [sflag:$0x2], $0x100, $0x38;
	[tilespmem:$0x1FE20] =	vst v63  }
.LBB2_59:
0x49b: {  	p0 =	slt.s32 s0, s21  }
.Ltmp33:
0x49c: {  	_ = 	snop;
	(pc) =	sbr.rel @!p0 .LBB2_60-.Ltmp33, $2  }
0x49d: {  	_ =	sdelay $0x2  }
0x49e: {  	s17 =	smov.u32 s0  }
.LBB2_51:
0x49f: {  	p5 =	seq.s32 s17, $0x0  }
0x4a0: {  	s0 =	sadd.s32 @!p5 $0x1, s17  }
0x4a1: {  	s6 =	sand.u32 @!p5 $0x1, s17;
	p0 =	sge.s32 @!p5 s0, s21  }
0x4a2: {  	p6 =	seq.s32 @!p5 s6, $0x1;
	p1 =	por p5, p0  }
0x4a3: {  	_ =	swait.ge [sflag:s28], $0x100;
	p0 =	por p1, !p6  }
.Ltmp34:
0x4a4: {  	[sflag:s28] =	ssyncset.done $0x0;
	(pc) =	sbr.rel @!p0 .LBB2_52-.Ltmp34, $4  }
0x4a5: {  	s16 =	simm.s32 @!p5 $0x2;
	[sflag:s28] =	ssyncadd.s32 $0xFFFFFF00  }
0x4a6: {  	_ =	swait.ge @!p5 [sflag:s16], $0x100  }
0x4a7: {  	[sflag:s16] =	ssyncset.done @!p5 $0x0  }
0x4a8: {  	[sflag:s16] =	ssyncadd.s32 @!p5 $0xFFFFFF00  }
0x4a9: {  	p0 =	slt.s32 @!p5 s0, s21;
	s16 =	smov.u32 s6;
	p2 =	por p3, p3  }
0x4aa: {  	s16 =	simm.s32 @p5 $0x0;
	p2 =	por @!p5 p0, p0  }
0x4ab: {  	s6 =	smov.u32 @p1 s16;
	p2 =	por @!p1 p0, p0  }
0x4ac: {  	p0 =	sne.s32 @p2 s6, $0x0  }
0x4ad: {  	p0 =	por !p2, p0  }
.Ltmp35:
0x4ae: {  	_ = 	snop;
	(pc) =	sbr.rel @p0 .LBB2_55-.Ltmp35, $4  }
0x4af: {  	_ = 	snop  }
0x4b0: {  	p4 =	por $0x0, $0x0;
	s16 =	smov.u32 s0  }
0x4b1: {  	p4 =	por @!p5 p6, p6;
	s16 =	simm.s32 @p5 $0x1  }
0x4b2: {  	p4 =	por @!p1 p6, p6;
	s0 =	smov.u32 @p1 s16  }
0x4b3: {  	s6 =	sshll.u32 s0, $0xA  }
0x4b4: {  	s6 =	sshra.s32 s6, $0x2  }
0x4b5: {  	s6 =	sadd.s32 s6, s15  }
0x4b6: {  	[tilespmem:s1], [sflag:$0x1] =	stream.linear.gather [spmem:s6], $0x100, $0x38;
	[tilespmem:$0x1FE20] =	vst v63  }
.LBB2_56:
.Ltmp36:
0x4b7: {  	s6 =	sshll.u32 s17, $0x8;
	(pc) =	sbr.rel @p4 .LBB2_58-.Ltmp36, $4  }
.Ltmp37:
0x4b8: {  	s6 =	sadd.s32 s25, s6;
	(pc) =	sbr.rel @!p4 .LBB2_59-.Ltmp37, $4  }
0x4b9: {  	s6 =	sshrl.u32 s6, $0x3  }
0x4ba: {  	s6 =	sadd.s32 s14, s6  }
0x4bb: {  	[hbm4b:s6+s12] =	stream.linear.scatter [tilespmem:s19], [sflag:$0x2], $0x100, $0x38;
	[tilespmem:$0x1FE20] =	vst v63  }
0x4bc: {  	_ = 	snop  }
.LBB2_55:
0x4bd: {  	p0 =	sne.s32 s6, $0x0  }
.Ltmp38:
0x4be: {  	_ = 	snop;
	(pc) =	sbr.rel @!p0 .LBB2_56-.Ltmp38, $1  }
0x4bf: {  	_ =	sdelay $0x3  }
.Ltmp39:
0x4c0: {  	(pc) =	sbr.rel @!p4 .LBB2_59-.Ltmp39, $4  }
.Ltmp40:
0x4c1: {  	(pc) =	sbr.rel @p4 .LBB2_58-.Ltmp40, $4  }
0x4c2: {  	_ = 	snop  }
0x4c3: {  	_ = 	snop  }
0x4c4: {  	_ = 	snop  }
0x4c5: {  	_ = 	snop  }
.LBB2_64:
0x4c6: {  	_ =	sfence.sel $0x180000  }
0x4c7: {  	[bflag:$0x0] =	sbarrier.arrive $0xFFFF  }
0x4c8: {  	_ =	strace $0x90000047  }
0x4c9: {  	[bflag:$0x2] =	sbarrier.arrive $0xFFFF  }
0x4ca: {  	s1 =	sld [smem:$0x7FC];
	_ =	sdelay $0x2  }
0x4cb: {  	s0 =	rddreg [dreg:$0xc];
	p0 =	seq.s32 s1, $0x1  }
0x4cc: {  	s0 =	sadd.s32 @!p0 $0x100000, s0  }
0x4cd: {  	[sflag:s0] =	ssyncadd.tile.s32 @!p0 $0x1;
	_ =	shalt  }
.Lfunc_end2:
_tile_overlayer_lowered:
.L_overlay_start_2:
0x4ce: {  	(tag) =	ssettag $0x2  }
0x4cf: {  	s0 =	rddreg [dreg:$0x0];
	s2 =	stileid.u32  }
0x4d0: {  	s1 =	rddreg [dreg:$0x1];
	p0 =	sne.s32 s2, $0x0  }
0x4d1: {  	s3 =	rddreg [dreg:$0x2];
	[bflag:$0x3] =	sbarrier.arrive $0xFFFF;
	s2 =	simm.s32 @!p0 $0x1C03  }
0x4d2: {  	[timem:s3], [sflag:s2] =	dma.local @!p0 [hbm:s0], s1  }
0x4d3: {  	s0 =	simm.s32 @!p0 $0x3  }
0x4d4: {  	_ =	swait.ge @!p0 [sflag:s0], s1  }
0x4d5: {  	s1 =	ssub.s32 @!p0 $0x0, s1;
	[sflag:s0] =	ssyncset.done @!p0 $0x0  }
0x4d6: {  	[sflag:s0] =	ssyncadd.s32 @!p0 s1  }
0x4d7: {  	[bflag:$0x3] =	sbarrier.arrive $0xFFFF  }
0x4d8: {  	_ =	shalt  }

// kernel: kernel.7.cloned.1.call-start
scs
__scs_entry_jumppad:
0x0: {  	(pc) =	sbr.rel $0x88, $3  }
0x1: {  	(tag) =	ssettag $0x0;
	lr =	simm.s32 $0x1  }
0x2: {  	[smem:$0x3F9B] =	sst lr;
	_ =	strace $0xD0000000  }
0x3: {  	_ = 	snop  }
0x4: {  	_ = 	snop  }
0x5: {  	_ = 	snop  }
0x6: {  	_ = 	snop  }
0x7: {  	_ = 	snop  }
__scs_overlays_trampoline_lowered:
0x8: {  	[smem:$0x3FAA] =	sst s0  }
0x9: {  	[smem:$0x3FAB] =	sst s1  }
0xa: {  	[smem:$0x3FAC] =	sst s2  }
0xb: {  	[smem:$0x3FAD] =	sst s3  }
0xc: {  	[smem:$0x3FAE] =	sst s4  }
0xd: {  	[smem:$0x3FAF] =	sst s5  }
0xe: {  	[smem:$0x3FB0] =	sst s6  }
0xf: {  	[smem:$0x3FB1] =	sst s7  }
0x10: {  	[smem:$0x3FB2] =	sst s8  }
0x11: {  	[smem:$0x3FB3] =	sst s9;
	s0 =	simm.s32 @!p0 $0x0  }
0x12: {  	s1 =	sld [smem:$0x3F99];
	s0 =	simm.s32 @p0 $0x1  }
0x13: {  	[smem:$0x3FB4] =	sst s0;
	s0 =	simm.s32 @!p1 $0x0  }
0x14: {  	s2 =	sld [smem:$0x3F98];
	s0 =	simm.s32 @p1 $0x1  }
0x15: {  	[smem:$0x3FB5] =	sst s0;
	s0 =	simm.s32 @!p2 $0x0  }
0x16: {  	s3 =	sld [smem:$0x3FDB];
	s0 =	simm.s32 @p2 $0x1  }
0x17: {  	s4 =	simm.s32 $0x1BF5;
	[smem:$0x3FB7] =	sst s0  }
0x18: {  	s0 =	sld [smem:$0x3F9A];
	_ =	swait.ge [sflag:s4], $0x0  }
0x19: {  	s7 =	sld [smem:$0x3F9B]  }
0x1a: {  	s8 =	sadd.s32 $0xFFFFE003, lr  }
0x1b: {  	s9 =	sadd.s32 $0xFFFFFEF7, lr;
	s5 =	simm.s32 $0xFFFFFFFF;
	p2 =	slt.u32 s8, $0xFFFFF086  }
0x1c: {  	p1 =	slt.u32 s9, $0xF7A;
	s5 =	simm.s32 @!p2 $0x0  }
0x1d: {  	s5 =	simm.s32 @p1 $0x1;
	p0 =	seq.s32 s7, s2  }
0x1e: {  	s7 =	smul.u32 @!p0 $0xF7A, s2;
	p2 =	seq.s32 @!p0 s5, $0x0  }
0x1f: {  	s9 =	smul.u32 $0xF7A, s1;
	s8 =	simm.s32 @!p0 $0x1BF5;
	p2 =	por !p2, p0  }
0x20: {  	[sflag:s8] =	ssyncset.s32 @!p0 $0xFFFFF086;
	s6 =	sadd.s32 @!p0 s3, s7;
	s7 =	simm.s32 @!p0 $0x108  }
0x21: {  	s3 =	sadd.s32 s3, s9;
	s6 =	sadd.s32 @!p0 $0x88, s6;
	s7 =	simm.s32 @p2 $0x1082  }
0x22: {  	[simem:s7], [sflag:s8] =	dma.local @!p0 [hbm:s6], $0xF7A  }
0x23: {  	s9 =	sor.u32 $0xD0000000, s2;
	s6 =	simm.s32 $0x108;
	_ =	swait.ge @!p0 [sflag:s8], $0x0  }
0x24: {  	s3 =	sadd.s32 $0x88, s3;
	s6 =	simm.s32 @!p1 $0x1082;
	[sflag:s4] =	ssyncset.s32 $0xFFFFF086  }
0x25: {  	[simem:s6], [sflag:s4] =	dma.local [hbm:s3], $0xF7A  }
0x26: {  	[smem:$0x3F9B] =	sst s1;
	(tag) =	ssettag s2;
	_ =	strace s9  }
0x27: {  	s1 =	sld [smem:$0x3FAB]  }
0x28: {  	s2 =	sld [smem:$0x3FAC]  }
0x29: {  	s4 =	sld [smem:$0x3FAE]  }
0x2a: {  	p0 =	seq.s32 s5, $0x0;
	s5 =	sld [smem:$0x3FAF]  }
0x2b: {  	s6 =	sld [smem:$0x3FB0]  }
0x2c: {  	s7 =	sld [smem:$0x3FB1]  }
0x2d: {  	s3 =	simm.s32 $0x108;
	s8 =	sld [smem:$0x3FB2]  }
0x2e: {  	s3 =	simm.s32 @!p0 $0x1082;
	s9 =	sld [smem:$0x3FB3]  }
0x2f: {  	lr =	sadd.s32 s0, s3;
	s0 =	sld [smem:$0x3FAA]  }
0x30: {  	s3 =	sld [smem:$0x3FAD]  }
0x31: {  	[smem:$0x3FB6] =	sst s10  }
0x32: {  	s10 =	sld [smem:$0x3FB4];
	_ =	sdelay $0x3  }
0x33: {  	p0 =	seq.s32 s10, $0x1;
	s10 =	sld [smem:$0x3FB6];
	_ =	sdelay $0x3  }
0x34: {  	[smem:$0x3FB6] =	sst s10  }
0x35: {  	s10 =	sld [smem:$0x3FB5];
	_ =	sdelay $0x3  }
0x36: {  	p1 =	seq.s32 s10, $0x1;
	s10 =	sld [smem:$0x3FB6];
	_ =	sdelay $0x3  }
0x37: {  	[smem:$0x3FB6] =	sst s10  }
0x38: {  	s10 =	sld [smem:$0x3FB7]  }
0x39: {  	_ = 	snop;
	(pc) =	sbr.ind lr, $3  }
0x3a: {  	_ = 	snop  }
0x3b: {  	_ = 	snop  }
0x3c: {  	p2 =	seq.s32 s10, $0x1;
	s10 =	sld [smem:$0x3FB6]  }
0x3d: {  	_ =	shalt  }
0x3e: {  	_ =	shalt  }
0x3f: {  	_ =	shalt  }
0x40: {  	_ =	shalt  }
0x41: {  	_ =	shalt  }
0x42: {  	_ =	shalt  }
0x43: {  	_ =	shalt  }
0x44: {  	_ =	shalt  }
0x45: {  	_ =	shalt  }
0x46: {  	_ =	shalt  }
0x47: {  	_ =	shalt  }
0x48: {  	_ =	shalt  }
0x49: {  	_ =	shalt  }
0x4a: {  	_ =	shalt  }
0x4b: {  	_ =	shalt  }
0x4c: {  	_ =	shalt  }
0x4d: {  	_ =	shalt  }
0x4e: {  	_ =	shalt  }
0x4f: {  	_ =	shalt  }
0x50: {  	_ =	shalt  }
0x51: {  	_ =	shalt  }
0x52: {  	_ =	shalt  }
0x53: {  	_ =	shalt  }
0x54: {  	_ =	shalt  }
0x55: {  	_ =	shalt  }
0x56: {  	_ =	shalt  }
0x57: {  	_ =	shalt  }
0x58: {  	_ =	shalt  }
0x59: {  	_ =	shalt  }
0x5a: {  	_ =	shalt  }
0x5b: {  	_ =	shalt  }
0x5c: {  	_ =	shalt  }
0x5d: {  	_ =	shalt  }
0x5e: {  	_ =	shalt  }
0x5f: {  	_ =	shalt  }
0x60: {  	_ =	shalt  }
0x61: {  	_ =	shalt  }
0x62: {  	_ =	shalt  }
0x63: {  	_ =	shalt  }
0x64: {  	_ =	shalt  }
0x65: {  	_ =	shalt  }
0x66: {  	_ =	shalt  }
0x67: {  	_ =	shalt  }
0x68: {  	_ =	shalt  }
0x69: {  	_ =	shalt  }
0x6a: {  	_ =	shalt  }
0x6b: {  	_ =	shalt  }
0x6c: {  	_ =	shalt  }
0x6d: {  	_ =	shalt  }
0x6e: {  	_ =	shalt  }
0x6f: {  	_ =	shalt  }
0x70: {  	_ =	shalt  }
0x71: {  	_ =	shalt  }
0x72: {  	_ =	shalt  }
0x73: {  	_ =	shalt  }
0x74: {  	_ =	shalt  }
0x75: {  	_ =	shalt  }
0x76: {  	_ =	shalt  }
0x77: {  	_ =	shalt  }
0x78: {  	_ =	shalt  }
0x79: {  	_ =	shalt  }
0x7a: {  	_ =	shalt  }
0x7b: {  	_ =	shalt  }
0x7c: {  	_ =	shalt  }
0x7d: {  	_ =	shalt  }
0x7e: {  	_ =	shalt  }
0x7f: {  	_ =	shalt  }
0x80: {  	_ =	shalt  }
0x81: {  	_ =	shalt  }
0x82: {  	_ =	shalt  }
0x83: {  	_ =	shalt  }
0x84: {  	_ =	shalt  }
0x85: {  	_ =	shalt  }
0x86: {  	_ =	shalt  }
0x87: {  	_ =	shalt  }
.Lfunc_end0:
.L_simem_size_0:
called_computation.2_lowered:
.L_overlay_start_0:
0x88: {  	s2 =	sld [smem:$0x3FD9]  }
0x89: {  	s3 =	sld [smem:$0x3FFE];
	_ =	sdelay $0x1  }
0x8a: {  	s1 =	srdreg.scid  }
0x8b: {  	s0 =	sand.u32 $0x1, s1  }
0x8c: {  	s14 =	sshll.u32 s0, $0xA;
	s2 =	sadd.s32 s3, s2  }
0x8d: {  	s2 =	sadd.s32 s2, s14  }
0x8e: {  	[smem:$0x3FC2] =	sst s2  }
0x8f: {  	_ = 	snop  }
0x90: {  	s2 =	sld [smem:$0x3FD0];
	_ =	sdelay $0x2  }
0x91: {  	s15 =	simm.s32 $0xA;
	s4 =	simm.s32 $0x10  }
0x92: {  	[smem:s4], [sflag:s15] =	dma.local [hbm:s2], $0x1  }
0x93: {  	_ =	swait.eq [sflag:s15], $0x1  }
0x94: {  	s16 =	sld [smem:$0x10];
	[sflag:s15] =	ssyncset.done $0x0  }
0x95: {  	s17 =	sld [smem:$0x11];
	[sflag:s15] =	ssyncadd.s32 $0xFFFFFFFF  }
0x96: {  	s18 =	sld [smem:$0x13];
	(tm) =	ssettm $0x1  }
0x97: {  	s5 =	sld [smem:$0x3FFB];
	_ =	sdelay $0x3  }
0x98: {  	_ =	strace s5  }
0x99: {  	s5 =	sld [smem:$0x3FFC];
	_ =	sdelay $0x3  }
0x9a: {  	_ =	strace s5  }
0x9b: {  	s5 =	sld [smem:$0x3FFD];
	_ =	sdelay $0x3  }
0x9c: {  	_ =	strace s5  }
0x9d: {  	_ =	strace $0x8FFFFFFF  }
0x9e: {  	s19 =	sld [smem:$0x3FDB];
	_ =	sdelay $0x1  }
0x9f: {  	s6 =	simm.s32 $_scs_section_size  }
0xa0: {  	s7 =	simm.s32 $_size__tile_overlayer_lowered;
	s8 =	simm.s32 $_tile_overlayer_lowered  }
0xa1: {  	s22 =	simm.s32 $0x1BFF;
	s21 =	sshll.u32 s8, $0x1;
	s5 =	sadd.s32 s6, s19  }
0xa2: {  	s9 =	simm.s32 $0x0;
	s20 =	sshll.u32 s7, $0x1;
	s7 =	sadd.s32 s21, s5  }
0xa3: {  	[timem:s9], [sflag:s22] =	dma.local [hbm:s7], s20  }
0xa4: {  	_ =	swait.ge [sflag:s22], s20  }
0xa5: {  	s6 =	ssub.s32 $0x0, s20;
	[sflag:s22] =	ssyncset.done $0x0  }
0xa6: {  	[sflag:s22] =	ssyncadd.s32 s6;
	_ =	sdelay $0x1  }
0xa7: {  	s23 =	simm.s32 $0x1B8B  }
0xa8: {  	_ =	swait.ge [sflag:s23], $0x1  }
0xa9: {  	[sflag:s23] =	ssyncset.done $0x0  }
0xaa: {  	s25 =	simm.s32 $0x1B8E;
	s24 =	sld [smem:$0x3FFE];
	[sflag:s23] =	ssyncadd.s32 $0xFFFFFFFF  }
0xab: {  	s26 =	simm.s32 $execute0_lowered;
	[smem:$0x3FD2] =	sst s25  }
0xac: {  	s7 =	sshll.u32 s26, $0x1;
	_ =	strace $0x80000049;
	[dreg:$0x1] =	wrdreg $0xFFFFFFFF  }
0xad: {  	s28 =	simm.s32 $_size_execute0_lowered;
	s5 =	sadd.s32 s5, s7;
	[dreg:$0x0] =	wrdreg $0x0  }
0xae: {  	s7 =	sshll.u32 s28, $0x1;
	[dreg:$0x2] =	wrdreg s5  }
0xaf: {  	[dreg:$0x3] =	wrdreg s7  }
0xb0: {  	[dreg:$0x4] =	wrdreg $0xC0  }
0xb1: {  	_ =	task [dreg:s9], $0x5FFFF  }
0xb2: {  	[dreg:$0x1] =	wrdreg $0xFFFFFFFF  }
0xb3: {  	[dreg:$0x0] =	wrdreg $0x60  }
0xb4: {  	[dreg:$0x2] =	wrdreg s24  }
0xb5: {  	[dreg:$0x3] =	wrdreg s16  }
0xb6: {  	[dreg:$0x4] =	wrdreg s17  }
0xb7: {  	[dreg:$0x5] =	wrdreg s18  }
0xb8: {  	[dreg:$0x6] =	wrdreg $0x0  }
0xb9: {  	[dreg:$0x7] =	wrdreg $0xC380  }
0xba: {  	[dreg:$0x8] =	wrdreg $0x18700  }
0xbb: {  	[dreg:$0x9] =	wrdreg $0x9  }
0xbc: {  	_ =	task.clear_ibuf [dreg:s9], $0xAFFFF;
	_ =	strace $0x90000049  }
0xbd: {  	s29 =	simm.s32 $0x9;
	_ =	strace $0x8000004B  }
0xbe: {  	_ =	swait.ge [sflag:s29], $0x1  }
0xbf: {  	[sflag:s29] =	ssyncadd.s32 $0xFFFFFFFF  }
0xc0: {  	_ =	strace $0x9000004B  }
0xc1: {  	_ =	sfence  }
0xc2: {  	s30 =	sld [smem:$0x0];
	_ =	sdelay $0x2  }
0xc3: {  	s31 =	sshll.u32 s1, $0xD;
	s1 =	sshrl.u32 s1, $0x2  }
0xc4: {  	s3 =	sand.u32 $0x4000, s31;
	s1 =	sadd.s32 s1, s30  }
0xc5: {  	s0 =	sor.u32 s3, s0;
	s1 =	sshll.u32 s1, $0x11  }
0xc6: {  	s0 =	sor.u32 s1, s0  }
0xc7: {  	s0 =	sadd.s32 $0x8F2B, s0  }
0xc8: {  	[sflag:s0] =	ssyncadd.remote.s32 $0x1  }
0xc9: {  	_ =	sfence.sel $0xFFFF  }
0xca: {  	[dreg:$0x0] =	wrdreg $0xFFFFFFFF;
	(pc) =	sbr.abs _section_cstart, $3  }
0xcb: {  	[dreg:$0x1] =	wrdreg $0xFFFFFFFF  }
0xcc: {  	_ =	task.clear_ibuf [dreg:s9], $0x2FFFF;
	_ =	strace $0x9FFFFFFF  }
0xcd: {  	(tm) =	ssettm $0x7FFFFFFF  }
tec
execute0_lowered:
.L_overlay_start_1:
0x0: {  	(tag) =	ssettag $0x1  }
0x1: {  	s0 =	rddreg [dreg:$0x0]  }
0x2: {  	s4 =	rddreg [dreg:$0x4]  }
0x3: {  	s5 =	rddreg [dreg:$0x5]  }
0x4: {  	s6 =	rddreg [dreg:$0x6];
	s7 =	simm.s32 $0x0  }
0x5: {  	s24 =	srdreg.scid;
	s3 =	stileid.u32;
	s21 =	simm.s32 $0x24A8  }
0x6: {  	s28 =	simm.s32 $0x3528;
	s31 =	simm.s32 $0x5528;
	s11 =	simm.s32 $0x6528  }
0x7: {  	s12 =	simm.s32 $0x6D28;
	s13 =	simm.s32 $0x9D28;
	s17 =	simm.s32 $0x8528  }
0x8: {  	s18 =	simm.s32 $0x8D28;
	s19 =	simm.s32 $0x9528;
	s20 =	simm.s32 $0x160A8  }
0x9: {  	s22 =	simm.s32 $0x2;
	[smem:$0x7FF] =	sst s7;
	s8 =	sadd.s32 $0x1800, s0  }
0xa: {  	s9 =	sadd.s32 $0x32600, s0;
	s1 =	sadd.s32 $0x66A00, s0;
	s2 =	sadd.s32 $0x65000, s0  }
0xb: {  	s25 =	sadd.s32 $0x63600, s0;
	s26 =	sadd.s32 $0x63400, s0;
	s14 =	sadd.s32 $0x68400, s0  }
0xc: {  	_ =	strace $0x8000004A;
	[dreg:$0x8] =	wrdreg s1;
	s1 =	sand.u32 $0x1, s24  }
0xd: {  	s15 =	sadd.s32 $0x99200, s0;
	[dreg:$0x9] =	wrdreg s2;
	s29 =	ssub.s32 $0x2, s1  }
0xe: {  	p0 =	sne.s32 s3, $0x0;
	[dreg:$0xa] =	wrdreg s25;
	s10 =	sshrl.u32 s29, $0x1  }
0xf: {  	v0 =	vlaneseq.u32;
	[dreg:$0xb] =	wrdreg s26;
	s25 =	simm.s32 $0x1;
	s30 =	ssub.s32 s29, s10  }
0x10: {  	v0 =	vmul.u32 $0x19, v0;
	s26 =	simm.s32 $0x7D0;
	s2 =	simm.s32 $0x0;
	s0 =	smax.u32 s30, $0x1  }
0x11: {  	v1 =	vimm.f32 $0.0e+00;
	s1 =	sshll.u32 s1, $0x4;
	[dreg:$0xc] =	wrdreg s0;
	s0 =	sshrl.u32 @!p0 s4, $0x3  }
0x12: {  	v4 =	vimm.f32 $1.000000000e+00;
	v2 =	vadd.s32 $0x6, v0;
	v3 =	vadd.s32 $0xD, v0;
	s1 =	sor.u32 s3, s1;
	[dreg:$0xd] =	wrdreg s0;
	s0 =	sshrl.u32 @!p0 s5, $0x3  }
0x13: {  	v5 =	vadd.s32 $0x1, v0;
	v6 =	vadd.s32 $0x2, v0;
	v7 =	vadd.s32 $0x3, v0;
	s16 =	smul.u32 $0xC350, s1;
	[dreg:$0xe] =	wrdreg s0;
	s0 =	sshrl.u32 @!p0 s6, $0x3  }
0x14: {  	v8 =	vadd.s32 $0x4, v0;
	v9 =	vadd.s32 $0x5, v0;
	v10 =	vadd.s32 $0x18, v0;
	s1 =	simm.s32 $0x3D28;
	s10 =	simm.s32 $0x5D28;
	[dreg:$0xf] =	wrdreg s0  }
.LBB2_1:
0x15: {  	[dreg:$0x10] =	wrdreg s2  }
0x16: {  	s2 =	rddreg [dreg:$0x8]  }
0x17: {  	s0 =	simm.s32 @!p0 $0x1C03;
	s3 =	rddreg [dreg:$0xd]  }
0x18: {  	[spmem:s3], [sflag:s0] =	dma.local @!p0 [hbm:s2], $0x1870  }
0x19: {  	s2 =	simm.s32 @!p0 $0x3  }
0x1a: {  	_ =	swait.ge @!p0 [sflag:s2], $0x1870  }
0x1b: {  	[sflag:s2] =	ssyncset.done @!p0 $0x0;
	s3 =	rddreg [dreg:$0x9]  }
0x1c: {  	s23 =	rddreg [dreg:$0xe];
	[sflag:s2] =	ssyncadd.s32 @!p0 $0xFFFFE790  }
0x1d: {  	[spmem:s23], [sflag:s0] =	dma.local @!p0 [hbm:s3], $0x1870  }
0x1e: {  	_ =	swait.ge @!p0 [sflag:s2], $0x1870  }
0x1f: {  	[sflag:s2] =	ssyncset.done @!p0 $0x0;
	s3 =	rddreg [dreg:$0xa]  }
0x20: {  	s23 =	rddreg [dreg:$0xf];
	[sflag:s2] =	ssyncadd.s32 @!p0 $0xFFFFE790  }
0x21: {  	[spmem:s23], [sflag:s0] =	dma.local @!p0 [hbm:s3], $0x1870  }
0x22: {  	_ =	swait.ge @!p0 [sflag:s2], $0x1870  }
0x23: {  	[sflag:s2] =	ssyncset.done @!p0 $0x0  }
0x24: {  	[sflag:s2] =	ssyncadd.s32 @!p0 $0xFFFFE790  }
0x25: {  	[bflag:$0x0] =	sbarrier.arrive $0xFFFF  }
0x26: {  	s30 =	simm.s32 $0x3;
	s29 =	rddreg [dreg:$0xb]  }
0x27: {  	[tilespmem:s21], [sflag:$0x3] =	stream.linear.gather [hbm4b:s29+s7], $0x80, $0x38;
	[tilespmem:$0x168A8] =	vst v63  }
0x28: {  	_ =	swait.ge [sflag:s30], $0x80  }
0x29: {  	[sflag:s30] =	ssyncset.done $0x0  }
0x2a: {  	s0 =	simm.s32 $0x40;
	s2 =	simm.s32 $0x0;
	[sflag:s30] =	ssyncadd.s32 $0xFFFFFF80  }
.LBB2_2:
0x2b: {  	p1 =	sne.s32 s0, $0x30D00;
	[tilespmem:s2+$0x9D28] =	vst v1;
	s2 =	smov.u32 s0;
	s0 =	sadd.s32 $0x40, s0  }
.Ltmp0:
0x2c: {  	(pc) =	sbr.rel @p1 .LBB2_2-.Ltmp0, $2  }
0x2d: {  	_ =	sdelay $0x2  }
0x2e: {  	s2 =	sshra.s32 s2, $0x2  }
0x2f: {  	[tilespmem:s2+$0x9D28] =	vst v1;
	s0 =	simm.s32 $0x0;
	s2 =	simm.s32 $0x0  }
.LBB2_4:
0x30: {  	s3 =	smul.u32 $0x7D0, s2;
	_ =	sdelay $0x1  }
0x31: {  	s23 =	sadd.s32 s16, s3  }
0x32: {  	s3 =	sshrl.u32 s23, $0x3  }
0x33: {  	s29 =	simm.s32 $0x2528;
	s24 =	sadd.s32 s8, s3  }
0x34: {  	[tilespmem:s29], [sflag:$0x1] =	stream.linear.gather [hbm4b:s24+s0], $0x7D0, $0x38;
	[tilespmem:$0x168A8] =	vst v63  }
0x35: {  	s30 =	sadd.s32 s9, s3;
	s29 =	simm.s32 $0x2D28  }
0x36: {  	[tilespmem:s29], [sflag:$0x1] =	stream.linear.gather [hbm4b:s30+s0], $0x7D0, $0x38;
	[tilespmem:$0x168A8] =	vst v63  }
0x37: {  	_ =	swait.ge [sflag:s25], $0x7D0  }
0x38: {  	[sflag:s25] =	ssyncset.done $0x0  }
0x39: {  	[sflag:s25] =	ssyncadd.s32 $0xFFFFF830  }
0x3a: {  	_ =	swait.ge [sflag:s25], $0x7D0  }
0x3b: {  	[sflag:s25] =	ssyncset.done $0x0  }
0x3c: {  	s24 =	simm.s32 $0x0;
	[sflag:s25] =	ssyncadd.s32 $0xFFFFF830  }
0x3d: {  	v11 =	vld [tilespmem:s24+$0x2D28]  }
0x3e: {  	v12 =	vld [tilespmem:s24+$0x2528]  }
0x3f: {  	s29 =	simm.s32 $0x40  }
.LBB2_5:
0x40: {  	p1 =	sne.s32 s29, $0x1F00  }
.Ltmp1:
0x41: {  	_ = 	snop;
	(pc) =	sbr.rel @p1 .LBB2_5-.Ltmp1, $4  }
0x42: {  	s30 =	sshra.s32 s29, $0x2;
	v13 =	vshll.u32 v11, $0xF  }
0x43: {  	v11 =	vld [tilespmem:s30+$0x2D28];
	v14 =	vand.u32 $0x1FFFF, v12;
	v15 =	vshrl.u32 v12, $0x11;
	v13 =	vand.u32 $0x18000, v13  }
0x44: {  	v12 =	vld [tilespmem:s30+$0x2528];
	[tilespmem:s24+$0x3528] =	vst v14;
	v13 =	vor.u32 v15, v13  }
0x45: {  	s29 =	sadd.s32 $0x40, s29;
	[tilespmem:s24+$0x3D28] =	vst v13;
	s24 =	smov.u32 s30  }
0x46: {  	_ =	sdelay $0x1  }
0x47: {  	v11 =	vshll.u32 v11, $0xF  }
0x48: {  	v13 =	vand.u32 $0x1FFFF, v12;
	v63 =	vshrl.u32 v12, $0x11;
	v11 =	vand.u32 $0x18000, v11  }
0x49: {  	v11 =	vor.u32 v63, v11;
	[tilespmem:s24+$0x3528] =	vst v13  }
0x4a: {  	s29 =	simm.s32 $0x4528;
	[tilespmem:s24+$0x3D28] =	vst v11  }
0x4b: {  	[tilespmem:s29], [sflag:$0x1] =	stream.indirect.gather [spmem:s4], $0x1, s28, s26, $0xb8;
	[tilespmem:$0x168A8] =	vst v63  }
0x4c: {  	s30 =	simm.s32 $0x4D28  }
0x4d: {  	[tilespmem:s30], [sflag:$0x1] =	stream.indirect.gather [spmem:s5], $0x1, s28, s26, $0xb8;
	[tilespmem:$0x168A8] =	vst v63  }
0x4e: {  	_ = 	snop  }
0x4f: {  	[tilespmem:s31], [sflag:$0x1] =	stream.indirect.gather [spmem:s6], $0x1, s28, s26, $0xb8;
	[tilespmem:$0x168A8] =	vst v63  }
0x50: {  	_ = 	snop  }
0x51: {  	[tilespmem:s10], [sflag:$0x1] =	stream.indirect.gather [spmem:s4], $0x1, s1, s26, $0xb8;
	[tilespmem:$0x168A8] =	vst v63  }
0x52: {  	_ = 	snop  }
0x53: {  	[tilespmem:s11], [sflag:$0x1] =	stream.indirect.gather [spmem:s5], $0x1, s1, s26, $0xb8;
	[tilespmem:$0x168A8] =	vst v63  }
0x54: {  	_ = 	snop  }
0x55: {  	[tilespmem:s12], [sflag:$0x1] =	stream.indirect.gather [spmem:s6], $0x1, s1, s26, $0xb8;
	[tilespmem:$0x168A8] =	vst v63  }
0x56: {  	_ =	swait.ge [sflag:s25], $0x7D0  }
0x57: {  	[sflag:s25] =	ssyncset.done $0x0  }
0x58: {  	[sflag:s25] =	ssyncadd.s32 $0xFFFFF830  }
0x59: {  	_ =	swait.ge [sflag:s25], $0x7D0  }
0x5a: {  	[sflag:s25] =	ssyncset.done $0x0  }
0x5b: {  	[sflag:s25] =	ssyncadd.s32 $0xFFFFF830  }
0x5c: {  	_ =	swait.ge [sflag:s25], $0x7D0  }
0x5d: {  	[sflag:s25] =	ssyncset.done $0x0  }
0x5e: {  	[sflag:s25] =	ssyncadd.s32 $0xFFFFF830  }
0x5f: {  	_ =	swait.ge [sflag:s25], $0x7D0  }
0x60: {  	[sflag:s25] =	ssyncset.done $0x0  }
0x61: {  	[sflag:s25] =	ssyncadd.s32 $0xFFFFF830  }
0x62: {  	p1 =	seq.s32 s2, $0x0;
	_ =	swait.ge [sflag:s25], $0x7D0  }
.Ltmp2:
0x63: {  	[sflag:s25] =	ssyncset.done $0x0;
	(pc) =	sbr.rel @p1 .LBB2_10-.Ltmp2, $4  }
0x64: {  	[sflag:s25] =	ssyncadd.s32 $0xFFFFF830  }
0x65: {  	_ =	swait.ge [sflag:s25], $0x7D0  }
0x66: {  	[sflag:s25] =	ssyncset.done $0x0  }
0x67: {  	[sflag:s25] =	ssyncadd.s32 $0xFFFFF830  }
0x68: {  	_ =	swait.ge [sflag:s22], $0x7D0  }
0x69: {  	[sflag:s22] =	ssyncset.done $0x0  }
0x6a: {  	[sflag:s22] =	ssyncadd.s32 $0xFFFFF830  }
0x6b: {  	_ =	swait.ge [sflag:s22], $0x7D0  }
0x6c: {  	[sflag:s22] =	ssyncset.done $0x0  }
0x6d: {  	[sflag:s22] =	ssyncadd.s32 $0xFFFFF830  }
0x6e: {  	_ =	swait.ge [sflag:s22], $0x7D0  }
0x6f: {  	[sflag:s22] =	ssyncset.done $0x0  }
0x70: {  	[sflag:s22] =	ssyncadd.s32 $0xFFFFF830  }
0x71: {  	_ =	swait.ge [sflag:s22], $0xC350  }
0x72: {  	[sflag:s22] =	ssyncset.done $0x0  }
0x73: {  	[sflag:s22] =	ssyncadd.s32 $0xFFFF3CB0  }
0x74: {  	_ =	swait.ge [sflag:s22], $0x7D0  }
0x75: {  	[sflag:s22] =	ssyncset.done $0x0  }
0x76: {  	s29 =	simm.s32 $0x0;
	[sflag:s22] =	ssyncadd.s32 $0xFFFFF830  }
0x77: {  	s24 =	simm.s32 $0x40;
	v11 =	vld [tilespmem:s29+$0x7528]  }
.LBB2_8:
0x78: {  	p1 =	sne.s32 s24, $0x1F00;
	v12 =	vld [tilespmem:s29+$0x7D28];
	_ =	sdelay $0x4  }
.Ltmp3:
0x79: {  	(pc) =	sbr.rel @p1 .LBB2_8-.Ltmp3, $4  }
0x7a: {  	_ = 	snop  }
0x7b: {  	[tilespmem:v11+s13+$0x0] =	vst.idx.msk $0xffff, v1  }
0x7c: {  	s29 =	sshra.s32 s24, $0x2;
	[tilespmem:v12+s13+$0x0] =	vst.idx.msk $0xffff, v1  }
0x7d: {  	s24 =	sadd.s32 $0x40, s24;
	v11 =	vld [tilespmem:s29+$0x7528]  }
0x7e: {  	_ = 	snop  }
0x7f: {  	v12 =	vld [tilespmem:s29+$0x7D28];
	_ =	sdelay $0x6  }
0x80: {  	[tilespmem:v11+s13+$0x0] =	vst.idx.msk $0xffff, v1  }
0x81: {  	[tilespmem:v12+s13+$0x0] =	vst.idx.msk $0xffff, v1  }
.LBB2_10:
0x82: {  	s29 =	simm.s32 $0x0  }
0x83: {  	v12 =	vld [tilespmem:s29+$0x2D28];
	_ =	sdelay $0x1  }
0x84: {  	s24 =	simm.s32 $0x0  }
0x85: {  	v11 =	vmov s24  }
0x86: {  	v11 =	vmul.u32 $0x19, v11  }
0x87: {  	v13 =	vshrl.u32 v12, $0x9  }
0x88: {  	v11 =	vbroadcast v11, $0x0;
	v14 =	vshrl.u32 v12, $0x2  }
0x89: {  	v15 =	vld [tilespmem:s29+$0x3D28];
	v14 =	vand.u32 $0x7, v14  }
0x8a: {  	v17 =	vld [tilespmem:s29+$0x3528];
	v16 =	vadd.s32 v14, v11  }
0x8b: {  	v12 =	vshrl.u32 v12, $0x5;
	v16 =	vadd.s32 v2, v16  }
0x8c: {  	v12 =	vand.u32 $0xF, v12;
	v13 =	vld.idx.msk [tilespmem:v13+s21+$0x0], $0xffff;
	[tilespmem:s29+$0x7528] =	vst v16  }
0x8d: {  	v12 =	vadd.s32 v12, v11;
	[tilespmem:s29+$0x9528] =	vst v14  }
0x8e: {  	v12 =	vadd.s32 v3, v12;
	[tilespmem:s29+$0x8D28] =	vst v15  }
0x8f: {  	[tilespmem:s29+$0x8528] =	vst v17  }
0x90: {  	[tilespmem:s29+$0x7D28] =	vst v12  }
0x91: {  	[tilespmem:s29+$0x160A8] =	vst v13  }
0x92: {  	[tilespmem:v16+s13+$0x0] =	vst.idx.msk $0xffff, v4  }
0x93: {  	[tilespmem:v12+s13+$0x0] =	vst.idx.msk $0xffff, v4  }
0x94: {  	v14 =	vld [tilespmem:s29+$0x6528]  }
0x95: {  	v13 =	vld [tilespmem:s29+$0x4528]  }
0x96: {  	v15 =	vld [tilespmem:s29+$0x5D28]  }
0x97: {  	v16 =	vld [tilespmem:s29+$0x4D28]  }
0x98: {  	v58 =	vld [tilespmem:s29+$0x6D28]  }
0x99: {  	v18 =	vld [tilespmem:s29+$0x5528];
	_ =	sdelay $0x2  }
0x9a: {  	v12 =	vsub.f32 v13, v15;
	v19 =	vsub.f32 v16, v14;
	_ =	sdelay $0x1  }
0x9b: {  	v20 =	vsub.f32 v18, v58;
	v12 =	vmul.f32 v12, v12;
	v19 =	vmul.f32 v19, v19;
	_ =	sdelay $0x1  }
0x9c: {  	v59 =	vmul.f32 v20, v20;
	v12 =	vadd.f32 v19, v12;
	_ =	sdelay $0x1  }
0x9d: {  	v12 =	vadd.f32 v59, v12;
	_ =	sdelay $0x1  }
0x9e: {  	v12 =	vadd.f32 $9.999999960e-13, v12;
	_ =	sdelay $0x1  }
0x9f: {  	v60 =	vshrl.u32 v12, $0x1;
	v61 =	vmul.f32 $5.000000000e-01, v12  }
0xa0: {  	v19 =	vsub.s32 $0x5F3759DF, v60  }
0xa1: {  	v21 =	vmul.f32 v19, v61;
	_ =	sdelay $0x1  }
0xa2: {  	v21 =	vmul.f32 v19, v21;
	_ =	sdelay $0x1  }
0xa3: {  	v21 =	vsub.f32 $1.500000000e+00, v21;
	_ =	sdelay $0x1  }
0xa4: {  	v19 =	vmul.f32 v19, v21;
	_ =	sdelay $0x1  }
0xa5: {  	v62 =	vadd.s32 v0, v11;
	v22 =	vmul.f32 v19, v61  }
0xa6: {  	v23 =	vadd.s32 v5, v11  }
0xa7: {  	v24 =	vadd.s32 v6, v11;
	v22 =	vmul.f32 v22, v19  }
0xa8: {  	v25 =	vadd.s32 v7, v11  }
0xa9: {  	v26 =	vadd.s32 v8, v11;
	v22 =	vsub.f32 $1.500000000e+00, v22  }
0xaa: {  	v63 =	vadd.s32 v9, v11;
	[tilespmem:v62+s13+$0x0] =	vst.idx.msk $0xffff, v13  }
0xab: {  	[tilespmem:v23+s13+$0x0] =	vst.idx.msk $0xffff, v16;
	v13 =	vmul.f32 v22, v19  }
0xac: {  	[tilespmem:v24+s13+$0x0] =	vst.idx.msk $0xffff, v18  }
0xad: {  	[tilespmem:v25+s13+$0x0] =	vst.idx.msk $0xffff, v15;
	v15 =	vmul.f32 v13, v61  }
0xae: {  	[tilespmem:v26+s13+$0x0] =	vst.idx.msk $0xffff, v14  }
0xaf: {  	s29 =	simm.s32 $0x40;
	[tilespmem:v63+s13+$0x0] =	vst.idx.msk $0xffff, v58;
	v14 =	vmul.f32 v15, v13  }
.LBB2_11:
0xb0: {  	p1 =	sne.s32 s29, $0x1F00  }
0xb1: {  	s24 =	sadd.s32 $0x10, s24;
	s30 =	smov.u32 s29;
	s29 =	sadd.s32 $0x40, s29;
	v14 =	vsub.f32 $1.500000000e+00, v14  }
0xb2: {  	v11 =	vadd.s32 v10, v11  }
0xb3: {  	v13 =	vmul.f32 v14, v13;
	_ =	sdelay $0x1  }
0xb4: {  	s30 =	sshra.s32 s30, $0x2;
	v12 =	vmul.f32 v13, v12;
	_ =	sdelay $0x1  }
0xb5: {  	[tilespmem:v11+s13+$0x0] =	vst.idx.msk $0xffff, v12  }
0xb6: {  	v11 =	vmov s24;
	v12 =	vld [tilespmem:s30+$0x2D28]  }
0xb7: {  	v11 =	vmul.u32 $0x19, v11;
	_ =	sdelay $0x2  }
0xb8: {  	v11 =	vbroadcast v11, $0x0  }
0xb9: {  	v13 =	vshrl.u32 v12, $0x2;
	v14 =	vshrl.u32 v12, $0x5;
	v12 =	vshrl.u32 v12, $0x9  }
0xba: {  	v13 =	vand.u32 $0x7, v13;
	v14 =	vand.u32 $0xF, v14  }
0xbb: {  	v15 =	vadd.s32 v13, v11;
	v14 =	vadd.s32 v14, v11  }
0xbc: {  	v16 =	vld [tilespmem:s30+$0x3D28]  }
0xbd: {  	v17 =	vld [tilespmem:s30+$0x3528]  }
0xbe: {  	v15 =	vadd.s32 v2, v15;
	v12 =	vld.idx.msk [tilespmem:v12+s21+$0x0], $0xffff  }
0xbf: {  	v14 =	vadd.s32 v3, v14;
	[tilespmem:s30+$0x7528] =	vst v15  }
0xc0: {  	[tilespmem:s30+$0x9528] =	vst v13  }
0xc1: {  	[tilespmem:s30+$0x8D28] =	vst v16  }
0xc2: {  	[tilespmem:s30+$0x8528] =	vst v17  }
0xc3: {  	[tilespmem:s30+$0x7D28] =	vst v14  }
0xc4: {  	[tilespmem:s30+$0x160A8] =	vst v12  }
0xc5: {  	[tilespmem:v15+s13+$0x0] =	vst.idx.msk $0xffff, v4  }
0xc6: {  	[tilespmem:v14+s13+$0x0] =	vst.idx.msk $0xffff, v4  }
0xc7: {  	v12 =	vld [tilespmem:s30+$0x6D28]  }
0xc8: {  	v13 =	vld [tilespmem:s30+$0x6528]  }
0xc9: {  	v14 =	vadd.s32 v0, v11;
	v15 =	vld [tilespmem:s30+$0x4528]  }
0xca: {  	v16 =	vld [tilespmem:s30+$0x5D28]  }
0xcb: {  	v18 =	vadd.s32 v5, v11;
	v17 =	vld [tilespmem:s30+$0x4D28]  }
0xcc: {  	v20 =	vadd.s32 v6, v11;
	v19 =	vld [tilespmem:s30+$0x5528]  }
0xcd: {  	v21 =	vadd.s32 v7, v11  }
0xce: {  	[tilespmem:v14+s13+$0x0] =	vst.idx.msk $0xffff, v15;
	v14 =	vadd.s32 v8, v11  }
0xcf: {  	v22 =	vadd.s32 v9, v11;
	v15 =	vsub.f32 v15, v16  }
0xd0: {  	[tilespmem:v18+s13+$0x0] =	vst.idx.msk $0xffff, v17;
	v17 =	vsub.f32 v17, v13  }
0xd1: {  	[tilespmem:v20+s13+$0x0] =	vst.idx.msk $0xffff, v19;
	v18 =	vsub.f32 v19, v12  }
0xd2: {  	v15 =	vmul.f32 v15, v15;
	[tilespmem:v21+s13+$0x0] =	vst.idx.msk $0xffff, v16;
	v16 =	vmul.f32 v17, v17  }
0xd3: {  	[tilespmem:v14+s13+$0x0] =	vst.idx.msk $0xffff, v13  }
0xd4: {  	v13 =	vmul.f32 v18, v18;
	[tilespmem:v22+s13+$0x0] =	vst.idx.msk $0xffff, v12;
	v12 =	vadd.f32 v16, v15;
	_ =	sdelay $0x1  }
0xd5: {  	v12 =	vadd.f32 v13, v12;
	_ =	sdelay $0x1  }
0xd6: {  	v12 =	vadd.f32 $9.999999960e-13, v12;
	_ =	sdelay $0x1  }
0xd7: {  	v13 =	vshrl.u32 v12, $0x1;
	v14 =	vmul.f32 $5.000000000e-01, v12  }
0xd8: {  	v13 =	vsub.s32 $0x5F3759DF, v13  }
0xd9: {  	v15 =	vmul.f32 v13, v14;
	_ =	sdelay $0x1  }
0xda: {  	v15 =	vmul.f32 v13, v15;
	_ =	sdelay $0x1  }
0xdb: {  	v15 =	vsub.f32 $1.500000000e+00, v15;
	_ =	sdelay $0x1  }
0xdc: {  	v13 =	vmul.f32 v13, v15;
	_ =	sdelay $0x1  }
0xdd: {  	v15 =	vmul.f32 v13, v14;
	_ =	sdelay $0x1  }
0xde: {  	v15 =	vmul.f32 v15, v13;
	_ =	sdelay $0x1  }
0xdf: {  	v15 =	vsub.f32 $1.500000000e+00, v15;
	_ =	sdelay $0x1  }
.Ltmp4:
0xe0: {  	v13 =	vmul.f32 v15, v13;
	(pc) =	sbr.rel @p1 .LBB2_11-.Ltmp4, $3  }
0xe1: {  	_ = 	snop  }
0xe2: {  	v14 =	vmul.f32 v13, v14;
	_ =	sdelay $0x1  }
0xe3: {  	v14 =	vmul.f32 v14, v13  }
0xe4: {  	_ = 	snop  }
0xe5: {  	v14 =	vsub.f32 $1.500000000e+00, v14  }
0xe6: {  	v11 =	vadd.s32 v10, v11  }
0xe7: {  	v13 =	vmul.f32 v14, v13;
	_ =	sdelay $0x1  }
0xe8: {  	v12 =	vmul.f32 v13, v12  }
0xe9: {  	s24 =	rddreg [dreg:$0x1]  }
0xea: {  	s24 =	sadd.s32 s24, s3;
	[tilespmem:v11+s13+$0x0] =	vst.idx.msk $0xffff, v12  }
0xeb: {  	[hbm4b:s24+s7] =	stream.linear.scatter [tilespmem:s17], [sflag:$0x2], $0x7D0, $0x38;
	[tilespmem:$0x168A8] =	vst v63  }
0xec: {  	s30 =	sadd.s32 s14, s3;
	s2 =	sadd.s32 $0x1, s2  }
0xed: {  	[hbm4b:s30+s7] =	stream.linear.scatter [tilespmem:s18], [sflag:$0x2], $0x7D0, $0x38;
	[tilespmem:$0x168A8] =	vst v63  }
0xee: {  	s29 =	sadd.s32 s15, s3;
	s23 =	smul.u32 $0x19, s23;
	p1 =	sne.s32 s2, $0x19  }
0xef: {  	[hbm4b:s29+s7] =	stream.linear.scatter [tilespmem:s19], [sflag:$0x2], $0x7D0, $0x38;
	[tilespmem:$0x168A8] =	vst v63  }
.Ltmp5:
0xf0: {  	s23 =	sshrl.u32 s23, $0x3;
	s30 =	rddreg [dreg:$0x2];
	(pc) =	sbr.rel @p1 .LBB2_4-.Ltmp5, $4  }
0xf1: {  	s23 =	sadd.s32 s30, s23;
	s29 =	rddreg [dreg:$0x3]  }
0xf2: {  	[hbm4b:s23+s7] =	stream.linear.scatter [tilespmem:s13], [sflag:$0x2], $0xC350, $0x38;
	[tilespmem:$0x168A8] =	vst v63  }
0xf3: {  	s30 =	sadd.s32 s29, s3  }
0xf4: {  	[hbm4b:s30+s7] =	stream.linear.scatter [tilespmem:s20], [sflag:$0x2], $0x7D0, $0x38;
	[tilespmem:$0x168A8] =	vst v63  }
0xf5: {  	_ =	swait.ge [sflag:s22], $0x7D0  }
0xf6: {  	[sflag:s22] =	ssyncset.done $0x0  }
0xf7: {  	[sflag:s22] =	ssyncadd.s32 $0xFFFFF830  }
0xf8: {  	_ =	swait.ge [sflag:s22], $0x7D0  }
0xf9: {  	[sflag:s22] =	ssyncset.done $0x0  }
0xfa: {  	[sflag:s22] =	ssyncadd.s32 $0xFFFFF830  }
0xfb: {  	_ =	swait.ge [sflag:s22], $0x7D0  }
0xfc: {  	[sflag:s22] =	ssyncset.done $0x0  }
0xfd: {  	[sflag:s22] =	ssyncadd.s32 $0xFFFFF830  }
0xfe: {  	_ =	swait.ge [sflag:s22], $0xC350  }
0xff: {  	[sflag:s22] =	ssyncset.done $0x0  }
0x100: {  	[sflag:s22] =	ssyncadd.s32 $0xFFFF3CB0  }
0x101: {  	_ =	swait.ge [sflag:s22], $0x7D0  }
0x102: {  	s2 =	rddreg [dreg:$0x10]  }
0x103: {  	s0 =	rddreg [dreg:$0xc];
	s2 =	sadd.s32 $0x1, s2  }
0x104: {  	p1 =	sne.s32 s2, s0  }
.Ltmp6:
0x105: {  	_ = 	snop;
	(pc) =	sbr.rel @p1 .LBB2_1-.Ltmp6, $3  }
0x106: {  	_ =	sdelay $0x1  }
0x107: {  	[sflag:s22] =	ssyncset.done $0x0  }
0x108: {  	[sflag:s22] =	ssyncadd.s32 $0xFFFFF830  }
0x109: {  	_ =	sfence.sel $0x180000  }
0x10a: {  	[bflag:$0x0] =	sbarrier.arrive $0xFFFF  }
0x10b: {  	_ =	strace $0x9000004A  }
0x10c: {  	[bflag:$0x2] =	sbarrier.arrive $0xFFFF  }
0x10d: {  	s0 =	rddreg [dreg:$0x7]  }
0x10e: {  	s0 =	sadd.s32 @!p0 $0x100000, s0  }
0x10f: {  	[sflag:s0] =	ssyncadd.tile.s32 @!p0 $0x1;
	_ =	shalt  }
.Lfunc_end2:
_tile_overlayer_lowered:
.L_overlay_start_2:
0x110: {  	(tag) =	ssettag $0x2  }
0x111: {  	s0 =	rddreg [dreg:$0x0];
	s2 =	stileid.u32  }
0x112: {  	s1 =	rddreg [dreg:$0x1];
	p0 =	sne.s32 s2, $0x0  }
0x113: {  	s3 =	rddreg [dreg:$0x2];
	[bflag:$0x3] =	sbarrier.arrive $0xFFFF;
	s2 =	simm.s32 @!p0 $0x1C03  }
0x114: {  	[timem:s3], [sflag:s2] =	dma.local @!p0 [hbm:s0], s1  }
0x115: {  	s0 =	simm.s32 @!p0 $0x3  }
0x116: {  	_ =	swait.ge @!p0 [sflag:s0], s1  }
0x117: {  	s1 =	ssub.s32 @!p0 $0x0, s1;
	[sflag:s0] =	ssyncset.done @!p0 $0x0  }
0x118: {  	[sflag:s0] =	ssyncadd.s32 @!p0 s1  }
0x119: {  	[bflag:$0x3] =	sbarrier.arrive $0xFFFF  }
0x11a: {  	_ =	shalt  }

// kernel: sparse-core-data-format-call.cloned.1.call-start
scs
called_computation_lowered:
.L_overlay_start_0:
0x0: {  	s2 =	sld [smem:$0x3FD9]  }
0x1: {  	s3 =	sld [smem:$0x3FFE];
	_ =	sdelay $0x1  }
0x2: {  	s1 =	srdreg.scid  }
0x3: {  	s0 =	sand.u32 $0x1, s1  }
0x4: {  	s15 =	sshll.u32 s0, $0xA;
	s2 =	sadd.s32 s3, s2  }
0x5: {  	s2 =	sadd.s32 s2, s15  }
0x6: {  	[smem:$0x3FC2] =	sst s2  }
0x7: {  	_ = 	snop  }
0x8: {  	s2 =	sld [smem:$0x3FD0];
	_ =	sdelay $0x2  }
0x9: {  	s16 =	simm.s32 $0xA;
	s4 =	simm.s32 $0x10  }
0xa: {  	[smem:s4], [sflag:s16] =	dma.local [hbm:s2], $0x1  }
0xb: {  	_ =	swait.eq [sflag:s16], $0x1  }
0xc: {  	[sflag:s16] =	ssyncset.done $0x0  }
0xd: {  	[sflag:s16] =	ssyncadd.s32 $0xFFFFFFFF  }
0xe: {  	s17 =	sld [smem:$0x11];
	(tm) =	ssettm $0x1  }
0xf: {  	s18 =	sld [smem:$0x3FFB];
	_ =	sdelay $0x3  }
0x10: {  	_ =	strace s18  }
0x11: {  	s3 =	sld [smem:$0x3FFC];
	_ =	sdelay $0x3  }
0x12: {  	_ =	strace s3  }
0x13: {  	s3 =	sld [smem:$0x3FFD];
	_ =	sdelay $0x3  }
0x14: {  	_ =	strace s3  }
0x15: {  	_ =	strace $0x8FFFFFFF  }
0x16: {  	s19 =	sld [smem:$0x3FDB];
	_ =	sdelay $0x1  }
0x17: {  	s20 =	simm.s32 $_scs_section_size  }
0x18: {  	s5 =	simm.s32 $_size__tile_overlayer_lowered;
	s6 =	simm.s32 $_tile_overlayer_lowered  }
0x19: {  	s23 =	simm.s32 $0x1BFF;
	s22 =	sshll.u32 s6, $0x1;
	s3 =	sadd.s32 s20, s19  }
0x1a: {  	s7 =	simm.s32 $0x0;
	s21 =	sshll.u32 s5, $0x1;
	s5 =	sadd.s32 s22, s3  }
0x1b: {  	[timem:s7], [sflag:s23] =	dma.local [hbm:s5], s21  }
0x1c: {  	_ =	swait.ge [sflag:s23], s21  }
0x1d: {  	s4 =	ssub.s32 $0x0, s21;
	[sflag:s23] =	ssyncset.done $0x0  }
0x1e: {  	[sflag:s23] =	ssyncadd.s32 s4;
	_ =	sdelay $0x1  }
0x1f: {  	s24 =	simm.s32 $0x1B8B  }
0x20: {  	_ =	swait.ge [sflag:s24], $0x1  }
0x21: {  	[sflag:s24] =	ssyncset.done $0x0  }
0x22: {  	s26 =	simm.s32 $0x1B8E;
	s25 =	sld [smem:$0x3FFE];
	[sflag:s24] =	ssyncadd.s32 $0xFFFFFFFF  }
0x23: {  	s27 =	simm.s32 $execute0_lowered;
	[smem:$0x3FD2] =	sst s26  }
0x24: {  	s5 =	sshll.u32 s27, $0x1;
	_ =	strace $0x8000004C;
	[dreg:$0x1] =	wrdreg $0xFFFFFFFF  }
0x25: {  	s28 =	simm.s32 $_size_execute0_lowered;
	s3 =	sadd.s32 s3, s5;
	[dreg:$0x0] =	wrdreg $0x0  }
0x26: {  	s5 =	sshll.u32 s28, $0x1;
	[dreg:$0x2] =	wrdreg s3  }
0x27: {  	[dreg:$0x3] =	wrdreg s5  }
0x28: {  	[dreg:$0x4] =	wrdreg $0xC0  }
0x29: {  	_ =	task [dreg:s7], $0x5FFFF  }
0x2a: {  	[dreg:$0x1] =	wrdreg $0xFFFFFFFF  }
0x2b: {  	[dreg:$0x0] =	wrdreg $0x60  }
0x2c: {  	[dreg:$0x2] =	wrdreg s25  }
0x2d: {  	[dreg:$0x3] =	wrdreg s17  }
0x2e: {  	[dreg:$0x4] =	wrdreg $0x9  }
0x2f: {  	_ =	task.clear_ibuf [dreg:s7], $0x5FFFF;
	_ =	strace $0x9000004C  }
0x30: {  	s29 =	simm.s32 $0x9;
	_ =	strace $0x8000004E  }
0x31: {  	_ =	swait.ge [sflag:s29], $0x1  }
0x32: {  	[sflag:s29] =	ssyncadd.s32 $0xFFFFFFFF  }
0x33: {  	_ =	strace $0x9000004E  }
0x34: {  	_ =	sfence  }
0x35: {  	s30 =	sld [smem:$0x0];
	_ =	sdelay $0x2  }
0x36: {  	s31 =	sshll.u32 s1, $0xD;
	s1 =	sshrl.u32 s1, $0x2  }
0x37: {  	s3 =	sand.u32 $0x4000, s31;
	s1 =	sadd.s32 s1, s30  }
0x38: {  	s0 =	sor.u32 s3, s0;
	s1 =	sshll.u32 s1, $0x11  }
0x39: {  	s0 =	sor.u32 s1, s0  }
0x3a: {  	s0 =	sadd.s32 $0x8F2B, s0  }
0x3b: {  	[sflag:s0] =	ssyncadd.remote.s32 $0x1  }
0x3c: {  	_ =	sfence.sel $0xFFFF  }
0x3d: {  	[dreg:$0x0] =	wrdreg $0xFFFFFFFF;
	(pc) =	sbr.abs _section_cstart, $3  }
0x3e: {  	[dreg:$0x1] =	wrdreg $0xFFFFFFFF  }
0x3f: {  	_ =	task.clear_ibuf [dreg:s7], $0x2FFFF;
	_ =	strace $0x9FFFFFFF  }
0x40: {  	(tm) =	ssettm $0x7FFFFFFF  }
0x41: {  	_ =	shalt  }
tec
execute0_lowered:
.L_overlay_start_1:
0x0: {  	(tag) =	ssettag $0x1  }
0x1: {  	s0 =	srdreg.scid  }
0x2: {  	s1 =	sshll.u32 s0, $0x4  }
0x3: {  	s4 =	rddreg [dreg:$0x0];
	s0 =	stileid.u32;
	s1 =	sand.u32 $0x10, s1  }
0x4: {  	s2 =	rddreg [dreg:$0x1];
	s7 =	simm.s32 $0x1;
	s1 =	sor.u32 s0, s1  }
0x5: {  	s8 =	simm.s32 $0x2;
	s11 =	simm.s32 $0x0;
	s3 =	sshll.u32 s1, $0x7  }
0x6: {  	s10 =	simm.s32 $0x0;
	s4 =	sadd.s32 $0x63400, s4;
	s6 =	ssub.s32 $0x186A00, s3  }
.Ltmp0:
0x7: {  	s1 =	rddreg [dreg:$0x2];
	s5 =	sand.u32 $0xF80, s6;
	(pc) =	sbr.rel .LBB1_1-.Ltmp0, $4  }
0x8: {  	_ =	strace $0x8000004D;
	s9 =	smov.u32 s3;
	p0 =	sne.s32 s5, $0x0  }
0x9: {  	s6 =	sshrl.u32 s6, $0xC;
	s5 =	simm.s32 $0x1;
	s7 =	simm.s32 @!p0 $0x0  }
0xa: {  	[sflag:s5] =	ssyncpa.u1 $0x0;
	p0 =	por $0x0, $0x0;
	s6 =	sadd.s32 s7, s6  }
0xb: {  	[sflag:s8] =	ssyncpa.u1 $0x0;
	s8 =	simm.s32 $0xC35000;
	s7 =	sadd.s32 $0x1, s6  }
.LBB1_4:
0xc: {  	s14 =	sshll.u32 s11, $0x3  }
0xd: {  	s14 =	sand.u32 $0xFFFFFC00, s14  }
0xe: {  	s15 =	sshrl.u32 s14, $0x9  }
0xf: {  	s15 =	smulhi.u32 $0xA7C5AD, s15;
	_ =	sdelay $0x1  }
0x10: {  	s15 =	sshrl.u32 s15, $0x3  }
0x11: {  	s28 =	sand.u32 $0x7F, s11;
	s16 =	smul.u32 $0x186A00, s15  }
0x12: {  	s11 =	sor.u32 s28, s14  }
0x13: {  	s29 =	sand.u32 $0x1F, s15;
	s11 =	ssub.s32 s11, s16  }
0x14: {  	s14 =	smul.u32 $0x30D40, s29;
	s30 =	sshrl.u32 s11, $0x3;
	s11 =	sand.u32 $0x7, s11  }
0x15: {  	s15 =	sadd.s32 s2, s30;
	s11 =	sshll.u32 s11, $0x12  }
0x16: {  	[tilespmem:s13+$0x0 ss:$0x81] =	vst.msk $0xffff, v0;
	s31 =	sadd.s32 s14, s15;
	s11 =	sor.u32 $0x400, s11  }
0x17: {  	[hbm4b:s31+s11] =	stream.strided.scatter [tilespmem:s12], [sflag:$0x2], $0x1000, s8, s11, $0x20;
	[tilespmem:$0x4040] =	vst v63  }
.LBB1_5:
0x18: {  	s13 =	sadd.s32 $0x1000, s9  }
0x19: {  	p2 =	sgt.s32 s13, $0x1869FF  }
0x1a: {  	s13 =	smov.u32 @p2 s3;
	p2 =	sne.s32 s10, s7  }
.Ltmp1:
0x1b: {  	p1 =	slt.u32 s10, $0x2;
	(pc) =	sbr.rel @!p2 .LBB1_6-.Ltmp1, $4  }
0x1c: {  	s12 =	simm.s32 @!p1 $0x2  }
0x1d: {  	s14 =	sadd.s32 $0x1, s10;
	_ =	swait.ge @!p1 [sflag:s12], $0x1000  }
0x1e: {  	s11 =	smov.u32 s9;
	p0 =	por !p0, !p0;
	[sflag:s12] =	ssyncset.done @!p1 $0x0  }
0x1f: {  	s10 =	smov.u32 s14;
	s9 =	smov.u32 s13;
	[sflag:s12] =	ssyncadd.s32 @!p1 $0xFFFFF000  }
.LBB1_1:
0x20: {  	p1 =	sge.u32 s10, s6  }
0x21: {  	s12 =	sand.u32 @!p1 $0x1FFFFFF, s9  }
0x22: {  	s13 =	smulhi.u32 @!p1 $0x14F8B59, s12;
	_ =	sdelay $0x1  }
0x23: {  	s13 =	sshrl.u32 @!p1 s13, $0xD  }
0x24: {  	s13 =	smul.u32 @!p1 $0x186A00, s13;
	_ =	sdelay $0x1  }
0x25: {  	s31 =	sadd.s32 $0xFFFFFFFF, s10;
	s14 =	sxor.u32 @!p1 $0xFFFFFFFF, s10;
	s12 =	ssub.s32 @!p1 s12, s13  }
0x26: {  	s15 =	simm.s32 @!p1 $0x80;
	s14 =	sshll.u32 @!p1 s14, $0xC;
	s12 =	sshll.u32 @!p1 s12, $0x4  }
0x27: {  	s13 =	sand.u32 @!p1 $0x1000, s14;
	s14 =	simm.s32 @!p1 $0x20;
	s12 =	sadd.s32 @!p1 s4, s12  }
0x28: {  	[tilespmem:s13], [sflag:$0x1] =	stream.strided.gather @!p1 [hbm4b:s12+s14], $0x1000, s15, s14, $0x38;
	[tilespmem:$0x4040] =	vst v63  }
0x29: {  	p1 =	sge.u32 s31, s6  }
.Ltmp2:
0x2a: {  	_ = 	snop;
	(pc) =	sbr.rel @p1 .LBB1_5-.Ltmp2, $1  }
0x2b: {  	_ =	sdelay $0x3  }
0x2c: {  	s12 =	simm.s32 $0x1  }
0x2d: {  	_ =	swait.ge [sflag:s5], $0x1000;
	s12 =	simm.s32 @!p0 $0x0  }
0x2e: {  	[sflag:s5] =	ssyncset.done $0x0;
	s13 =	sshll.u32 s12, $0xC  }
0x2f: {  	[sflag:s5] =	ssyncadd.s32 $0xFFFFF000;
	s16 =	sor.u32 $0x10, s13  }
0x30: {  	s12 =	smul.u32 $0x4080, s12;
	v1 =	vld [tilespmem:s16+$0x0]  }
0x31: {  	s30 =	sand.u32 $0x1, s10;
	v0 =	vld [tilespmem:s16+$0xFFFFFFF0]  }
0x32: {  	s13 =	smul.u32 $0x4080, s30;
	s12 =	sshrl.u32 s12, $0x2  }
0x33: {  	s14 =	sor.u32 $0x2000, s12  }
0x34: {  	s31 =	sshrl.u32 s13, $0x2;
	s13 =	sadd.s32 $0x0, s14  }
0x35: {  	s15 =	simm.s32 $0x4;
	s16 =	sadd.s32 $0x20, s16;
	s12 =	sor.u32 $0x2000, s31;
	[tilespmem:s13+$0x810 ss:$0x81] =	vst.msk $0xffff, v1  }
.LBB1_3:
0x36: {  	v1 =	vld [tilespmem:s16+$0x0];
	p1 =	sne.s32 s15, $0x1FC;
	[tilespmem:s13+$0x0 ss:$0x81] =	vst.msk $0xffff, v0;
	s13 =	smov.u32 s15;
	s15 =	sadd.s32 $0x4, s15  }
.Ltmp3:
0x37: {  	v0 =	vld [tilespmem:s16+$0xFFFFFFF0];
	(pc) =	sbr.rel @p1 .LBB1_3-.Ltmp3, $4  }
0x38: {  	_ = 	snop  }
0x39: {  	s13 =	sshra.s32 s13, $0x2  }
0x3a: {  	s13 =	sadd.s32 s13, s14  }
0x3b: {  	s16 =	sadd.s32 $0x20, s16;
	[tilespmem:s13+$0x810 ss:$0x81] =	vst.msk $0xffff, v1  }
.Ltmp4:
0x3c: {  	_ = 	snop;
	(pc) =	sbr.rel .LBB1_4-.Ltmp4, $1  }
0x3d: {  	_ =	sdelay $0x3  }
.LBB1_6:
0x3e: {  	_ =	sfence.sel $0x180000  }
0x3f: {  	s2 =	simm.s32 $0x1;
	[bflag:$0x0] =	sbarrier.arrive $0xFFFF  }
0x40: {  	s31 =	simm.s32 $0x2;
	[sflag:s2] =	ssyncpa.u1 $0x1  }
0x41: {  	[sflag:s31] =	ssyncpa.u1 $0x1  }
0x42: {  	p0 =	sne.s32 s0, $0x0;
	_ =	strace $0x9000004D  }
0x43: {  	s0 =	sadd.s32 @!p0 $0x100000, s1;
	[bflag:$0x2] =	sbarrier.arrive $0xFFFF  }
0x44: {  	[sflag:s0] =	ssyncadd.tile.s32 @!p0 $0x1;
	_ =	shalt  }
.Lfunc_end1:
_tile_overlayer_lowered:
.L_overlay_start_2:
0x45: {  	(tag) =	ssettag $0x2  }
0x46: {  	s0 =	rddreg [dreg:$0x0];
	s2 =	stileid.u32  }
0x47: {  	s1 =	rddreg [dreg:$0x1];
	p0 =	sne.s32 s2, $0x0  }
0x48: {  	s3 =	rddreg [dreg:$0x2];
	[bflag:$0x3] =	sbarrier.arrive $0xFFFF;
	s2 =	simm.s32 @!p0 $0x1C01  }
0x49: {  	[timem:s3], [sflag:s2] =	dma.local @!p0 [hbm:s0], s1  }
0x4a: {  	s0 =	simm.s32 @!p0 $0x1  }
0x4b: {  	_ =	swait.ge @!p0 [sflag:s0], s1  }
0x4c: {  	s1 =	ssub.s32 @!p0 $0x0, s1;
	[sflag:s0] =	ssyncset.done @!p0 $0x0  }
0x4d: {  	[sflag:s0] =	ssyncadd.s32 @!p0 s1  }
0x4e: {  	[bflag:$0x3] =	sbarrier.arrive $0xFFFF  }
0x4f: {  	_ =	shalt  }

</sc_bundles>
